<compile_context>
chip_gen: v7x
topology: tpu7x:2x2x1
jax: 0.10.2.dev20260603
libtpu: 0.0.44.dev20260713+nightly
codegen_flags: <defaults>
</compile_context>

<pallas_src>
import functools

import jax
import jax.numpy as jnp
from jax import lax
from jax.experimental import pallas as pl
from jax.experimental.pallas import tpu as pltpu
from jax.experimental.pallas import tpu_sc as plsc

N = 10000
E = 160000
H = 256
HH = 128
L = 4

EROWS = 1280
EP = EROWS * 128

NC = 2
NS = 16
ROWS_PER_TILE = EROWS // NS
ROWS_PER_WORKER = EROWS // (NC * NS)

TSLICE = 632
TROWS = NS * TSLICE
ZROWS = 312
WSLICE = 624
WREM = N - NS * WSLICE

BLK = 1000
GRID = N // BLK

@functools.lru_cache(maxsize=1)
def _sc_mesh():
    return plsc.VectorSubcoreMesh(core_axis_name="c", subcore_axis_name="s",
                                  num_cores=NC, num_subcores=NS)


def _sc_deg(dst2, z128, o128):

    @functools.partial(
        pl.kernel,
        out_type=(
            jax.ShapeDtypeStruct((N, 128), jnp.float32),
            jax.ShapeDtypeStruct((N, 128), jnp.float32),
        ),
        mesh=_sc_mesh(),
        scratch_types=[
            pltpu.VMEM((128,), jnp.int32),
            pltpu.VMEM((128, 128), jnp.float32),
            pltpu.VMEM_SHARED((TROWS, 128), jnp.float32),
        ],
    )
    def k(d2_hbm, z128_hbm, o128_hbm, dega_hbm, degb_hbm, idx_v, ones_v, table_sh):
        c = lax.axis_index("c")
        s = lax.axis_index("s")
        pltpu.sync_copy(o128_hbm, ones_v)
        pltpu.sync_copy(z128_hbm, table_sh.at[pl.ds(s * TSLICE, TSLICE)])
        plsc.subcore_barrier()
        w = s * NC + c

        @pl.loop(0, ROWS_PER_WORKER)
        def _(j):
            pltpu.sync_copy(d2_hbm.at[w * ROWS_PER_WORKER + j], idx_v)
            pltpu.sync_copy(ones_v, table_sh.at[idx_v], add=True)

        plsc.subcore_barrier()

        @pl.when(c == 0)
        def _():
            pltpu.sync_copy(table_sh.at[pl.ds(s * WSLICE, WSLICE)],
                            dega_hbm.at[pl.ds(s * WSLICE, WSLICE)])

            @pl.when(s == 0)
            def _():
                pltpu.sync_copy(table_sh.at[pl.ds(NS * WSLICE, WREM)],
                                dega_hbm.at[pl.ds(NS * WSLICE, WREM)])

        @pl.when(c == 1)
        def _():
            pltpu.sync_copy(table_sh.at[pl.ds(s * WSLICE, WSLICE)],
                            degb_hbm.at[pl.ds(s * WSLICE, WSLICE)])

            @pl.when(s == 0)
            def _():
                pltpu.sync_copy(table_sh.at[pl.ds(NS * WSLICE, WREM)],
                                degb_hbm.at[pl.ds(NS * WSLICE, WREM)])

    return k(dst2, z128, o128)


def _sc_agg(h0, h1, src2, dst2, z128):

    @functools.partial(
        pl.kernel,
        out_type=(
            jax.ShapeDtypeStruct((N, HH), jnp.float32),
            jax.ShapeDtypeStruct((N, HH), jnp.float32),
        ),
        mesh=_sc_mesh(),
        scratch_types=[
            pltpu.VMEM((ROWS_PER_TILE // 2, 128), jnp.int32),
            pltpu.VMEM((ROWS_PER_TILE // 2, 128), jnp.int32),
            pltpu.VMEM((128, HH), jnp.float32),
            pltpu.VMEM((128, HH), jnp.float32),
            pltpu.VMEM_SHARED((TROWS, HH), jnp.float32),
            pltpu.SemaphoreType.DMA,
            pltpu.SemaphoreType.DMA,
        ],
    )
    def k(h0_hbm, h1_hbm, s2_hbm, d2_hbm, z_hbm, a0_hbm, a1_hbm,
          src_v, dst_v, rows_a, rows_b, table_sh, sem_a, sem_b):
        c = lax.axis_index("c")
        s = lax.axis_index("s")
        base = s * ROWS_PER_TILE
        pltpu.sync_copy(z_hbm, table_sh.at[pl.ds(s * TSLICE, TSLICE)])
        plsc.subcore_barrier()

        def gather(j, buf, sem):
            @pl.when(c == 0)
            def _():
                pltpu.async_copy(h0_hbm.at[src_v.at[j]], buf, sem)

            @pl.when(c == 1)
            def _():
                pltpu.async_copy(h1_hbm.at[src_v.at[j]], buf, sem)

        def wait(buf, sem):
            pltpu.make_async_copy(h0_hbm.at[pl.ds(0, 128)], buf, sem).wait()

        def scatter(j, buf):
            pltpu.sync_copy(buf, table_sh.at[dst_v.at[j]], add=True)

        HB = ROWS_PER_TILE // 2
        for half in range(2):
            pltpu.sync_copy(s2_hbm.at[pl.ds(base + HB * half, HB)], src_v)
            pltpu.sync_copy(d2_hbm.at[pl.ds(base + HB * half, HB)], dst_v)
            gather(0, rows_a, sem_a)

            @pl.loop(0, HB // 2 - 1)
            def _(p):
                j = 2 * p
                wait(rows_a, sem_a)
                gather(j + 1, rows_b, sem_b)
                scatter(j, rows_a)
                wait(rows_b, sem_b)
                gather(j + 2, rows_a, sem_a)
                scatter(j + 1, rows_b)

            wait(rows_a, sem_a)
            gather(HB - 1, rows_b, sem_b)
            scatter(HB - 2, rows_a)
            wait(rows_b, sem_b)
            scatter(HB - 1, rows_b)

        plsc.subcore_barrier()

        @pl.when(c == 0)
        def _():
            pltpu.sync_copy(table_sh.at[pl.ds(s * WSLICE, WSLICE)],
                            a0_hbm.at[pl.ds(s * WSLICE, WSLICE)])

            @pl.when(s == 0)
            def _():
                pltpu.sync_copy(table_sh.at[pl.ds(NS * WSLICE, WREM)],
                                a0_hbm.at[pl.ds(NS * WSLICE, WREM)])

        @pl.when(c == 1)
        def _():
            pltpu.sync_copy(table_sh.at[pl.ds(s * WSLICE, WSLICE)],
                            a1_hbm.at[pl.ds(s * WSLICE, WSLICE)])

            @pl.when(s == 0)
            def _():
                pltpu.sync_copy(table_sh.at[pl.ds(NS * WSLICE, WREM)],
                                a1_hbm.at[pl.ds(NS * WSLICE, WREM)])

    return k(h0, h1, src2, dst2, z128)


def _tc_encoder(aa3, at3, aa_emb_p, at_emb_p, W1, b1r, W2, b2r):

    def body(aa_ref, at_ref, aa_emb_ref, at_emb_ref, w1_ref, b1_ref,
             w2_ref, b2_ref, h0_ref, h1_ref):
        aa = aa_ref[0, 0, :]
        at = at_ref[0, 0, :]
        t_aa = jnp.dot(aa_emb_ref[...], w1_ref[0:32, :],
                       preferred_element_type=jnp.float32)
        t_at = jnp.dot(at_emb_ref[...], w1_ref[32:40, :],
                       preferred_element_type=jnp.float32)
        oh_aa = (lax.broadcasted_iota(jnp.int32, (BLK, 24), 1)
                 == aa[:, None]).astype(jnp.float32)
        oh_at = (lax.broadcasted_iota(jnp.int32, (BLK, 8), 1)
                 == at[:, None]).astype(jnp.float32)
        pre = (jnp.dot(oh_aa, t_aa, preferred_element_type=jnp.float32)
               + jnp.dot(oh_at, t_at, preferred_element_type=jnp.float32)
               + b1_ref[...])
        hmid = jnp.maximum(pre, 0.0)
        h = jnp.dot(hmid, w2_ref[...], preferred_element_type=jnp.float32) + b2_ref[...]
        h0_ref[...] = h[:, :HH]
        h1_ref[...] = h[:, HH:]

    full = lambda *shape: pl.BlockSpec(shape, lambda i: (0,) * len(shape))
    return pl.pallas_call(
        body,
        grid=(GRID,),
        in_specs=[
            pl.BlockSpec((1, 1, BLK), lambda i: (i, 0, 0)),
            pl.BlockSpec((1, 1, BLK), lambda i: (i, 0, 0)),
            full(24, 32),
            full(8, 8),
            full(40, H),
            full(1, H),
            full(H, H),
            full(1, H),
        ],
        out_specs=[
            pl.BlockSpec((BLK, HH), lambda i: (i, 0)),
            pl.BlockSpec((BLK, HH), lambda i: (i, 0)),
        ],
        out_shape=[
            jax.ShapeDtypeStruct((N, HH), jnp.float32),
            jax.ShapeDtypeStruct((N, HH), jnp.float32),
        ],
    )(aa3, at3, aa_emb_p, at_emb_p, W1, b1r, W2, b2r)


def _tc_layer(h0, h1, a0, a1, dega, degb, Wl, blr, Wr, gr, br,
              head_W=None, head_br=None):
    last = head_W is not None

    def body(*refs):
        if last:
            (h0_ref, h1_ref, a0_ref, a1_ref, da_ref, db_ref, wl_ref, bl_ref,
             wr_ref, g_ref, b_ref, hw_ref, hb_ref, h0o_ref, h1o_ref, y_ref) = refs
        else:
            (h0_ref, h1_ref, a0_ref, a1_ref, da_ref, db_ref, wl_ref, bl_ref,
             wr_ref, g_ref, b_ref, h0o_ref, h1o_ref) = refs
        h = jnp.concatenate([h0_ref[...], h1_ref[...]], axis=1)
        agg = jnp.concatenate([a0_ref[...], a1_ref[...]], axis=1)
        deg = da_ref[:, 0:1] + db_ref[:, 0:1]
        deg = jnp.maximum(deg, 1.0)
        agg = agg / deg
        out = (jnp.dot(agg, wl_ref[...], preferred_element_type=jnp.float32)
               + bl_ref[...]
               + jnp.dot(h, wr_ref[...], preferred_element_type=jnp.float32))
        nrm = jnp.sqrt(jnp.sum(out * out, axis=1, keepdims=True))
        out = out / jnp.maximum(nrm, 1e-12)
        y = h + out
        mu = jnp.mean(y, axis=1, keepdims=True)
        var = jnp.mean((y - mu) * (y - mu), axis=1, keepdims=True)
        yn = (y - mu) * lax.rsqrt(var + 1e-5) * g_ref[...] + b_ref[...]
        hn = jnp.maximum(yn, 0.0)
        h0o_ref[...] = hn[:, :HH]
        h1o_ref[...] = hn[:, HH:]
        if last:
            y_ref[...] = (jnp.dot(hn, hw_ref[...],
                                  preferred_element_type=jnp.float32)
                          + hb_ref[...])

    full = lambda *shape: pl.BlockSpec(shape, lambda i: (0,) * len(shape))
    blk2 = lambda w: pl.BlockSpec((BLK, w), lambda i: (i, 0))
    in_specs = [blk2(HH), blk2(HH), blk2(HH), blk2(HH), blk2(HH), blk2(HH),
                full(H, H), full(1, H), full(H, H), full(1, H), full(1, H)]
    out_specs = [blk2(HH), blk2(HH)]
    out_shape = [jax.ShapeDtypeStruct((N, HH), jnp.float32),
                 jax.ShapeDtypeStruct((N, HH), jnp.float32)]
    args = [h0, h1, a0, a1, dega, degb, Wl, blr, Wr, gr, br]
    if last:
        in_specs += [full(H, 8), full(1, 8)]
        out_specs += [blk2(8)]
        out_shape += [jax.ShapeDtypeStruct((N, 8), jnp.float32)]
        args += [head_W, head_br]
    return pl.pallas_call(
        body,
        grid=(GRID,),
        in_specs=in_specs,
        out_specs=out_specs,
        out_shape=out_shape,
    )(*args)


def kernel(aa_idx, atom_idx, edge_index, aa_emb, atom_emb, W1, b1, W2, b2,
           lin_l_W, lin_l_b, lin_r_W, ln_g, ln_b, head_W, head_b):
    aa3 = aa_idx.astype(jnp.int32).reshape(GRID, 1, BLK)
    at3 = atom_idx.astype(jnp.int32).reshape(GRID, 1, BLK)
    aa_emb_p = jnp.pad(aa_emb, ((0, 3), (0, 0)))
    at_emb_p = jnp.pad(atom_emb, ((0, 5), (0, 0)))
    b1r = b1.reshape(1, H)
    b2r = b2.reshape(1, H)
    head_br = head_b.reshape(1, 8)

    src = edge_index[0].astype(jnp.int32)
    dst = edge_index[1].astype(jnp.int32)
    src2 = jnp.concatenate([src, jnp.zeros((EP - E,), jnp.int32)]).reshape(EROWS, 128)
    dst2 = jnp.concatenate([dst, jnp.full((EP - E,), N, jnp.int32)]).reshape(EROWS, 128)
    z128 = jnp.zeros((TSLICE, 128), jnp.float32)
    o128 = jnp.ones((128, 128), jnp.float32)

    dega, degb = _sc_deg(dst2, z128, o128)
    h0, h1 = _tc_encoder(aa3, at3, aa_emb_p, at_emb_p, W1, b1r, W2, b2r)

    for l in range(L - 1):
        a0, a1 = _sc_agg(h0, h1, src2, dst2, z128)
        h0, h1 = _tc_layer(h0, h1, a0, a1, dega, degb,
                           lin_l_W[l], lin_l_b[l].reshape(1, H), lin_r_W[l],
                           ln_g[l].reshape(1, H), ln_b[l].reshape(1, H))
    a0, a1 = _sc_agg(h0, h1, src2, dst2, z128)
    _, _, y = _tc_layer(h0, h1, a0, a1, dega, degb,
                        lin_l_W[L - 1], lin_l_b[L - 1].reshape(1, H),
                        lin_r_W[L - 1], ln_g[L - 1].reshape(1, H),
                        ln_b[L - 1].reshape(1, H), head_W, head_br)
    return y

# --- scband reference (transcript-rebuilt; emitter-appended) ---
"""Pipeline reference for scband-simple-distill-gnn-57853209477539 (READ-ONLY COPY).

The authoritative reference and input builder live on the scoring server;
editing this copy changes nothing except your own understanding.
"""

import jax, jax.numpy as jnp
import numpy as np

N = 10000
E = 160000
H = 256
AA_V, AA_D = 21, 32
AT_V, AT_D = 3, 8
L = 4
OUT = 8


def setup_inputs(seed: int = 0) -> dict:
    key = jax.random.key(seed)
    ks = jax.random.split(key, 20)
    aa_idx = jax.random.randint(ks[0], (N,), 0, AA_V, dtype=jnp.int64) if jax.config.jax_enable_x64 else jax.random.randint(ks[0], (N,), 0, AA_V, dtype=jnp.int32)
    atom_idx = jax.random.randint(ks[1], (N,), 0, AT_V, dtype=jnp.int32)
    edge_index = jax.random.randint(ks[2], (2, E), 0, N, dtype=jnp.int32)
    s = 0.05
    inp = {
        'aa_idx': aa_idx,
        'atom_idx': atom_idx,
        'edge_index': edge_index,
        'aa_emb': jax.random.normal(ks[3], (AA_V, AA_D), jnp.float32) * s,
        'atom_emb': jax.random.normal(ks[4], (AT_V, AT_D), jnp.float32) * s,
        'W1': jax.random.normal(ks[5], (AA_D + AT_D, H), jnp.float32) * s,
        'b1': jnp.zeros((H,), jnp.float32),
        'W2': jax.random.normal(ks[6], (H, H), jnp.float32) * s,
        'b2': jnp.zeros((H,), jnp.float32),
        'lin_l_W': jax.random.normal(ks[7], (L, H, H), jnp.float32) * s,
        'lin_l_b': jnp.zeros((L, H), jnp.float32),
        'lin_r_W': jax.random.normal(ks[8], (L, H, H), jnp.float32) * s,
        'ln_g': jnp.ones((L, H), jnp.float32),
        'ln_b': jnp.zeros((L, H), jnp.float32),
        'head_W': jax.random.normal(ks[9], (H, OUT), jnp.float32) * s,
        'head_b': jnp.zeros((OUT,), jnp.float32),
    }
    return inp


def _layer_norm(x, g, b, eps=1e-5):
    mu = jnp.mean(x, axis=-1, keepdims=True)
    var = jnp.var(x, axis=-1, keepdims=True)
    return (x - mu) / jnp.sqrt(var + eps) * g + b


def reference(aa_idx, atom_idx, edge_index, aa_emb, atom_emb, W1, b1, W2, b2, lin_l_W, lin_l_b, lin_r_W, ln_g, ln_b, head_W, head_b):
    # NodeFeatureEncoder
    aa = jnp.take(aa_emb, aa_idx, axis=0)
    atom = jnp.take(atom_emb, atom_idx, axis=0)
    x = jnp.concatenate([aa, atom], axis=-1)
    h = jax.nn.relu(x @ W1 + b1) @ W2 + b2
    n = h.shape[0]
    src = edge_index[0]
    dst = edge_index[1]
    deg = jax.ops.segment_sum(jnp.ones_like(dst, dtype=h.dtype), dst, num_segments=n)
    deg = jnp.clip(deg, 1.0)[:, None]
    for l in range(L):
        # SAGEConv: mean aggregation of source features at destinations
        msgs = jnp.take(h, src, axis=0)
        agg = jax.ops.segment_sum(msgs, dst, num_segments=n) / deg
        out = agg @ lin_l_W[l] + lin_l_b[l] + h @ lin_r_W[l]
        # normalize=True -> F.normalize(out, p=2, dim=-1)
        nrm = jnp.linalg.norm(out, axis=-1, keepdims=True)
        out = out / jnp.clip(nrm, 1e-12)
        h = _layer_norm(h + out, ln_g[l], ln_b[l])
        h = jax.nn.relu(h)
        # dropout p=0.0 (eval) -> identity
    return h @ head_W + head_b

if __name__ == "__main__":
    import jax
    _d = setup_inputs()
    print(jax.jit(kernel)(*tuple(_d.values())))

</pallas_src>

<mosaic_0001>
#map = affine_map<(d0, d1) -> (0, 0)>
module attributes {stable_mosaic.version = 14 : i64} {
  func.func @k(%arg0: i32, %arg1: i32, %arg2: memref<10000x128xf32, #tpu.memory_space<hbm>>, %arg3: memref<10000x128xf32, #tpu.memory_space<hbm>>, %arg4: memref<1280x128xi32, #tpu.memory_space<hbm>>, %arg5: memref<1280x128xi32, #tpu.memory_space<hbm>>, %arg6: memref<632x128xf32, #tpu.memory_space<hbm>>, %arg7: memref<10000x128xf32, #tpu.memory_space<hbm>>, %arg8: memref<10000x128xf32, #tpu.memory_space<hbm>>, %arg9: memref<40x128xi32, #tpu.memory_space<vmem>>, %arg10: memref<40x128xi32, #tpu.memory_space<vmem>>, %arg11: memref<128x128xf32, #tpu.memory_space<vmem>>, %arg12: memref<128x128xf32, #tpu.memory_space<vmem>>, %arg13: memref<10112x128xf32, #tpu.memory_space<vmem_shared>>, %arg14: memref<!tpu.dma_semaphore, #tpu.memory_space<semaphore_mem>>, %arg15: memref<!tpu.dma_semaphore, #tpu.memory_space<semaphore_mem>>) attributes {dimension_semantics = [#tpu.dimension_semantics<core_parallel>, #tpu.dimension_semantics<subcore_parallel>], iteration_bounds = array<i64: 2, 16>, scalar_prefetch = 0 : i64, scratch_operands = 7 : i64, tpu.core_type = #tpu.core_type<sc_vector_subcore>, window_params = [{transform_indices = #map}, {transform_indices = #map}, {transform_indices = #map}, {transform_indices = #map}, {transform_indices = #map}, {transform_indices = #map}, {transform_indices = #map}]} {
    %mul3A = arith.constant 80 : i32
    %mul3A_0 = arith.muli %arg1, %mul3A : i32
    %mul3A_1 = arith.constant 632 : i32
    %mul3A_2 = arith.muli %arg1, %mul3A_1 : i32
    "tpu.region"() ({
      %run_scoped3A_93 = tpu.sem_alloc : memref<!tpu.dma_semaphore, #tpu.memory_space<semaphore_mem>>
      %dma_start3A = arith.constant 0 : i32
      %dma_start3A_94 = tpu.memref_slice %arg13[%mul3A_2, %dma_start3A] : memref<10112x128xf32, #tpu.memory_space<vmem_shared>> -> memref<632x128xf32, #tpu.memory_space<vmem_shared>>
      tpu.enqueue_dma source(%arg6 : memref<632x128xf32, #tpu.memory_space<hbm>>) target(%dma_start3A_94 : memref<632x128xf32, #tpu.memory_space<vmem_shared>>) target_semaphore(%run_scoped3A_93 : memref<!tpu.dma_semaphore, #tpu.memory_space<semaphore_mem>>)
      %dma_wait3A_95 = arith.constant 0 : i32
      %dma_wait3A_96 = tpu.memref_slice %arg13[%mul3A_2, %dma_wait3A_95] : memref<10112x128xf32, #tpu.memory_space<vmem_shared>> -> memref<632x128xf32, #tpu.memory_space<vmem_shared>>
      tpu.wait_dma2 semaphore(%run_scoped3A_93 : memref<!tpu.dma_semaphore, #tpu.memory_space<semaphore_mem>>) src(%arg6 : memref<632x128xf32, #tpu.memory_space<hbm>>) dst(%dma_wait3A_96 : memref<632x128xf32, #tpu.memory_space<vmem_shared>>)
      tpu.yield
    }) : () -> ()
    %barrier3A = arith.constant 0 : index
    tpu.barrier barrier_id(%barrier3A)
    %add3A = arith.constant 0 : i32
    %add3A_3 = arith.addi %mul3A_0, %add3A : i32
    "tpu.region"() ({
      %run_scoped3A_93 = tpu.sem_alloc : memref<!tpu.dma_semaphore, #tpu.memory_space<semaphore_mem>>
      %dma_start3A = arith.constant 0 : i32
      %dma_start3A_94 = tpu.memref_slice %arg4[%add3A_3, %dma_start3A] : memref<1280x128xi32, #tpu.memory_space<hbm>> -> memref<40x128xi32, #tpu.memory_space<hbm>>
      %dma_start3A_95 = arith.constant 0 : i32
      %dma_start3A_96 = tpu.memref_slice %arg4[%add3A_3, %dma_start3A_95] : memref<1280x128xi32, #tpu.memory_space<hbm>> -> memref<40x128xi32, #tpu.memory_space<hbm>>
      tpu.enqueue_dma source(%dma_start3A_96 : memref<40x128xi32, #tpu.memory_space<hbm>>) target(%arg9 : memref<40x128xi32, #tpu.memory_space<vmem>>) target_semaphore(%run_scoped3A_93 : memref<!tpu.dma_semaphore, #tpu.memory_space<semaphore_mem>>)
      %dma_wait3A_97 = arith.constant 0 : i32
      %dma_wait3A_98 = tpu.memref_slice %arg4[%add3A_3, %dma_wait3A_97] : memref<1280x128xi32, #tpu.memory_space<hbm>> -> memref<40x128xi32, #tpu.memory_space<hbm>>
      %dma_wait3A_99 = arith.constant 0 : i32
      %dma_wait3A_100 = tpu.memref_slice %arg4[%add3A_3, %dma_wait3A_99] : memref<1280x128xi32, #tpu.memory_space<hbm>> -> memref<40x128xi32, #tpu.memory_space<hbm>>
      tpu.wait_dma2 semaphore(%run_scoped3A_93 : memref<!tpu.dma_semaphore, #tpu.memory_space<semaphore_mem>>) src(%dma_wait3A_100 : memref<40x128xi32, #tpu.memory_space<hbm>>) dst(%arg9 : memref<40x128xi32, #tpu.memory_space<vmem>>)
      tpu.yield
    }) : () -> ()
    %add3A_4 = arith.constant 0 : i32
    %add3A_5 = arith.addi %mul3A_0, %add3A_4 : i32
    "tpu.region"() ({
      %run_scoped3A_93 = tpu.sem_alloc : memref<!tpu.dma_semaphore, #tpu.memory_space<semaphore_mem>>
      %dma_start3A = arith.constant 0 : i32
      %dma_start3A_94 = tpu.memref_slice %arg5[%add3A_5, %dma_start3A] : memref<1280x128xi32, #tpu.memory_space<hbm>> -> memref<40x128xi32, #tpu.memory_space<hbm>>
      %dma_start3A_95 = arith.constant 0 : i32
      %dma_start3A_96 = tpu.memref_slice %arg5[%add3A_5, %dma_start3A_95] : memref<1280x128xi32, #tpu.memory_space<hbm>> -> memref<40x128xi32, #tpu.memory_space<hbm>>
      tpu.enqueue_dma source(%dma_start3A_96 : memref<40x128xi32, #tpu.memory_space<hbm>>) target(%arg10 : memref<40x128xi32, #tpu.memory_space<vmem>>) target_semaphore(%run_scoped3A_93 : memref<!tpu.dma_semaphore, #tpu.memory_space<semaphore_mem>>)
      %dma_wait3A_97 = arith.constant 0 : i32
      %dma_wait3A_98 = tpu.memref_slice %arg5[%add3A_5, %dma_wait3A_97] : memref<1280x128xi32, #tpu.memory_space<hbm>> -> memref<40x128xi32, #tpu.memory_space<hbm>>
      %dma_wait3A_99 = arith.constant 0 : i32
      %dma_wait3A_100 = tpu.memref_slice %arg5[%add3A_5, %dma_wait3A_99] : memref<1280x128xi32, #tpu.memory_space<hbm>> -> memref<40x128xi32, #tpu.memory_space<hbm>>
      tpu.wait_dma2 semaphore(%run_scoped3A_93 : memref<!tpu.dma_semaphore, #tpu.memory_space<semaphore_mem>>) src(%dma_wait3A_100 : memref<40x128xi32, #tpu.memory_space<hbm>>) dst(%arg10 : memref<40x128xi32, #tpu.memory_space<vmem>>)
      tpu.yield
    }) : () -> ()
    %eq3A = arith.constant 0 : i32
    %eq3A_6 = arith.cmpi eq, %arg0, %eq3A : i32
    %convert_element_type3A = arith.extui %eq3A_6 : i1 to i32
    %cond3A = arith.constant 0 : i32
    %cond3A_7 = arith.cmpi ne, %convert_element_type3A, %cond3A : i32
    scf.if %cond3A_7 {
      %dma_start3A = arith.constant 0 : i32
      %dma_start3A_93 = arith.constant 0 : i32
      %dma_start3A_94 = tpu.memref_slice %arg9[%dma_start3A, %dma_start3A_93] : memref<40x128xi32, #tpu.memory_space<vmem>> -> memref<1x128xi32, #tpu.memory_space<vmem>>
      %dma_start3A_95 = tpu.memref_squeeze %dma_start3A_94 : memref<1x128xi32, #tpu.memory_space<vmem>> -> memref<128xi32, #tpu.memory_space<vmem>>
      %dma_start3A_96 = arith.constant 0 : i32
      %dma_start3A_97 = arith.constant 0 : i32
      %dma_start3A_98 = tpu.memref_slice %arg2[%dma_start3A_96, %dma_start3A_97] : memref<10000x128xf32, #tpu.memory_space<hbm>> -> memref<10000x128xf32, #tpu.memory_space<hbm>>
      tpu.enqueue_indirect_dma source(%dma_start3A_98 : memref<10000x128xf32, #tpu.memory_space<hbm>>) target(%arg11 : memref<128x128xf32, #tpu.memory_space<vmem>>) offsets(%dma_start3A_95 : memref<128xi32, #tpu.memory_space<vmem>>) semaphore(%arg14 : memref<!tpu.dma_semaphore, #tpu.memory_space<semaphore_mem>>)
    } else {
    }
    %eq3A_8 = arith.constant 1 : i32
    %eq3A_9 = arith.cmpi eq, %arg0, %eq3A_8 : i32
    %convert_element_type3A_10 = arith.extui %eq3A_9 : i1 to i32
    %cond3A_11 = arith.constant 0 : i32
    %cond3A_12 = arith.cmpi ne, %convert_element_type3A_10, %cond3A_11 : i32
    scf.if %cond3A_12 {
      %dma_start3A = arith.constant 0 : i32
      %dma_start3A_93 = arith.constant 0 : i32
      %dma_start3A_94 = tpu.memref_slice %arg9[%dma_start3A, %dma_start3A_93] : memref<40x128xi32, #tpu.memory_space<vmem>> -> memref<1x128xi32, #tpu.memory_space<vmem>>
      %dma_start3A_95 = tpu.memref_squeeze %dma_start3A_94 : memref<1x128xi32, #tpu.memory_space<vmem>> -> memref<128xi32, #tpu.memory_space<vmem>>
      %dma_start3A_96 = arith.constant 0 : i32
      %dma_start3A_97 = arith.constant 0 : i32
      %dma_start3A_98 = tpu.memref_slice %arg3[%dma_start3A_96, %dma_start3A_97] : memref<10000x128xf32, #tpu.memory_space<hbm>> -> memref<10000x128xf32, #tpu.memory_space<hbm>>
      tpu.enqueue_indirect_dma source(%dma_start3A_98 : memref<10000x128xf32, #tpu.memory_space<hbm>>) target(%arg11 : memref<128x128xf32, #tpu.memory_space<vmem>>) offsets(%dma_start3A_95 : memref<128xi32, #tpu.memory_space<vmem>>) semaphore(%arg14 : memref<!tpu.dma_semaphore, #tpu.memory_space<semaphore_mem>>)
    } else {
    }
    %scan3A = arith.constant 0 : i32
    %scan3A_13 = arith.constant 19 : i32
    %scan3A_14 = arith.addi %scan3A, %scan3A_13 : i32
    %scan3A_15 = arith.constant 1 : i32
    scf.for %scan3A_93 = %scan3A to %scan3A_14 step %scan3A_15  : i32 {
      %mul3A_94 = arith.constant 1 : i32
      %mul3A_95 = arith.muli %scan3A_93, %mul3A_94 : i32
      %add3A_96 = arith.constant 0 : i32
      %add3A_97 = arith.addi %add3A_96, %mul3A_95 : i32
      %mul3A_98 = arith.constant 2 : i32
      %mul3A_99 = arith.muli %mul3A_98, %add3A_97 : i32
      %dma_wait3A_100 = arith.constant 0 : i32
      %dma_wait3A_101 = arith.constant 0 : i32
      %dma_wait3A_102 = tpu.memref_slice %arg2[%dma_wait3A_100, %dma_wait3A_101] : memref<10000x128xf32, #tpu.memory_space<hbm>> -> memref<128x128xf32, #tpu.memory_space<hbm>>
      %dma_wait3A_103 = arith.constant 0 : i32
      %dma_wait3A_104 = arith.constant 0 : i32
      %dma_wait3A_105 = tpu.memref_slice %arg2[%dma_wait3A_103, %dma_wait3A_104] : memref<10000x128xf32, #tpu.memory_space<hbm>> -> memref<128x128xf32, #tpu.memory_space<hbm>>
      tpu.wait_dma2 semaphore(%arg14 : memref<!tpu.dma_semaphore, #tpu.memory_space<semaphore_mem>>) src(%dma_wait3A_105 : memref<128x128xf32, #tpu.memory_space<hbm>>) dst(%arg11 : memref<128x128xf32, #tpu.memory_space<vmem>>)
      %add3A_106 = arith.constant 1 : i32
      %add3A_107 = arith.addi %mul3A_99, %add3A_106 : i32
      %eq3A_108 = arith.constant 0 : i32
      %eq3A_109 = arith.cmpi eq, %arg0, %eq3A_108 : i32
      %convert_element_type3A_110 = arith.extui %eq3A_109 : i1 to i32
      %cond3A_111 = arith.constant 0 : i32
      %cond3A_112 = arith.cmpi ne, %convert_element_type3A_110, %cond3A_111 : i32
      scf.if %cond3A_112 {
        %dma_start3A = arith.constant 0 : i32
        %dma_start3A_138 = tpu.memref_slice %arg9[%add3A_107, %dma_start3A] : memref<40x128xi32, #tpu.memory_space<vmem>> -> memref<1x128xi32, #tpu.memory_space<vmem>>
        %dma_start3A_139 = tpu.memref_squeeze %dma_start3A_138 : memref<1x128xi32, #tpu.memory_space<vmem>> -> memref<128xi32, #tpu.memory_space<vmem>>
        %dma_start3A_140 = arith.constant 0 : i32
        %dma_start3A_141 = arith.constant 0 : i32
        %dma_start3A_142 = tpu.memref_slice %arg2[%dma_start3A_140, %dma_start3A_141] : memref<10000x128xf32, #tpu.memory_space<hbm>> -> memref<10000x128xf32, #tpu.memory_space<hbm>>
        tpu.enqueue_indirect_dma source(%dma_start3A_142 : memref<10000x128xf32, #tpu.memory_space<hbm>>) target(%arg12 : memref<128x128xf32, #tpu.memory_space<vmem>>) offsets(%dma_start3A_139 : memref<128xi32, #tpu.memory_space<vmem>>) semaphore(%arg15 : memref<!tpu.dma_semaphore, #tpu.memory_space<semaphore_mem>>)
      } else {
      }
      %eq3A_113 = arith.constant 1 : i32
      %eq3A_114 = arith.cmpi eq, %arg0, %eq3A_113 : i32
      %convert_element_type3A_115 = arith.extui %eq3A_114 : i1 to i32
      %cond3A_116 = arith.constant 0 : i32
      %cond3A_117 = arith.cmpi ne, %convert_element_type3A_115, %cond3A_116 : i32
      scf.if %cond3A_117 {
        %dma_start3A = arith.constant 0 : i32
        %dma_start3A_138 = tpu.memref_slice %arg9[%add3A_107, %dma_start3A] : memref<40x128xi32, #tpu.memory_space<vmem>> -> memref<1x128xi32, #tpu.memory_space<vmem>>
        %dma_start3A_139 = tpu.memref_squeeze %dma_start3A_138 : memref<1x128xi32, #tpu.memory_space<vmem>> -> memref<128xi32, #tpu.memory_space<vmem>>
        %dma_start3A_140 = arith.constant 0 : i32
        %dma_start3A_141 = arith.constant 0 : i32
        %dma_start3A_142 = tpu.memref_slice %arg3[%dma_start3A_140, %dma_start3A_141] : memref<10000x128xf32, #tpu.memory_space<hbm>> -> memref<10000x128xf32, #tpu.memory_space<hbm>>
        tpu.enqueue_indirect_dma source(%dma_start3A_142 : memref<10000x128xf32, #tpu.memory_space<hbm>>) target(%arg12 : memref<128x128xf32, #tpu.memory_space<vmem>>) offsets(%dma_start3A_139 : memref<128xi32, #tpu.memory_space<vmem>>) semaphore(%arg15 : memref<!tpu.dma_semaphore, #tpu.memory_space<semaphore_mem>>)
      } else {
      }
      "tpu.region"() ({
        %run_scoped3A_138 = tpu.sem_alloc : memref<!tpu.dma_semaphore, #tpu.memory_space<semaphore_mem>>
        %dma_start3A = arith.constant 0 : i32
        %dma_start3A_139 = tpu.memref_slice %arg10[%mul3A_99, %dma_start3A] : memref<40x128xi32, #tpu.memory_space<vmem>> -> memref<1x128xi32, #tpu.memory_space<vmem>>
        %dma_start3A_140 = tpu.memref_squeeze %dma_start3A_139 : memref<1x128xi32, #tpu.memory_space<vmem>> -> memref<128xi32, #tpu.memory_space<vmem>>
        %dma_start3A_141 = arith.constant 0 : i32
        %dma_start3A_142 = arith.constant 0 : i32
        %dma_start3A_143 = tpu.memref_slice %arg13[%dma_start3A_141, %dma_start3A_142] : memref<10112x128xf32, #tpu.memory_space<vmem_shared>> -> memref<10112x128xf32, #tpu.memory_space<vmem_shared>>
        tpu.enqueue_indirect_dma source(%arg11 : memref<128x128xf32, #tpu.memory_space<vmem>>) target(%dma_start3A_143 : memref<10112x128xf32, #tpu.memory_space<vmem_shared>>) offsets(%dma_start3A_140 : memref<128xi32, #tpu.memory_space<vmem>>) semaphore(%run_scoped3A_138 : memref<!tpu.dma_semaphore, #tpu.memory_space<semaphore_mem>>) {add = true}
        %dma_wait3A_144 = arith.constant 0 : i32
        %dma_wait3A_145 = tpu.memref_slice %arg10[%mul3A_99, %dma_wait3A_144] : memref<40x128xi32, #tpu.memory_space<vmem>> -> memref<1x128xi32, #tpu.memory_space<vmem>>
        %dma_wait3A_146 = tpu.memref_squeeze %dma_wait3A_145 : memref<1x128xi32, #tpu.memory_space<vmem>> -> memref<128xi32, #tpu.memory_space<vmem>>
        %dma_wait3A_147 = arith.constant 0 : i32
        %dma_wait3A_148 = arith.constant 0 : i32
        %dma_wait3A_149 = tpu.memref_slice %arg13[%dma_wait3A_147, %dma_wait3A_148] : memref<10112x128xf32, #tpu.memory_space<vmem_shared>> -> memref<10112x128xf32, #tpu.memory_space<vmem_shared>>
        tpu.wait_indirect_dma semaphore(%run_scoped3A_138 : memref<!tpu.dma_semaphore, #tpu.memory_space<semaphore_mem>>) src(%arg11 : memref<128x128xf32, #tpu.memory_space<vmem>>) dst(%dma_wait3A_149 : memref<10112x128xf32, #tpu.memory_space<vmem_shared>>)
        tpu.yield
      }) : () -> ()
      %dma_wait3A_118 = arith.constant 0 : i32
      %dma_wait3A_119 = arith.constant 0 : i32
      %dma_wait3A_120 = tpu.memref_slice %arg2[%dma_wait3A_118, %dma_wait3A_119] : memref<10000x128xf32, #tpu.memory_space<hbm>> -> memref<128x128xf32, #tpu.memory_space<hbm>>
      %dma_wait3A_121 = arith.constant 0 : i32
      %dma_wait3A_122 = arith.constant 0 : i32
      %dma_wait3A_123 = tpu.memref_slice %arg2[%dma_wait3A_121, %dma_wait3A_122] : memref<10000x128xf32, #tpu.memory_space<hbm>> -> memref<128x128xf32, #tpu.memory_space<hbm>>
      tpu.wait_dma2 semaphore(%arg15 : memref<!tpu.dma_semaphore, #tpu.memory_space<semaphore_mem>>) src(%dma_wait3A_123 : memref<128x128xf32, #tpu.memory_space<hbm>>) dst(%arg12 : memref<128x128xf32, #tpu.memory_space<vmem>>)
      %add3A_124 = arith.constant 2 : i32
      %add3A_125 = arith.addi %mul3A_99, %add3A_124 : i32
      %eq3A_126 = arith.constant 0 : i32
      %eq3A_127 = arith.cmpi eq, %arg0, %eq3A_126 : i32
      %convert_element_type3A_128 = arith.extui %eq3A_127 : i1 to i32
      %cond3A_129 = arith.constant 0 : i32
      %cond3A_130 = arith.cmpi ne, %convert_element_type3A_128, %cond3A_129 : i32
      scf.if %cond3A_130 {
        %dma_start3A = arith.constant 0 : i32
        %dma_start3A_138 = tpu.memref_slice %arg9[%add3A_125, %dma_start3A] : memref<40x128xi32, #tpu.memory_space<vmem>> -> memref<1x128xi32, #tpu.memory_space<vmem>>
        %dma_start3A_139 = tpu.memref_squeeze %dma_start3A_138 : memref<1x128xi32, #tpu.memory_space<vmem>> -> memref<128xi32, #tpu.memory_space<vmem>>
        %dma_start3A_140 = arith.constant 0 : i32
        %dma_start3A_141 = arith.constant 0 : i32
        %dma_start3A_142 = tpu.memref_slice %arg2[%dma_start3A_140, %dma_start3A_141] : memref<10000x128xf32, #tpu.memory_space<hbm>> -> memref<10000x128xf32, #tpu.memory_space<hbm>>
        tpu.enqueue_indirect_dma source(%dma_start3A_142 : memref<10000x128xf32, #tpu.memory_space<hbm>>) target(%arg11 : memref<128x128xf32, #tpu.memory_space<vmem>>) offsets(%dma_start3A_139 : memref<128xi32, #tpu.memory_space<vmem>>) semaphore(%arg14 : memref<!tpu.dma_semaphore, #tpu.memory_space<semaphore_mem>>)
      } else {
      }
      %eq3A_131 = arith.constant 1 : i32
      %eq3A_132 = arith.cmpi eq, %arg0, %eq3A_131 : i32
      %convert_element_type3A_133 = arith.extui %eq3A_132 : i1 to i32
      %cond3A_134 = arith.constant 0 : i32
      %cond3A_135 = arith.cmpi ne, %convert_element_type3A_133, %cond3A_134 : i32
      scf.if %cond3A_135 {
        %dma_start3A = arith.constant 0 : i32
        %dma_start3A_138 = tpu.memref_slice %arg9[%add3A_125, %dma_start3A] : memref<40x128xi32, #tpu.memory_space<vmem>> -> memref<1x128xi32, #tpu.memory_space<vmem>>
        %dma_start3A_139 = tpu.memref_squeeze %dma_start3A_138 : memref<1x128xi32, #tpu.memory_space<vmem>> -> memref<128xi32, #tpu.memory_space<vmem>>
        %dma_start3A_140 = arith.constant 0 : i32
        %dma_start3A_141 = arith.constant 0 : i32
        %dma_start3A_142 = tpu.memref_slice %arg3[%dma_start3A_140, %dma_start3A_141] : memref<10000x128xf32, #tpu.memory_space<hbm>> -> memref<10000x128xf32, #tpu.memory_space<hbm>>
        tpu.enqueue_indirect_dma source(%dma_start3A_142 : memref<10000x128xf32, #tpu.memory_space<hbm>>) target(%arg11 : memref<128x128xf32, #tpu.memory_space<vmem>>) offsets(%dma_start3A_139 : memref<128xi32, #tpu.memory_space<vmem>>) semaphore(%arg14 : memref<!tpu.dma_semaphore, #tpu.memory_space<semaphore_mem>>)
      } else {
      }
      %add3A_136 = arith.constant 1 : i32
      %add3A_137 = arith.addi %mul3A_99, %add3A_136 : i32
      "tpu.region"() ({
        %run_scoped3A_138 = tpu.sem_alloc : memref<!tpu.dma_semaphore, #tpu.memory_space<semaphore_mem>>
        %dma_start3A = arith.constant 0 : i32
        %dma_start3A_139 = tpu.memref_slice %arg10[%add3A_137, %dma_start3A] : memref<40x128xi32, #tpu.memory_space<vmem>> -> memref<1x128xi32, #tpu.memory_space<vmem>>
        %dma_start3A_140 = tpu.memref_squeeze %dma_start3A_139 : memref<1x128xi32, #tpu.memory_space<vmem>> -> memref<128xi32, #tpu.memory_space<vmem>>
        %dma_start3A_141 = arith.constant 0 : i32
        %dma_start3A_142 = arith.constant 0 : i32
        %dma_start3A_143 = tpu.memref_slice %arg13[%dma_start3A_141, %dma_start3A_142] : memref<10112x128xf32, #tpu.memory_space<vmem_shared>> -> memref<10112x128xf32, #tpu.memory_space<vmem_shared>>
        tpu.enqueue_indirect_dma source(%arg12 : memref<128x128xf32, #tpu.memory_space<vmem>>) target(%dma_start3A_143 : memref<10112x128xf32, #tpu.memory_space<vmem_shared>>) offsets(%dma_start3A_140 : memref<128xi32, #tpu.memory_space<vmem>>) semaphore(%run_scoped3A_138 : memref<!tpu.dma_semaphore, #tpu.memory_space<semaphore_mem>>) {add = true}
        %dma_wait3A_144 = arith.constant 0 : i32
        %dma_wait3A_145 = tpu.memref_slice %arg10[%add3A_137, %dma_wait3A_144] : memref<40x128xi32, #tpu.memory_space<vmem>> -> memref<1x128xi32, #tpu.memory_space<vmem>>
        %dma_wait3A_146 = tpu.memref_squeeze %dma_wait3A_145 : memref<1x128xi32, #tpu.memory_space<vmem>> -> memref<128xi32, #tpu.memory_space<vmem>>
        %dma_wait3A_147 = arith.constant 0 : i32
        %dma_wait3A_148 = arith.constant 0 : i32
        %dma_wait3A_149 = tpu.memref_slice %arg13[%dma_wait3A_147, %dma_wait3A_148] : memref<10112x128xf32, #tpu.memory_space<vmem_shared>> -> memref<10112x128xf32, #tpu.memory_space<vmem_shared>>
        tpu.wait_indirect_dma semaphore(%run_scoped3A_138 : memref<!tpu.dma_semaphore, #tpu.memory_space<semaphore_mem>>) src(%arg12 : memref<128x128xf32, #tpu.memory_space<vmem>>) dst(%dma_wait3A_149 : memref<10112x128xf32, #tpu.memory_space<vmem_shared>>)
        tpu.yield
      }) : () -> ()
    }
    %scan3A_16 = arith.constant 19 : i32
    %dma_wait3A = arith.constant 0 : i32
    %dma_wait3A_17 = arith.constant 0 : i32
    %dma_wait3A_18 = tpu.memref_slice %arg2[%dma_wait3A, %dma_wait3A_17] : memref<10000x128xf32, #tpu.memory_space<hbm>> -> memref<128x128xf32, #tpu.memory_space<hbm>>
    %dma_wait3A_19 = arith.constant 0 : i32
    %dma_wait3A_20 = arith.constant 0 : i32
    %dma_wait3A_21 = tpu.memref_slice %arg2[%dma_wait3A_19, %dma_wait3A_20] : memref<10000x128xf32, #tpu.memory_space<hbm>> -> memref<128x128xf32, #tpu.memory_space<hbm>>
    tpu.wait_dma2 semaphore(%arg14 : memref<!tpu.dma_semaphore, #tpu.memory_space<semaphore_mem>>) src(%dma_wait3A_21 : memref<128x128xf32, #tpu.memory_space<hbm>>) dst(%arg11 : memref<128x128xf32, #tpu.memory_space<vmem>>)
    %eq3A_22 = arith.constant 0 : i32
    %eq3A_23 = arith.cmpi eq, %arg0, %eq3A_22 : i32
    %convert_element_type3A_24 = arith.extui %eq3A_23 : i1 to i32
    %cond3A_25 = arith.constant 0 : i32
    %cond3A_26 = arith.cmpi ne, %convert_element_type3A_24, %cond3A_25 : i32
    scf.if %cond3A_26 {
      %dma_start3A = arith.constant 39 : i32
      %dma_start3A_93 = arith.constant 0 : i32
      %dma_start3A_94 = tpu.memref_slice %arg9[%dma_start3A, %dma_start3A_93] : memref<40x128xi32, #tpu.memory_space<vmem>> -> memref<1x128xi32, #tpu.memory_space<vmem>>
      %dma_start3A_95 = tpu.memref_squeeze %dma_start3A_94 : memref<1x128xi32, #tpu.memory_space<vmem>> -> memref<128xi32, #tpu.memory_space<vmem>>
      %dma_start3A_96 = arith.constant 0 : i32
      %dma_start3A_97 = arith.constant 0 : i32
      %dma_start3A_98 = tpu.memref_slice %arg2[%dma_start3A_96, %dma_start3A_97] : memref<10000x128xf32, #tpu.memory_space<hbm>> -> memref<10000x128xf32, #tpu.memory_space<hbm>>
      tpu.enqueue_indirect_dma source(%dma_start3A_98 : memref<10000x128xf32, #tpu.memory_space<hbm>>) target(%arg12 : memref<128x128xf32, #tpu.memory_space<vmem>>) offsets(%dma_start3A_95 : memref<128xi32, #tpu.memory_space<vmem>>) semaphore(%arg15 : memref<!tpu.dma_semaphore, #tpu.memory_space<semaphore_mem>>)
    } else {
    }
    %eq3A_27 = arith.constant 1 : i32
    %eq3A_28 = arith.cmpi eq, %arg0, %eq3A_27 : i32
    %convert_element_type3A_29 = arith.extui %eq3A_28 : i1 to i32
    %cond3A_30 = arith.constant 0 : i32
    %cond3A_31 = arith.cmpi ne, %convert_element_type3A_29, %cond3A_30 : i32
    scf.if %cond3A_31 {
      %dma_start3A = arith.constant 39 : i32
      %dma_start3A_93 = arith.constant 0 : i32
      %dma_start3A_94 = tpu.memref_slice %arg9[%dma_start3A, %dma_start3A_93] : memref<40x128xi32, #tpu.memory_space<vmem>> -> memref<1x128xi32, #tpu.memory_space<vmem>>
      %dma_start3A_95 = tpu.memref_squeeze %dma_start3A_94 : memref<1x128xi32, #tpu.memory_space<vmem>> -> memref<128xi32, #tpu.memory_space<vmem>>
      %dma_start3A_96 = arith.constant 0 : i32
      %dma_start3A_97 = arith.constant 0 : i32
      %dma_start3A_98 = tpu.memref_slice %arg3[%dma_start3A_96, %dma_start3A_97] : memref<10000x128xf32, #tpu.memory_space<hbm>> -> memref<10000x128xf32, #tpu.memory_space<hbm>>
      tpu.enqueue_indirect_dma source(%dma_start3A_98 : memref<10000x128xf32, #tpu.memory_space<hbm>>) target(%arg12 : memref<128x128xf32, #tpu.memory_space<vmem>>) offsets(%dma_start3A_95 : memref<128xi32, #tpu.memory_space<vmem>>) semaphore(%arg15 : memref<!tpu.dma_semaphore, #tpu.memory_space<semaphore_mem>>)
    } else {
    }
    %run_scoped3A = arith.constant 38 : i32
    "tpu.region"() ({
      %run_scoped3A_93 = tpu.sem_alloc : memref<!tpu.dma_semaphore, #tpu.memory_space<semaphore_mem>>
      %dma_start3A = arith.constant 0 : i32
      %dma_start3A_94 = tpu.memref_slice %arg10[%run_scoped3A, %dma_start3A] : memref<40x128xi32, #tpu.memory_space<vmem>> -> memref<1x128xi32, #tpu.memory_space<vmem>>
      %dma_start3A_95 = tpu.memref_squeeze %dma_start3A_94 : memref<1x128xi32, #tpu.memory_space<vmem>> -> memref<128xi32, #tpu.memory_space<vmem>>
      %dma_start3A_96 = arith.constant 0 : i32
      %dma_start3A_97 = arith.constant 0 : i32
      %dma_start3A_98 = tpu.memref_slice %arg13[%dma_start3A_96, %dma_start3A_97] : memref<10112x128xf32, #tpu.memory_space<vmem_shared>> -> memref<10112x128xf32, #tpu.memory_space<vmem_shared>>
      tpu.enqueue_indirect_dma source(%arg11 : memref<128x128xf32, #tpu.memory_space<vmem>>) target(%dma_start3A_98 : memref<10112x128xf32, #tpu.memory_space<vmem_shared>>) offsets(%dma_start3A_95 : memref<128xi32, #tpu.memory_space<vmem>>) semaphore(%run_scoped3A_93 : memref<!tpu.dma_semaphore, #tpu.memory_space<semaphore_mem>>) {add = true}
      %dma_wait3A_99 = arith.constant 0 : i32
      %dma_wait3A_100 = tpu.memref_slice %arg10[%run_scoped3A, %dma_wait3A_99] : memref<40x128xi32, #tpu.memory_space<vmem>> -> memref<1x128xi32, #tpu.memory_space<vmem>>
      %dma_wait3A_101 = tpu.memref_squeeze %dma_wait3A_100 : memref<1x128xi32, #tpu.memory_space<vmem>> -> memref<128xi32, #tpu.memory_space<vmem>>
      %dma_wait3A_102 = arith.constant 0 : i32
      %dma_wait3A_103 = arith.constant 0 : i32
      %dma_wait3A_104 = tpu.memref_slice %arg13[%dma_wait3A_102, %dma_wait3A_103] : memref<10112x128xf32, #tpu.memory_space<vmem_shared>> -> memref<10112x128xf32, #tpu.memory_space<vmem_shared>>
      tpu.wait_indirect_dma semaphore(%run_scoped3A_93 : memref<!tpu.dma_semaphore, #tpu.memory_space<semaphore_mem>>) src(%arg11 : memref<128x128xf32, #tpu.memory_space<vmem>>) dst(%dma_wait3A_104 : memref<10112x128xf32, #tpu.memory_space<vmem_shared>>)
      tpu.yield
    }) : () -> ()
    %dma_wait3A_32 = arith.constant 0 : i32
    %dma_wait3A_33 = arith.constant 0 : i32
    %dma_wait3A_34 = tpu.memref_slice %arg2[%dma_wait3A_32, %dma_wait3A_33] : memref<10000x128xf32, #tpu.memory_space<hbm>> -> memref<128x128xf32, #tpu.memory_space<hbm>>
    %dma_wait3A_35 = arith.constant 0 : i32
    %dma_wait3A_36 = arith.constant 0 : i32
    %dma_wait3A_37 = tpu.memref_slice %arg2[%dma_wait3A_35, %dma_wait3A_36] : memref<10000x128xf32, #tpu.memory_space<hbm>> -> memref<128x128xf32, #tpu.memory_space<hbm>>
    tpu.wait_dma2 semaphore(%arg15 : memref<!tpu.dma_semaphore, #tpu.memory_space<semaphore_mem>>) src(%dma_wait3A_37 : memref<128x128xf32, #tpu.memory_space<hbm>>) dst(%arg12 : memref<128x128xf32, #tpu.memory_space<vmem>>)
    %run_scoped3A_38 = arith.constant 39 : i32
    "tpu.region"() ({
      %run_scoped3A_93 = tpu.sem_alloc : memref<!tpu.dma_semaphore, #tpu.memory_space<semaphore_mem>>
      %dma_start3A = arith.constant 0 : i32
      %dma_start3A_94 = tpu.memref_slice %arg10[%run_scoped3A_38, %dma_start3A] : memref<40x128xi32, #tpu.memory_space<vmem>> -> memref<1x128xi32, #tpu.memory_space<vmem>>
      %dma_start3A_95 = tpu.memref_squeeze %dma_start3A_94 : memref<1x128xi32, #tpu.memory_space<vmem>> -> memref<128xi32, #tpu.memory_space<vmem>>
      %dma_start3A_96 = arith.constant 0 : i32
      %dma_start3A_97 = arith.constant 0 : i32
      %dma_start3A_98 = tpu.memref_slice %arg13[%dma_start3A_96, %dma_start3A_97] : memref<10112x128xf32, #tpu.memory_space<vmem_shared>> -> memref<10112x128xf32, #tpu.memory_space<vmem_shared>>
      tpu.enqueue_indirect_dma source(%arg12 : memref<128x128xf32, #tpu.memory_space<vmem>>) target(%dma_start3A_98 : memref<10112x128xf32, #tpu.memory_space<vmem_shared>>) offsets(%dma_start3A_95 : memref<128xi32, #tpu.memory_space<vmem>>) semaphore(%run_scoped3A_93 : memref<!tpu.dma_semaphore, #tpu.memory_space<semaphore_mem>>) {add = true}
      %dma_wait3A_99 = arith.constant 0 : i32
      %dma_wait3A_100 = tpu.memref_slice %arg10[%run_scoped3A_38, %dma_wait3A_99] : memref<40x128xi32, #tpu.memory_space<vmem>> -> memref<1x128xi32, #tpu.memory_space<vmem>>
      %dma_wait3A_101 = tpu.memref_squeeze %dma_wait3A_100 : memref<1x128xi32, #tpu.memory_space<vmem>> -> memref<128xi32, #tpu.memory_space<vmem>>
      %dma_wait3A_102 = arith.constant 0 : i32
      %dma_wait3A_103 = arith.constant 0 : i32
      %dma_wait3A_104 = tpu.memref_slice %arg13[%dma_wait3A_102, %dma_wait3A_103] : memref<10112x128xf32, #tpu.memory_space<vmem_shared>> -> memref<10112x128xf32, #tpu.memory_space<vmem_shared>>
      tpu.wait_indirect_dma semaphore(%run_scoped3A_93 : memref<!tpu.dma_semaphore, #tpu.memory_space<semaphore_mem>>) src(%arg12 : memref<128x128xf32, #tpu.memory_space<vmem>>) dst(%dma_wait3A_104 : memref<10112x128xf32, #tpu.memory_space<vmem_shared>>)
      tpu.yield
    }) : () -> ()
    %add3A_39 = arith.constant 40 : i32
    %add3A_40 = arith.addi %mul3A_0, %add3A_39 : i32
    "tpu.region"() ({
      %run_scoped3A_93 = tpu.sem_alloc : memref<!tpu.dma_semaphore, #tpu.memory_space<semaphore_mem>>
      %dma_start3A = arith.constant 0 : i32
      %dma_start3A_94 = tpu.memref_slice %arg4[%add3A_40, %dma_start3A] : memref<1280x128xi32, #tpu.memory_space<hbm>> -> memref<40x128xi32, #tpu.memory_space<hbm>>
      %dma_start3A_95 = arith.constant 0 : i32
      %dma_start3A_96 = tpu.memref_slice %arg4[%add3A_40, %dma_start3A_95] : memref<1280x128xi32, #tpu.memory_space<hbm>> -> memref<40x128xi32, #tpu.memory_space<hbm>>
      tpu.enqueue_dma source(%dma_start3A_96 : memref<40x128xi32, #tpu.memory_space<hbm>>) target(%arg9 : memref<40x128xi32, #tpu.memory_space<vmem>>) target_semaphore(%run_scoped3A_93 : memref<!tpu.dma_semaphore, #tpu.memory_space<semaphore_mem>>)
      %dma_wait3A_97 = arith.constant 0 : i32
      %dma_wait3A_98 = tpu.memref_slice %arg4[%add3A_40, %dma_wait3A_97] : memref<1280x128xi32, #tpu.memory_space<hbm>> -> memref<40x128xi32, #tpu.memory_space<hbm>>
      %dma_wait3A_99 = arith.constant 0 : i32
      %dma_wait3A_100 = tpu.memref_slice %arg4[%add3A_40, %dma_wait3A_99] : memref<1280x128xi32, #tpu.memory_space<hbm>> -> memref<40x128xi32, #tpu.memory_space<hbm>>
      tpu.wait_dma2 semaphore(%run_scoped3A_93 : memref<!tpu.dma_semaphore, #tpu.memory_space<semaphore_mem>>) src(%dma_wait3A_100 : memref<40x128xi32, #tpu.memory_space<hbm>>) dst(%arg9 : memref<40x128xi32, #tpu.memory_space<vmem>>)
      tpu.yield
    }) : () -> ()
    %add3A_41 = arith.constant 40 : i32
    %add3A_42 = arith.addi %mul3A_0, %add3A_41 : i32
    "tpu.region"() ({
      %run_scoped3A_93 = tpu.sem_alloc : memref<!tpu.dma_semaphore, #tpu.memory_space<semaphore_mem>>
      %dma_start3A = arith.constant 0 : i32
      %dma_start3A_94 = tpu.memref_slice %arg5[%add3A_42, %dma_start3A] : memref<1280x128xi32, #tpu.memory_space<hbm>> -> memref<40x128xi32, #tpu.memory_space<hbm>>
      %dma_start3A_95 = arith.constant 0 : i32
      %dma_start3A_96 = tpu.memref_slice %arg5[%add3A_42, %dma_start3A_95] : memref<1280x128xi32, #tpu.memory_space<hbm>> -> memref<40x128xi32, #tpu.memory_space<hbm>>
      tpu.enqueue_dma source(%dma_start3A_96 : memref<40x128xi32, #tpu.memory_space<hbm>>) target(%arg10 : memref<40x128xi32, #tpu.memory_space<vmem>>) target_semaphore(%run_scoped3A_93 : memref<!tpu.dma_semaphore, #tpu.memory_space<semaphore_mem>>)
      %dma_wait3A_97 = arith.constant 0 : i32
      %dma_wait3A_98 = tpu.memref_slice %arg5[%add3A_42, %dma_wait3A_97] : memref<1280x128xi32, #tpu.memory_space<hbm>> -> memref<40x128xi32, #tpu.memory_space<hbm>>
      %dma_wait3A_99 = arith.constant 0 : i32
      %dma_wait3A_100 = tpu.memref_slice %arg5[%add3A_42, %dma_wait3A_99] : memref<1280x128xi32, #tpu.memory_space<hbm>> -> memref<40x128xi32, #tpu.memory_space<hbm>>
      tpu.wait_dma2 semaphore(%run_scoped3A_93 : memref<!tpu.dma_semaphore, #tpu.memory_space<semaphore_mem>>) src(%dma_wait3A_100 : memref<40x128xi32, #tpu.memory_space<hbm>>) dst(%arg10 : memref<40x128xi32, #tpu.memory_space<vmem>>)
      tpu.yield
    }) : () -> ()
    %eq3A_43 = arith.constant 0 : i32
    %eq3A_44 = arith.cmpi eq, %arg0, %eq3A_43 : i32
    %convert_element_type3A_45 = arith.extui %eq3A_44 : i1 to i32
    %cond3A_46 = arith.constant 0 : i32
    %cond3A_47 = arith.cmpi ne, %convert_element_type3A_45, %cond3A_46 : i32
    scf.if %cond3A_47 {
      %dma_start3A = arith.constant 0 : i32
      %dma_start3A_93 = arith.constant 0 : i32
      %dma_start3A_94 = tpu.memref_slice %arg9[%dma_start3A, %dma_start3A_93] : memref<40x128xi32, #tpu.memory_space<vmem>> -> memref<1x128xi32, #tpu.memory_space<vmem>>
      %dma_start3A_95 = tpu.memref_squeeze %dma_start3A_94 : memref<1x128xi32, #tpu.memory_space<vmem>> -> memref<128xi32, #tpu.memory_space<vmem>>
      %dma_start3A_96 = arith.constant 0 : i32
      %dma_start3A_97 = arith.constant 0 : i32
      %dma_start3A_98 = tpu.memref_slice %arg2[%dma_start3A_96, %dma_start3A_97] : memref<10000x128xf32, #tpu.memory_space<hbm>> -> memref<10000x128xf32, #tpu.memory_space<hbm>>
      tpu.enqueue_indirect_dma source(%dma_start3A_98 : memref<10000x128xf32, #tpu.memory_space<hbm>>) target(%arg11 : memref<128x128xf32, #tpu.memory_space<vmem>>) offsets(%dma_start3A_95 : memref<128xi32, #tpu.memory_space<vmem>>) semaphore(%arg14 : memref<!tpu.dma_semaphore, #tpu.memory_space<semaphore_mem>>)
    } else {
    }
    %eq3A_48 = arith.constant 1 : i32
    %eq3A_49 = arith.cmpi eq, %arg0, %eq3A_48 : i32
    %convert_element_type3A_50 = arith.extui %eq3A_49 : i1 to i32
    %cond3A_51 = arith.constant 0 : i32
    %cond3A_52 = arith.cmpi ne, %convert_element_type3A_50, %cond3A_51 : i32
    scf.if %cond3A_52 {
      %dma_start3A = arith.constant 0 : i32
      %dma_start3A_93 = arith.constant 0 : i32
      %dma_start3A_94 = tpu.memref_slice %arg9[%dma_start3A, %dma_start3A_93] : memref<40x128xi32, #tpu.memory_space<vmem>> -> memref<1x128xi32, #tpu.memory_space<vmem>>
      %dma_start3A_95 = tpu.memref_squeeze %dma_start3A_94 : memref<1x128xi32, #tpu.memory_space<vmem>> -> memref<128xi32, #tpu.memory_space<vmem>>
      %dma_start3A_96 = arith.constant 0 : i32
      %dma_start3A_97 = arith.constant 0 : i32
      %dma_start3A_98 = tpu.memref_slice %arg3[%dma_start3A_96, %dma_start3A_97] : memref<10000x128xf32, #tpu.memory_space<hbm>> -> memref<10000x128xf32, #tpu.memory_space<hbm>>
      tpu.enqueue_indirect_dma source(%dma_start3A_98 : memref<10000x128xf32, #tpu.memory_space<hbm>>) target(%arg11 : memref<128x128xf32, #tpu.memory_space<vmem>>) offsets(%dma_start3A_95 : memref<128xi32, #tpu.memory_space<vmem>>) semaphore(%arg14 : memref<!tpu.dma_semaphore, #tpu.memory_space<semaphore_mem>>)
    } else {
    }
    %scan3A_53 = arith.constant 0 : i32
    %scan3A_54 = arith.constant 19 : i32
    %scan3A_55 = arith.addi %scan3A_53, %scan3A_54 : i32
    %scan3A_56 = arith.constant 1 : i32
    scf.for %scan3A_93 = %scan3A_53 to %scan3A_55 step %scan3A_56  : i32 {
      %mul3A_94 = arith.constant 1 : i32
      %mul3A_95 = arith.muli %scan3A_93, %mul3A_94 : i32
      %add3A_96 = arith.constant 0 : i32
      %add3A_97 = arith.addi %add3A_96, %mul3A_95 : i32
      %mul3A_98 = arith.constant 2 : i32
      %mul3A_99 = arith.muli %mul3A_98, %add3A_97 : i32
      %dma_wait3A_100 = arith.constant 0 : i32
      %dma_wait3A_101 = arith.constant 0 : i32
      %dma_wait3A_102 = tpu.memref_slice %arg2[%dma_wait3A_100, %dma_wait3A_101] : memref<10000x128xf32, #tpu.memory_space<hbm>> -> memref<128x128xf32, #tpu.memory_space<hbm>>
      %dma_wait3A_103 = arith.constant 0 : i32
      %dma_wait3A_104 = arith.constant 0 : i32
      %dma_wait3A_105 = tpu.memref_slice %arg2[%dma_wait3A_103, %dma_wait3A_104] : memref<10000x128xf32, #tpu.memory_space<hbm>> -> memref<128x128xf32, #tpu.memory_space<hbm>>
      tpu.wait_dma2 semaphore(%arg14 : memref<!tpu.dma_semaphore, #tpu.memory_space<semaphore_mem>>) src(%dma_wait3A_105 : memref<128x128xf32, #tpu.memory_space<hbm>>) dst(%arg11 : memref<128x128xf32, #tpu.memory_space<vmem>>)
      %add3A_106 = arith.constant 1 : i32
      %add3A_107 = arith.addi %mul3A_99, %add3A_106 : i32
      %eq3A_108 = arith.constant 0 : i32
      %eq3A_109 = arith.cmpi eq, %arg0, %eq3A_108 : i32
      %convert_element_type3A_110 = arith.extui %eq3A_109 : i1 to i32
      %cond3A_111 = arith.constant 0 : i32
      %cond3A_112 = arith.cmpi ne, %convert_element_type3A_110, %cond3A_111 : i32
      scf.if %cond3A_112 {
        %dma_start3A = arith.constant 0 : i32
        %dma_start3A_138 = tpu.memref_slice %arg9[%add3A_107, %dma_start3A] : memref<40x128xi32, #tpu.memory_space<vmem>> -> memref<1x128xi32, #tpu.memory_space<vmem>>
        %dma_start3A_139 = tpu.memref_squeeze %dma_start3A_138 : memref<1x128xi32, #tpu.memory_space<vmem>> -> memref<128xi32, #tpu.memory_space<vmem>>
        %dma_start3A_140 = arith.constant 0 : i32
        %dma_start3A_141 = arith.constant 0 : i32
        %dma_start3A_142 = tpu.memref_slice %arg2[%dma_start3A_140, %dma_start3A_141] : memref<10000x128xf32, #tpu.memory_space<hbm>> -> memref<10000x128xf32, #tpu.memory_space<hbm>>
        tpu.enqueue_indirect_dma source(%dma_start3A_142 : memref<10000x128xf32, #tpu.memory_space<hbm>>) target(%arg12 : memref<128x128xf32, #tpu.memory_space<vmem>>) offsets(%dma_start3A_139 : memref<128xi32, #tpu.memory_space<vmem>>) semaphore(%arg15 : memref<!tpu.dma_semaphore, #tpu.memory_space<semaphore_mem>>)
      } else {
      }
      %eq3A_113 = arith.constant 1 : i32
      %eq3A_114 = arith.cmpi eq, %arg0, %eq3A_113 : i32
      %convert_element_type3A_115 = arith.extui %eq3A_114 : i1 to i32
      %cond3A_116 = arith.constant 0 : i32
      %cond3A_117 = arith.cmpi ne, %convert_element_type3A_115, %cond3A_116 : i32
      scf.if %cond3A_117 {
        %dma_start3A = arith.constant 0 : i32
        %dma_start3A_138 = tpu.memref_slice %arg9[%add3A_107, %dma_start3A] : memref<40x128xi32, #tpu.memory_space<vmem>> -> memref<1x128xi32, #tpu.memory_space<vmem>>
        %dma_start3A_139 = tpu.memref_squeeze %dma_start3A_138 : memref<1x128xi32, #tpu.memory_space<vmem>> -> memref<128xi32, #tpu.memory_space<vmem>>
        %dma_start3A_140 = arith.constant 0 : i32
        %dma_start3A_141 = arith.constant 0 : i32
        %dma_start3A_142 = tpu.memref_slice %arg3[%dma_start3A_140, %dma_start3A_141] : memref<10000x128xf32, #tpu.memory_space<hbm>> -> memref<10000x128xf32, #tpu.memory_space<hbm>>
        tpu.enqueue_indirect_dma source(%dma_start3A_142 : memref<10000x128xf32, #tpu.memory_space<hbm>>) target(%arg12 : memref<128x128xf32, #tpu.memory_space<vmem>>) offsets(%dma_start3A_139 : memref<128xi32, #tpu.memory_space<vmem>>) semaphore(%arg15 : memref<!tpu.dma_semaphore, #tpu.memory_space<semaphore_mem>>)
      } else {
      }
      "tpu.region"() ({
        %run_scoped3A_138 = tpu.sem_alloc : memref<!tpu.dma_semaphore, #tpu.memory_space<semaphore_mem>>
        %dma_start3A = arith.constant 0 : i32
        %dma_start3A_139 = tpu.memref_slice %arg10[%mul3A_99, %dma_start3A] : memref<40x128xi32, #tpu.memory_space<vmem>> -> memref<1x128xi32, #tpu.memory_space<vmem>>
        %dma_start3A_140 = tpu.memref_squeeze %dma_start3A_139 : memref<1x128xi32, #tpu.memory_space<vmem>> -> memref<128xi32, #tpu.memory_space<vmem>>
        %dma_start3A_141 = arith.constant 0 : i32
        %dma_start3A_142 = arith.constant 0 : i32
        %dma_start3A_143 = tpu.memref_slice %arg13[%dma_start3A_141, %dma_start3A_142] : memref<10112x128xf32, #tpu.memory_space<vmem_shared>> -> memref<10112x128xf32, #tpu.memory_space<vmem_shared>>
        tpu.enqueue_indirect_dma source(%arg11 : memref<128x128xf32, #tpu.memory_space<vmem>>) target(%dma_start3A_143 : memref<10112x128xf32, #tpu.memory_space<vmem_shared>>) offsets(%dma_start3A_140 : memref<128xi32, #tpu.memory_space<vmem>>) semaphore(%run_scoped3A_138 : memref<!tpu.dma_semaphore, #tpu.memory_space<semaphore_mem>>) {add = true}
        %dma_wait3A_144 = arith.constant 0 : i32
        %dma_wait3A_145 = tpu.memref_slice %arg10[%mul3A_99, %dma_wait3A_144] : memref<40x128xi32, #tpu.memory_space<vmem>> -> memref<1x128xi32, #tpu.memory_space<vmem>>
        %dma_wait3A_146 = tpu.memref_squeeze %dma_wait3A_145 : memref<1x128xi32, #tpu.memory_space<vmem>> -> memref<128xi32, #tpu.memory_space<vmem>>
        %dma_wait3A_147 = arith.constant 0 : i32
        %dma_wait3A_148 = arith.constant 0 : i32
        %dma_wait3A_149 = tpu.memref_slice %arg13[%dma_wait3A_147, %dma_wait3A_148] : memref<10112x128xf32, #tpu.memory_space<vmem_shared>> -> memref<10112x128xf32, #tpu.memory_space<vmem_shared>>
        tpu.wait_indirect_dma semaphore(%run_scoped3A_138 : memref<!tpu.dma_semaphore, #tpu.memory_space<semaphore_mem>>) src(%arg11 : memref<128x128xf32, #tpu.memory_space<vmem>>) dst(%dma_wait3A_149 : memref<10112x128xf32, #tpu.memory_space<vmem_shared>>)
        tpu.yield
      }) : () -> ()
      %dma_wait3A_118 = arith.constant 0 : i32
      %dma_wait3A_119 = arith.constant 0 : i32
      %dma_wait3A_120 = tpu.memref_slice %arg2[%dma_wait3A_118, %dma_wait3A_119] : memref<10000x128xf32, #tpu.memory_space<hbm>> -> memref<128x128xf32, #tpu.memory_space<hbm>>
      %dma_wait3A_121 = arith.constant 0 : i32
      %dma_wait3A_122 = arith.constant 0 : i32
      %dma_wait3A_123 = tpu.memref_slice %arg2[%dma_wait3A_121, %dma_wait3A_122] : memref<10000x128xf32, #tpu.memory_space<hbm>> -> memref<128x128xf32, #tpu.memory_space<hbm>>
      tpu.wait_dma2 semaphore(%arg15 : memref<!tpu.dma_semaphore, #tpu.memory_space<semaphore_mem>>) src(%dma_wait3A_123 : memref<128x128xf32, #tpu.memory_space<hbm>>) dst(%arg12 : memref<128x128xf32, #tpu.memory_space<vmem>>)
      %add3A_124 = arith.constant 2 : i32
      %add3A_125 = arith.addi %mul3A_99, %add3A_124 : i32
      %eq3A_126 = arith.constant 0 : i32
      %eq3A_127 = arith.cmpi eq, %arg0, %eq3A_126 : i32
      %convert_element_type3A_128 = arith.extui %eq3A_127 : i1 to i32
      %cond3A_129 = arith.constant 0 : i32
      %cond3A_130 = arith.cmpi ne, %convert_element_type3A_128, %cond3A_129 : i32
      scf.if %cond3A_130 {
        %dma_start3A = arith.constant 0 : i32
        %dma_start3A_138 = tpu.memref_slice %arg9[%add3A_125, %dma_start3A] : memref<40x128xi32, #tpu.memory_space<vmem>> -> memref<1x128xi32, #tpu.memory_space<vmem>>
        %dma_start3A_139 = tpu.memref_squeeze %dma_start3A_138 : memref<1x128xi32, #tpu.memory_space<vmem>> -> memref<128xi32, #tpu.memory_space<vmem>>
        %dma_start3A_140 = arith.constant 0 : i32
        %dma_start3A_141 = arith.constant 0 : i32
        %dma_start3A_142 = tpu.memref_slice %arg2[%dma_start3A_140, %dma_start3A_141] : memref<10000x128xf32, #tpu.memory_space<hbm>> -> memref<10000x128xf32, #tpu.memory_space<hbm>>
        tpu.enqueue_indirect_dma source(%dma_start3A_142 : memref<10000x128xf32, #tpu.memory_space<hbm>>) target(%arg11 : memref<128x128xf32, #tpu.memory_space<vmem>>) offsets(%dma_start3A_139 : memref<128xi32, #tpu.memory_space<vmem>>) semaphore(%arg14 : memref<!tpu.dma_semaphore, #tpu.memory_space<semaphore_mem>>)
      } else {
      }
      %eq3A_131 = arith.constant 1 : i32
      %eq3A_132 = arith.cmpi eq, %arg0, %eq3A_131 : i32
      %convert_element_type3A_133 = arith.extui %eq3A_132 : i1 to i32
      %cond3A_134 = arith.constant 0 : i32
      %cond3A_135 = arith.cmpi ne, %convert_element_type3A_133, %cond3A_134 : i32
      scf.if %cond3A_135 {
        %dma_start3A = arith.constant 0 : i32
        %dma_start3A_138 = tpu.memref_slice %arg9[%add3A_125, %dma_start3A] : memref<40x128xi32, #tpu.memory_space<vmem>> -> memref<1x128xi32, #tpu.memory_space<vmem>>
        %dma_start3A_139 = tpu.memref_squeeze %dma_start3A_138 : memref<1x128xi32, #tpu.memory_space<vmem>> -> memref<128xi32, #tpu.memory_space<vmem>>
        %dma_start3A_140 = arith.constant 0 : i32
        %dma_start3A_141 = arith.constant 0 : i32
        %dma_start3A_142 = tpu.memref_slice %arg3[%dma_start3A_140, %dma_start3A_141] : memref<10000x128xf32, #tpu.memory_space<hbm>> -> memref<10000x128xf32, #tpu.memory_space<hbm>>
        tpu.enqueue_indirect_dma source(%dma_start3A_142 : memref<10000x128xf32, #tpu.memory_space<hbm>>) target(%arg11 : memref<128x128xf32, #tpu.memory_space<vmem>>) offsets(%dma_start3A_139 : memref<128xi32, #tpu.memory_space<vmem>>) semaphore(%arg14 : memref<!tpu.dma_semaphore, #tpu.memory_space<semaphore_mem>>)
      } else {
      }
      %add3A_136 = arith.constant 1 : i32
      %add3A_137 = arith.addi %mul3A_99, %add3A_136 : i32
      "tpu.region"() ({
        %run_scoped3A_138 = tpu.sem_alloc : memref<!tpu.dma_semaphore, #tpu.memory_space<semaphore_mem>>
        %dma_start3A = arith.constant 0 : i32
        %dma_start3A_139 = tpu.memref_slice %arg10[%add3A_137, %dma_start3A] : memref<40x128xi32, #tpu.memory_space<vmem>> -> memref<1x128xi32, #tpu.memory_space<vmem>>
        %dma_start3A_140 = tpu.memref_squeeze %dma_start3A_139 : memref<1x128xi32, #tpu.memory_space<vmem>> -> memref<128xi32, #tpu.memory_space<vmem>>
        %dma_start3A_141 = arith.constant 0 : i32
        %dma_start3A_142 = arith.constant 0 : i32
        %dma_start3A_143 = tpu.memref_slice %arg13[%dma_start3A_141, %dma_start3A_142] : memref<10112x128xf32, #tpu.memory_space<vmem_shared>> -> memref<10112x128xf32, #tpu.memory_space<vmem_shared>>
        tpu.enqueue_indirect_dma source(%arg12 : memref<128x128xf32, #tpu.memory_space<vmem>>) target(%dma_start3A_143 : memref<10112x128xf32, #tpu.memory_space<vmem_shared>>) offsets(%dma_start3A_140 : memref<128xi32, #tpu.memory_space<vmem>>) semaphore(%run_scoped3A_138 : memref<!tpu.dma_semaphore, #tpu.memory_space<semaphore_mem>>) {add = true}
        %dma_wait3A_144 = arith.constant 0 : i32
        %dma_wait3A_145 = tpu.memref_slice %arg10[%add3A_137, %dma_wait3A_144] : memref<40x128xi32, #tpu.memory_space<vmem>> -> memref<1x128xi32, #tpu.memory_space<vmem>>
        %dma_wait3A_146 = tpu.memref_squeeze %dma_wait3A_145 : memref<1x128xi32, #tpu.memory_space<vmem>> -> memref<128xi32, #tpu.memory_space<vmem>>
        %dma_wait3A_147 = arith.constant 0 : i32
        %dma_wait3A_148 = arith.constant 0 : i32
        %dma_wait3A_149 = tpu.memref_slice %arg13[%dma_wait3A_147, %dma_wait3A_148] : memref<10112x128xf32, #tpu.memory_space<vmem_shared>> -> memref<10112x128xf32, #tpu.memory_space<vmem_shared>>
        tpu.wait_indirect_dma semaphore(%run_scoped3A_138 : memref<!tpu.dma_semaphore, #tpu.memory_space<semaphore_mem>>) src(%arg12 : memref<128x128xf32, #tpu.memory_space<vmem>>) dst(%dma_wait3A_149 : memref<10112x128xf32, #tpu.memory_space<vmem_shared>>)
        tpu.yield
      }) : () -> ()
    }
    %scan3A_57 = arith.constant 19 : i32
    %dma_wait3A_58 = arith.constant 0 : i32
    %dma_wait3A_59 = arith.constant 0 : i32
    %dma_wait3A_60 = tpu.memref_slice %arg2[%dma_wait3A_58, %dma_wait3A_59] : memref<10000x128xf32, #tpu.memory_space<hbm>> -> memref<128x128xf32, #tpu.memory_space<hbm>>
    %dma_wait3A_61 = arith.constant 0 : i32
    %dma_wait3A_62 = arith.constant 0 : i32
    %dma_wait3A_63 = tpu.memref_slice %arg2[%dma_wait3A_61, %dma_wait3A_62] : memref<10000x128xf32, #tpu.memory_space<hbm>> -> memref<128x128xf32, #tpu.memory_space<hbm>>
    tpu.wait_dma2 semaphore(%arg14 : memref<!tpu.dma_semaphore, #tpu.memory_space<semaphore_mem>>) src(%dma_wait3A_63 : memref<128x128xf32, #tpu.memory_space<hbm>>) dst(%arg11 : memref<128x128xf32, #tpu.memory_space<vmem>>)
    %eq3A_64 = arith.constant 0 : i32
    %eq3A_65 = arith.cmpi eq, %arg0, %eq3A_64 : i32
    %convert_element_type3A_66 = arith.extui %eq3A_65 : i1 to i32
    %cond3A_67 = arith.constant 0 : i32
    %cond3A_68 = arith.cmpi ne, %convert_element_type3A_66, %cond3A_67 : i32
    scf.if %cond3A_68 {
      %dma_start3A = arith.constant 39 : i32
      %dma_start3A_93 = arith.constant 0 : i32
      %dma_start3A_94 = tpu.memref_slice %arg9[%dma_start3A, %dma_start3A_93] : memref<40x128xi32, #tpu.memory_space<vmem>> -> memref<1x128xi32, #tpu.memory_space<vmem>>
      %dma_start3A_95 = tpu.memref_squeeze %dma_start3A_94 : memref<1x128xi32, #tpu.memory_space<vmem>> -> memref<128xi32, #tpu.memory_space<vmem>>
      %dma_start3A_96 = arith.constant 0 : i32
      %dma_start3A_97 = arith.constant 0 : i32
      %dma_start3A_98 = tpu.memref_slice %arg2[%dma_start3A_96, %dma_start3A_97] : memref<10000x128xf32, #tpu.memory_space<hbm>> -> memref<10000x128xf32, #tpu.memory_space<hbm>>
      tpu.enqueue_indirect_dma source(%dma_start3A_98 : memref<10000x128xf32, #tpu.memory_space<hbm>>) target(%arg12 : memref<128x128xf32, #tpu.memory_space<vmem>>) offsets(%dma_start3A_95 : memref<128xi32, #tpu.memory_space<vmem>>) semaphore(%arg15 : memref<!tpu.dma_semaphore, #tpu.memory_space<semaphore_mem>>)
    } else {
    }
    %eq3A_69 = arith.constant 1 : i32
    %eq3A_70 = arith.cmpi eq, %arg0, %eq3A_69 : i32
    %convert_element_type3A_71 = arith.extui %eq3A_70 : i1 to i32
    %cond3A_72 = arith.constant 0 : i32
    %cond3A_73 = arith.cmpi ne, %convert_element_type3A_71, %cond3A_72 : i32
    scf.if %cond3A_73 {
      %dma_start3A = arith.constant 39 : i32
      %dma_start3A_93 = arith.constant 0 : i32
      %dma_start3A_94 = tpu.memref_slice %arg9[%dma_start3A, %dma_start3A_93] : memref<40x128xi32, #tpu.memory_space<vmem>> -> memref<1x128xi32, #tpu.memory_space<vmem>>
      %dma_start3A_95 = tpu.memref_squeeze %dma_start3A_94 : memref<1x128xi32, #tpu.memory_space<vmem>> -> memref<128xi32, #tpu.memory_space<vmem>>
      %dma_start3A_96 = arith.constant 0 : i32
      %dma_start3A_97 = arith.constant 0 : i32
      %dma_start3A_98 = tpu.memref_slice %arg3[%dma_start3A_96, %dma_start3A_97] : memref<10000x128xf32, #tpu.memory_space<hbm>> -> memref<10000x128xf32, #tpu.memory_space<hbm>>
      tpu.enqueue_indirect_dma source(%dma_start3A_98 : memref<10000x128xf32, #tpu.memory_space<hbm>>) target(%arg12 : memref<128x128xf32, #tpu.memory_space<vmem>>) offsets(%dma_start3A_95 : memref<128xi32, #tpu.memory_space<vmem>>) semaphore(%arg15 : memref<!tpu.dma_semaphore, #tpu.memory_space<semaphore_mem>>)
    } else {
    }
    %run_scoped3A_74 = arith.constant 38 : i32
    "tpu.region"() ({
      %run_scoped3A_93 = tpu.sem_alloc : memref<!tpu.dma_semaphore, #tpu.memory_space<semaphore_mem>>
      %dma_start3A = arith.constant 0 : i32
      %dma_start3A_94 = tpu.memref_slice %arg10[%run_scoped3A_74, %dma_start3A] : memref<40x128xi32, #tpu.memory_space<vmem>> -> memref<1x128xi32, #tpu.memory_space<vmem>>
      %dma_start3A_95 = tpu.memref_squeeze %dma_start3A_94 : memref<1x128xi32, #tpu.memory_space<vmem>> -> memref<128xi32, #tpu.memory_space<vmem>>
      %dma_start3A_96 = arith.constant 0 : i32
      %dma_start3A_97 = arith.constant 0 : i32
      %dma_start3A_98 = tpu.memref_slice %arg13[%dma_start3A_96, %dma_start3A_97] : memref<10112x128xf32, #tpu.memory_space<vmem_shared>> -> memref<10112x128xf32, #tpu.memory_space<vmem_shared>>
      tpu.enqueue_indirect_dma source(%arg11 : memref<128x128xf32, #tpu.memory_space<vmem>>) target(%dma_start3A_98 : memref<10112x128xf32, #tpu.memory_space<vmem_shared>>) offsets(%dma_start3A_95 : memref<128xi32, #tpu.memory_space<vmem>>) semaphore(%run_scoped3A_93 : memref<!tpu.dma_semaphore, #tpu.memory_space<semaphore_mem>>) {add = true}
      %dma_wait3A_99 = arith.constant 0 : i32
      %dma_wait3A_100 = tpu.memref_slice %arg10[%run_scoped3A_74, %dma_wait3A_99] : memref<40x128xi32, #tpu.memory_space<vmem>> -> memref<1x128xi32, #tpu.memory_space<vmem>>
      %dma_wait3A_101 = tpu.memref_squeeze %dma_wait3A_100 : memref<1x128xi32, #tpu.memory_space<vmem>> -> memref<128xi32, #tpu.memory_space<vmem>>
      %dma_wait3A_102 = arith.constant 0 : i32
      %dma_wait3A_103 = arith.constant 0 : i32
      %dma_wait3A_104 = tpu.memref_slice %arg13[%dma_wait3A_102, %dma_wait3A_103] : memref<10112x128xf32, #tpu.memory_space<vmem_shared>> -> memref<10112x128xf32, #tpu.memory_space<vmem_shared>>
      tpu.wait_indirect_dma semaphore(%run_scoped3A_93 : memref<!tpu.dma_semaphore, #tpu.memory_space<semaphore_mem>>) src(%arg11 : memref<128x128xf32, #tpu.memory_space<vmem>>) dst(%dma_wait3A_104 : memref<10112x128xf32, #tpu.memory_space<vmem_shared>>)
      tpu.yield
    }) : () -> ()
    %dma_wait3A_75 = arith.constant 0 : i32
    %dma_wait3A_76 = arith.constant 0 : i32
    %dma_wait3A_77 = tpu.memref_slice %arg2[%dma_wait3A_75, %dma_wait3A_76] : memref<10000x128xf32, #tpu.memory_space<hbm>> -> memref<128x128xf32, #tpu.memory_space<hbm>>
    %dma_wait3A_78 = arith.constant 0 : i32
    %dma_wait3A_79 = arith.constant 0 : i32
    %dma_wait3A_80 = tpu.memref_slice %arg2[%dma_wait3A_78, %dma_wait3A_79] : memref<10000x128xf32, #tpu.memory_space<hbm>> -> memref<128x128xf32, #tpu.memory_space<hbm>>
    tpu.wait_dma2 semaphore(%arg15 : memref<!tpu.dma_semaphore, #tpu.memory_space<semaphore_mem>>) src(%dma_wait3A_80 : memref<128x128xf32, #tpu.memory_space<hbm>>) dst(%arg12 : memref<128x128xf32, #tpu.memory_space<vmem>>)
    %run_scoped3A_81 = arith.constant 39 : i32
    "tpu.region"() ({
      %run_scoped3A_93 = tpu.sem_alloc : memref<!tpu.dma_semaphore, #tpu.memory_space<semaphore_mem>>
      %dma_start3A = arith.constant 0 : i32
      %dma_start3A_94 = tpu.memref_slice %arg10[%run_scoped3A_81, %dma_start3A] : memref<40x128xi32, #tpu.memory_space<vmem>> -> memref<1x128xi32, #tpu.memory_space<vmem>>
      %dma_start3A_95 = tpu.memref_squeeze %dma_start3A_94 : memref<1x128xi32, #tpu.memory_space<vmem>> -> memref<128xi32, #tpu.memory_space<vmem>>
      %dma_start3A_96 = arith.constant 0 : i32
      %dma_start3A_97 = arith.constant 0 : i32
      %dma_start3A_98 = tpu.memref_slice %arg13[%dma_start3A_96, %dma_start3A_97] : memref<10112x128xf32, #tpu.memory_space<vmem_shared>> -> memref<10112x128xf32, #tpu.memory_space<vmem_shared>>
      tpu.enqueue_indirect_dma source(%arg12 : memref<128x128xf32, #tpu.memory_space<vmem>>) target(%dma_start3A_98 : memref<10112x128xf32, #tpu.memory_space<vmem_shared>>) offsets(%dma_start3A_95 : memref<128xi32, #tpu.memory_space<vmem>>) semaphore(%run_scoped3A_93 : memref<!tpu.dma_semaphore, #tpu.memory_space<semaphore_mem>>) {add = true}
      %dma_wait3A_99 = arith.constant 0 : i32
      %dma_wait3A_100 = tpu.memref_slice %arg10[%run_scoped3A_81, %dma_wait3A_99] : memref<40x128xi32, #tpu.memory_space<vmem>> -> memref<1x128xi32, #tpu.memory_space<vmem>>
      %dma_wait3A_101 = tpu.memref_squeeze %dma_wait3A_100 : memref<1x128xi32, #tpu.memory_space<vmem>> -> memref<128xi32, #tpu.memory_space<vmem>>
      %dma_wait3A_102 = arith.constant 0 : i32
      %dma_wait3A_103 = arith.constant 0 : i32
      %dma_wait3A_104 = tpu.memref_slice %arg13[%dma_wait3A_102, %dma_wait3A_103] : memref<10112x128xf32, #tpu.memory_space<vmem_shared>> -> memref<10112x128xf32, #tpu.memory_space<vmem_shared>>
      tpu.wait_indirect_dma semaphore(%run_scoped3A_93 : memref<!tpu.dma_semaphore, #tpu.memory_space<semaphore_mem>>) src(%arg12 : memref<128x128xf32, #tpu.memory_space<vmem>>) dst(%dma_wait3A_104 : memref<10112x128xf32, #tpu.memory_space<vmem_shared>>)
      tpu.yield
    }) : () -> ()
    %barrier3A_82 = arith.constant 0 : index
    tpu.barrier barrier_id(%barrier3A_82)
    %eq3A_83 = arith.constant 0 : i32
    %eq3A_84 = arith.cmpi eq, %arg0, %eq3A_83 : i32
    %convert_element_type3A_85 = arith.extui %eq3A_84 : i1 to i32
    %cond3A_86 = arith.constant 0 : i32
    %cond3A_87 = arith.cmpi ne, %convert_element_type3A_85, %cond3A_86 : i32
    scf.if %cond3A_87 {
      %mul3A_93 = arith.constant 624 : i32
      %mul3A_94 = arith.muli %arg1, %mul3A_93 : i32
      %mul3A_95 = arith.constant 624 : i32
      %mul3A_96 = arith.muli %arg1, %mul3A_95 : i32
      "tpu.region"() ({
        %run_scoped3A_102 = tpu.sem_alloc : memref<!tpu.dma_semaphore, #tpu.memory_space<semaphore_mem>>
        %dma_start3A = arith.constant 0 : i32
        %dma_start3A_103 = tpu.memref_slice %arg7[%mul3A_96, %dma_start3A] : memref<10000x128xf32, #tpu.memory_space<hbm>> -> memref<624x128xf32, #tpu.memory_space<hbm>>
        %dma_start3A_104 = arith.constant 0 : i32
        %dma_start3A_105 = tpu.memref_slice %arg13[%mul3A_94, %dma_start3A_104] : memref<10112x128xf32, #tpu.memory_space<vmem_shared>> -> memref<624x128xf32, #tpu.memory_space<vmem_shared>>
        tpu.enqueue_dma source(%dma_start3A_105 : memref<624x128xf32, #tpu.memory_space<vmem_shared>>) target(%dma_start3A_103 : memref<624x128xf32, #tpu.memory_space<hbm>>) target_semaphore(%run_scoped3A_102 : memref<!tpu.dma_semaphore, #tpu.memory_space<semaphore_mem>>)
        %dma_wait3A_106 = arith.constant 0 : i32
        %dma_wait3A_107 = tpu.memref_slice %arg7[%mul3A_96, %dma_wait3A_106] : memref<10000x128xf32, #tpu.memory_space<hbm>> -> memref<624x128xf32, #tpu.memory_space<hbm>>
        %dma_wait3A_108 = arith.constant 0 : i32
        %dma_wait3A_109 = tpu.memref_slice %arg13[%mul3A_94, %dma_wait3A_108] : memref<10112x128xf32, #tpu.memory_space<vmem_shared>> -> memref<624x128xf32, #tpu.memory_space<vmem_shared>>
        tpu.wait_dma2 semaphore(%run_scoped3A_102 : memref<!tpu.dma_semaphore, #tpu.memory_space<semaphore_mem>>) src(%dma_wait3A_109 : memref<624x128xf32, #tpu.memory_space<vmem_shared>>) dst(%dma_wait3A_107 : memref<624x128xf32, #tpu.memory_space<hbm>>)
        tpu.yield
      }) : () -> ()
      %eq3A_97 = arith.constant 0 : i32
      %eq3A_98 = arith.cmpi eq, %arg1, %eq3A_97 : i32
      %convert_element_type3A_99 = arith.extui %eq3A_98 : i1 to i32
      %cond3A_100 = arith.constant 0 : i32
      %cond3A_101 = arith.cmpi ne, %convert_element_type3A_99, %cond3A_100 : i32
      scf.if %cond3A_101 {
        "tpu.region"() ({
          %run_scoped3A_102 = tpu.sem_alloc : memref<!tpu.dma_semaphore, #tpu.memory_space<semaphore_mem>>
          %dma_start3A = arith.constant 9984 : i32
          %dma_start3A_103 = arith.constant 0 : i32
          %dma_start3A_104 = tpu.memref_slice %arg7[%dma_start3A, %dma_start3A_103] : memref<10000x128xf32, #tpu.memory_space<hbm>> -> memref<16x128xf32, #tpu.memory_space<hbm>>
          %dma_start3A_105 = arith.constant 9984 : i32
          %dma_start3A_106 = arith.constant 0 : i32
          %dma_start3A_107 = tpu.memref_slice %arg13[%dma_start3A_105, %dma_start3A_106] : memref<10112x128xf32, #tpu.memory_space<vmem_shared>> -> memref<16x128xf32, #tpu.memory_space<vmem_shared>>
          tpu.enqueue_dma source(%dma_start3A_107 : memref<16x128xf32, #tpu.memory_space<vmem_shared>>) target(%dma_start3A_104 : memref<16x128xf32, #tpu.memory_space<hbm>>) target_semaphore(%run_scoped3A_102 : memref<!tpu.dma_semaphore, #tpu.memory_space<semaphore_mem>>)
          %dma_wait3A_108 = arith.constant 9984 : i32
          %dma_wait3A_109 = arith.constant 0 : i32
          %dma_wait3A_110 = tpu.memref_slice %arg7[%dma_wait3A_108, %dma_wait3A_109] : memref<10000x128xf32, #tpu.memory_space<hbm>> -> memref<16x128xf32, #tpu.memory_space<hbm>>
          %dma_wait3A_111 = arith.constant 9984 : i32
          %dma_wait3A_112 = arith.constant 0 : i32
          %dma_wait3A_113 = tpu.memref_slice %arg13[%dma_wait3A_111, %dma_wait3A_112] : memref<10112x128xf32, #tpu.memory_space<vmem_shared>> -> memref<16x128xf32, #tpu.memory_space<vmem_shared>>
          tpu.wait_dma2 semaphore(%run_scoped3A_102 : memref<!tpu.dma_semaphore, #tpu.memory_space<semaphore_mem>>) src(%dma_wait3A_113 : memref<16x128xf32, #tpu.memory_space<vmem_shared>>) dst(%dma_wait3A_110 : memref<16x128xf32, #tpu.memory_space<hbm>>)
          tpu.yield
        }) : () -> ()
      } else {
      }
    } else {
    }
    %eq3A_88 = arith.constant 1 : i32
    %eq3A_89 = arith.cmpi eq, %arg0, %eq3A_88 : i32
    %convert_element_type3A_90 = arith.extui %eq3A_89 : i1 to i32
    %cond3A_91 = arith.constant 0 : i32
    %cond3A_92 = arith.cmpi ne, %convert_element_type3A_90, %cond3A_91 : i32
    scf.if %cond3A_92 {
      %mul3A_93 = arith.constant 624 : i32
      %mul3A_94 = arith.muli %arg1, %mul3A_93 : i32
      %mul3A_95 = arith.constant 624 : i32
      %mul3A_96 = arith.muli %arg1, %mul3A_95 : i32
      "tpu.region"() ({
        %run_scoped3A_102 = tpu.sem_alloc : memref<!tpu.dma_semaphore, #tpu.memory_space<semaphore_mem>>
        %dma_start3A = arith.constant 0 : i32
        %dma_start3A_103 = tpu.memref_slice %arg8[%mul3A_96, %dma_start3A] : memref<10000x128xf32, #tpu.memory_space<hbm>> -> memref<624x128xf32, #tpu.memory_space<hbm>>
        %dma_start3A_104 = arith.constant 0 : i32
        %dma_start3A_105 = tpu.memref_slice %arg13[%mul3A_94, %dma_start3A_104] : memref<10112x128xf32, #tpu.memory_space<vmem_shared>> -> memref<624x128xf32, #tpu.memory_space<vmem_shared>>
        tpu.enqueue_dma source(%dma_start3A_105 : memref<624x128xf32, #tpu.memory_space<vmem_shared>>) target(%dma_start3A_103 : memref<624x128xf32, #tpu.memory_space<hbm>>) target_semaphore(%run_scoped3A_102 : memref<!tpu.dma_semaphore, #tpu.memory_space<semaphore_mem>>)
        %dma_wait3A_106 = arith.constant 0 : i32
        %dma_wait3A_107 = tpu.memref_slice %arg8[%mul3A_96, %dma_wait3A_106] : memref<10000x128xf32, #tpu.memory_space<hbm>> -> memref<624x128xf32, #tpu.memory_space<hbm>>
        %dma_wait3A_108 = arith.constant 0 : i32
        %dma_wait3A_109 = tpu.memref_slice %arg13[%mul3A_94, %dma_wait3A_108] : memref<10112x128xf32, #tpu.memory_space<vmem_shared>> -> memref<624x128xf32, #tpu.memory_space<vmem_shared>>
        tpu.wait_dma2 semaphore(%run_scoped3A_102 : memref<!tpu.dma_semaphore, #tpu.memory_space<semaphore_mem>>) src(%dma_wait3A_109 : memref<624x128xf32, #tpu.memory_space<vmem_shared>>) dst(%dma_wait3A_107 : memref<624x128xf32, #tpu.memory_space<hbm>>)
        tpu.yield
      }) : () -> ()
      %eq3A_97 = arith.constant 0 : i32
      %eq3A_98 = arith.cmpi eq, %arg1, %eq3A_97 : i32
      %convert_element_type3A_99 = arith.extui %eq3A_98 : i1 to i32
      %cond3A_100 = arith.constant 0 : i32
      %cond3A_101 = arith.cmpi ne, %convert_element_type3A_99, %cond3A_100 : i32
      scf.if %cond3A_101 {
        "tpu.region"() ({
          %run_scoped3A_102 = tpu.sem_alloc : memref<!tpu.dma_semaphore, #tpu.memory_space<semaphore_mem>>
          %dma_start3A = arith.constant 9984 : i32
          %dma_start3A_103 = arith.constant 0 : i32
          %dma_start3A_104 = tpu.memref_slice %arg8[%dma_start3A, %dma_start3A_103] : memref<10000x128xf32, #tpu.memory_space<hbm>> -> memref<16x128xf32, #tpu.memory_space<hbm>>
          %dma_start3A_105 = arith.constant 9984 : i32
          %dma_start3A_106 = arith.constant 0 : i32
          %dma_start3A_107 = tpu.memref_slice %arg13[%dma_start3A_105, %dma_start3A_106] : memref<10112x128xf32, #tpu.memory_space<vmem_shared>> -> memref<16x128xf32, #tpu.memory_space<vmem_shared>>
          tpu.enqueue_dma source(%dma_start3A_107 : memref<16x128xf32, #tpu.memory_space<vmem_shared>>) target(%dma_start3A_104 : memref<16x128xf32, #tpu.memory_space<hbm>>) target_semaphore(%run_scoped3A_102 : memref<!tpu.dma_semaphore, #tpu.memory_space<semaphore_mem>>)
          %dma_wait3A_108 = arith.constant 9984 : i32
          %dma_wait3A_109 = arith.constant 0 : i32
          %dma_wait3A_110 = tpu.memref_slice %arg8[%dma_wait3A_108, %dma_wait3A_109] : memref<10000x128xf32, #tpu.memory_space<hbm>> -> memref<16x128xf32, #tpu.memory_space<hbm>>
          %dma_wait3A_111 = arith.constant 9984 : i32
          %dma_wait3A_112 = arith.constant 0 : i32
          %dma_wait3A_113 = tpu.memref_slice %arg13[%dma_wait3A_111, %dma_wait3A_112] : memref<10112x128xf32, #tpu.memory_space<vmem_shared>> -> memref<16x128xf32, #tpu.memory_space<vmem_shared>>
          tpu.wait_dma2 semaphore(%run_scoped3A_102 : memref<!tpu.dma_semaphore, #tpu.memory_space<semaphore_mem>>) src(%dma_wait3A_113 : memref<16x128xf32, #tpu.memory_space<vmem_shared>>) dst(%dma_wait3A_110 : memref<16x128xf32, #tpu.memory_space<hbm>>)
          tpu.yield
        }) : () -> ()
      } else {
      }
    } else {
    }
    return
  }
}

#map = affine_map<(d0, d1) -> (0, 0)>
module attributes {stable_mosaic.version = 14 : i64} {
  func.func @k(%arg0: i32, %arg1: i32, %arg2: memref<10000x128xf32, #tpu.memory_space<hbm>>, %arg3: memref<10000x128xf32, #tpu.memory_space<hbm>>, %arg4: memref<1280x128xi32, #tpu.memory_space<hbm>>, %arg5: memref<1280x128xi32, #tpu.memory_space<hbm>>, %arg6: memref<632x128xf32, #tpu.memory_space<hbm>>, %arg7: memref<10000x128xf32, #tpu.memory_space<hbm>>, %arg8: memref<10000x128xf32, #tpu.memory_space<hbm>>, %arg9: memref<40x128xi32, #tpu.memory_space<vmem>>, %arg10: memref<40x128xi32, #tpu.memory_space<vmem>>, %arg11: memref<128x128xf32, #tpu.memory_space<vmem>>, %arg12: memref<128x128xf32, #tpu.memory_space<vmem>>, %arg13: memref<10112x128xf32, #tpu.memory_space<vmem_shared>>, %arg14: memref<!tpu.dma_semaphore, #tpu.memory_space<semaphore_mem>>, %arg15: memref<!tpu.dma_semaphore, #tpu.memory_space<semaphore_mem>>) attributes {dimension_semantics = [#tpu.dimension_semantics<core_parallel>, #tpu.dimension_semantics<subcore_parallel>], iteration_bounds = array<i64: 2, 16>, scalar_prefetch = 0 : i64, scratch_operands = 7 : i64, tpu.core_type = #tpu.core_type<sc_vector_subcore>, window_params = [{transform_indices = #map}, {transform_indices = #map}, {transform_indices = #map}, {transform_indices = #map}, {transform_indices = #map}, {transform_indices = #map}, {transform_indices = #map}]} {
    %mul3A = arith.constant 80 : i32
    %mul3A_0 = arith.muli %arg1, %mul3A : i32
    %mul3A_1 = arith.constant 632 : i32
    %mul3A_2 = arith.muli %arg1, %mul3A_1 : i32
    "tpu.region"() ({
      %run_scoped3A_93 = tpu.sem_alloc : memref<!tpu.dma_semaphore, #tpu.memory_space<semaphore_mem>>
      %dma_start3A = arith.constant 0 : i32
      %dma_start3A_94 = tpu.memref_slice %arg13[%mul3A_2, %dma_start3A] : memref<10112x128xf32, #tpu.memory_space<vmem_shared>> -> memref<632x128xf32, #tpu.memory_space<vmem_shared>>
      tpu.enqueue_dma source(%arg6 : memref<632x128xf32, #tpu.memory_space<hbm>>) target(%dma_start3A_94 : memref<632x128xf32, #tpu.memory_space<vmem_shared>>) target_semaphore(%run_scoped3A_93 : memref<!tpu.dma_semaphore, #tpu.memory_space<semaphore_mem>>)
      %dma_wait3A_95 = arith.constant 0 : i32
      %dma_wait3A_96 = tpu.memref_slice %arg13[%mul3A_2, %dma_wait3A_95] : memref<10112x128xf32, #tpu.memory_space<vmem_shared>> -> memref<632x128xf32, #tpu.memory_space<vmem_shared>>
      tpu.wait_dma2 semaphore(%run_scoped3A_93 : memref<!tpu.dma_semaphore, #tpu.memory_space<semaphore_mem>>) src(%arg6 : memref<632x128xf32, #tpu.memory_space<hbm>>) dst(%dma_wait3A_96 : memref<632x128xf32, #tpu.memory_space<vmem_shared>>)
      tpu.yield
    }) : () -> ()
    %barrier3A = arith.constant 0 : index
    tpu.barrier barrier_id(%barrier3A)
    %add3A = arith.constant 0 : i32
    %add3A_3 = arith.addi %mul3A_0, %add3A : i32
    "tpu.region"() ({
      %run_scoped3A_93 = tpu.sem_alloc : memref<!tpu.dma_semaphore, #tpu.memory_space<semaphore_mem>>
      %dma_start3A = arith.constant 0 : i32
      %dma_start3A_94 = tpu.memref_slice %arg4[%add3A_3, %dma_start3A] : memref<1280x128xi32, #tpu.memory_space<hbm>> -> memref<40x128xi32, #tpu.memory_space<hbm>>
      %dma_start3A_95 = arith.constant 0 : i32
      %dma_start3A_96 = tpu.memref_slice %arg4[%add3A_3, %dma_start3A_95] : memref<1280x128xi32, #tpu.memory_space<hbm>> -> memref<40x128xi32, #tpu.memory_space<hbm>>
      tpu.enqueue_dma source(%dma_start3A_96 : memref<40x128xi32, #tpu.memory_space<hbm>>) target(%arg9 : memref<40x128xi32, #tpu.memory_space<vmem>>) target_semaphore(%run_scoped3A_93 : memref<!tpu.dma_semaphore, #tpu.memory_space<semaphore_mem>>)
      %dma_wait3A_97 = arith.constant 0 : i32
      %dma_wait3A_98 = tpu.memref_slice %arg4[%add3A_3, %dma_wait3A_97] : memref<1280x128xi32, #tpu.memory_space<hbm>> -> memref<40x128xi32, #tpu.memory_space<hbm>>
      %dma_wait3A_99 = arith.constant 0 : i32
      %dma_wait3A_100 = tpu.memref_slice %arg4[%add3A_3, %dma_wait3A_99] : memref<1280x128xi32, #tpu.memory_space<hbm>> -> memref<40x128xi32, #tpu.memory_space<hbm>>
      tpu.wait_dma2 semaphore(%run_scoped3A_93 : memref<!tpu.dma_semaphore, #tpu.memory_space<semaphore_mem>>) src(%dma_wait3A_100 : memref<40x128xi32, #tpu.memory_space<hbm>>) dst(%arg9 : memref<40x128xi32, #tpu.memory_space<vmem>>)
      tpu.yield
    }) : () -> ()
    %add3A_4 = arith.constant 0 : i32
    %add3A_5 = arith.addi %mul3A_0, %add3A_4 : i32
    "tpu.region"() ({
      %run_scoped3A_93 = tpu.sem_alloc : memref<!tpu.dma_semaphore, #tpu.memory_space<semaphore_mem>>
      %dma_start3A = arith.constant 0 : i32
      %dma_start3A_94 = tpu.memref_slice %arg5[%add3A_5, %dma_start3A] : memref<1280x128xi32, #tpu.memory_space<hbm>> -> memref<40x128xi32, #tpu.memory_space<hbm>>
      %dma_start3A_95 = arith.constant 0 : i32
      %dma_start3A_96 = tpu.memref_slice %arg5[%add3A_5, %dma_start3A_95] : memref<1280x128xi32, #tpu.memory_space<hbm>> -> memref<40x128xi32, #tpu.memory_space<hbm>>
      tpu.enqueue_dma source(%dma_start3A_96 : memref<40x128xi32, #tpu.memory_space<hbm>>) target(%arg10 : memref<40x128xi32, #tpu.memory_space<vmem>>) target_semaphore(%run_scoped3A_93 : memref<!tpu.dma_semaphore, #tpu.memory_space<semaphore_mem>>)
      %dma_wait3A_97 = arith.constant 0 : i32
      %dma_wait3A_98 = tpu.memref_slice %arg5[%add3A_5, %dma_wait3A_97] : memref<1280x128xi32, #tpu.memory_space<hbm>> -> memref<40x128xi32, #tpu.memory_space<hbm>>
      %dma_wait3A_99 = arith.constant 0 : i32
      %dma_wait3A_100 = tpu.memref_slice %arg5[%add3A_5, %dma_wait3A_99] : memref<1280x128xi32, #tpu.memory_space<hbm>> -> memref<40x128xi32, #tpu.memory_space<hbm>>
      tpu.wait_dma2 semaphore(%run_scoped3A_93 : memref<!tpu.dma_semaphore, #tpu.memory_space<semaphore_mem>>) src(%dma_wait3A_100 : memref<40x128xi32, #tpu.memory_space<hbm>>) dst(%arg10 : memref<40x128xi32, #tpu.memory_space<vmem>>)
      tpu.yield
    }) : () -> ()
    %eq3A = arith.constant 0 : i32
    %eq3A_6 = arith.cmpi eq, %arg0, %eq3A : i32
    %convert_element_type3A = arith.extui %eq3A_6 : i1 to i32
    %cond3A = arith.constant 0 : i32
    %cond3A_7 = arith.cmpi ne, %convert_element_type3A, %cond3A : i32
    scf.if %cond3A_7 {
      %dma_start3A = arith.constant 0 : i32
      %dma_start3A_93 = arith.constant 0 : i32
      %dma_start3A_94 = tpu.memref_slice %arg9[%dma_start3A, %dma_start3A_93] : memref<40x128xi32, #tpu.memory_space<vmem>> -> memref<1x128xi32, #tpu.memory_space<vmem>>
      %dma_start3A_95 = tpu.memref_squeeze %dma_start3A_94 : memref<1x128xi32, #tpu.memory_space<vmem>> -> memref<128xi32, #tpu.memory_space<vmem>>
      %dma_start3A_96 = arith.constant 0 : i32
      %dma_start3A_97 = arith.constant 0 : i32
      %dma_start3A_98 = tpu.memref_slice %arg2[%dma_start3A_96, %dma_start3A_97] : memref<10000x128xf32, #tpu.memory_space<hbm>> -> memref<10000x128xf32, #tpu.memory_space<hbm>>
      tpu.enqueue_indirect_dma source(%dma_start3A_98 : memref<10000x128xf32, #tpu.memory_space<hbm>>) target(%arg11 : memref<128x128xf32, #tpu.memory_space<vmem>>) offsets(%dma_start3A_95 : memref<128xi32, #tpu.memory_space<vmem>>) semaphore(%arg14 : memref<!tpu.dma_semaphore, #tpu.memory_space<semaphore_mem>>)
    } else {
    }
    %eq3A_8 = arith.constant 1 : i32
    %eq3A_9 = arith.cmpi eq, %arg0, %eq3A_8 : i32
    %convert_element_type3A_10 = arith.extui %eq3A_9 : i1 to i32
    %cond3A_11 = arith.constant 0 : i32
    %cond3A_12 = arith.cmpi ne, %convert_element_type3A_10, %cond3A_11 : i32
    scf.if %cond3A_12 {
      %dma_start3A = arith.constant 0 : i32
      %dma_start3A_93 = arith.constant 0 : i32
      %dma_start3A_94 = tpu.memref_slice %arg9[%dma_start3A, %dma_start3A_93] : memref<40x128xi32, #tpu.memory_space<vmem>> -> memref<1x128xi32, #tpu.memory_space<vmem>>
      %dma_start3A_95 = tpu.memref_squeeze %dma_start3A_94 : memref<1x128xi32, #tpu.memory_space<vmem>> -> memref<128xi32, #tpu.memory_space<vmem>>
      %dma_start3A_96 = arith.constant 0 : i32
      %dma_start3A_97 = arith.constant 0 : i32
      %dma_start3A_98 = tpu.memref_slice %arg3[%dma_start3A_96, %dma_start3A_97] : memref<10000x128xf32, #tpu.memory_space<hbm>> -> memref<10000x128xf32, #tpu.memory_space<hbm>>
      tpu.enqueue_indirect_dma source(%dma_start3A_98 : memref<10000x128xf32, #tpu.memory_space<hbm>>) target(%arg11 : memref<128x128xf32, #tpu.memory_space<vmem>>) offsets(%dma_start3A_95 : memref<128xi32, #tpu.memory_space<vmem>>) semaphore(%arg14 : memref<!tpu.dma_semaphore, #tpu.memory_space<semaphore_mem>>)
    } else {
    }
    %scan3A = arith.constant 0 : i32
    %scan3A_13 = arith.constant 19 : i32
    %scan3A_14 = arith.addi %scan3A, %scan3A_13 : i32
    %scan3A_15 = arith.constant 1 : i32
    scf.for %scan3A_93 = %scan3A to %scan3A_14 step %scan3A_15  : i32 {
      %mul3A_94 = arith.constant 1 : i32
      %mul3A_95 = arith.muli %scan3A_93, %mul3A_94 : i32
      %add3A_96 = arith.constant 0 : i32
      %add3A_97 = arith.addi %add3A_96, %mul3A_95 : i32
      %mul3A_98 = arith.constant 2 : i32
      %mul3A_99 = arith.muli %mul3A_98, %add3A_97 : i32
      %dma_wait3A_100 = arith.constant 0 : i32
      %dma_wait3A_101 = arith.constant 0 : i32
      %dma_wait3A_102 = tpu.memref_slice %arg2[%dma_wait3A_100, %dma_wait3A_101] : memref<10000x128xf32, #tpu.memory_space<hbm>> -> memref<128x128xf32, #tpu.memory_space<hbm>>
      %dma_wait3A_103 = arith.constant 0 : i32
      %dma_wait3A_104 = arith.constant 0 : i32
      %dma_wait3A_105 = tpu.memref_slice %arg2[%dma_wait3A_103, %dma_wait3A_104] : memref<10000x128xf32, #tpu.memory_space<hbm>> -> memref<128x128xf32, #tpu.memory_space<hbm>>
      tpu.wait_dma2 semaphore(%arg14 : memref<!tpu.dma_semaphore, #tpu.memory_space<semaphore_mem>>) src(%dma_wait3A_105 : memref<128x128xf32, #tpu.memory_space<hbm>>) dst(%arg11 : memref<128x128xf32, #tpu.memory_space<vmem>>)
      %add3A_106 = arith.constant 1 : i32
      %add3A_107 = arith.addi %mul3A_99, %add3A_106 : i32
      %eq3A_108 = arith.constant 0 : i32
      %eq3A_109 = arith.cmpi eq, %arg0, %eq3A_108 : i32
      %convert_element_type3A_110 = arith.extui %eq3A_109 : i1 to i32
      %cond3A_111 = arith.constant 0 : i32
      %cond3A_112 = arith.cmpi ne, %convert_element_type3A_110, %cond3A_111 : i32
      scf.if %cond3A_112 {
        %dma_start3A = arith.constant 0 : i32
        %dma_start3A_138 = tpu.memref_slice %arg9[%add3A_107, %dma_start3A] : memref<40x128xi32, #tpu.memory_space<vmem>> -> memref<1x128xi32, #tpu.memory_space<vmem>>
        %dma_start3A_139 = tpu.memref_squeeze %dma_start3A_138 : memref<1x128xi32, #tpu.memory_space<vmem>> -> memref<128xi32, #tpu.memory_space<vmem>>
        %dma_start3A_140 = arith.constant 0 : i32
        %dma_start3A_141 = arith.constant 0 : i32
        %dma_start3A_142 = tpu.memref_slice %arg2[%dma_start3A_140, %dma_start3A_141] : memref<10000x128xf32, #tpu.memory_space<hbm>> -> memref<10000x128xf32, #tpu.memory_space<hbm>>
        tpu.enqueue_indirect_dma source(%dma_start3A_142 : memref<10000x128xf32, #tpu.memory_space<hbm>>) target(%arg12 : memref<128x128xf32, #tpu.memory_space<vmem>>) offsets(%dma_start3A_139 : memref<128xi32, #tpu.memory_space<vmem>>) semaphore(%arg15 : memref<!tpu.dma_semaphore, #tpu.memory_space<semaphore_mem>>)
      } else {
      }
      %eq3A_113 = arith.constant 1 : i32
      %eq3A_114 = arith.cmpi eq, %arg0, %eq3A_113 : i32
      %convert_element_type3A_115 = arith.extui %eq3A_114 : i1 to i32
      %cond3A_116 = arith.constant 0 : i32
      %cond3A_117 = arith.cmpi ne, %convert_element_type3A_115, %cond3A_116 : i32
      scf.if %cond3A_117 {
        %dma_start3A = arith.constant 0 : i32
        %dma_start3A_138 = tpu.memref_slice %arg9[%add3A_107, %dma_start3A] : memref<40x128xi32, #tpu.memory_space<vmem>> -> memref<1x128xi32, #tpu.memory_space<vmem>>
        %dma_start3A_139 = tpu.memref_squeeze %dma_start3A_138 : memref<1x128xi32, #tpu.memory_space<vmem>> -> memref<128xi32, #tpu.memory_space<vmem>>
        %dma_start3A_140 = arith.constant 0 : i32
        %dma_start3A_141 = arith.constant 0 : i32
        %dma_start3A_142 = tpu.memref_slice %arg3[%dma_start3A_140, %dma_start3A_141] : memref<10000x128xf32, #tpu.memory_space<hbm>> -> memref<10000x128xf32, #tpu.memory_space<hbm>>
        tpu.enqueue_indirect_dma source(%dma_start3A_142 : memref<10000x128xf32, #tpu.memory_space<hbm>>) target(%arg12 : memref<128x128xf32, #tpu.memory_space<vmem>>) offsets(%dma_start3A_139 : memref<128xi32, #tpu.memory_space<vmem>>) semaphore(%arg15 : memref<!tpu.dma_semaphore, #tpu.memory_space<semaphore_mem>>)
      } else {
      }
      "tpu.region"() ({
        %run_scoped3A_138 = tpu.sem_alloc : memref<!tpu.dma_semaphore, #tpu.memory_space<semaphore_mem>>
        %dma_start3A = arith.constant 0 : i32
        %dma_start3A_139 = tpu.memref_slice %arg10[%mul3A_99, %dma_start3A] : memref<40x128xi32, #tpu.memory_space<vmem>> -> memref<1x128xi32, #tpu.memory_space<vmem>>
        %dma_start3A_140 = tpu.memref_squeeze %dma_start3A_139 : memref<1x128xi32, #tpu.memory_space<vmem>> -> memref<128xi32, #tpu.memory_space<vmem>>
        %dma_start3A_141 = arith.constant 0 : i32
        %dma_start3A_142 = arith.constant 0 : i32
        %dma_start3A_143 = tpu.memref_slice %arg13[%dma_start3A_141, %dma_start3A_142] : memref<10112x128xf32, #tpu.memory_space<vmem_shared>> -> memref<10112x128xf32, #tpu.memory_space<vmem_shared>>
        tpu.enqueue_indirect_dma source(%arg11 : memref<128x128xf32, #tpu.memory_space<vmem>>) target(%dma_start3A_143 : memref<10112x128xf32, #tpu.memory_space<vmem_shared>>) offsets(%dma_start3A_140 : memref<128xi32, #tpu.memory_space<vmem>>) semaphore(%run_scoped3A_138 : memref<!tpu.dma_semaphore, #tpu.memory_space<semaphore_mem>>) {add = true}
        %dma_wait3A_144 = arith.constant 0 : i32
        %dma_wait3A_145 = tpu.memref_slice %arg10[%mul3A_99, %dma_wait3A_144] : memref<40x128xi32, #tpu.memory_space<vmem>> -> memref<1x128xi32, #tpu.memory_space<vmem>>
        %dma_wait3A_146 = tpu.memref_squeeze %dma_wait3A_145 : memref<1x128xi32, #tpu.memory_space<vmem>> -> memref<128xi32, #tpu.memory_space<vmem>>
        %dma_wait3A_147 = arith.constant 0 : i32
        %dma_wait3A_148 = arith.constant 0 : i32
        %dma_wait3A_149 = tpu.memref_slice %arg13[%dma_wait3A_147, %dma_wait3A_148] : memref<10112x128xf32, #tpu.memory_space<vmem_shared>> -> memref<10112x128xf32, #tpu.memory_space<vmem_shared>>
        tpu.wait_indirect_dma semaphore(%run_scoped3A_138 : memref<!tpu.dma_semaphore, #tpu.memory_space<semaphore_mem>>) src(%arg11 : memref<128x128xf32, #tpu.memory_space<vmem>>) dst(%dma_wait3A_149 : memref<10112x128xf32, #tpu.memory_space<vmem_shared>>)
        tpu.yield
      }) : () -> ()
      %dma_wait3A_118 = arith.constant 0 : i32
      %dma_wait3A_119 = arith.constant 0 : i32
      %dma_wait3A_120 = tpu.memref_slice %arg2[%dma_wait3A_118, %dma_wait3A_119] : memref<10000x128xf32, #tpu.memory_space<hbm>> -> memref<128x128xf32, #tpu.memory_space<hbm>>
      %dma_wait3A_121 = arith.constant 0 : i32
      %dma_wait3A_122 = arith.constant 0 : i32
      %dma_wait3A_123 = tpu.memref_slice %arg2[%dma_wait3A_121, %dma_wait3A_122] : memref<10000x128xf32, #tpu.memory_space<hbm>> -> memref<128x128xf32, #tpu.memory_space<hbm>>
      tpu.wait_dma2 semaphore(%arg15 : memref<!tpu.dma_semaphore, #tpu.memory_space<semaphore_mem>>) src(%dma_wait3A_123 : memref<128x128xf32, #tpu.memory_space<hbm>>) dst(%arg12 : memref<128x128xf32, #tpu.memory_space<vmem>>)
      %add3A_124 = arith.constant 2 : i32
      %add3A_125 = arith.addi %mul3A_99, %add3A_124 : i32
      %eq3A_126 = arith.constant 0 : i32
      %eq3A_127 = arith.cmpi eq, %arg0, %eq3A_126 : i32
      %convert_element_type3A_128 = arith.extui %eq3A_127 : i1 to i32
      %cond3A_129 = arith.constant 0 : i32
      %cond3A_130 = arith.cmpi ne, %convert_element_type3A_128, %cond3A_129 : i32
      scf.if %cond3A_130 {
        %dma_start3A = arith.constant 0 : i32
        %dma_start3A_138 = tpu.memref_slice %arg9[%add3A_125, %dma_start3A] : memref<40x128xi32, #tpu.memory_space<vmem>> -> memref<1x128xi32, #tpu.memory_space<vmem>>
        %dma_start3A_139 = tpu.memref_squeeze %dma_start3A_138 : memref<1x128xi32, #tpu.memory_space<vmem>> -> memref<128xi32, #tpu.memory_space<vmem>>
        %dma_start3A_140 = arith.constant 0 : i32
        %dma_start3A_141 = arith.constant 0 : i32
        %dma_start3A_142 = tpu.memref_slice %arg2[%dma_start3A_140, %dma_start3A_141] : memref<10000x128xf32, #tpu.memory_space<hbm>> -> memref<10000x128xf32, #tpu.memory_space<hbm>>
        tpu.enqueue_indirect_dma source(%dma_start3A_142 : memref<10000x128xf32, #tpu.memory_space<hbm>>) target(%arg11 : memref<128x128xf32, #tpu.memory_space<vmem>>) offsets(%dma_start3A_139 : memref<128xi32, #tpu.memory_space<vmem>>) semaphore(%arg14 : memref<!tpu.dma_semaphore, #tpu.memory_space<semaphore_mem>>)
      } else {
      }
      %eq3A_131 = arith.constant 1 : i32
      %eq3A_132 = arith.cmpi eq, %arg0, %eq3A_131 : i32
      %convert_element_type3A_133 = arith.extui %eq3A_132 : i1 to i32
      %cond3A_134 = arith.constant 0 : i32
      %cond3A_135 = arith.cmpi ne, %convert_element_type3A_133, %cond3A_134 : i32
      scf.if %cond3A_135 {
        %dma_start3A = arith.constant 0 : i32
        %dma_start3A_138 = tpu.memref_slice %arg9[%add3A_125, %dma_start3A] : memref<40x128xi32, #tpu.memory_space<vmem>> -> memref<1x128xi32, #tpu.memory_space<vmem>>
        %dma_start3A_139 = tpu.memref_squeeze %dma_start3A_138 : memref<1x128xi32, #tpu.memory_space<vmem>> -> memref<128xi32, #tpu.memory_space<vmem>>
        %dma_start3A_140 = arith.constant 0 : i32
        %dma_start3A_141 = arith.constant 0 : i32
        %dma_start3A_142 = tpu.memref_slice %arg3[%dma_start3A_140, %dma_start3A_141] : memref<10000x128xf32, #tpu.memory_space<hbm>> -> memref<10000x128xf32, #tpu.memory_space<hbm>>
        tpu.enqueue_indirect_dma source(%dma_start3A_142 : memref<10000x128xf32, #tpu.memory_space<hbm>>) target(%arg11 : memref<128x128xf32, #tpu.memory_space<vmem>>) offsets(%dma_start3A_139 : memref<128xi32, #tpu.memory_space<vmem>>) semaphore(%arg14 : memref<!tpu.dma_semaphore, #tpu.memory_space<semaphore_mem>>)
      } else {
      }
      %add3A_136 = arith.constant 1 : i32
      %add3A_137 = arith.addi %mul3A_99, %add3A_136 : i32
      "tpu.region"() ({
        %run_scoped3A_138 = tpu.sem_alloc : memref<!tpu.dma_semaphore, #tpu.memory_space<semaphore_mem>>
        %dma_start3A = arith.constant 0 : i32
        %dma_start3A_139 = tpu.memref_slice %arg10[%add3A_137, %dma_start3A] : memref<40x128xi32, #tpu.memory_space<vmem>> -> memref<1x128xi32, #tpu.memory_space<vmem>>
        %dma_start3A_140 = tpu.memref_squeeze %dma_start3A_139 : memref<1x128xi32, #tpu.memory_space<vmem>> -> memref<128xi32, #tpu.memory_space<vmem>>
        %dma_start3A_141 = arith.constant 0 : i32
        %dma_start3A_142 = arith.constant 0 : i32
        %dma_start3A_143 = tpu.memref_slice %arg13[%dma_start3A_141, %dma_start3A_142] : memref<10112x128xf32, #tpu.memory_space<vmem_shared>> -> memref<10112x128xf32, #tpu.memory_space<vmem_shared>>
        tpu.enqueue_indirect_dma source(%arg12 : memref<128x128xf32, #tpu.memory_space<vmem>>) target(%dma_start3A_143 : memref<10112x128xf32, #tpu.memory_space<vmem_shared>>) offsets(%dma_start3A_140 : memref<128xi32, #tpu.memory_space<vmem>>) semaphore(%run_scoped3A_138 : memref<!tpu.dma_semaphore, #tpu.memory_space<semaphore_mem>>) {add = true}
        %dma_wait3A_144 = arith.constant 0 : i32
        %dma_wait3A_145 = tpu.memref_slice %arg10[%add3A_137, %dma_wait3A_144] : memref<40x128xi32, #tpu.memory_space<vmem>> -> memref<1x128xi32, #tpu.memory_space<vmem>>
        %dma_wait3A_146 = tpu.memref_squeeze %dma_wait3A_145 : memref<1x128xi32, #tpu.memory_space<vmem>> -> memref<128xi32, #tpu.memory_space<vmem>>
        %dma_wait3A_147 = arith.constant 0 : i32
        %dma_wait3A_148 = arith.constant 0 : i32
        %dma_wait3A_149 = tpu.memref_slice %arg13[%dma_wait3A_147, %dma_wait3A_148] : memref<10112x128xf32, #tpu.memory_space<vmem_shared>> -> memref<10112x128xf32, #tpu.memory_space<vmem_shared>>
        tpu.wait_indirect_dma semaphore(%run_scoped3A_138 : memref<!tpu.dma_semaphore, #tpu.memory_space<semaphore_mem>>) src(%arg12 : memref<128x128xf32, #tpu.memory_space<vmem>>) dst(%dma_wait3A_149 : memref<10112x128xf32, #tpu.memory_space<vmem_shared>>)
        tpu.yield
      }) : () -> ()
    }
    %scan3A_16 = arith.constant 19 : i32
    %dma_wait3A = arith.constant 0 : i32
    %dma_wait3A_17 = arith.constant 0 : i32
    %dma_wait3A_18 = tpu.memref_slice %arg2[%dma_wait3A, %dma_wait3A_17] : memref<10000x128xf32, #tpu.memory_space<hbm>> -> memref<128x128xf32, #tpu.memory_space<hbm>>
    %dma_wait3A_19 = arith.constant 0 : i32
    %dma_wait3A_20 = arith.constant 0 : i32
    %dma_wait3A_21 = tpu.memref_slice %arg2[%dma_wait3A_19, %dma_wait3A_20] : memref<10000x128xf32, #tpu.memory_space<hbm>> -> memref<128x128xf32, #tpu.memory_space<hbm>>
    tpu.wait_dma2 semaphore(%arg14 : memref<!tpu.dma_semaphore, #tpu.memory_space<semaphore_mem>>) src(%dma_wait3A_21 : memref<128x128xf32, #tpu.memory_space<hbm>>) dst(%arg11 : memref<128x128xf32, #tpu.memory_space<vmem>>)
    %eq3A_22 = arith.constant 0 : i32
    %eq3A_23 = arith.cmpi eq, %arg0, %eq3A_22 : i32
    %convert_element_type3A_24 = arith.extui %eq3A_23 : i1 to i32
    %cond3A_25 = arith.constant 0 : i32
    %cond3A_26 = arith.cmpi ne, %convert_element_type3A_24, %cond3A_25 : i32
    scf.if %cond3A_26 {
      %dma_start3A = arith.constant 39 : i32
      %dma_start3A_93 = arith.constant 0 : i32
      %dma_start3A_94 = tpu.memref_slice %arg9[%dma_start3A, %dma_start3A_93] : memref<40x128xi32, #tpu.memory_space<vmem>> -> memref<1x128xi32, #tpu.memory_space<vmem>>
      %dma_start3A_95 = tpu.memref_squeeze %dma_start3A_94 : memref<1x128xi32, #tpu.memory_space<vmem>> -> memref<128xi32, #tpu.memory_space<vmem>>
      %dma_start3A_96 = arith.constant 0 : i32
      %dma_start3A_97 = arith.constant 0 : i32
      %dma_start3A_98 = tpu.memref_slice %arg2[%dma_start3A_96, %dma_start3A_97] : memref<10000x128xf32, #tpu.memory_space<hbm>> -> memref<10000x128xf32, #tpu.memory_space<hbm>>
      tpu.enqueue_indirect_dma source(%dma_start3A_98 : memref<10000x128xf32, #tpu.memory_space<hbm>>) target(%arg12 : memref<128x128xf32, #tpu.memory_space<vmem>>) offsets(%dma_start3A_95 : memref<128xi32, #tpu.memory_space<vmem>>) semaphore(%arg15 : memref<!tpu.dma_semaphore, #tpu.memory_space<semaphore_mem>>)
    } else {
    }
    %eq3A_27 = arith.constant 1 : i32
    %eq3A_28 = arith.cmpi eq, %arg0, %eq3A_27 : i32
    %convert_element_type3A_29 = arith.extui %eq3A_28 : i1 to i32
    %cond3A_30 = arith.constant 0 : i32
    %cond3A_31 = arith.cmpi ne, %convert_element_type3A_29, %cond3A_30 : i32
    scf.if %cond3A_31 {
      %dma_start3A = arith.constant 39 : i32
      %dma_start3A_93 = arith.constant 0 : i32
      %dma_start3A_94 = tpu.memref_slice %arg9[%dma_start3A, %dma_start3A_93] : memref<40x128xi32, #tpu.memory_space<vmem>> -> memref<1x128xi32, #tpu.memory_space<vmem>>
      %dma_start3A_95 = tpu.memref_squeeze %dma_start3A_94 : memref<1x128xi32, #tpu.memory_space<vmem>> -> memref<128xi32, #tpu.memory_space<vmem>>
      %dma_start3A_96 = arith.constant 0 : i32
      %dma_start3A_97 = arith.constant 0 : i32
      %dma_start3A_98 = tpu.memref_slice %arg3[%dma_start3A_96, %dma_start3A_97] : memref<10000x128xf32, #tpu.memory_space<hbm>> -> memref<10000x128xf32, #tpu.memory_space<hbm>>
      tpu.enqueue_indirect_dma source(%dma_start3A_98 : memref<10000x128xf32, #tpu.memory_space<hbm>>) target(%arg12 : memref<128x128xf32, #tpu.memory_space<vmem>>) offsets(%dma_start3A_95 : memref<128xi32, #tpu.memory_space<vmem>>) semaphore(%arg15 : memref<!tpu.dma_semaphore, #tpu.memory_space<semaphore_mem>>)
    } else {
    }
    %run_scoped3A = arith.constant 38 : i32
    "tpu.region"() ({
      %run_scoped3A_93 = tpu.sem_alloc : memref<!tpu.dma_semaphore, #tpu.memory_space<semaphore_mem>>
      %dma_start3A = arith.constant 0 : i32
      %dma_start3A_94 = tpu.memref_slice %arg10[%run_scoped3A, %dma_start3A] : memref<40x128xi32, #tpu.memory_space<vmem>> -> memref<1x128xi32, #tpu.memory_space<vmem>>
      %dma_start3A_95 = tpu.memref_squeeze %dma_start3A_94 : memref<1x128xi32, #tpu.memory_space<vmem>> -> memref<128xi32, #tpu.memory_space<vmem>>
      %dma_start3A_96 = arith.constant 0 : i32
      %dma_start3A_97 = arith.constant 0 : i32
      %dma_start3A_98 = tpu.memref_slice %arg13[%dma_start3A_96, %dma_start3A_97] : memref<10112x128xf32, #tpu.memory_space<vmem_shared>> -> memref<10112x128xf32, #tpu.memory_space<vmem_shared>>
      tpu.enqueue_indirect_dma source(%arg11 : memref<128x128xf32, #tpu.memory_space<vmem>>) target(%dma_start3A_98 : memref<10112x128xf32, #tpu.memory_space<vmem_shared>>) offsets(%dma_start3A_95 : memref<128xi32, #tpu.memory_space<vmem>>) semaphore(%run_scoped3A_93 : memref<!tpu.dma_semaphore, #tpu.memory_space<semaphore_mem>>) {add = true}
      %dma_wait3A_99 = arith.constant 0 : i32
      %dma_wait3A_100 = tpu.memref_slice %arg10[%run_scoped3A, %dma_wait3A_99] : memref<40x128xi32, #tpu.memory_space<vmem>> -> memref<1x128xi32, #tpu.memory_space<vmem>>
      %dma_wait3A_101 = tpu.memref_squeeze %dma_wait3A_100 : memref<1x128xi32, #tpu.memory_space<vmem>> -> memref<128xi32, #tpu.memory_space<vmem>>
      %dma_wait3A_102 = arith.constant 0 : i32
      %dma_wait3A_103 = arith.constant 0 : i32
      %dma_wait3A_104 = tpu.memref_slice %arg13[%dma_wait3A_102, %dma_wait3A_103] : memref<10112x128xf32, #tpu.memory_space<vmem_shared>> -> memref<10112x128xf32, #tpu.memory_space<vmem_shared>>
      tpu.wait_indirect_dma semaphore(%run_scoped3A_93 : memref<!tpu.dma_semaphore, #tpu.memory_space<semaphore_mem>>) src(%arg11 : memref<128x128xf32, #tpu.memory_space<vmem>>) dst(%dma_wait3A_104 : memref<10112x128xf32, #tpu.memory_space<vmem_shared>>)
      tpu.yield
    }) : () -> ()
    %dma_wait3A_32 = arith.constant 0 : i32
    %dma_wait3A_33 = arith.constant 0 : i32
    %dma_wait3A_34 = tpu.memref_slice %arg2[%dma_wait3A_32, %dma_wait3A_33] : memref<10000x128xf32, #tpu.memory_space<hbm>> -> memref<128x128xf32, #tpu.memory_space<hbm>>
    %dma_wait3A_35 = arith.constant 0 : i32
    %dma_wait3A_36 = arith.constant 0 : i32
    %dma_wait3A_37 = tpu.memref_slice %arg2[%dma_wait3A_35, %dma_wait3A_36] : memref<10000x128xf32, #tpu.memory_space<hbm>> -> memref<128x128xf32, #tpu.memory_space<hbm>>
    tpu.wait_dma2 semaphore(%arg15 : memref<!tpu.dma_semaphore, #tpu.memory_space<semaphore_mem>>) src(%dma_wait3A_37 : memref<128x128xf32, #tpu.memory_space<hbm>>) dst(%arg12 : memref<128x128xf32, #tpu.memory_space<vmem>>)
    %run_scoped3A_38 = arith.constant 39 : i32
    "tpu.region"() ({
      %run_scoped3A_93 = tpu.sem_alloc : memref<!tpu.dma_semaphore, #tpu.memory_space<semaphore_mem>>
      %dma_start3A = arith.constant 0 : i32
      %dma_start3A_94 = tpu.memref_slice %arg10[%run_scoped3A_38, %dma_start3A] : memref<40x128xi32, #tpu.memory_space<vmem>> -> memref<1x128xi32, #tpu.memory_space<vmem>>
      %dma_start3A_95 = tpu.memref_squeeze %dma_start3A_94 : memref<1x128xi32, #tpu.memory_space<vmem>> -> memref<128xi32, #tpu.memory_space<vmem>>
      %dma_start3A_96 = arith.constant 0 : i32
      %dma_start3A_97 = arith.constant 0 : i32
      %dma_start3A_98 = tpu.memref_slice %arg13[%dma_start3A_96, %dma_start3A_97] : memref<10112x128xf32, #tpu.memory_space<vmem_shared>> -> memref<10112x128xf32, #tpu.memory_space<vmem_shared>>
      tpu.enqueue_indirect_dma source(%arg12 : memref<128x128xf32, #tpu.memory_space<vmem>>) target(%dma_start3A_98 : memref<10112x128xf32, #tpu.memory_space<vmem_shared>>) offsets(%dma_start3A_95 : memref<128xi32, #tpu.memory_space<vmem>>) semaphore(%run_scoped3A_93 : memref<!tpu.dma_semaphore, #tpu.memory_space<semaphore_mem>>) {add = true}
      %dma_wait3A_99 = arith.constant 0 : i32
      %dma_wait3A_100 = tpu.memref_slice %arg10[%run_scoped3A_38, %dma_wait3A_99] : memref<40x128xi32, #tpu.memory_space<vmem>> -> memref<1x128xi32, #tpu.memory_space<vmem>>
      %dma_wait3A_101 = tpu.memref_squeeze %dma_wait3A_100 : memref<1x128xi32, #tpu.memory_space<vmem>> -> memref<128xi32, #tpu.memory_space<vmem>>
      %dma_wait3A_102 = arith.constant 0 : i32
      %dma_wait3A_103 = arith.constant 0 : i32
      %dma_wait3A_104 = tpu.memref_slice %arg13[%dma_wait3A_102, %dma_wait3A_103] : memref<10112x128xf32, #tpu.memory_space<vmem_shared>> -> memref<10112x128xf32, #tpu.memory_space<vmem_shared>>
      tpu.wait_indirect_dma semaphore(%run_scoped3A_93 : memref<!tpu.dma_semaphore, #tpu.memory_space<semaphore_mem>>) src(%arg12 : memref<128x128xf32, #tpu.memory_space<vmem>>) dst(%dma_wait3A_104 : memref<10112x128xf32, #tpu.memory_space<vmem_shared>>)
      tpu.yield
    }) : () -> ()
    %add3A_39 = arith.constant 40 : i32
    %add3A_40 = arith.addi %mul3A_0, %add3A_39 : i32
    "tpu.region"() ({
      %run_scoped3A_93 = tpu.sem_alloc : memref<!tpu.dma_semaphore, #tpu.memory_space<semaphore_mem>>
      %dma_start3A = arith.constant 0 : i32
      %dma_start3A_94 = tpu.memref_slice %arg4[%add3A_40, %dma_start3A] : memref<1280x128xi32, #tpu.memory_space<hbm>> -> memref<40x128xi32, #tpu.memory_space<hbm>>
      %dma_start3A_95 = arith.constant 0 : i32
      %dma_start3A_96 = tpu.memref_slice %arg4[%add3A_40, %dma_start3A_95] : memref<1280x128xi32, #tpu.memory_space<hbm>> -> memref<40x128xi32, #tpu.memory_space<hbm>>
      tpu.enqueue_dma source(%dma_start3A_96 : memref<40x128xi32, #tpu.memory_space<hbm>>) target(%arg9 : memref<40x128xi32, #tpu.memory_space<vmem>>) target_semaphore(%run_scoped3A_93 : memref<!tpu.dma_semaphore, #tpu.memory_space<semaphore_mem>>)
      %dma_wait3A_97 = arith.constant 0 : i32
      %dma_wait3A_98 = tpu.memref_slice %arg4[%add3A_40, %dma_wait3A_97] : memref<1280x128xi32, #tpu.memory_space<hbm>> -> memref<40x128xi32, #tpu.memory_space<hbm>>
      %dma_wait3A_99 = arith.constant 0 : i32
      %dma_wait3A_100 = tpu.memref_slice %arg4[%add3A_40, %dma_wait3A_99] : memref<1280x128xi32, #tpu.memory_space<hbm>> -> memref<40x128xi32, #tpu.memory_space<hbm>>
      tpu.wait_dma2 semaphore(%run_scoped3A_93 : memref<!tpu.dma_semaphore, #tpu.memory_space<semaphore_mem>>) src(%dma_wait3A_100 : memref<40x128xi32, #tpu.memory_space<hbm>>) dst(%arg9 : memref<40x128xi32, #tpu.memory_space<vmem>>)
      tpu.yield
    }) : () -> ()
    %add3A_41 = arith.constant 40 : i32
    %add3A_42 = arith.addi %mul3A_0, %add3A_41 : i32
    "tpu.region"() ({
      %run_scoped3A_93 = tpu.sem_alloc : memref<!tpu.dma_semaphore, #tpu.memory_space<semaphore_mem>>
      %dma_start3A = arith.constant 0 : i32
      %dma_start3A_94 = tpu.memref_slice %arg5[%add3A_42, %dma_start3A] : memref<1280x128xi32, #tpu.memory_space<hbm>> -> memref<40x128xi32, #tpu.memory_space<hbm>>
      %dma_start3A_95 = arith.constant 0 : i32
      %dma_start3A_96 = tpu.memref_slice %arg5[%add3A_42, %dma_start3A_95] : memref<1280x128xi32, #tpu.memory_space<hbm>> -> memref<40x128xi32, #tpu.memory_space<hbm>>
      tpu.enqueue_dma source(%dma_start3A_96 : memref<40x128xi32, #tpu.memory_space<hbm>>) target(%arg10 : memref<40x128xi32, #tpu.memory_space<vmem>>) target_semaphore(%run_scoped3A_93 : memref<!tpu.dma_semaphore, #tpu.memory_space<semaphore_mem>>)
      %dma_wait3A_97 = arith.constant 0 : i32
      %dma_wait3A_98 = tpu.memref_slice %arg5[%add3A_42, %dma_wait3A_97] : memref<1280x128xi32, #tpu.memory_space<hbm>> -> memref<40x128xi32, #tpu.memory_space<hbm>>
      %dma_wait3A_99 = arith.constant 0 : i32
      %dma_wait3A_100 = tpu.memref_slice %arg5[%add3A_42, %dma_wait3A_99] : memref<1280x128xi32, #tpu.memory_space<hbm>> -> memref<40x128xi32, #tpu.memory_space<hbm>>
      tpu.wait_dma2 semaphore(%run_scoped3A_93 : memref<!tpu.dma_semaphore, #tpu.memory_space<semaphore_mem>>) src(%dma_wait3A_100 : memref<40x128xi32, #tpu.memory_space<hbm>>) dst(%arg10 : memref<40x128xi32, #tpu.memory_space<vmem>>)
      tpu.yield
    }) : () -> ()
    %eq3A_43 = arith.constant 0 : i32
    %eq3A_44 = arith.cmpi eq, %arg0, %eq3A_43 : i32
    %convert_element_type3A_45 = arith.extui %eq3A_44 : i1 to i32
    %cond3A_46 = arith.constant 0 : i32
    %cond3A_47 = arith.cmpi ne, %convert_element_type3A_45, %cond3A_46 : i32
    scf.if %cond3A_47 {
      %dma_start3A = arith.constant 0 : i32
      %dma_start3A_93 = arith.constant 0 : i32
      %dma_start3A_94 = tpu.memref_slice %arg9[%dma_start3A, %dma_start3A_93] : memref<40x128xi32, #tpu.memory_space<vmem>> -> memref<1x128xi32, #tpu.memory_space<vmem>>
      %dma_start3A_95 = tpu.memref_squeeze %dma_start3A_94 : memref<1x128xi32, #tpu.memory_space<vmem>> -> memref<128xi32, #tpu.memory_space<vmem>>
      %dma_start3A_96 = arith.constant 0 : i32
      %dma_start3A_97 = arith.constant 0 : i32
      %dma_start3A_98 = tpu.memref_slice %arg2[%dma_start3A_96, %dma_start3A_97] : memref<10000x128xf32, #tpu.memory_space<hbm>> -> memref<10000x128xf32, #tpu.memory_space<hbm>>
      tpu.enqueue_indirect_dma source(%dma_start3A_98 : memref<10000x128xf32, #tpu.memory_space<hbm>>) target(%arg11 : memref<128x128xf32, #tpu.memory_space<vmem>>) offsets(%dma_start3A_95 : memref<128xi32, #tpu.memory_space<vmem>>) semaphore(%arg14 : memref<!tpu.dma_semaphore, #tpu.memory_space<semaphore_mem>>)
    } else {
    }
    %eq3A_48 = arith.constant 1 : i32
    %eq3A_49 = arith.cmpi eq, %arg0, %eq3A_48 : i32
    %convert_element_type3A_50 = arith.extui %eq3A_49 : i1 to i32
    %cond3A_51 = arith.constant 0 : i32
    %cond3A_52 = arith.cmpi ne, %convert_element_type3A_50, %cond3A_51 : i32
    scf.if %cond3A_52 {
      %dma_start3A = arith.constant 0 : i32
      %dma_start3A_93 = arith.constant 0 : i32
      %dma_start3A_94 = tpu.memref_slice %arg9[%dma_start3A, %dma_start3A_93] : memref<40x128xi32, #tpu.memory_space<vmem>> -> memref<1x128xi32, #tpu.memory_space<vmem>>
      %dma_start3A_95 = tpu.memref_squeeze %dma_start3A_94 : memref<1x128xi32, #tpu.memory_space<vmem>> -> memref<128xi32, #tpu.memory_space<vmem>>
      %dma_start3A_96 = arith.constant 0 : i32
      %dma_start3A_97 = arith.constant 0 : i32
      %dma_start3A_98 = tpu.memref_slice %arg3[%dma_start3A_96, %dma_start3A_97] : memref<10000x128xf32, #tpu.memory_space<hbm>> -> memref<10000x128xf32, #tpu.memory_space<hbm>>
      tpu.enqueue_indirect_dma source(%dma_start3A_98 : memref<10000x128xf32, #tpu.memory_space<hbm>>) target(%arg11 : memref<128x128xf32, #tpu.memory_space<vmem>>) offsets(%dma_start3A_95 : memref<128xi32, #tpu.memory_space<vmem>>) semaphore(%arg14 : memref<!tpu.dma_semaphore, #tpu.memory_space<semaphore_mem>>)
    } else {
    }
    %scan3A_53 = arith.constant 0 : i32
    %scan3A_54 = arith.constant 19 : i32
    %scan3A_55 = arith.addi %scan3A_53, %scan3A_54 : i32
    %scan3A_56 = arith.constant 1 : i32
    scf.for %scan3A_93 = %scan3A_53 to %scan3A_55 step %scan3A_56  : i32 {
      %mul3A_94 = arith.constant 1 : i32
      %mul3A_95 = arith.muli %scan3A_93, %mul3A_94 : i32
      %add3A_96 = arith.constant 0 : i32
      %add3A_97 = arith.addi %add3A_96, %mul3A_95 : i32
      %mul3A_98 = arith.constant 2 : i32
      %mul3A_99 = arith.muli %mul3A_98, %add3A_97 : i32
      %dma_wait3A_100 = arith.constant 0 : i32
      %dma_wait3A_101 = arith.constant 0 : i32
      %dma_wait3A_102 = tpu.memref_slice %arg2[%dma_wait3A_100, %dma_wait3A_101] : memref<10000x128xf32, #tpu.memory_space<hbm>> -> memref<128x128xf32, #tpu.memory_space<hbm>>
      %dma_wait3A_103 = arith.constant 0 : i32
      %dma_wait3A_104 = arith.constant 0 : i32
      %dma_wait3A_105 = tpu.memref_slice %arg2[%dma_wait3A_103, %dma_wait3A_104] : memref<10000x128xf32, #tpu.memory_space<hbm>> -> memref<128x128xf32, #tpu.memory_space<hbm>>
      tpu.wait_dma2 semaphore(%arg14 : memref<!tpu.dma_semaphore, #tpu.memory_space<semaphore_mem>>) src(%dma_wait3A_105 : memref<128x128xf32, #tpu.memory_space<hbm>>) dst(%arg11 : memref<128x128xf32, #tpu.memory_space<vmem>>)
      %add3A_106 = arith.constant 1 : i32
      %add3A_107 = arith.addi %mul3A_99, %add3A_106 : i32
      %eq3A_108 = arith.constant 0 : i32
      %eq3A_109 = arith.cmpi eq, %arg0, %eq3A_108 : i32
      %convert_element_type3A_110 = arith.extui %eq3A_109 : i1 to i32
      %cond3A_111 = arith.constant 0 : i32
      %cond3A_112 = arith.cmpi ne, %convert_element_type3A_110, %cond3A_111 : i32
      scf.if %cond3A_112 {
        %dma_start3A = arith.constant 0 : i32
        %dma_start3A_138 = tpu.memref_slice %arg9[%add3A_107, %dma_start3A] : memref<40x128xi32, #tpu.memory_space<vmem>> -> memref<1x128xi32, #tpu.memory_space<vmem>>
        %dma_start3A_139 = tpu.memref_squeeze %dma_start3A_138 : memref<1x128xi32, #tpu.memory_space<vmem>> -> memref<128xi32, #tpu.memory_space<vmem>>
        %dma_start3A_140 = arith.constant 0 : i32
        %dma_start3A_141 = arith.constant 0 : i32
        %dma_start3A_142 = tpu.memref_slice %arg2[%dma_start3A_140, %dma_start3A_141] : memref<10000x128xf32, #tpu.memory_space<hbm>> -> memref<10000x128xf32, #tpu.memory_space<hbm>>
        tpu.enqueue_indirect_dma source(%dma_start3A_142 : memref<10000x128xf32, #tpu.memory_space<hbm>>) target(%arg12 : memref<128x128xf32, #tpu.memory_space<vmem>>) offsets(%dma_start3A_139 : memref<128xi32, #tpu.memory_space<vmem>>) semaphore(%arg15 : memref<!tpu.dma_semaphore, #tpu.memory_space<semaphore_mem>>)
      } else {
      }
      %eq3A_113 = arith.constant 1 : i32
      %eq3A_114 = arith.cmpi eq, %arg0, %eq3A_113 : i32
      %convert_element_type3A_115 = arith.extui %eq3A_114 : i1 to i32
      %cond3A_116 = arith.constant 0 : i32
      %cond3A_117 = arith.cmpi ne, %convert_element_type3A_115, %cond3A_116 : i32
      scf.if %cond3A_117 {
        %dma_start3A = arith.constant 0 : i32
        %dma_start3A_138 = tpu.memref_slice %arg9[%add3A_107, %dma_start3A] : memref<40x128xi32, #tpu.memory_space<vmem>> -> memref<1x128xi32, #tpu.memory_space<vmem>>
        %dma_start3A_139 = tpu.memref_squeeze %dma_start3A_138 : memref<1x128xi32, #tpu.memory_space<vmem>> -> memref<128xi32, #tpu.memory_space<vmem>>
        %dma_start3A_140 = arith.constant 0 : i32
        %dma_start3A_141 = arith.constant 0 : i32
        %dma_start3A_142 = tpu.memref_slice %arg3[%dma_start3A_140, %dma_start3A_141] : memref<10000x128xf32, #tpu.memory_space<hbm>> -> memref<10000x128xf32, #tpu.memory_space<hbm>>
        tpu.enqueue_indirect_dma source(%dma_start3A_142 : memref<10000x128xf32, #tpu.memory_space<hbm>>) target(%arg12 : memref<128x128xf32, #tpu.memory_space<vmem>>) offsets(%dma_start3A_139 : memref<128xi32, #tpu.memory_space<vmem>>) semaphore(%arg15 : memref<!tpu.dma_semaphore, #tpu.memory_space<semaphore_mem>>)
      } else {
      }
      "tpu.region"() ({
        %run_scoped3A_138 = tpu.sem_alloc : memref<!tpu.dma_semaphore, #tpu.memory_space<semaphore_mem>>
        %dma_start3A = arith.constant 0 : i32
        %dma_start3A_139 = tpu.memref_slice %arg10[%mul3A_99, %dma_start3A] : memref<40x128xi32, #tpu.memory_space<vmem>> -> memref<1x128xi32, #tpu.memory_space<vmem>>
        %dma_start3A_140 = tpu.memref_squeeze %dma_start3A_139 : memref<1x128xi32, #tpu.memory_space<vmem>> -> memref<128xi32, #tpu.memory_space<vmem>>
        %dma_start3A_141 = arith.constant 0 : i32
        %dma_start3A_142 = arith.constant 0 : i32
        %dma_start3A_143 = tpu.memref_slice %arg13[%dma_start3A_141, %dma_start3A_142] : memref<10112x128xf32, #tpu.memory_space<vmem_shared>> -> memref<10112x128xf32, #tpu.memory_space<vmem_shared>>
        tpu.enqueue_indirect_dma source(%arg11 : memref<128x128xf32, #tpu.memory_space<vmem>>) target(%dma_start3A_143 : memref<10112x128xf32, #tpu.memory_space<vmem_shared>>) offsets(%dma_start3A_140 : memref<128xi32, #tpu.memory_space<vmem>>) semaphore(%run_scoped3A_138 : memref<!tpu.dma_semaphore, #tpu.memory_space<semaphore_mem>>) {add = true}
        %dma_wait3A_144 = arith.constant 0 : i32
        %dma_wait3A_145 = tpu.memref_slice %arg10[%mul3A_99, %dma_wait3A_144] : memref<40x128xi32, #tpu.memory_space<vmem>> -> memref<1x128xi32, #tpu.memory_space<vmem>>
        %dma_wait3A_146 = tpu.memref_squeeze %dma_wait3A_145 : memref<1x128xi32, #tpu.memory_space<vmem>> -> memref<128xi32, #tpu.memory_space<vmem>>
        %dma_wait3A_147 = arith.constant 0 : i32
        %dma_wait3A_148 = arith.constant 0 : i32
        %dma_wait3A_149 = tpu.memref_slice %arg13[%dma_wait3A_147, %dma_wait3A_148] : memref<10112x128xf32, #tpu.memory_space<vmem_shared>> -> memref<10112x128xf32, #tpu.memory_space<vmem_shared>>
        tpu.wait_indirect_dma semaphore(%run_scoped3A_138 : memref<!tpu.dma_semaphore, #tpu.memory_space<semaphore_mem>>) src(%arg11 : memref<128x128xf32, #tpu.memory_space<vmem>>) dst(%dma_wait3A_149 : memref<10112x128xf32, #tpu.memory_space<vmem_shared>>)
        tpu.yield
      }) : () -> ()
      %dma_wait3A_118 = arith.constant 0 : i32
      %dma_wait3A_119 = arith.constant 0 : i32
      %dma_wait3A_120 = tpu.memref_slice %arg2[%dma_wait3A_118, %dma_wait3A_119] : memref<10000x128xf32, #tpu.memory_space<hbm>> -> memref<128x128xf32, #tpu.memory_space<hbm>>
      %dma_wait3A_121 = arith.constant 0 : i32
      %dma_wait3A_122 = arith.constant 0 : i32
      %dma_wait3A_123 = tpu.memref_slice %arg2[%dma_wait3A_121, %dma_wait3A_122] : memref<10000x128xf32, #tpu.memory_space<hbm>> -> memref<128x128xf32, #tpu.memory_space<hbm>>
      tpu.wait_dma2 semaphore(%arg15 : memref<!tpu.dma_semaphore, #tpu.memory_space<semaphore_mem>>) src(%dma_wait3A_123 : memref<128x128xf32, #tpu.memory_space<hbm>>) dst(%arg12 : memref<128x128xf32, #tpu.memory_space<vmem>>)
      %add3A_124 = arith.constant 2 : i32
      %add3A_125 = arith.addi %mul3A_99, %add3A_124 : i32
      %eq3A_126 = arith.constant 0 : i32
      %eq3A_127 = arith.cmpi eq, %arg0, %eq3A_126 : i32
      %convert_element_type3A_128 = arith.extui %eq3A_127 : i1 to i32
      %cond3A_129 = arith.constant 0 : i32
      %cond3A_130 = arith.cmpi ne, %convert_element_type3A_128, %cond3A_129 : i32
      scf.if %cond3A_130 {
        %dma_start3A = arith.constant 0 : i32
        %dma_start3A_138 = tpu.memref_slice %arg9[%add3A_125, %dma_start3A] : memref<40x128xi32, #tpu.memory_space<vmem>> -> memref<1x128xi32, #tpu.memory_space<vmem>>
        %dma_start3A_139 = tpu.memref_squeeze %dma_start3A_138 : memref<1x128xi32, #tpu.memory_space<vmem>> -> memref<128xi32, #tpu.memory_space<vmem>>
        %dma_start3A_140 = arith.constant 0 : i32
        %dma_start3A_141 = arith.constant 0 : i32
        %dma_start3A_142 = tpu.memref_slice %arg2[%dma_start3A_140, %dma_start3A_141] : memref<10000x128xf32, #tpu.memory_space<hbm>> -> memref<10000x128xf32, #tpu.memory_space<hbm>>
        tpu.enqueue_indirect_dma source(%dma_start3A_142 : memref<10000x128xf32, #tpu.memory_space<hbm>>) target(%arg11 : memref<128x128xf32, #tpu.memory_space<vmem>>) offsets(%dma_start3A_139 : memref<128xi32, #tpu.memory_space<vmem>>) semaphore(%arg14 : memref<!tpu.dma_semaphore, #tpu.memory_space<semaphore_mem>>)
      } else {
      }
      %eq3A_131 = arith.constant 1 : i32
      %eq3A_132 = arith.cmpi eq, %arg0, %eq3A_131 : i32
      %convert_element_type3A_133 = arith.extui %eq3A_132 : i1 to i32
      %cond3A_134 = arith.constant 0 : i32
      %cond3A_135 = arith.cmpi ne, %convert_element_type3A_133, %cond3A_134 : i32
      scf.if %cond3A_135 {
        %dma_start3A = arith.constant 0 : i32
        %dma_start3A_138 = tpu.memref_slice %arg9[%add3A_125, %dma_start3A] : memref<40x128xi32, #tpu.memory_space<vmem>> -> memref<1x128xi32, #tpu.memory_space<vmem>>
        %dma_start3A_139 = tpu.memref_squeeze %dma_start3A_138 : memref<1x128xi32, #tpu.memory_space<vmem>> -> memref<128xi32, #tpu.memory_space<vmem>>
        %dma_start3A_140 = arith.constant 0 : i32
        %dma_start3A_141 = arith.constant 0 : i32
        %dma_start3A_142 = tpu.memref_slice %arg3[%dma_start3A_140, %dma_start3A_141] : memref<10000x128xf32, #tpu.memory_space<hbm>> -> memref<10000x128xf32, #tpu.memory_space<hbm>>
        tpu.enqueue_indirect_dma source(%dma_start3A_142 : memref<10000x128xf32, #tpu.memory_space<hbm>>) target(%arg11 : memref<128x128xf32, #tpu.memory_space<vmem>>) offsets(%dma_start3A_139 : memref<128xi32, #tpu.memory_space<vmem>>) semaphore(%arg14 : memref<!tpu.dma_semaphore, #tpu.memory_space<semaphore_mem>>)
      } else {
      }
      %add3A_136 = arith.constant 1 : i32
      %add3A_137 = arith.addi %mul3A_99, %add3A_136 : i32
      "tpu.region"() ({
        %run_scoped3A_138 = tpu.sem_alloc : memref<!tpu.dma_semaphore, #tpu.memory_space<semaphore_mem>>
        %dma_start3A = arith.constant 0 : i32
        %dma_start3A_139 = tpu.memref_slice %arg10[%add3A_137, %dma_start3A] : memref<40x128xi32, #tpu.memory_space<vmem>> -> memref<1x128xi32, #tpu.memory_space<vmem>>
        %dma_start3A_140 = tpu.memref_squeeze %dma_start3A_139 : memref<1x128xi32, #tpu.memory_space<vmem>> -> memref<128xi32, #tpu.memory_space<vmem>>
        %dma_start3A_141 = arith.constant 0 : i32
        %dma_start3A_142 = arith.constant 0 : i32
        %dma_start3A_143 = tpu.memref_slice %arg13[%dma_start3A_141, %dma_start3A_142] : memref<10112x128xf32, #tpu.memory_space<vmem_shared>> -> memref<10112x128xf32, #tpu.memory_space<vmem_shared>>
        tpu.enqueue_indirect_dma source(%arg12 : memref<128x128xf32, #tpu.memory_space<vmem>>) target(%dma_start3A_143 : memref<10112x128xf32, #tpu.memory_space<vmem_shared>>) offsets(%dma_start3A_140 : memref<128xi32, #tpu.memory_space<vmem>>) semaphore(%run_scoped3A_138 : memref<!tpu.dma_semaphore, #tpu.memory_space<semaphore_mem>>) {add = true}
        %dma_wait3A_144 = arith.constant 0 : i32
        %dma_wait3A_145 = tpu.memref_slice %arg10[%add3A_137, %dma_wait3A_144] : memref<40x128xi32, #tpu.memory_space<vmem>> -> memref<1x128xi32, #tpu.memory_space<vmem>>
        %dma_wait3A_146 = tpu.memref_squeeze %dma_wait3A_145 : memref<1x128xi32, #tpu.memory_space<vmem>> -> memref<128xi32, #tpu.memory_space<vmem>>
        %dma_wait3A_147 = arith.constant 0 : i32
        %dma_wait3A_148 = arith.constant 0 : i32
        %dma_wait3A_149 = tpu.memref_slice %arg13[%dma_wait3A_147, %dma_wait3A_148] : memref<10112x128xf32, #tpu.memory_space<vmem_shared>> -> memref<10112x128xf32, #tpu.memory_space<vmem_shared>>
        tpu.wait_indirect_dma semaphore(%run_scoped3A_138 : memref<!tpu.dma_semaphore, #tpu.memory_space<semaphore_mem>>) src(%arg12 : memref<128x128xf32, #tpu.memory_space<vmem>>) dst(%dma_wait3A_149 : memref<10112x128xf32, #tpu.memory_space<vmem_shared>>)
        tpu.yield
      }) : () -> ()
    }
    %scan3A_57 = arith.constant 19 : i32
    %dma_wait3A_58 = arith.constant 0 : i32
    %dma_wait3A_59 = arith.constant 0 : i32
    %dma_wait3A_60 = tpu.memref_slice %arg2[%dma_wait3A_58, %dma_wait3A_59] : memref<10000x128xf32, #tpu.memory_space<hbm>> -> memref<128x128xf32, #tpu.memory_space<hbm>>
    %dma_wait3A_61 = arith.constant 0 : i32
    %dma_wait3A_62 = arith.constant 0 : i32
    %dma_wait3A_63 = tpu.memref_slice %arg2[%dma_wait3A_61, %dma_wait3A_62] : memref<10000x128xf32, #tpu.memory_space<hbm>> -> memref<128x128xf32, #tpu.memory_space<hbm>>
    tpu.wait_dma2 semaphore(%arg14 : memref<!tpu.dma_semaphore, #tpu.memory_space<semaphore_mem>>) src(%dma_wait3A_63 : memref<128x128xf32, #tpu.memory_space<hbm>>) dst(%arg11 : memref<128x128xf32, #tpu.memory_space<vmem>>)
    %eq3A_64 = arith.constant 0 : i32
    %eq3A_65 = arith.cmpi eq, %arg0, %eq3A_64 : i32
    %convert_element_type3A_66 = arith.extui %eq3A_65 : i1 to i32
    %cond3A_67 = arith.constant 0 : i32
    %cond3A_68 = arith.cmpi ne, %convert_element_type3A_66, %cond3A_67 : i32
    scf.if %cond3A_68 {
      %dma_start3A = arith.constant 39 : i32
      %dma_start3A_93 = arith.constant 0 : i32
      %dma_start3A_94 = tpu.memref_slice %arg9[%dma_start3A, %dma_start3A_93] : memref<40x128xi32, #tpu.memory_space<vmem>> -> memref<1x128xi32, #tpu.memory_space<vmem>>
      %dma_start3A_95 = tpu.memref_squeeze %dma_start3A_94 : memref<1x128xi32, #tpu.memory_space<vmem>> -> memref<128xi32, #tpu.memory_space<vmem>>
      %dma_start3A_96 = arith.constant 0 : i32
      %dma_start3A_97 = arith.constant 0 : i32
      %dma_start3A_98 = tpu.memref_slice %arg2[%dma_start3A_96, %dma_start3A_97] : memref<10000x128xf32, #tpu.memory_space<hbm>> -> memref<10000x128xf32, #tpu.memory_space<hbm>>
      tpu.enqueue_indirect_dma source(%dma_start3A_98 : memref<10000x128xf32, #tpu.memory_space<hbm>>) target(%arg12 : memref<128x128xf32, #tpu.memory_space<vmem>>) offsets(%dma_start3A_95 : memref<128xi32, #tpu.memory_space<vmem>>) semaphore(%arg15 : memref<!tpu.dma_semaphore, #tpu.memory_space<semaphore_mem>>)
    } else {
    }
    %eq3A_69 = arith.constant 1 : i32
    %eq3A_70 = arith.cmpi eq, %arg0, %eq3A_69 : i32
    %convert_element_type3A_71 = arith.extui %eq3A_70 : i1 to i32
    %cond3A_72 = arith.constant 0 : i32
    %cond3A_73 = arith.cmpi ne, %convert_element_type3A_71, %cond3A_72 : i32
    scf.if %cond3A_73 {
      %dma_start3A = arith.constant 39 : i32
      %dma_start3A_93 = arith.constant 0 : i32
      %dma_start3A_94 = tpu.memref_slice %arg9[%dma_start3A, %dma_start3A_93] : memref<40x128xi32, #tpu.memory_space<vmem>> -> memref<1x128xi32, #tpu.memory_space<vmem>>
      %dma_start3A_95 = tpu.memref_squeeze %dma_start3A_94 : memref<1x128xi32, #tpu.memory_space<vmem>> -> memref<128xi32, #tpu.memory_space<vmem>>
      %dma_start3A_96 = arith.constant 0 : i32
      %dma_start3A_97 = arith.constant 0 : i32
      %dma_start3A_98 = tpu.memref_slice %arg3[%dma_start3A_96, %dma_start3A_97] : memref<10000x128xf32, #tpu.memory_space<hbm>> -> memref<10000x128xf32, #tpu.memory_space<hbm>>
      tpu.enqueue_indirect_dma source(%dma_start3A_98 : memref<10000x128xf32, #tpu.memory_space<hbm>>) target(%arg12 : memref<128x128xf32, #tpu.memory_space<vmem>>) offsets(%dma_start3A_95 : memref<128xi32, #tpu.memory_space<vmem>>) semaphore(%arg15 : memref<!tpu.dma_semaphore, #tpu.memory_space<semaphore_mem>>)
    } else {
    }
    %run_scoped3A_74 = arith.constant 38 : i32
    "tpu.region"() ({
      %run_scoped3A_93 = tpu.sem_alloc : memref<!tpu.dma_semaphore, #tpu.memory_space<semaphore_mem>>
      %dma_start3A = arith.constant 0 : i32
      %dma_start3A_94 = tpu.memref_slice %arg10[%run_scoped3A_74, %dma_start3A] : memref<40x128xi32, #tpu.memory_space<vmem>> -> memref<1x128xi32, #tpu.memory_space<vmem>>
      %dma_start3A_95 = tpu.memref_squeeze %dma_start3A_94 : memref<1x128xi32, #tpu.memory_space<vmem>> -> memref<128xi32, #tpu.memory_space<vmem>>
      %dma_start3A_96 = arith.constant 0 : i32
      %dma_start3A_97 = arith.constant 0 : i32
      %dma_start3A_98 = tpu.memref_slice %arg13[%dma_start3A_96, %dma_start3A_97] : memref<10112x128xf32, #tpu.memory_space<vmem_shared>> -> memref<10112x128xf32, #tpu.memory_space<vmem_shared>>
      tpu.enqueue_indirect_dma source(%arg11 : memref<128x128xf32, #tpu.memory_space<vmem>>) target(%dma_start3A_98 : memref<10112x128xf32, #tpu.memory_space<vmem_shared>>) offsets(%dma_start3A_95 : memref<128xi32, #tpu.memory_space<vmem>>) semaphore(%run_scoped3A_93 : memref<!tpu.dma_semaphore, #tpu.memory_space<semaphore_mem>>) {add = true}
      %dma_wait3A_99 = arith.constant 0 : i32
      %dma_wait3A_100 = tpu.memref_slice %arg10[%run_scoped3A_74, %dma_wait3A_99] : memref<40x128xi32, #tpu.memory_space<vmem>> -> memref<1x128xi32, #tpu.memory_space<vmem>>
      %dma_wait3A_101 = tpu.memref_squeeze %dma_wait3A_100 : memref<1x128xi32, #tpu.memory_space<vmem>> -> memref<128xi32, #tpu.memory_space<vmem>>
      %dma_wait3A_102 = arith.constant 0 : i32
      %dma_wait3A_103 = arith.constant 0 : i32
      %dma_wait3A_104 = tpu.memref_slice %arg13[%dma_wait3A_102, %dma_wait3A_103] : memref<10112x128xf32, #tpu.memory_space<vmem_shared>> -> memref<10112x128xf32, #tpu.memory_space<vmem_shared>>
      tpu.wait_indirect_dma semaphore(%run_scoped3A_93 : memref<!tpu.dma_semaphore, #tpu.memory_space<semaphore_mem>>) src(%arg11 : memref<128x128xf32, #tpu.memory_space<vmem>>) dst(%dma_wait3A_104 : memref<10112x128xf32, #tpu.memory_space<vmem_shared>>)
      tpu.yield
    }) : () -> ()
    %dma_wait3A_75 = arith.constant 0 : i32
    %dma_wait3A_76 = arith.constant 0 : i32
    %dma_wait3A_77 = tpu.memref_slice %arg2[%dma_wait3A_75, %dma_wait3A_76] : memref<10000x128xf32, #tpu.memory_space<hbm>> -> memref<128x128xf32, #tpu.memory_space<hbm>>
    %dma_wait3A_78 = arith.constant 0 : i32
    %dma_wait3A_79 = arith.constant 0 : i32
    %dma_wait3A_80 = tpu.memref_slice %arg2[%dma_wait3A_78, %dma_wait3A_79] : memref<10000x128xf32, #tpu.memory_space<hbm>> -> memref<128x128xf32, #tpu.memory_space<hbm>>
    tpu.wait_dma2 semaphore(%arg15 : memref<!tpu.dma_semaphore, #tpu.memory_space<semaphore_mem>>) src(%dma_wait3A_80 : memref<128x128xf32, #tpu.memory_space<hbm>>) dst(%arg12 : memref<128x128xf32, #tpu.memory_space<vmem>>)
    %run_scoped3A_81 = arith.constant 39 : i32
    "tpu.region"() ({
      %run_scoped3A_93 = tpu.sem_alloc : memref<!tpu.dma_semaphore, #tpu.memory_space<semaphore_mem>>
      %dma_start3A = arith.constant 0 : i32
      %dma_start3A_94 = tpu.memref_slice %arg10[%run_scoped3A_81, %dma_start3A] : memref<40x128xi32, #tpu.memory_space<vmem>> -> memref<1x128xi32, #tpu.memory_space<vmem>>
      %dma_start3A_95 = tpu.memref_squeeze %dma_start3A_94 : memref<1x128xi32, #tpu.memory_space<vmem>> -> memref<128xi32, #tpu.memory_space<vmem>>
      %dma_start3A_96 = arith.constant 0 : i32
      %dma_start3A_97 = arith.constant 0 : i32
      %dma_start3A_98 = tpu.memref_slice %arg13[%dma_start3A_96, %dma_start3A_97] : memref<10112x128xf32, #tpu.memory_space<vmem_shared>> -> memref<10112x128xf32, #tpu.memory_space<vmem_shared>>
      tpu.enqueue_indirect_dma source(%arg12 : memref<128x128xf32, #tpu.memory_space<vmem>>) target(%dma_start3A_98 : memref<10112x128xf32, #tpu.memory_space<vmem_shared>>) offsets(%dma_start3A_95 : memref<128xi32, #tpu.memory_space<vmem>>) semaphore(%run_scoped3A_93 : memref<!tpu.dma_semaphore, #tpu.memory_space<semaphore_mem>>) {add = true}
      %dma_wait3A_99 = arith.constant 0 : i32
      %dma_wait3A_100 = tpu.memref_slice %arg10[%run_scoped3A_81, %dma_wait3A_99] : memref<40x128xi32, #tpu.memory_space<vmem>> -> memref<1x128xi32, #tpu.memory_space<vmem>>
      %dma_wait3A_101 = tpu.memref_squeeze %dma_wait3A_100 : memref<1x128xi32, #tpu.memory_space<vmem>> -> memref<128xi32, #tpu.memory_space<vmem>>
      %dma_wait3A_102 = arith.constant 0 : i32
      %dma_wait3A_103 = arith.constant 0 : i32
      %dma_wait3A_104 = tpu.memref_slice %arg13[%dma_wait3A_102, %dma_wait3A_103] : memref<10112x128xf32, #tpu.memory_space<vmem_shared>> -> memref<10112x128xf32, #tpu.memory_space<vmem_shared>>
      tpu.wait_indirect_dma semaphore(%run_scoped3A_93 : memref<!tpu.dma_semaphore, #tpu.memory_space<semaphore_mem>>) src(%arg12 : memref<128x128xf32, #tpu.memory_space<vmem>>) dst(%dma_wait3A_104 : memref<10112x128xf32, #tpu.memory_space<vmem_shared>>)
      tpu.yield
    }) : () -> ()
    %barrier3A_82 = arith.constant 0 : index
    tpu.barrier barrier_id(%barrier3A_82)
    %eq3A_83 = arith.constant 0 : i32
    %eq3A_84 = arith.cmpi eq, %arg0, %eq3A_83 : i32
    %convert_element_type3A_85 = arith.extui %eq3A_84 : i1 to i32
    %cond3A_86 = arith.constant 0 : i32
    %cond3A_87 = arith.cmpi ne, %convert_element_type3A_85, %cond3A_86 : i32
    scf.if %cond3A_87 {
      %mul3A_93 = arith.constant 624 : i32
      %mul3A_94 = arith.muli %arg1, %mul3A_93 : i32
      %mul3A_95 = arith.constant 624 : i32
      %mul3A_96 = arith.muli %arg1, %mul3A_95 : i32
      "tpu.region"() ({
        %run_scoped3A_102 = tpu.sem_alloc : memref<!tpu.dma_semaphore, #tpu.memory_space<semaphore_mem>>
        %dma_start3A = arith.constant 0 : i32
        %dma_start3A_103 = tpu.memref_slice %arg7[%mul3A_96, %dma_start3A] : memref<10000x128xf32, #tpu.memory_space<hbm>> -> memref<624x128xf32, #tpu.memory_space<hbm>>
        %dma_start3A_104 = arith.constant 0 : i32
        %dma_start3A_105 = tpu.memref_slice %arg13[%mul3A_94, %dma_start3A_104] : memref<10112x128xf32, #tpu.memory_space<vmem_shared>> -> memref<624x128xf32, #tpu.memory_space<vmem_shared>>
        tpu.enqueue_dma source(%dma_start3A_105 : memref<624x128xf32, #tpu.memory_space<vmem_shared>>) target(%dma_start3A_103 : memref<624x128xf32, #tpu.memory_space<hbm>>) target_semaphore(%run_scoped3A_102 : memref<!tpu.dma_semaphore, #tpu.memory_space<semaphore_mem>>)
        %dma_wait3A_106 = arith.constant 0 : i32
        %dma_wait3A_107 = tpu.memref_slice %arg7[%mul3A_96, %dma_wait3A_106] : memref<10000x128xf32, #tpu.memory_space<hbm>> -> memref<624x128xf32, #tpu.memory_space<hbm>>
        %dma_wait3A_108 = arith.constant 0 : i32
        %dma_wait3A_109 = tpu.memref_slice %arg13[%mul3A_94, %dma_wait3A_108] : memref<10112x128xf32, #tpu.memory_space<vmem_shared>> -> memref<624x128xf32, #tpu.memory_space<vmem_shared>>
        tpu.wait_dma2 semaphore(%run_scoped3A_102 : memref<!tpu.dma_semaphore, #tpu.memory_space<semaphore_mem>>) src(%dma_wait3A_109 : memref<624x128xf32, #tpu.memory_space<vmem_shared>>) dst(%dma_wait3A_107 : memref<624x128xf32, #tpu.memory_space<hbm>>)
        tpu.yield
      }) : () -> ()
      %eq3A_97 = arith.constant 0 : i32
      %eq3A_98 = arith.cmpi eq, %arg1, %eq3A_97 : i32
      %convert_element_type3A_99 = arith.extui %eq3A_98 : i1 to i32
      %cond3A_100 = arith.constant 0 : i32
      %cond3A_101 = arith.cmpi ne, %convert_element_type3A_99, %cond3A_100 : i32
      scf.if %cond3A_101 {
        "tpu.region"() ({
          %run_scoped3A_102 = tpu.sem_alloc : memref<!tpu.dma_semaphore, #tpu.memory_space<semaphore_mem>>
          %dma_start3A = arith.constant 9984 : i32
          %dma_start3A_103 = arith.constant 0 : i32
          %dma_start3A_104 = tpu.memref_slice %arg7[%dma_start3A, %dma_start3A_103] : memref<10000x128xf32, #tpu.memory_space<hbm>> -> memref<16x128xf32, #tpu.memory_space<hbm>>
          %dma_start3A_105 = arith.constant 9984 : i32
          %dma_start3A_106 = arith.constant 0 : i32
          %dma_start3A_107 = tpu.memref_slice %arg13[%dma_start3A_105, %dma_start3A_106] : memref<10112x128xf32, #tpu.memory_space<vmem_shared>> -> memref<16x128xf32, #tpu.memory_space<vmem_shared>>
          tpu.enqueue_dma source(%dma_start3A_107 : memref<16x128xf32, #tpu.memory_space<vmem_shared>>) target(%dma_start3A_104 : memref<16x128xf32, #tpu.memory_space<hbm>>) target_semaphore(%run_scoped3A_102 : memref<!tpu.dma_semaphore, #tpu.memory_space<semaphore_mem>>)
          %dma_wait3A_108 = arith.constant 9984 : i32
          %dma_wait3A_109 = arith.constant 0 : i32
          %dma_wait3A_110 = tpu.memref_slice %arg7[%dma_wait3A_108, %dma_wait3A_109] : memref<10000x128xf32, #tpu.memory_space<hbm>> -> memref<16x128xf32, #tpu.memory_space<hbm>>
          %dma_wait3A_111 = arith.constant 9984 : i32
          %dma_wait3A_112 = arith.constant 0 : i32
          %dma_wait3A_113 = tpu.memref_slice %arg13[%dma_wait3A_111, %dma_wait3A_112] : memref<10112x128xf32, #tpu.memory_space<vmem_shared>> -> memref<16x128xf32, #tpu.memory_space<vmem_shared>>
          tpu.wait_dma2 semaphore(%run_scoped3A_102 : memref<!tpu.dma_semaphore, #tpu.memory_space<semaphore_mem>>) src(%dma_wait3A_113 : memref<16x128xf32, #tpu.memory_space<vmem_shared>>) dst(%dma_wait3A_110 : memref<16x128xf32, #tpu.memory_space<hbm>>)
          tpu.yield
        }) : () -> ()
      } else {
      }
    } else {
    }
    %eq3A_88 = arith.constant 1 : i32
    %eq3A_89 = arith.cmpi eq, %arg0, %eq3A_88 : i32
    %convert_element_type3A_90 = arith.extui %eq3A_89 : i1 to i32
    %cond3A_91 = arith.constant 0 : i32
    %cond3A_92 = arith.cmpi ne, %convert_element_type3A_90, %cond3A_91 : i32
    scf.if %cond3A_92 {
      %mul3A_93 = arith.constant 624 : i32
      %mul3A_94 = arith.muli %arg1, %mul3A_93 : i32
      %mul3A_95 = arith.constant 624 : i32
      %mul3A_96 = arith.muli %arg1, %mul3A_95 : i32
      "tpu.region"() ({
        %run_scoped3A_102 = tpu.sem_alloc : memref<!tpu.dma_semaphore, #tpu.memory_space<semaphore_mem>>
        %dma_start3A = arith.constant 0 : i32
        %dma_start3A_103 = tpu.memref_slice %arg8[%mul3A_96, %dma_start3A] : memref<10000x128xf32, #tpu.memory_space<hbm>> -> memref<624x128xf32, #tpu.memory_space<hbm>>
        %dma_start3A_104 = arith.constant 0 : i32
        %dma_start3A_105 = tpu.memref_slice %arg13[%mul3A_94, %dma_start3A_104] : memref<10112x128xf32, #tpu.memory_space<vmem_shared>> -> memref<624x128xf32, #tpu.memory_space<vmem_shared>>
        tpu.enqueue_dma source(%dma_start3A_105 : memref<624x128xf32, #tpu.memory_space<vmem_shared>>) target(%dma_start3A_103 : memref<624x128xf32, #tpu.memory_space<hbm>>) target_semaphore(%run_scoped3A_102 : memref<!tpu.dma_semaphore, #tpu.memory_space<semaphore_mem>>)
        %dma_wait3A_106 = arith.constant 0 : i32
        %dma_wait3A_107 = tpu.memref_slice %arg8[%mul3A_96, %dma_wait3A_106] : memref<10000x128xf32, #tpu.memory_space<hbm>> -> memref<624x128xf32, #tpu.memory_space<hbm>>
        %dma_wait3A_108 = arith.constant 0 : i32
        %dma_wait3A_109 = tpu.memref_slice %arg13[%mul3A_94, %dma_wait3A_108] : memref<10112x128xf32, #tpu.memory_space<vmem_shared>> -> memref<624x128xf32, #tpu.memory_space<vmem_shared>>
        tpu.wait_dma2 semaphore(%run_scoped3A_102 : memref<!tpu.dma_semaphore, #tpu.memory_space<semaphore_mem>>) src(%dma_wait3A_109 : memref<624x128xf32, #tpu.memory_space<vmem_shared>>) dst(%dma_wait3A_107 : memref<624x128xf32, #tpu.memory_space<hbm>>)
        tpu.yield
      }) : () -> ()
      %eq3A_97 = arith.constant 0 : i32
      %eq3A_98 = arith.cmpi eq, %arg1, %eq3A_97 : i32
      %convert_element_type3A_99 = arith.extui %eq3A_98 : i1 to i32
      %cond3A_100 = arith.constant 0 : i32
      %cond3A_101 = arith.cmpi ne, %convert_element_type3A_99, %cond3A_100 : i32
      scf.if %cond3A_101 {
        "tpu.region"() ({
          %run_scoped3A_102 = tpu.sem_alloc : memref<!tpu.dma_semaphore, #tpu.memory_space<semaphore_mem>>
          %dma_start3A = arith.constant 9984 : i32
          %dma_start3A_103 = arith.constant 0 : i32
          %dma_start3A_104 = tpu.memref_slice %arg8[%dma_start3A, %dma_start3A_103] : memref<10000x128xf32, #tpu.memory_space<hbm>> -> memref<16x128xf32, #tpu.memory_space<hbm>>
          %dma_start3A_105 = arith.constant 9984 : i32
          %dma_start3A_106 = arith.constant 0 : i32
          %dma_start3A_107 = tpu.memref_slice %arg13[%dma_start3A_105, %dma_start3A_106] : memref<10112x128xf32, #tpu.memory_space<vmem_shared>> -> memref<16x128xf32, #tpu.memory_space<vmem_shared>>
          tpu.enqueue_dma source(%dma_start3A_107 : memref<16x128xf32, #tpu.memory_space<vmem_shared>>) target(%dma_start3A_104 : memref<16x128xf32, #tpu.memory_space<hbm>>) target_semaphore(%run_scoped3A_102 : memref<!tpu.dma_semaphore, #tpu.memory_space<semaphore_mem>>)
          %dma_wait3A_108 = arith.constant 9984 : i32
          %dma_wait3A_109 = arith.constant 0 : i32
          %dma_wait3A_110 = tpu.memref_slice %arg8[%dma_wait3A_108, %dma_wait3A_109] : memref<10000x128xf32, #tpu.memory_space<hbm>> -> memref<16x128xf32, #tpu.memory_space<hbm>>
          %dma_wait3A_111 = arith.constant 9984 : i32
          %dma_wait3A_112 = arith.constant 0 : i32
          %dma_wait3A_113 = tpu.memref_slice %arg13[%dma_wait3A_111, %dma_wait3A_112] : memref<10112x128xf32, #tpu.memory_space<vmem_shared>> -> memref<16x128xf32, #tpu.memory_space<vmem_shared>>
          tpu.wait_dma2 semaphore(%run_scoped3A_102 : memref<!tpu.dma_semaphore, #tpu.memory_space<semaphore_mem>>) src(%dma_wait3A_113 : memref<16x128xf32, #tpu.memory_space<vmem_shared>>) dst(%dma_wait3A_110 : memref<16x128xf32, #tpu.memory_space<hbm>>)
          tpu.yield
        }) : () -> ()
      } else {
      }
    } else {
    }
    return
  }
}

#map = affine_map<(d0, d1) -> (0, 0)>
module attributes {stable_mosaic.version = 14 : i64} {
  func.func @k(%arg0: i32, %arg1: i32, %arg2: memref<1280x128xi32, #tpu.memory_space<hbm>>, %arg3: memref<632x128xf32, #tpu.memory_space<hbm>>, %arg4: memref<128x128xf32, #tpu.memory_space<hbm>>, %arg5: memref<10000x128xf32, #tpu.memory_space<hbm>>, %arg6: memref<10000x128xf32, #tpu.memory_space<hbm>>, %arg7: memref<128xi32, #tpu.memory_space<vmem>>, %arg8: memref<128x128xf32, #tpu.memory_space<vmem>>, %arg9: memref<10112x128xf32, #tpu.memory_space<vmem_shared>>) attributes {dimension_semantics = [#tpu.dimension_semantics<core_parallel>, #tpu.dimension_semantics<subcore_parallel>], iteration_bounds = array<i64: 2, 16>, scalar_prefetch = 0 : i64, scratch_operands = 3 : i64, tpu.core_type = #tpu.core_type<sc_vector_subcore>, window_params = [{transform_indices = #map}, {transform_indices = #map}, {transform_indices = #map}, {transform_indices = #map}, {transform_indices = #map}]} {
    "tpu.region"() ({
      %run_scoped3A = tpu.sem_alloc : memref<!tpu.dma_semaphore, #tpu.memory_space<semaphore_mem>>
      tpu.enqueue_dma source(%arg4 : memref<128x128xf32, #tpu.memory_space<hbm>>) target(%arg8 : memref<128x128xf32, #tpu.memory_space<vmem>>) target_semaphore(%run_scoped3A : memref<!tpu.dma_semaphore, #tpu.memory_space<semaphore_mem>>)
      tpu.wait_dma2 semaphore(%run_scoped3A : memref<!tpu.dma_semaphore, #tpu.memory_space<semaphore_mem>>) src(%arg4 : memref<128x128xf32, #tpu.memory_space<hbm>>) dst(%arg8 : memref<128x128xf32, #tpu.memory_space<vmem>>)
      tpu.yield
    }) : () -> ()
    %mul3A = arith.constant 632 : i32
    %mul3A_0 = arith.muli %arg1, %mul3A : i32
    "tpu.region"() ({
      %run_scoped3A = tpu.sem_alloc : memref<!tpu.dma_semaphore, #tpu.memory_space<semaphore_mem>>
      %dma_start3A = arith.constant 0 : i32
      %dma_start3A_15 = tpu.memref_slice %arg9[%mul3A_0, %dma_start3A] : memref<10112x128xf32, #tpu.memory_space<vmem_shared>> -> memref<632x128xf32, #tpu.memory_space<vmem_shared>>
      tpu.enqueue_dma source(%arg3 : memref<632x128xf32, #tpu.memory_space<hbm>>) target(%dma_start3A_15 : memref<632x128xf32, #tpu.memory_space<vmem_shared>>) target_semaphore(%run_scoped3A : memref<!tpu.dma_semaphore, #tpu.memory_space<semaphore_mem>>)
      %dma_wait3A = arith.constant 0 : i32
      %dma_wait3A_16 = tpu.memref_slice %arg9[%mul3A_0, %dma_wait3A] : memref<10112x128xf32, #tpu.memory_space<vmem_shared>> -> memref<632x128xf32, #tpu.memory_space<vmem_shared>>
      tpu.wait_dma2 semaphore(%run_scoped3A : memref<!tpu.dma_semaphore, #tpu.memory_space<semaphore_mem>>) src(%arg3 : memref<632x128xf32, #tpu.memory_space<hbm>>) dst(%dma_wait3A_16 : memref<632x128xf32, #tpu.memory_space<vmem_shared>>)
      tpu.yield
    }) : () -> ()
    %barrier3A = arith.constant 0 : index
    tpu.barrier barrier_id(%barrier3A)
    %mul3A_1 = arith.constant 2 : i32
    %mul3A_2 = arith.muli %arg1, %mul3A_1 : i32
    %add3A = arith.addi %mul3A_2, %arg0 : i32
    %scan3A = arith.constant 0 : i32
    %scan3A_3 = arith.constant 40 : i32
    %scan3A_4 = arith.addi %scan3A, %scan3A_3 : i32
    %scan3A_5 = arith.constant 1 : i32
    scf.for %scan3A_15 = %scan3A to %scan3A_4 step %scan3A_5  : i32 {
      %mul3A_16 = arith.constant 1 : i32
      %mul3A_17 = arith.muli %scan3A_15, %mul3A_16 : i32
      %add3A_18 = arith.constant 0 : i32
      %add3A_19 = arith.addi %add3A_18, %mul3A_17 : i32
      %mul3A_20 = arith.constant 40 : i32
      %mul3A_21 = arith.muli %add3A, %mul3A_20 : i32
      %add3A_22 = arith.addi %mul3A_21, %add3A_19 : i32
      "tpu.region"() ({
        %run_scoped3A = tpu.sem_alloc : memref<!tpu.dma_semaphore, #tpu.memory_space<semaphore_mem>>
        %dma_start3A = arith.constant 0 : i32
        %dma_start3A_23 = tpu.memref_slice %arg2[%add3A_22, %dma_start3A] : memref<1280x128xi32, #tpu.memory_space<hbm>> -> memref<1x128xi32, #tpu.memory_space<hbm>>
        %dma_start3A_24 = tpu.memref_squeeze %dma_start3A_23 : memref<1x128xi32, #tpu.memory_space<hbm>> -> memref<128xi32, #tpu.memory_space<hbm>>
        %dma_start3A_25 = arith.constant 0 : i32
        %dma_start3A_26 = tpu.memref_slice %arg2[%add3A_22, %dma_start3A_25] : memref<1280x128xi32, #tpu.memory_space<hbm>> -> memref<1x128xi32, #tpu.memory_space<hbm>>
        %dma_start3A_27 = tpu.memref_squeeze %dma_start3A_26 : memref<1x128xi32, #tpu.memory_space<hbm>> -> memref<128xi32, #tpu.memory_space<hbm>>
        tpu.enqueue_dma source(%dma_start3A_27 : memref<128xi32, #tpu.memory_space<hbm>>) target(%arg7 : memref<128xi32, #tpu.memory_space<vmem>>) target_semaphore(%run_scoped3A : memref<!tpu.dma_semaphore, #tpu.memory_space<semaphore_mem>>)
        %dma_wait3A = arith.constant 0 : i32
        %dma_wait3A_28 = tpu.memref_slice %arg2[%add3A_22, %dma_wait3A] : memref<1280x128xi32, #tpu.memory_space<hbm>> -> memref<1x128xi32, #tpu.memory_space<hbm>>
        %dma_wait3A_29 = tpu.memref_squeeze %dma_wait3A_28 : memref<1x128xi32, #tpu.memory_space<hbm>> -> memref<128xi32, #tpu.memory_space<hbm>>
        %dma_wait3A_30 = arith.constant 0 : i32
        %dma_wait3A_31 = tpu.memref_slice %arg2[%add3A_22, %dma_wait3A_30] : memref<1280x128xi32, #tpu.memory_space<hbm>> -> memref<1x128xi32, #tpu.memory_space<hbm>>
        %dma_wait3A_32 = tpu.memref_squeeze %dma_wait3A_31 : memref<1x128xi32, #tpu.memory_space<hbm>> -> memref<128xi32, #tpu.memory_space<hbm>>
        tpu.wait_dma2 semaphore(%run_scoped3A : memref<!tpu.dma_semaphore, #tpu.memory_space<semaphore_mem>>) src(%dma_wait3A_32 : memref<128xi32, #tpu.memory_space<hbm>>) dst(%arg7 : memref<128xi32, #tpu.memory_space<vmem>>)
        tpu.yield
      }) : () -> ()
      "tpu.region"() ({
        %run_scoped3A = tpu.sem_alloc : memref<!tpu.dma_semaphore, #tpu.memory_space<semaphore_mem>>
        %dma_start3A = arith.constant 0 : i32
        %dma_start3A_23 = arith.constant 0 : i32
        %dma_start3A_24 = tpu.memref_slice %arg9[%dma_start3A, %dma_start3A_23] : memref<10112x128xf32, #tpu.memory_space<vmem_shared>> -> memref<10112x128xf32, #tpu.memory_space<vmem_shared>>
        tpu.enqueue_indirect_dma source(%arg8 : memref<128x128xf32, #tpu.memory_space<vmem>>) target(%dma_start3A_24 : memref<10112x128xf32, #tpu.memory_space<vmem_shared>>) offsets(%arg7 : memref<128xi32, #tpu.memory_space<vmem>>) semaphore(%run_scoped3A : memref<!tpu.dma_semaphore, #tpu.memory_space<semaphore_mem>>) {add = true}
        %dma_wait3A = arith.constant 0 : i32
        %dma_wait3A_25 = arith.constant 0 : i32
        %dma_wait3A_26 = tpu.memref_slice %arg9[%dma_wait3A, %dma_wait3A_25] : memref<10112x128xf32, #tpu.memory_space<vmem_shared>> -> memref<10112x128xf32, #tpu.memory_space<vmem_shared>>
        tpu.wait_indirect_dma semaphore(%run_scoped3A : memref<!tpu.dma_semaphore, #tpu.memory_space<semaphore_mem>>) src(%arg8 : memref<128x128xf32, #tpu.memory_space<vmem>>) dst(%dma_wait3A_26 : memref<10112x128xf32, #tpu.memory_space<vmem_shared>>)
        tpu.yield
      }) : () -> ()
    }
    %scan3A_6 = arith.constant 40 : i32
    %barrier3A_7 = arith.constant 0 : index
    tpu.barrier barrier_id(%barrier3A_7)
    %eq3A = arith.constant 0 : i32
    %eq3A_8 = arith.cmpi eq, %arg0, %eq3A : i32
    %convert_element_type3A = arith.extui %eq3A_8 : i1 to i32
    %cond3A = arith.constant 0 : i32
    %cond3A_9 = arith.cmpi ne, %convert_element_type3A, %cond3A : i32
    scf.if %cond3A_9 {
      %mul3A_15 = arith.constant 624 : i32
      %mul3A_16 = arith.muli %arg1, %mul3A_15 : i32
      %mul3A_17 = arith.constant 624 : i32
      %mul3A_18 = arith.muli %arg1, %mul3A_17 : i32
      "tpu.region"() ({
        %run_scoped3A = tpu.sem_alloc : memref<!tpu.dma_semaphore, #tpu.memory_space<semaphore_mem>>
        %dma_start3A = arith.constant 0 : i32
        %dma_start3A_24 = tpu.memref_slice %arg5[%mul3A_18, %dma_start3A] : memref<10000x128xf32, #tpu.memory_space<hbm>> -> memref<624x128xf32, #tpu.memory_space<hbm>>
        %dma_start3A_25 = arith.constant 0 : i32
        %dma_start3A_26 = tpu.memref_slice %arg9[%mul3A_16, %dma_start3A_25] : memref<10112x128xf32, #tpu.memory_space<vmem_shared>> -> memref<624x128xf32, #tpu.memory_space<vmem_shared>>
        tpu.enqueue_dma source(%dma_start3A_26 : memref<624x128xf32, #tpu.memory_space<vmem_shared>>) target(%dma_start3A_24 : memref<624x128xf32, #tpu.memory_space<hbm>>) target_semaphore(%run_scoped3A : memref<!tpu.dma_semaphore, #tpu.memory_space<semaphore_mem>>)
        %dma_wait3A = arith.constant 0 : i32
        %dma_wait3A_27 = tpu.memref_slice %arg5[%mul3A_18, %dma_wait3A] : memref<10000x128xf32, #tpu.memory_space<hbm>> -> memref<624x128xf32, #tpu.memory_space<hbm>>
        %dma_wait3A_28 = arith.constant 0 : i32
        %dma_wait3A_29 = tpu.memref_slice %arg9[%mul3A_16, %dma_wait3A_28] : memref<10112x128xf32, #tpu.memory_space<vmem_shared>> -> memref<624x128xf32, #tpu.memory_space<vmem_shared>>
        tpu.wait_dma2 semaphore(%run_scoped3A : memref<!tpu.dma_semaphore, #tpu.memory_space<semaphore_mem>>) src(%dma_wait3A_29 : memref<624x128xf32, #tpu.memory_space<vmem_shared>>) dst(%dma_wait3A_27 : memref<624x128xf32, #tpu.memory_space<hbm>>)
        tpu.yield
      }) : () -> ()
      %eq3A_19 = arith.constant 0 : i32
      %eq3A_20 = arith.cmpi eq, %arg1, %eq3A_19 : i32
      %convert_element_type3A_21 = arith.extui %eq3A_20 : i1 to i32
      %cond3A_22 = arith.constant 0 : i32
      %cond3A_23 = arith.cmpi ne, %convert_element_type3A_21, %cond3A_22 : i32
      scf.if %cond3A_23 {
        "tpu.region"() ({
          %run_scoped3A = tpu.sem_alloc : memref<!tpu.dma_semaphore, #tpu.memory_space<semaphore_mem>>
          %dma_start3A = arith.constant 9984 : i32
          %dma_start3A_24 = arith.constant 0 : i32
          %dma_start3A_25 = tpu.memref_slice %arg5[%dma_start3A, %dma_start3A_24] : memref<10000x128xf32, #tpu.memory_space<hbm>> -> memref<16x128xf32, #tpu.memory_space<hbm>>
          %dma_start3A_26 = arith.constant 9984 : i32
          %dma_start3A_27 = arith.constant 0 : i32
          %dma_start3A_28 = tpu.memref_slice %arg9[%dma_start3A_26, %dma_start3A_27] : memref<10112x128xf32, #tpu.memory_space<vmem_shared>> -> memref<16x128xf32, #tpu.memory_space<vmem_shared>>
          tpu.enqueue_dma source(%dma_start3A_28 : memref<16x128xf32, #tpu.memory_space<vmem_shared>>) target(%dma_start3A_25 : memref<16x128xf32, #tpu.memory_space<hbm>>) target_semaphore(%run_scoped3A : memref<!tpu.dma_semaphore, #tpu.memory_space<semaphore_mem>>)
          %dma_wait3A = arith.constant 9984 : i32
          %dma_wait3A_29 = arith.constant 0 : i32
          %dma_wait3A_30 = tpu.memref_slice %arg5[%dma_wait3A, %dma_wait3A_29] : memref<10000x128xf32, #tpu.memory_space<hbm>> -> memref<16x128xf32, #tpu.memory_space<hbm>>
          %dma_wait3A_31 = arith.constant 9984 : i32
          %dma_wait3A_32 = arith.constant 0 : i32
          %dma_wait3A_33 = tpu.memref_slice %arg9[%dma_wait3A_31, %dma_wait3A_32] : memref<10112x128xf32, #tpu.memory_space<vmem_shared>> -> memref<16x128xf32, #tpu.memory_space<vmem_shared>>
          tpu.wait_dma2 semaphore(%run_scoped3A : memref<!tpu.dma_semaphore, #tpu.memory_space<semaphore_mem>>) src(%dma_wait3A_33 : memref<16x128xf32, #tpu.memory_space<vmem_shared>>) dst(%dma_wait3A_30 : memref<16x128xf32, #tpu.memory_space<hbm>>)
          tpu.yield
        }) : () -> ()
      } else {
      }
    } else {
    }
    %eq3A_10 = arith.constant 1 : i32
    %eq3A_11 = arith.cmpi eq, %arg0, %eq3A_10 : i32
    %convert_element_type3A_12 = arith.extui %eq3A_11 : i1 to i32
    %cond3A_13 = arith.constant 0 : i32
    %cond3A_14 = arith.cmpi ne, %convert_element_type3A_12, %cond3A_13 : i32
    scf.if %cond3A_14 {
      %mul3A_15 = arith.constant 624 : i32
      %mul3A_16 = arith.muli %arg1, %mul3A_15 : i32
      %mul3A_17 = arith.constant 624 : i32
      %mul3A_18 = arith.muli %arg1, %mul3A_17 : i32
      "tpu.region"() ({
        %run_scoped3A = tpu.sem_alloc : memref<!tpu.dma_semaphore, #tpu.memory_space<semaphore_mem>>
        %dma_start3A = arith.constant 0 : i32
        %dma_start3A_24 = tpu.memref_slice %arg6[%mul3A_18, %dma_start3A] : memref<10000x128xf32, #tpu.memory_space<hbm>> -> memref<624x128xf32, #tpu.memory_space<hbm>>
        %dma_start3A_25 = arith.constant 0 : i32
        %dma_start3A_26 = tpu.memref_slice %arg9[%mul3A_16, %dma_start3A_25] : memref<10112x128xf32, #tpu.memory_space<vmem_shared>> -> memref<624x128xf32, #tpu.memory_space<vmem_shared>>
        tpu.enqueue_dma source(%dma_start3A_26 : memref<624x128xf32, #tpu.memory_space<vmem_shared>>) target(%dma_start3A_24 : memref<624x128xf32, #tpu.memory_space<hbm>>) target_semaphore(%run_scoped3A : memref<!tpu.dma_semaphore, #tpu.memory_space<semaphore_mem>>)
        %dma_wait3A = arith.constant 0 : i32
        %dma_wait3A_27 = tpu.memref_slice %arg6[%mul3A_18, %dma_wait3A] : memref<10000x128xf32, #tpu.memory_space<hbm>> -> memref<624x128xf32, #tpu.memory_space<hbm>>
        %dma_wait3A_28 = arith.constant 0 : i32
        %dma_wait3A_29 = tpu.memref_slice %arg9[%mul3A_16, %dma_wait3A_28] : memref<10112x128xf32, #tpu.memory_space<vmem_shared>> -> memref<624x128xf32, #tpu.memory_space<vmem_shared>>
        tpu.wait_dma2 semaphore(%run_scoped3A : memref<!tpu.dma_semaphore, #tpu.memory_space<semaphore_mem>>) src(%dma_wait3A_29 : memref<624x128xf32, #tpu.memory_space<vmem_shared>>) dst(%dma_wait3A_27 : memref<624x128xf32, #tpu.memory_space<hbm>>)
        tpu.yield
      }) : () -> ()
      %eq3A_19 = arith.constant 0 : i32
      %eq3A_20 = arith.cmpi eq, %arg1, %eq3A_19 : i32
      %convert_element_type3A_21 = arith.extui %eq3A_20 : i1 to i32
      %cond3A_22 = arith.constant 0 : i32
      %cond3A_23 = arith.cmpi ne, %convert_element_type3A_21, %cond3A_22 : i32
      scf.if %cond3A_23 {
        "tpu.region"() ({
          %run_scoped3A = tpu.sem_alloc : memref<!tpu.dma_semaphore, #tpu.memory_space<semaphore_mem>>
          %dma_start3A = arith.constant 9984 : i32
          %dma_start3A_24 = arith.constant 0 : i32
          %dma_start3A_25 = tpu.memref_slice %arg6[%dma_start3A, %dma_start3A_24] : memref<10000x128xf32, #tpu.memory_space<hbm>> -> memref<16x128xf32, #tpu.memory_space<hbm>>
          %dma_start3A_26 = arith.constant 9984 : i32
          %dma_start3A_27 = arith.constant 0 : i32
          %dma_start3A_28 = tpu.memref_slice %arg9[%dma_start3A_26, %dma_start3A_27] : memref<10112x128xf32, #tpu.memory_space<vmem_shared>> -> memref<16x128xf32, #tpu.memory_space<vmem_shared>>
          tpu.enqueue_dma source(%dma_start3A_28 : memref<16x128xf32, #tpu.memory_space<vmem_shared>>) target(%dma_start3A_25 : memref<16x128xf32, #tpu.memory_space<hbm>>) target_semaphore(%run_scoped3A : memref<!tpu.dma_semaphore, #tpu.memory_space<semaphore_mem>>)
          %dma_wait3A = arith.constant 9984 : i32
          %dma_wait3A_29 = arith.constant 0 : i32
          %dma_wait3A_30 = tpu.memref_slice %arg6[%dma_wait3A, %dma_wait3A_29] : memref<10000x128xf32, #tpu.memory_space<hbm>> -> memref<16x128xf32, #tpu.memory_space<hbm>>
          %dma_wait3A_31 = arith.constant 9984 : i32
          %dma_wait3A_32 = arith.constant 0 : i32
          %dma_wait3A_33 = tpu.memref_slice %arg9[%dma_wait3A_31, %dma_wait3A_32] : memref<10112x128xf32, #tpu.memory_space<vmem_shared>> -> memref<16x128xf32, #tpu.memory_space<vmem_shared>>
          tpu.wait_dma2 semaphore(%run_scoped3A : memref<!tpu.dma_semaphore, #tpu.memory_space<semaphore_mem>>) src(%dma_wait3A_33 : memref<16x128xf32, #tpu.memory_space<vmem_shared>>) dst(%dma_wait3A_30 : memref<16x128xf32, #tpu.memory_space<hbm>>)
          tpu.yield
        }) : () -> ()
      } else {
      }
    } else {
    }
    return
  }
}

#map = affine_map<(d0, d1) -> (0, 0)>
module attributes {stable_mosaic.version = 14 : i64} {
  func.func @k(%arg0: i32, %arg1: i32, %arg2: memref<10000x128xf32, #tpu.memory_space<hbm>>, %arg3: memref<10000x128xf32, #tpu.memory_space<hbm>>, %arg4: memref<1280x128xi32, #tpu.memory_space<hbm>>, %arg5: memref<1280x128xi32, #tpu.memory_space<hbm>>, %arg6: memref<632x128xf32, #tpu.memory_space<hbm>>, %arg7: memref<10000x128xf32, #tpu.memory_space<hbm>>, %arg8: memref<10000x128xf32, #tpu.memory_space<hbm>>, %arg9: memref<40x128xi32, #tpu.memory_space<vmem>>, %arg10: memref<40x128xi32, #tpu.memory_space<vmem>>, %arg11: memref<128x128xf32, #tpu.memory_space<vmem>>, %arg12: memref<128x128xf32, #tpu.memory_space<vmem>>, %arg13: memref<10112x128xf32, #tpu.memory_space<vmem_shared>>, %arg14: memref<!tpu.dma_semaphore, #tpu.memory_space<semaphore_mem>>, %arg15: memref<!tpu.dma_semaphore, #tpu.memory_space<semaphore_mem>>) attributes {dimension_semantics = [#tpu.dimension_semantics<core_parallel>, #tpu.dimension_semantics<subcore_parallel>], iteration_bounds = array<i64: 2, 16>, scalar_prefetch = 0 : i64, scratch_operands = 7 : i64, tpu.core_type = #tpu.core_type<sc_vector_subcore>, window_params = [{transform_indices = #map}, {transform_indices = #map}, {transform_indices = #map}, {transform_indices = #map}, {transform_indices = #map}, {transform_indices = #map}, {transform_indices = #map}]} {
    %mul3A = arith.constant 80 : i32
    %mul3A_0 = arith.muli %arg1, %mul3A : i32
    %mul3A_1 = arith.constant 632 : i32
    %mul3A_2 = arith.muli %arg1, %mul3A_1 : i32
    "tpu.region"() ({
      %run_scoped3A_93 = tpu.sem_alloc : memref<!tpu.dma_semaphore, #tpu.memory_space<semaphore_mem>>
      %dma_start3A = arith.constant 0 : i32
      %dma_start3A_94 = tpu.memref_slice %arg13[%mul3A_2, %dma_start3A] : memref<10112x128xf32, #tpu.memory_space<vmem_shared>> -> memref<632x128xf32, #tpu.memory_space<vmem_shared>>
      tpu.enqueue_dma source(%arg6 : memref<632x128xf32, #tpu.memory_space<hbm>>) target(%dma_start3A_94 : memref<632x128xf32, #tpu.memory_space<vmem_shared>>) target_semaphore(%run_scoped3A_93 : memref<!tpu.dma_semaphore, #tpu.memory_space<semaphore_mem>>)
      %dma_wait3A_95 = arith.constant 0 : i32
      %dma_wait3A_96 = tpu.memref_slice %arg13[%mul3A_2, %dma_wait3A_95] : memref<10112x128xf32, #tpu.memory_space<vmem_shared>> -> memref<632x128xf32, #tpu.memory_space<vmem_shared>>
      tpu.wait_dma2 semaphore(%run_scoped3A_93 : memref<!tpu.dma_semaphore, #tpu.memory_space<semaphore_mem>>) src(%arg6 : memref<632x128xf32, #tpu.memory_space<hbm>>) dst(%dma_wait3A_96 : memref<632x128xf32, #tpu.memory_space<vmem_shared>>)
      tpu.yield
    }) : () -> ()
    %barrier3A = arith.constant 0 : index
    tpu.barrier barrier_id(%barrier3A)
    %add3A = arith.constant 0 : i32
    %add3A_3 = arith.addi %mul3A_0, %add3A : i32
    "tpu.region"() ({
      %run_scoped3A_93 = tpu.sem_alloc : memref<!tpu.dma_semaphore, #tpu.memory_space<semaphore_mem>>
      %dma_start3A = arith.constant 0 : i32
      %dma_start3A_94 = tpu.memref_slice %arg4[%add3A_3, %dma_start3A] : memref<1280x128xi32, #tpu.memory_space<hbm>> -> memref<40x128xi32, #tpu.memory_space<hbm>>
      %dma_start3A_95 = arith.constant 0 : i32
      %dma_start3A_96 = tpu.memref_slice %arg4[%add3A_3, %dma_start3A_95] : memref<1280x128xi32, #tpu.memory_space<hbm>> -> memref<40x128xi32, #tpu.memory_space<hbm>>
      tpu.enqueue_dma source(%dma_start3A_96 : memref<40x128xi32, #tpu.memory_space<hbm>>) target(%arg9 : memref<40x128xi32, #tpu.memory_space<vmem>>) target_semaphore(%run_scoped3A_93 : memref<!tpu.dma_semaphore, #tpu.memory_space<semaphore_mem>>)
      %dma_wait3A_97 = arith.constant 0 : i32
      %dma_wait3A_98 = tpu.memref_slice %arg4[%add3A_3, %dma_wait3A_97] : memref<1280x128xi32, #tpu.memory_space<hbm>> -> memref<40x128xi32, #tpu.memory_space<hbm>>
      %dma_wait3A_99 = arith.constant 0 : i32
      %dma_wait3A_100 = tpu.memref_slice %arg4[%add3A_3, %dma_wait3A_99] : memref<1280x128xi32, #tpu.memory_space<hbm>> -> memref<40x128xi32, #tpu.memory_space<hbm>>
      tpu.wait_dma2 semaphore(%run_scoped3A_93 : memref<!tpu.dma_semaphore, #tpu.memory_space<semaphore_mem>>) src(%dma_wait3A_100 : memref<40x128xi32, #tpu.memory_space<hbm>>) dst(%arg9 : memref<40x128xi32, #tpu.memory_space<vmem>>)
      tpu.yield
    }) : () -> ()
    %add3A_4 = arith.constant 0 : i32
    %add3A_5 = arith.addi %mul3A_0, %add3A_4 : i32
    "tpu.region"() ({
      %run_scoped3A_93 = tpu.sem_alloc : memref<!tpu.dma_semaphore, #tpu.memory_space<semaphore_mem>>
      %dma_start3A = arith.constant 0 : i32
      %dma_start3A_94 = tpu.memref_slice %arg5[%add3A_5, %dma_start3A] : memref<1280x128xi32, #tpu.memory_space<hbm>> -> memref<40x128xi32, #tpu.memory_space<hbm>>
      %dma_start3A_95 = arith.constant 0 : i32
      %dma_start3A_96 = tpu.memref_slice %arg5[%add3A_5, %dma_start3A_95] : memref<1280x128xi32, #tpu.memory_space<hbm>> -> memref<40x128xi32, #tpu.memory_space<hbm>>
      tpu.enqueue_dma source(%dma_start3A_96 : memref<40x128xi32, #tpu.memory_space<hbm>>) target(%arg10 : memref<40x128xi32, #tpu.memory_space<vmem>>) target_semaphore(%run_scoped3A_93 : memref<!tpu.dma_semaphore, #tpu.memory_space<semaphore_mem>>)
      %dma_wait3A_97 = arith.constant 0 : i32
      %dma_wait3A_98 = tpu.memref_slice %arg5[%add3A_5, %dma_wait3A_97] : memref<1280x128xi32, #tpu.memory_space<hbm>> -> memref<40x128xi32, #tpu.memory_space<hbm>>
      %dma_wait3A_99 = arith.constant 0 : i32
      %dma_wait3A_100 = tpu.memref_slice %arg5[%add3A_5, %dma_wait3A_99] : memref<1280x128xi32, #tpu.memory_space<hbm>> -> memref<40x128xi32, #tpu.memory_space<hbm>>
      tpu.wait_dma2 semaphore(%run_scoped3A_93 : memref<!tpu.dma_semaphore, #tpu.memory_space<semaphore_mem>>) src(%dma_wait3A_100 : memref<40x128xi32, #tpu.memory_space<hbm>>) dst(%arg10 : memref<40x128xi32, #tpu.memory_space<vmem>>)
      tpu.yield
    }) : () -> ()
    %eq3A = arith.constant 0 : i32
    %eq3A_6 = arith.cmpi eq, %arg0, %eq3A : i32
    %convert_element_type3A = arith.extui %eq3A_6 : i1 to i32
    %cond3A = arith.constant 0 : i32
    %cond3A_7 = arith.cmpi ne, %convert_element_type3A, %cond3A : i32
    scf.if %cond3A_7 {
      %dma_start3A = arith.constant 0 : i32
      %dma_start3A_93 = arith.constant 0 : i32
      %dma_start3A_94 = tpu.memref_slice %arg9[%dma_start3A, %dma_start3A_93] : memref<40x128xi32, #tpu.memory_space<vmem>> -> memref<1x128xi32, #tpu.memory_space<vmem>>
      %dma_start3A_95 = tpu.memref_squeeze %dma_start3A_94 : memref<1x128xi32, #tpu.memory_space<vmem>> -> memref<128xi32, #tpu.memory_space<vmem>>
      %dma_start3A_96 = arith.constant 0 : i32
      %dma_start3A_97 = arith.constant 0 : i32
      %dma_start3A_98 = tpu.memref_slice %arg2[%dma_start3A_96, %dma_start3A_97] : memref<10000x128xf32, #tpu.memory_space<hbm>> -> memref<10000x128xf32, #tpu.memory_space<hbm>>
      tpu.enqueue_indirect_dma source(%dma_start3A_98 : memref<10000x128xf32, #tpu.memory_space<hbm>>) target(%arg11 : memref<128x128xf32, #tpu.memory_space<vmem>>) offsets(%dma_start3A_95 : memref<128xi32, #tpu.memory_space<vmem>>) semaphore(%arg14 : memref<!tpu.dma_semaphore, #tpu.memory_space<semaphore_mem>>)
    } else {
    }
    %eq3A_8 = arith.constant 1 : i32
    %eq3A_9 = arith.cmpi eq, %arg0, %eq3A_8 : i32
    %convert_element_type3A_10 = arith.extui %eq3A_9 : i1 to i32
    %cond3A_11 = arith.constant 0 : i32
    %cond3A_12 = arith.cmpi ne, %convert_element_type3A_10, %cond3A_11 : i32
    scf.if %cond3A_12 {
      %dma_start3A = arith.constant 0 : i32
      %dma_start3A_93 = arith.constant 0 : i32
      %dma_start3A_94 = tpu.memref_slice %arg9[%dma_start3A, %dma_start3A_93] : memref<40x128xi32, #tpu.memory_space<vmem>> -> memref<1x128xi32, #tpu.memory_space<vmem>>
      %dma_start3A_95 = tpu.memref_squeeze %dma_start3A_94 : memref<1x128xi32, #tpu.memory_space<vmem>> -> memref<128xi32, #tpu.memory_space<vmem>>
      %dma_start3A_96 = arith.constant 0 : i32
      %dma_start3A_97 = arith.constant 0 : i32
      %dma_start3A_98 = tpu.memref_slice %arg3[%dma_start3A_96, %dma_start3A_97] : memref<10000x128xf32, #tpu.memory_space<hbm>> -> memref<10000x128xf32, #tpu.memory_space<hbm>>
      tpu.enqueue_indirect_dma source(%dma_start3A_98 : memref<10000x128xf32, #tpu.memory_space<hbm>>) target(%arg11 : memref<128x128xf32, #tpu.memory_space<vmem>>) offsets(%dma_start3A_95 : memref<128xi32, #tpu.memory_space<vmem>>) semaphore(%arg14 : memref<!tpu.dma_semaphore, #tpu.memory_space<semaphore_mem>>)
    } else {
    }
    %scan3A = arith.constant 0 : i32
    %scan3A_13 = arith.constant 19 : i32
    %scan3A_14 = arith.addi %scan3A, %scan3A_13 : i32
    %scan3A_15 = arith.constant 1 : i32
    scf.for %scan3A_93 = %scan3A to %scan3A_14 step %scan3A_15  : i32 {
      %mul3A_94 = arith.constant 1 : i32
      %mul3A_95 = arith.muli %scan3A_93, %mul3A_94 : i32
      %add3A_96 = arith.constant 0 : i32
      %add3A_97 = arith.addi %add3A_96, %mul3A_95 : i32
      %mul3A_98 = arith.constant 2 : i32
      %mul3A_99 = arith.muli %mul3A_98, %add3A_97 : i32
      %dma_wait3A_100 = arith.constant 0 : i32
      %dma_wait3A_101 = arith.constant 0 : i32
      %dma_wait3A_102 = tpu.memref_slice %arg2[%dma_wait3A_100, %dma_wait3A_101] : memref<10000x128xf32, #tpu.memory_space<hbm>> -> memref<128x128xf32, #tpu.memory_space<hbm>>
      %dma_wait3A_103 = arith.constant 0 : i32
      %dma_wait3A_104 = arith.constant 0 : i32
      %dma_wait3A_105 = tpu.memref_slice %arg2[%dma_wait3A_103, %dma_wait3A_104] : memref<10000x128xf32, #tpu.memory_space<hbm>> -> memref<128x128xf32, #tpu.memory_space<hbm>>
      tpu.wait_dma2 semaphore(%arg14 : memref<!tpu.dma_semaphore, #tpu.memory_space<semaphore_mem>>) src(%dma_wait3A_105 : memref<128x128xf32, #tpu.memory_space<hbm>>) dst(%arg11 : memref<128x128xf32, #tpu.memory_space<vmem>>)
      %add3A_106 = arith.constant 1 : i32
      %add3A_107 = arith.addi %mul3A_99, %add3A_106 : i32
      %eq3A_108 = arith.constant 0 : i32
      %eq3A_109 = arith.cmpi eq, %arg0, %eq3A_108 : i32
      %convert_element_type3A_110 = arith.extui %eq3A_109 : i1 to i32
      %cond3A_111 = arith.constant 0 : i32
      %cond3A_112 = arith.cmpi ne, %convert_element_type3A_110, %cond3A_111 : i32
      scf.if %cond3A_112 {
        %dma_start3A = arith.constant 0 : i32
        %dma_start3A_138 = tpu.memref_slice %arg9[%add3A_107, %dma_start3A] : memref<40x128xi32, #tpu.memory_space<vmem>> -> memref<1x128xi32, #tpu.memory_space<vmem>>
        %dma_start3A_139 = tpu.memref_squeeze %dma_start3A_138 : memref<1x128xi32, #tpu.memory_space<vmem>> -> memref<128xi32, #tpu.memory_space<vmem>>
        %dma_start3A_140 = arith.constant 0 : i32
        %dma_start3A_141 = arith.constant 0 : i32
        %dma_start3A_142 = tpu.memref_slice %arg2[%dma_start3A_140, %dma_start3A_141] : memref<10000x128xf32, #tpu.memory_space<hbm>> -> memref<10000x128xf32, #tpu.memory_space<hbm>>
        tpu.enqueue_indirect_dma source(%dma_start3A_142 : memref<10000x128xf32, #tpu.memory_space<hbm>>) target(%arg12 : memref<128x128xf32, #tpu.memory_space<vmem>>) offsets(%dma_start3A_139 : memref<128xi32, #tpu.memory_space<vmem>>) semaphore(%arg15 : memref<!tpu.dma_semaphore, #tpu.memory_space<semaphore_mem>>)
      } else {
      }
      %eq3A_113 = arith.constant 1 : i32
      %eq3A_114 = arith.cmpi eq, %arg0, %eq3A_113 : i32
      %convert_element_type3A_115 = arith.extui %eq3A_114 : i1 to i32
      %cond3A_116 = arith.constant 0 : i32
      %cond3A_117 = arith.cmpi ne, %convert_element_type3A_115, %cond3A_116 : i32
      scf.if %cond3A_117 {
        %dma_start3A = arith.constant 0 : i32
        %dma_start3A_138 = tpu.memref_slice %arg9[%add3A_107, %dma_start3A] : memref<40x128xi32, #tpu.memory_space<vmem>> -> memref<1x128xi32, #tpu.memory_space<vmem>>
        %dma_start3A_139 = tpu.memref_squeeze %dma_start3A_138 : memref<1x128xi32, #tpu.memory_space<vmem>> -> memref<128xi32, #tpu.memory_space<vmem>>
        %dma_start3A_140 = arith.constant 0 : i32
        %dma_start3A_141 = arith.constant 0 : i32
        %dma_start3A_142 = tpu.memref_slice %arg3[%dma_start3A_140, %dma_start3A_141] : memref<10000x128xf32, #tpu.memory_space<hbm>> -> memref<10000x128xf32, #tpu.memory_space<hbm>>
        tpu.enqueue_indirect_dma source(%dma_start3A_142 : memref<10000x128xf32, #tpu.memory_space<hbm>>) target(%arg12 : memref<128x128xf32, #tpu.memory_space<vmem>>) offsets(%dma_start3A_139 : memref<128xi32, #tpu.memory_space<vmem>>) semaphore(%arg15 : memref<!tpu.dma_semaphore, #tpu.memory_space<semaphore_mem>>)
      } else {
      }
      "tpu.region"() ({
        %run_scoped3A_138 = tpu.sem_alloc : memref<!tpu.dma_semaphore, #tpu.memory_space<semaphore_mem>>
        %dma_start3A = arith.constant 0 : i32
        %dma_start3A_139 = tpu.memref_slice %arg10[%mul3A_99, %dma_start3A] : memref<40x128xi32, #tpu.memory_space<vmem>> -> memref<1x128xi32, #tpu.memory_space<vmem>>
        %dma_start3A_140 = tpu.memref_squeeze %dma_start3A_139 : memref<1x128xi32, #tpu.memory_space<vmem>> -> memref<128xi32, #tpu.memory_space<vmem>>
        %dma_start3A_141 = arith.constant 0 : i32
        %dma_start3A_142 = arith.constant 0 : i32
        %dma_start3A_143 = tpu.memref_slice %arg13[%dma_start3A_141, %dma_start3A_142] : memref<10112x128xf32, #tpu.memory_space<vmem_shared>> -> memref<10112x128xf32, #tpu.memory_space<vmem_shared>>
        tpu.enqueue_indirect_dma source(%arg11 : memref<128x128xf32, #tpu.memory_space<vmem>>) target(%dma_start3A_143 : memref<10112x128xf32, #tpu.memory_space<vmem_shared>>) offsets(%dma_start3A_140 : memref<128xi32, #tpu.memory_space<vmem>>) semaphore(%run_scoped3A_138 : memref<!tpu.dma_semaphore, #tpu.memory_space<semaphore_mem>>) {add = true}
        %dma_wait3A_144 = arith.constant 0 : i32
        %dma_wait3A_145 = tpu.memref_slice %arg10[%mul3A_99, %dma_wait3A_144] : memref<40x128xi32, #tpu.memory_space<vmem>> -> memref<1x128xi32, #tpu.memory_space<vmem>>
        %dma_wait3A_146 = tpu.memref_squeeze %dma_wait3A_145 : memref<1x128xi32, #tpu.memory_space<vmem>> -> memref<128xi32, #tpu.memory_space<vmem>>
        %dma_wait3A_147 = arith.constant 0 : i32
        %dma_wait3A_148 = arith.constant 0 : i32
        %dma_wait3A_149 = tpu.memref_slice %arg13[%dma_wait3A_147, %dma_wait3A_148] : memref<10112x128xf32, #tpu.memory_space<vmem_shared>> -> memref<10112x128xf32, #tpu.memory_space<vmem_shared>>
        tpu.wait_indirect_dma semaphore(%run_scoped3A_138 : memref<!tpu.dma_semaphore, #tpu.memory_space<semaphore_mem>>) src(%arg11 : memref<128x128xf32, #tpu.memory_space<vmem>>) dst(%dma_wait3A_149 : memref<10112x128xf32, #tpu.memory_space<vmem_shared>>)
        tpu.yield
      }) : () -> ()
      %dma_wait3A_118 = arith.constant 0 : i32
      %dma_wait3A_119 = arith.constant 0 : i32
      %dma_wait3A_120 = tpu.memref_slice %arg2[%dma_wait3A_118, %dma_wait3A_119] : memref<10000x128xf32, #tpu.memory_space<hbm>> -> memref<128x128xf32, #tpu.memory_space<hbm>>
      %dma_wait3A_121 = arith.constant 0 : i32
      %dma_wait3A_122 = arith.constant 0 : i32
      %dma_wait3A_123 = tpu.memref_slice %arg2[%dma_wait3A_121, %dma_wait3A_122] : memref<10000x128xf32, #tpu.memory_space<hbm>> -> memref<128x128xf32, #tpu.memory_space<hbm>>
      tpu.wait_dma2 semaphore(%arg15 : memref<!tpu.dma_semaphore, #tpu.memory_space<semaphore_mem>>) src(%dma_wait3A_123 : memref<128x128xf32, #tpu.memory_space<hbm>>) dst(%arg12 : memref<128x128xf32, #tpu.memory_space<vmem>>)
      %add3A_124 = arith.constant 2 : i32
      %add3A_125 = arith.addi %mul3A_99, %add3A_124 : i32
      %eq3A_126 = arith.constant 0 : i32
      %eq3A_127 = arith.cmpi eq, %arg0, %eq3A_126 : i32
      %convert_element_type3A_128 = arith.extui %eq3A_127 : i1 to i32
      %cond3A_129 = arith.constant 0 : i32
      %cond3A_130 = arith.cmpi ne, %convert_element_type3A_128, %cond3A_129 : i32
      scf.if %cond3A_130 {
        %dma_start3A = arith.constant 0 : i32
        %dma_start3A_138 = tpu.memref_slice %arg9[%add3A_125, %dma_start3A] : memref<40x128xi32, #tpu.memory_space<vmem>> -> memref<1x128xi32, #tpu.memory_space<vmem>>
        %dma_start3A_139 = tpu.memref_squeeze %dma_start3A_138 : memref<1x128xi32, #tpu.memory_space<vmem>> -> memref<128xi32, #tpu.memory_space<vmem>>
        %dma_start3A_140 = arith.constant 0 : i32
        %dma_start3A_141 = arith.constant 0 : i32
        %dma_start3A_142 = tpu.memref_slice %arg2[%dma_start3A_140, %dma_start3A_141] : memref<10000x128xf32, #tpu.memory_space<hbm>> -> memref<10000x128xf32, #tpu.memory_space<hbm>>
        tpu.enqueue_indirect_dma source(%dma_start3A_142 : memref<10000x128xf32, #tpu.memory_space<hbm>>) target(%arg11 : memref<128x128xf32, #tpu.memory_space<vmem>>) offsets(%dma_start3A_139 : memref<128xi32, #tpu.memory_space<vmem>>) semaphore(%arg14 : memref<!tpu.dma_semaphore, #tpu.memory_space<semaphore_mem>>)
      } else {
      }
      %eq3A_131 = arith.constant 1 : i32
      %eq3A_132 = arith.cmpi eq, %arg0, %eq3A_131 : i32
      %convert_element_type3A_133 = arith.extui %eq3A_132 : i1 to i32
      %cond3A_134 = arith.constant 0 : i32
      %cond3A_135 = arith.cmpi ne, %convert_element_type3A_133, %cond3A_134 : i32
      scf.if %cond3A_135 {
        %dma_start3A = arith.constant 0 : i32
        %dma_start3A_138 = tpu.memref_slice %arg9[%add3A_125, %dma_start3A] : memref<40x128xi32, #tpu.memory_space<vmem>> -> memref<1x128xi32, #tpu.memory_space<vmem>>
        %dma_start3A_139 = tpu.memref_squeeze %dma_start3A_138 : memref<1x128xi32, #tpu.memory_space<vmem>> -> memref<128xi32, #tpu.memory_space<vmem>>
        %dma_start3A_140 = arith.constant 0 : i32
        %dma_start3A_141 = arith.constant 0 : i32
        %dma_start3A_142 = tpu.memref_slice %arg3[%dma_start3A_140, %dma_start3A_141] : memref<10000x128xf32, #tpu.memory_space<hbm>> -> memref<10000x128xf32, #tpu.memory_space<hbm>>
        tpu.enqueue_indirect_dma source(%dma_start3A_142 : memref<10000x128xf32, #tpu.memory_space<hbm>>) target(%arg11 : memref<128x128xf32, #tpu.memory_space<vmem>>) offsets(%dma_start3A_139 : memref<128xi32, #tpu.memory_space<vmem>>) semaphore(%arg14 : memref<!tpu.dma_semaphore, #tpu.memory_space<semaphore_mem>>)
      } else {
      }
      %add3A_136 = arith.constant 1 : i32
      %add3A_137 = arith.addi %mul3A_99, %add3A_136 : i32
      "tpu.region"() ({
        %run_scoped3A_138 = tpu.sem_alloc : memref<!tpu.dma_semaphore, #tpu.memory_space<semaphore_mem>>
        %dma_start3A = arith.constant 0 : i32
        %dma_start3A_139 = tpu.memref_slice %arg10[%add3A_137, %dma_start3A] : memref<40x128xi32, #tpu.memory_space<vmem>> -> memref<1x128xi32, #tpu.memory_space<vmem>>
        %dma_start3A_140 = tpu.memref_squeeze %dma_start3A_139 : memref<1x128xi32, #tpu.memory_space<vmem>> -> memref<128xi32, #tpu.memory_space<vmem>>
        %dma_start3A_141 = arith.constant 0 : i32
        %dma_start3A_142 = arith.constant 0 : i32
        %dma_start3A_143 = tpu.memref_slice %arg13[%dma_start3A_141, %dma_start3A_142] : memref<10112x128xf32, #tpu.memory_space<vmem_shared>> -> memref<10112x128xf32, #tpu.memory_space<vmem_shared>>
        tpu.enqueue_indirect_dma source(%arg12 : memref<128x128xf32, #tpu.memory_space<vmem>>) target(%dma_start3A_143 : memref<10112x128xf32, #tpu.memory_space<vmem_shared>>) offsets(%dma_start3A_140 : memref<128xi32, #tpu.memory_space<vmem>>) semaphore(%run_scoped3A_138 : memref<!tpu.dma_semaphore, #tpu.memory_space<semaphore_mem>>) {add = true}
        %dma_wait3A_144 = arith.constant 0 : i32
        %dma_wait3A_145 = tpu.memref_slice %arg10[%add3A_137, %dma_wait3A_144] : memref<40x128xi32, #tpu.memory_space<vmem>> -> memref<1x128xi32, #tpu.memory_space<vmem>>
        %dma_wait3A_146 = tpu.memref_squeeze %dma_wait3A_145 : memref<1x128xi32, #tpu.memory_space<vmem>> -> memref<128xi32, #tpu.memory_space<vmem>>
        %dma_wait3A_147 = arith.constant 0 : i32
        %dma_wait3A_148 = arith.constant 0 : i32
        %dma_wait3A_149 = tpu.memref_slice %arg13[%dma_wait3A_147, %dma_wait3A_148] : memref<10112x128xf32, #tpu.memory_space<vmem_shared>> -> memref<10112x128xf32, #tpu.memory_space<vmem_shared>>
        tpu.wait_indirect_dma semaphore(%run_scoped3A_138 : memref<!tpu.dma_semaphore, #tpu.memory_space<semaphore_mem>>) src(%arg12 : memref<128x128xf32, #tpu.memory_space<vmem>>) dst(%dma_wait3A_149 : memref<10112x128xf32, #tpu.memory_space<vmem_shared>>)
        tpu.yield
      }) : () -> ()
    }
    %scan3A_16 = arith.constant 19 : i32
    %dma_wait3A = arith.constant 0 : i32
    %dma_wait3A_17 = arith.constant 0 : i32
    %dma_wait3A_18 = tpu.memref_slice %arg2[%dma_wait3A, %dma_wait3A_17] : memref<10000x128xf32, #tpu.memory_space<hbm>> -> memref<128x128xf32, #tpu.memory_space<hbm>>
    %dma_wait3A_19 = arith.constant 0 : i32
    %dma_wait3A_20 = arith.constant 0 : i32
    %dma_wait3A_21 = tpu.memref_slice %arg2[%dma_wait3A_19, %dma_wait3A_20] : memref<10000x128xf32, #tpu.memory_space<hbm>> -> memref<128x128xf32, #tpu.memory_space<hbm>>
    tpu.wait_dma2 semaphore(%arg14 : memref<!tpu.dma_semaphore, #tpu.memory_space<semaphore_mem>>) src(%dma_wait3A_21 : memref<128x128xf32, #tpu.memory_space<hbm>>) dst(%arg11 : memref<128x128xf32, #tpu.memory_space<vmem>>)
    %eq3A_22 = arith.constant 0 : i32
    %eq3A_23 = arith.cmpi eq, %arg0, %eq3A_22 : i32
    %convert_element_type3A_24 = arith.extui %eq3A_23 : i1 to i32
    %cond3A_25 = arith.constant 0 : i32
    %cond3A_26 = arith.cmpi ne, %convert_element_type3A_24, %cond3A_25 : i32
    scf.if %cond3A_26 {
      %dma_start3A = arith.constant 39 : i32
      %dma_start3A_93 = arith.constant 0 : i32
      %dma_start3A_94 = tpu.memref_slice %arg9[%dma_start3A, %dma_start3A_93] : memref<40x128xi32, #tpu.memory_space<vmem>> -> memref<1x128xi32, #tpu.memory_space<vmem>>
      %dma_start3A_95 = tpu.memref_squeeze %dma_start3A_94 : memref<1x128xi32, #tpu.memory_space<vmem>> -> memref<128xi32, #tpu.memory_space<vmem>>
      %dma_start3A_96 = arith.constant 0 : i32
      %dma_start3A_97 = arith.constant 0 : i32
      %dma_start3A_98 = tpu.memref_slice %arg2[%dma_start3A_96, %dma_start3A_97] : memref<10000x128xf32, #tpu.memory_space<hbm>> -> memref<10000x128xf32, #tpu.memory_space<hbm>>
      tpu.enqueue_indirect_dma source(%dma_start3A_98 : memref<10000x128xf32, #tpu.memory_space<hbm>>) target(%arg12 : memref<128x128xf32, #tpu.memory_space<vmem>>) offsets(%dma_start3A_95 : memref<128xi32, #tpu.memory_space<vmem>>) semaphore(%arg15 : memref<!tpu.dma_semaphore, #tpu.memory_space<semaphore_mem>>)
    } else {
    }
    %eq3A_27 = arith.constant 1 : i32
    %eq3A_28 = arith.cmpi eq, %arg0, %eq3A_27 : i32
    %convert_element_type3A_29 = arith.extui %eq3A_28 : i1 to i32
    %cond3A_30 = arith.constant 0 : i32
    %cond3A_31 = arith.cmpi ne, %convert_element_type3A_29, %cond3A_30 : i32
    scf.if %cond3A_31 {
      %dma_start3A = arith.constant 39 : i32
      %dma_start3A_93 = arith.constant 0 : i32
      %dma_start3A_94 = tpu.memref_slice %arg9[%dma_start3A, %dma_start3A_93] : memref<40x128xi32, #tpu.memory_space<vmem>> -> memref<1x128xi32, #tpu.memory_space<vmem>>
      %dma_start3A_95 = tpu.memref_squeeze %dma_start3A_94 : memref<1x128xi32, #tpu.memory_space<vmem>> -> memref<128xi32, #tpu.memory_space<vmem>>
      %dma_start3A_96 = arith.constant 0 : i32
      %dma_start3A_97 = arith.constant 0 : i32
      %dma_start3A_98 = tpu.memref_slice %arg3[%dma_start3A_96, %dma_start3A_97] : memref<10000x128xf32, #tpu.memory_space<hbm>> -> memref<10000x128xf32, #tpu.memory_space<hbm>>
      tpu.enqueue_indirect_dma source(%dma_start3A_98 : memref<10000x128xf32, #tpu.memory_space<hbm>>) target(%arg12 : memref<128x128xf32, #tpu.memory_space<vmem>>) offsets(%dma_start3A_95 : memref<128xi32, #tpu.memory_space<vmem>>) semaphore(%arg15 : memref<!tpu.dma_semaphore, #tpu.memory_space<semaphore_mem>>)
    } else {
    }
    %run_scoped3A = arith.constant 38 : i32
    "tpu.region"() ({
      %run_scoped3A_93 = tpu.sem_alloc : memref<!tpu.dma_semaphore, #tpu.memory_space<semaphore_mem>>
      %dma_start3A = arith.constant 0 : i32
      %dma_start3A_94 = tpu.memref_slice %arg10[%run_scoped3A, %dma_start3A] : memref<40x128xi32, #tpu.memory_space<vmem>> -> memref<1x128xi32, #tpu.memory_space<vmem>>
      %dma_start3A_95 = tpu.memref_squeeze %dma_start3A_94 : memref<1x128xi32, #tpu.memory_space<vmem>> -> memref<128xi32, #tpu.memory_space<vmem>>
      %dma_start3A_96 = arith.constant 0 : i32
      %dma_start3A_97 = arith.constant 0 : i32
      %dma_start3A_98 = tpu.memref_slice %arg13[%dma_start3A_96, %dma_start3A_97] : memref<10112x128xf32, #tpu.memory_space<vmem_shared>> -> memref<10112x128xf32, #tpu.memory_space<vmem_shared>>
      tpu.enqueue_indirect_dma source(%arg11 : memref<128x128xf32, #tpu.memory_space<vmem>>) target(%dma_start3A_98 : memref<10112x128xf32, #tpu.memory_space<vmem_shared>>) offsets(%dma_start3A_95 : memref<128xi32, #tpu.memory_space<vmem>>) semaphore(%run_scoped3A_93 : memref<!tpu.dma_semaphore, #tpu.memory_space<semaphore_mem>>) {add = true}
      %dma_wait3A_99 = arith.constant 0 : i32
      %dma_wait3A_100 = tpu.memref_slice %arg10[%run_scoped3A, %dma_wait3A_99] : memref<40x128xi32, #tpu.memory_space<vmem>> -> memref<1x128xi32, #tpu.memory_space<vmem>>
      %dma_wait3A_101 = tpu.memref_squeeze %dma_wait3A_100 : memref<1x128xi32, #tpu.memory_space<vmem>> -> memref<128xi32, #tpu.memory_space<vmem>>
      %dma_wait3A_102 = arith.constant 0 : i32
      %dma_wait3A_103 = arith.constant 0 : i32
      %dma_wait3A_104 = tpu.memref_slice %arg13[%dma_wait3A_102, %dma_wait3A_103] : memref<10112x128xf32, #tpu.memory_space<vmem_shared>> -> memref<10112x128xf32, #tpu.memory_space<vmem_shared>>
      tpu.wait_indirect_dma semaphore(%run_scoped3A_93 : memref<!tpu.dma_semaphore, #tpu.memory_space<semaphore_mem>>) src(%arg11 : memref<128x128xf32, #tpu.memory_space<vmem>>) dst(%dma_wait3A_104 : memref<10112x128xf32, #tpu.memory_space<vmem_shared>>)
      tpu.yield
    }) : () -> ()
    %dma_wait3A_32 = arith.constant 0 : i32
    %dma_wait3A_33 = arith.constant 0 : i32
    %dma_wait3A_34 = tpu.memref_slice %arg2[%dma_wait3A_32, %dma_wait3A_33] : memref<10000x128xf32, #tpu.memory_space<hbm>> -> memref<128x128xf32, #tpu.memory_space<hbm>>
    %dma_wait3A_35 = arith.constant 0 : i32
    %dma_wait3A_36 = arith.constant 0 : i32
    %dma_wait3A_37 = tpu.memref_slice %arg2[%dma_wait3A_35, %dma_wait3A_36] : memref<10000x128xf32, #tpu.memory_space<hbm>> -> memref<128x128xf32, #tpu.memory_space<hbm>>
    tpu.wait_dma2 semaphore(%arg15 : memref<!tpu.dma_semaphore, #tpu.memory_space<semaphore_mem>>) src(%dma_wait3A_37 : memref<128x128xf32, #tpu.memory_space<hbm>>) dst(%arg12 : memref<128x128xf32, #tpu.memory_space<vmem>>)
    %run_scoped3A_38 = arith.constant 39 : i32
    "tpu.region"() ({
      %run_scoped3A_93 = tpu.sem_alloc : memref<!tpu.dma_semaphore, #tpu.memory_space<semaphore_mem>>
      %dma_start3A = arith.constant 0 : i32
      %dma_start3A_94 = tpu.memref_slice %arg10[%run_scoped3A_38, %dma_start3A] : memref<40x128xi32, #tpu.memory_space<vmem>> -> memref<1x128xi32, #tpu.memory_space<vmem>>
      %dma_start3A_95 = tpu.memref_squeeze %dma_start3A_94 : memref<1x128xi32, #tpu.memory_space<vmem>> -> memref<128xi32, #tpu.memory_space<vmem>>
      %dma_start3A_96 = arith.constant 0 : i32
      %dma_start3A_97 = arith.constant 0 : i32
      %dma_start3A_98 = tpu.memref_slice %arg13[%dma_start3A_96, %dma_start3A_97] : memref<10112x128xf32, #tpu.memory_space<vmem_shared>> -> memref<10112x128xf32, #tpu.memory_space<vmem_shared>>
      tpu.enqueue_indirect_dma source(%arg12 : memref<128x128xf32, #tpu.memory_space<vmem>>) target(%dma_start3A_98 : memref<10112x128xf32, #tpu.memory_space<vmem_shared>>) offsets(%dma_start3A_95 : memref<128xi32, #tpu.memory_space<vmem>>) semaphore(%run_scoped3A_93 : memref<!tpu.dma_semaphore, #tpu.memory_space<semaphore_mem>>) {add = true}
      %dma_wait3A_99 = arith.constant 0 : i32
      %dma_wait3A_100 = tpu.memref_slice %arg10[%run_scoped3A_38, %dma_wait3A_99] : memref<40x128xi32, #tpu.memory_space<vmem>> -> memref<1x128xi32, #tpu.memory_space<vmem>>
      %dma_wait3A_101 = tpu.memref_squeeze %dma_wait3A_100 : memref<1x128xi32, #tpu.memory_space<vmem>> -> memref<128xi32, #tpu.memory_space<vmem>>
      %dma_wait3A_102 = arith.constant 0 : i32
      %dma_wait3A_103 = arith.constant 0 : i32
      %dma_wait3A_104 = tpu.memref_slice %arg13[%dma_wait3A_102, %dma_wait3A_103] : memref<10112x128xf32, #tpu.memory_space<vmem_shared>> -> memref<10112x128xf32, #tpu.memory_space<vmem_shared>>
      tpu.wait_indirect_dma semaphore(%run_scoped3A_93 : memref<!tpu.dma_semaphore, #tpu.memory_space<semaphore_mem>>) src(%arg12 : memref<128x128xf32, #tpu.memory_space<vmem>>) dst(%dma_wait3A_104 : memref<10112x128xf32, #tpu.memory_space<vmem_shared>>)
      tpu.yield
    }) : () -> ()
    %add3A_39 = arith.constant 40 : i32
    %add3A_40 = arith.addi %mul3A_0, %add3A_39 : i32
    "tpu.region"() ({
      %run_scoped3A_93 = tpu.sem_alloc : memref<!tpu.dma_semaphore, #tpu.memory_space<semaphore_mem>>
      %dma_start3A = arith.constant 0 : i32
      %dma_start3A_94 = tpu.memref_slice %arg4[%add3A_40, %dma_start3A] : memref<1280x128xi32, #tpu.memory_space<hbm>> -> memref<40x128xi32, #tpu.memory_space<hbm>>
      %dma_start3A_95 = arith.constant 0 : i32
      %dma_start3A_96 = tpu.memref_slice %arg4[%add3A_40, %dma_start3A_95] : memref<1280x128xi32, #tpu.memory_space<hbm>> -> memref<40x128xi32, #tpu.memory_space<hbm>>
      tpu.enqueue_dma source(%dma_start3A_96 : memref<40x128xi32, #tpu.memory_space<hbm>>) target(%arg9 : memref<40x128xi32, #tpu.memory_space<vmem>>) target_semaphore(%run_scoped3A_93 : memref<!tpu.dma_semaphore, #tpu.memory_space<semaphore_mem>>)
      %dma_wait3A_97 = arith.constant 0 : i32
      %dma_wait3A_98 = tpu.memref_slice %arg4[%add3A_40, %dma_wait3A_97] : memref<1280x128xi32, #tpu.memory_space<hbm>> -> memref<40x128xi32, #tpu.memory_space<hbm>>
      %dma_wait3A_99 = arith.constant 0 : i32
      %dma_wait3A_100 = tpu.memref_slice %arg4[%add3A_40, %dma_wait3A_99] : memref<1280x128xi32, #tpu.memory_space<hbm>> -> memref<40x128xi32, #tpu.memory_space<hbm>>
      tpu.wait_dma2 semaphore(%run_scoped3A_93 : memref<!tpu.dma_semaphore, #tpu.memory_space<semaphore_mem>>) src(%dma_wait3A_100 : memref<40x128xi32, #tpu.memory_space<hbm>>) dst(%arg9 : memref<40x128xi32, #tpu.memory_space<vmem>>)
      tpu.yield
    }) : () -> ()
    %add3A_41 = arith.constant 40 : i32
    %add3A_42 = arith.addi %mul3A_0, %add3A_41 : i32
    "tpu.region"() ({
      %run_scoped3A_93 = tpu.sem_alloc : memref<!tpu.dma_semaphore, #tpu.memory_space<semaphore_mem>>
      %dma_start3A = arith.constant 0 : i32
      %dma_start3A_94 = tpu.memref_slice %arg5[%add3A_42, %dma_start3A] : memref<1280x128xi32, #tpu.memory_space<hbm>> -> memref<40x128xi32, #tpu.memory_space<hbm>>
      %dma_start3A_95 = arith.constant 0 : i32
      %dma_start3A_96 = tpu.memref_slice %arg5[%add3A_42, %dma_start3A_95] : memref<1280x128xi32, #tpu.memory_space<hbm>> -> memref<40x128xi32, #tpu.memory_space<hbm>>
      tpu.enqueue_dma source(%dma_start3A_96 : memref<40x128xi32, #tpu.memory_space<hbm>>) target(%arg10 : memref<40x128xi32, #tpu.memory_space<vmem>>) target_semaphore(%run_scoped3A_93 : memref<!tpu.dma_semaphore, #tpu.memory_space<semaphore_mem>>)
      %dma_wait3A_97 = arith.constant 0 : i32
      %dma_wait3A_98 = tpu.memref_slice %arg5[%add3A_42, %dma_wait3A_97] : memref<1280x128xi32, #tpu.memory_space<hbm>> -> memref<40x128xi32, #tpu.memory_space<hbm>>
      %dma_wait3A_99 = arith.constant 0 : i32
      %dma_wait3A_100 = tpu.memref_slice %arg5[%add3A_42, %dma_wait3A_99] : memref<1280x128xi32, #tpu.memory_space<hbm>> -> memref<40x128xi32, #tpu.memory_space<hbm>>
      tpu.wait_dma2 semaphore(%run_scoped3A_93 : memref<!tpu.dma_semaphore, #tpu.memory_space<semaphore_mem>>) src(%dma_wait3A_100 : memref<40x128xi32, #tpu.memory_space<hbm>>) dst(%arg10 : memref<40x128xi32, #tpu.memory_space<vmem>>)
      tpu.yield
    }) : () -> ()
    %eq3A_43 = arith.constant 0 : i32
    %eq3A_44 = arith.cmpi eq, %arg0, %eq3A_43 : i32
    %convert_element_type3A_45 = arith.extui %eq3A_44 : i1 to i32
    %cond3A_46 = arith.constant 0 : i32
    %cond3A_47 = arith.cmpi ne, %convert_element_type3A_45, %cond3A_46 : i32
    scf.if %cond3A_47 {
      %dma_start3A = arith.constant 0 : i32
      %dma_start3A_93 = arith.constant 0 : i32
      %dma_start3A_94 = tpu.memref_slice %arg9[%dma_start3A, %dma_start3A_93] : memref<40x128xi32, #tpu.memory_space<vmem>> -> memref<1x128xi32, #tpu.memory_space<vmem>>
      %dma_start3A_95 = tpu.memref_squeeze %dma_start3A_94 : memref<1x128xi32, #tpu.memory_space<vmem>> -> memref<128xi32, #tpu.memory_space<vmem>>
      %dma_start3A_96 = arith.constant 0 : i32
      %dma_start3A_97 = arith.constant 0 : i32
      %dma_start3A_98 = tpu.memref_slice %arg2[%dma_start3A_96, %dma_start3A_97] : memref<10000x128xf32, #tpu.memory_space<hbm>> -> memref<10000x128xf32, #tpu.memory_space<hbm>>
      tpu.enqueue_indirect_dma source(%dma_start3A_98 : memref<10000x128xf32, #tpu.memory_space<hbm>>) target(%arg11 : memref<128x128xf32, #tpu.memory_space<vmem>>) offsets(%dma_start3A_95 : memref<128xi32, #tpu.memory_space<vmem>>) semaphore(%arg14 : memref<!tpu.dma_semaphore, #tpu.memory_space<semaphore_mem>>)
    } else {
    }
    %eq3A_48 = arith.constant 1 : i32
    %eq3A_49 = arith.cmpi eq, %arg0, %eq3A_48 : i32
    %convert_element_type3A_50 = arith.extui %eq3A_49 : i1 to i32
    %cond3A_51 = arith.constant 0 : i32
    %cond3A_52 = arith.cmpi ne, %convert_element_type3A_50, %cond3A_51 : i32
    scf.if %cond3A_52 {
      %dma_start3A = arith.constant 0 : i32
      %dma_start3A_93 = arith.constant 0 : i32
      %dma_start3A_94 = tpu.memref_slice %arg9[%dma_start3A, %dma_start3A_93] : memref<40x128xi32, #tpu.memory_space<vmem>> -> memref<1x128xi32, #tpu.memory_space<vmem>>
      %dma_start3A_95 = tpu.memref_squeeze %dma_start3A_94 : memref<1x128xi32, #tpu.memory_space<vmem>> -> memref<128xi32, #tpu.memory_space<vmem>>
      %dma_start3A_96 = arith.constant 0 : i32
      %dma_start3A_97 = arith.constant 0 : i32
      %dma_start3A_98 = tpu.memref_slice %arg3[%dma_start3A_96, %dma_start3A_97] : memref<10000x128xf32, #tpu.memory_space<hbm>> -> memref<10000x128xf32, #tpu.memory_space<hbm>>
      tpu.enqueue_indirect_dma source(%dma_start3A_98 : memref<10000x128xf32, #tpu.memory_space<hbm>>) target(%arg11 : memref<128x128xf32, #tpu.memory_space<vmem>>) offsets(%dma_start3A_95 : memref<128xi32, #tpu.memory_space<vmem>>) semaphore(%arg14 : memref<!tpu.dma_semaphore, #tpu.memory_space<semaphore_mem>>)
    } else {
    }
    %scan3A_53 = arith.constant 0 : i32
    %scan3A_54 = arith.constant 19 : i32
    %scan3A_55 = arith.addi %scan3A_53, %scan3A_54 : i32
    %scan3A_56 = arith.constant 1 : i32
    scf.for %scan3A_93 = %scan3A_53 to %scan3A_55 step %scan3A_56  : i32 {
      %mul3A_94 = arith.constant 1 : i32
      %mul3A_95 = arith.muli %scan3A_93, %mul3A_94 : i32
      %add3A_96 = arith.constant 0 : i32
      %add3A_97 = arith.addi %add3A_96, %mul3A_95 : i32
      %mul3A_98 = arith.constant 2 : i32
      %mul3A_99 = arith.muli %mul3A_98, %add3A_97 : i32
      %dma_wait3A_100 = arith.constant 0 : i32
      %dma_wait3A_101 = arith.constant 0 : i32
      %dma_wait3A_102 = tpu.memref_slice %arg2[%dma_wait3A_100, %dma_wait3A_101] : memref<10000x128xf32, #tpu.memory_space<hbm>> -> memref<128x128xf32, #tpu.memory_space<hbm>>
      %dma_wait3A_103 = arith.constant 0 : i32
      %dma_wait3A_104 = arith.constant 0 : i32
      %dma_wait3A_105 = tpu.memref_slice %arg2[%dma_wait3A_103, %dma_wait3A_104] : memref<10000x128xf32, #tpu.memory_space<hbm>> -> memref<128x128xf32, #tpu.memory_space<hbm>>
      tpu.wait_dma2 semaphore(%arg14 : memref<!tpu.dma_semaphore, #tpu.memory_space<semaphore_mem>>) src(%dma_wait3A_105 : memref<128x128xf32, #tpu.memory_space<hbm>>) dst(%arg11 : memref<128x128xf32, #tpu.memory_space<vmem>>)
      %add3A_106 = arith.constant 1 : i32
      %add3A_107 = arith.addi %mul3A_99, %add3A_106 : i32
      %eq3A_108 = arith.constant 0 : i32
      %eq3A_109 = arith.cmpi eq, %arg0, %eq3A_108 : i32
      %convert_element_type3A_110 = arith.extui %eq3A_109 : i1 to i32
      %cond3A_111 = arith.constant 0 : i32
      %cond3A_112 = arith.cmpi ne, %convert_element_type3A_110, %cond3A_111 : i32
      scf.if %cond3A_112 {
        %dma_start3A = arith.constant 0 : i32
        %dma_start3A_138 = tpu.memref_slice %arg9[%add3A_107, %dma_start3A] : memref<40x128xi32, #tpu.memory_space<vmem>> -> memref<1x128xi32, #tpu.memory_space<vmem>>
        %dma_start3A_139 = tpu.memref_squeeze %dma_start3A_138 : memref<1x128xi32, #tpu.memory_space<vmem>> -> memref<128xi32, #tpu.memory_space<vmem>>
        %dma_start3A_140 = arith.constant 0 : i32
        %dma_start3A_141 = arith.constant 0 : i32
        %dma_start3A_142 = tpu.memref_slice %arg2[%dma_start3A_140, %dma_start3A_141] : memref<10000x128xf32, #tpu.memory_space<hbm>> -> memref<10000x128xf32, #tpu.memory_space<hbm>>
        tpu.enqueue_indirect_dma source(%dma_start3A_142 : memref<10000x128xf32, #tpu.memory_space<hbm>>) target(%arg12 : memref<128x128xf32, #tpu.memory_space<vmem>>) offsets(%dma_start3A_139 : memref<128xi32, #tpu.memory_space<vmem>>) semaphore(%arg15 : memref<!tpu.dma_semaphore, #tpu.memory_space<semaphore_mem>>)
      } else {
      }
      %eq3A_113 = arith.constant 1 : i32
      %eq3A_114 = arith.cmpi eq, %arg0, %eq3A_113 : i32
      %convert_element_type3A_115 = arith.extui %eq3A_114 : i1 to i32
      %cond3A_116 = arith.constant 0 : i32
      %cond3A_117 = arith.cmpi ne, %convert_element_type3A_115, %cond3A_116 : i32
      scf.if %cond3A_117 {
        %dma_start3A = arith.constant 0 : i32
        %dma_start3A_138 = tpu.memref_slice %arg9[%add3A_107, %dma_start3A] : memref<40x128xi32, #tpu.memory_space<vmem>> -> memref<1x128xi32, #tpu.memory_space<vmem>>
        %dma_start3A_139 = tpu.memref_squeeze %dma_start3A_138 : memref<1x128xi32, #tpu.memory_space<vmem>> -> memref<128xi32, #tpu.memory_space<vmem>>
        %dma_start3A_140 = arith.constant 0 : i32
        %dma_start3A_141 = arith.constant 0 : i32
        %dma_start3A_142 = tpu.memref_slice %arg3[%dma_start3A_140, %dma_start3A_141] : memref<10000x128xf32, #tpu.memory_space<hbm>> -> memref<10000x128xf32, #tpu.memory_space<hbm>>
        tpu.enqueue_indirect_dma source(%dma_start3A_142 : memref<10000x128xf32, #tpu.memory_space<hbm>>) target(%arg12 : memref<128x128xf32, #tpu.memory_space<vmem>>) offsets(%dma_start3A_139 : memref<128xi32, #tpu.memory_space<vmem>>) semaphore(%arg15 : memref<!tpu.dma_semaphore, #tpu.memory_space<semaphore_mem>>)
      } else {
      }
      "tpu.region"() ({
        %run_scoped3A_138 = tpu.sem_alloc : memref<!tpu.dma_semaphore, #tpu.memory_space<semaphore_mem>>
        %dma_start3A = arith.constant 0 : i32
        %dma_start3A_139 = tpu.memref_slice %arg10[%mul3A_99, %dma_start3A] : memref<40x128xi32, #tpu.memory_space<vmem>> -> memref<1x128xi32, #tpu.memory_space<vmem>>
        %dma_start3A_140 = tpu.memref_squeeze %dma_start3A_139 : memref<1x128xi32, #tpu.memory_space<vmem>> -> memref<128xi32, #tpu.memory_space<vmem>>
        %dma_start3A_141 = arith.constant 0 : i32
        %dma_start3A_142 = arith.constant 0 : i32
        %dma_start3A_143 = tpu.memref_slice %arg13[%dma_start3A_141, %dma_start3A_142] : memref<10112x128xf32, #tpu.memory_space<vmem_shared>> -> memref<10112x128xf32, #tpu.memory_space<vmem_shared>>
        tpu.enqueue_indirect_dma source(%arg11 : memref<128x128xf32, #tpu.memory_space<vmem>>) target(%dma_start3A_143 : memref<10112x128xf32, #tpu.memory_space<vmem_shared>>) offsets(%dma_start3A_140 : memref<128xi32, #tpu.memory_space<vmem>>) semaphore(%run_scoped3A_138 : memref<!tpu.dma_semaphore, #tpu.memory_space<semaphore_mem>>) {add = true}
        %dma_wait3A_144 = arith.constant 0 : i32
        %dma_wait3A_145 = tpu.memref_slice %arg10[%mul3A_99, %dma_wait3A_144] : memref<40x128xi32, #tpu.memory_space<vmem>> -> memref<1x128xi32, #tpu.memory_space<vmem>>
        %dma_wait3A_146 = tpu.memref_squeeze %dma_wait3A_145 : memref<1x128xi32, #tpu.memory_space<vmem>> -> memref<128xi32, #tpu.memory_space<vmem>>
        %dma_wait3A_147 = arith.constant 0 : i32
        %dma_wait3A_148 = arith.constant 0 : i32
        %dma_wait3A_149 = tpu.memref_slice %arg13[%dma_wait3A_147, %dma_wait3A_148] : memref<10112x128xf32, #tpu.memory_space<vmem_shared>> -> memref<10112x128xf32, #tpu.memory_space<vmem_shared>>
        tpu.wait_indirect_dma semaphore(%run_scoped3A_138 : memref<!tpu.dma_semaphore, #tpu.memory_space<semaphore_mem>>) src(%arg11 : memref<128x128xf32, #tpu.memory_space<vmem>>) dst(%dma_wait3A_149 : memref<10112x128xf32, #tpu.memory_space<vmem_shared>>)
        tpu.yield
      }) : () -> ()
      %dma_wait3A_118 = arith.constant 0 : i32
      %dma_wait3A_119 = arith.constant 0 : i32
      %dma_wait3A_120 = tpu.memref_slice %arg2[%dma_wait3A_118, %dma_wait3A_119] : memref<10000x128xf32, #tpu.memory_space<hbm>> -> memref<128x128xf32, #tpu.memory_space<hbm>>
      %dma_wait3A_121 = arith.constant 0 : i32
      %dma_wait3A_122 = arith.constant 0 : i32
      %dma_wait3A_123 = tpu.memref_slice %arg2[%dma_wait3A_121, %dma_wait3A_122] : memref<10000x128xf32, #tpu.memory_space<hbm>> -> memref<128x128xf32, #tpu.memory_space<hbm>>
      tpu.wait_dma2 semaphore(%arg15 : memref<!tpu.dma_semaphore, #tpu.memory_space<semaphore_mem>>) src(%dma_wait3A_123 : memref<128x128xf32, #tpu.memory_space<hbm>>) dst(%arg12 : memref<128x128xf32, #tpu.memory_space<vmem>>)
      %add3A_124 = arith.constant 2 : i32
      %add3A_125 = arith.addi %mul3A_99, %add3A_124 : i32
      %eq3A_126 = arith.constant 0 : i32
      %eq3A_127 = arith.cmpi eq, %arg0, %eq3A_126 : i32
      %convert_element_type3A_128 = arith.extui %eq3A_127 : i1 to i32
      %cond3A_129 = arith.constant 0 : i32
      %cond3A_130 = arith.cmpi ne, %convert_element_type3A_128, %cond3A_129 : i32
      scf.if %cond3A_130 {
        %dma_start3A = arith.constant 0 : i32
        %dma_start3A_138 = tpu.memref_slice %arg9[%add3A_125, %dma_start3A] : memref<40x128xi32, #tpu.memory_space<vmem>> -> memref<1x128xi32, #tpu.memory_space<vmem>>
        %dma_start3A_139 = tpu.memref_squeeze %dma_start3A_138 : memref<1x128xi32, #tpu.memory_space<vmem>> -> memref<128xi32, #tpu.memory_space<vmem>>
        %dma_start3A_140 = arith.constant 0 : i32
        %dma_start3A_141 = arith.constant 0 : i32
        %dma_start3A_142 = tpu.memref_slice %arg2[%dma_start3A_140, %dma_start3A_141] : memref<10000x128xf32, #tpu.memory_space<hbm>> -> memref<10000x128xf32, #tpu.memory_space<hbm>>
        tpu.enqueue_indirect_dma source(%dma_start3A_142 : memref<10000x128xf32, #tpu.memory_space<hbm>>) target(%arg11 : memref<128x128xf32, #tpu.memory_space<vmem>>) offsets(%dma_start3A_139 : memref<128xi32, #tpu.memory_space<vmem>>) semaphore(%arg14 : memref<!tpu.dma_semaphore, #tpu.memory_space<semaphore_mem>>)
      } else {
      }
      %eq3A_131 = arith.constant 1 : i32
      %eq3A_132 = arith.cmpi eq, %arg0, %eq3A_131 : i32
      %convert_element_type3A_133 = arith.extui %eq3A_132 : i1 to i32
      %cond3A_134 = arith.constant 0 : i32
      %cond3A_135 = arith.cmpi ne, %convert_element_type3A_133, %cond3A_134 : i32
      scf.if %cond3A_135 {
        %dma_start3A = arith.constant 0 : i32
        %dma_start3A_138 = tpu.memref_slice %arg9[%add3A_125, %dma_start3A] : memref<40x128xi32, #tpu.memory_space<vmem>> -> memref<1x128xi32, #tpu.memory_space<vmem>>
        %dma_start3A_139 = tpu.memref_squeeze %dma_start3A_138 : memref<1x128xi32, #tpu.memory_space<vmem>> -> memref<128xi32, #tpu.memory_space<vmem>>
        %dma_start3A_140 = arith.constant 0 : i32
        %dma_start3A_141 = arith.constant 0 : i32
        %dma_start3A_142 = tpu.memref_slice %arg3[%dma_start3A_140, %dma_start3A_141] : memref<10000x128xf32, #tpu.memory_space<hbm>> -> memref<10000x128xf32, #tpu.memory_space<hbm>>
        tpu.enqueue_indirect_dma source(%dma_start3A_142 : memref<10000x128xf32, #tpu.memory_space<hbm>>) target(%arg11 : memref<128x128xf32, #tpu.memory_space<vmem>>) offsets(%dma_start3A_139 : memref<128xi32, #tpu.memory_space<vmem>>) semaphore(%arg14 : memref<!tpu.dma_semaphore, #tpu.memory_space<semaphore_mem>>)
      } else {
      }
      %add3A_136 = arith.constant 1 : i32
      %add3A_137 = arith.addi %mul3A_99, %add3A_136 : i32
      "tpu.region"() ({
        %run_scoped3A_138 = tpu.sem_alloc : memref<!tpu.dma_semaphore, #tpu.memory_space<semaphore_mem>>
        %dma_start3A = arith.constant 0 : i32
        %dma_start3A_139 = tpu.memref_slice %arg10[%add3A_137, %dma_start3A] : memref<40x128xi32, #tpu.memory_space<vmem>> -> memref<1x128xi32, #tpu.memory_space<vmem>>
        %dma_start3A_140 = tpu.memref_squeeze %dma_start3A_139 : memref<1x128xi32, #tpu.memory_space<vmem>> -> memref<128xi32, #tpu.memory_space<vmem>>
        %dma_start3A_141 = arith.constant 0 : i32
        %dma_start3A_142 = arith.constant 0 : i32
        %dma_start3A_143 = tpu.memref_slice %arg13[%dma_start3A_141, %dma_start3A_142] : memref<10112x128xf32, #tpu.memory_space<vmem_shared>> -> memref<10112x128xf32, #tpu.memory_space<vmem_shared>>
        tpu.enqueue_indirect_dma source(%arg12 : memref<128x128xf32, #tpu.memory_space<vmem>>) target(%dma_start3A_143 : memref<10112x128xf32, #tpu.memory_space<vmem_shared>>) offsets(%dma_start3A_140 : memref<128xi32, #tpu.memory_space<vmem>>) semaphore(%run_scoped3A_138 : memref<!tpu.dma_semaphore, #tpu.memory_space<semaphore_mem>>) {add = true}
        %dma_wait3A_144 = arith.constant 0 : i32
        %dma_wait3A_145 = tpu.memref_slice %arg10[%add3A_137, %dma_wait3A_144] : memref<40x128xi32, #tpu.memory_space<vmem>> -> memref<1x128xi32, #tpu.memory_space<vmem>>
        %dma_wait3A_146 = tpu.memref_squeeze %dma_wait3A_145 : memref<1x128xi32, #tpu.memory_space<vmem>> -> memref<128xi32, #tpu.memory_space<vmem>>
        %dma_wait3A_147 = arith.constant 0 : i32
        %dma_wait3A_148 = arith.constant 0 : i32
        %dma_wait3A_149 = tpu.memref_slice %arg13[%dma_wait3A_147, %dma_wait3A_148] : memref<10112x128xf32, #tpu.memory_space<vmem_shared>> -> memref<10112x128xf32, #tpu.memory_space<vmem_shared>>
        tpu.wait_indirect_dma semaphore(%run_scoped3A_138 : memref<!tpu.dma_semaphore, #tpu.memory_space<semaphore_mem>>) src(%arg12 : memref<128x128xf32, #tpu.memory_space<vmem>>) dst(%dma_wait3A_149 : memref<10112x128xf32, #tpu.memory_space<vmem_shared>>)
        tpu.yield
      }) : () -> ()
    }
    %scan3A_57 = arith.constant 19 : i32
    %dma_wait3A_58 = arith.constant 0 : i32
    %dma_wait3A_59 = arith.constant 0 : i32
    %dma_wait3A_60 = tpu.memref_slice %arg2[%dma_wait3A_58, %dma_wait3A_59] : memref<10000x128xf32, #tpu.memory_space<hbm>> -> memref<128x128xf32, #tpu.memory_space<hbm>>
    %dma_wait3A_61 = arith.constant 0 : i32
    %dma_wait3A_62 = arith.constant 0 : i32
    %dma_wait3A_63 = tpu.memref_slice %arg2[%dma_wait3A_61, %dma_wait3A_62] : memref<10000x128xf32, #tpu.memory_space<hbm>> -> memref<128x128xf32, #tpu.memory_space<hbm>>
    tpu.wait_dma2 semaphore(%arg14 : memref<!tpu.dma_semaphore, #tpu.memory_space<semaphore_mem>>) src(%dma_wait3A_63 : memref<128x128xf32, #tpu.memory_space<hbm>>) dst(%arg11 : memref<128x128xf32, #tpu.memory_space<vmem>>)
    %eq3A_64 = arith.constant 0 : i32
    %eq3A_65 = arith.cmpi eq, %arg0, %eq3A_64 : i32
    %convert_element_type3A_66 = arith.extui %eq3A_65 : i1 to i32
    %cond3A_67 = arith.constant 0 : i32
    %cond3A_68 = arith.cmpi ne, %convert_element_type3A_66, %cond3A_67 : i32
    scf.if %cond3A_68 {
      %dma_start3A = arith.constant 39 : i32
      %dma_start3A_93 = arith.constant 0 : i32
      %dma_start3A_94 = tpu.memref_slice %arg9[%dma_start3A, %dma_start3A_93] : memref<40x128xi32, #tpu.memory_space<vmem>> -> memref<1x128xi32, #tpu.memory_space<vmem>>
      %dma_start3A_95 = tpu.memref_squeeze %dma_start3A_94 : memref<1x128xi32, #tpu.memory_space<vmem>> -> memref<128xi32, #tpu.memory_space<vmem>>
      %dma_start3A_96 = arith.constant 0 : i32
      %dma_start3A_97 = arith.constant 0 : i32
      %dma_start3A_98 = tpu.memref_slice %arg2[%dma_start3A_96, %dma_start3A_97] : memref<10000x128xf32, #tpu.memory_space<hbm>> -> memref<10000x128xf32, #tpu.memory_space<hbm>>
      tpu.enqueue_indirect_dma source(%dma_start3A_98 : memref<10000x128xf32, #tpu.memory_space<hbm>>) target(%arg12 : memref<128x128xf32, #tpu.memory_space<vmem>>) offsets(%dma_start3A_95 : memref<128xi32, #tpu.memory_space<vmem>>) semaphore(%arg15 : memref<!tpu.dma_semaphore, #tpu.memory_space<semaphore_mem>>)
    } else {
    }
    %eq3A_69 = arith.constant 1 : i32
    %eq3A_70 = arith.cmpi eq, %arg0, %eq3A_69 : i32
    %convert_element_type3A_71 = arith.extui %eq3A_70 : i1 to i32
    %cond3A_72 = arith.constant 0 : i32
    %cond3A_73 = arith.cmpi ne, %convert_element_type3A_71, %cond3A_72 : i32
    scf.if %cond3A_73 {
      %dma_start3A = arith.constant 39 : i32
      %dma_start3A_93 = arith.constant 0 : i32
      %dma_start3A_94 = tpu.memref_slice %arg9[%dma_start3A, %dma_start3A_93] : memref<40x128xi32, #tpu.memory_space<vmem>> -> memref<1x128xi32, #tpu.memory_space<vmem>>
      %dma_start3A_95 = tpu.memref_squeeze %dma_start3A_94 : memref<1x128xi32, #tpu.memory_space<vmem>> -> memref<128xi32, #tpu.memory_space<vmem>>
      %dma_start3A_96 = arith.constant 0 : i32
      %dma_start3A_97 = arith.constant 0 : i32
      %dma_start3A_98 = tpu.memref_slice %arg3[%dma_start3A_96, %dma_start3A_97] : memref<10000x128xf32, #tpu.memory_space<hbm>> -> memref<10000x128xf32, #tpu.memory_space<hbm>>
      tpu.enqueue_indirect_dma source(%dma_start3A_98 : memref<10000x128xf32, #tpu.memory_space<hbm>>) target(%arg12 : memref<128x128xf32, #tpu.memory_space<vmem>>) offsets(%dma_start3A_95 : memref<128xi32, #tpu.memory_space<vmem>>) semaphore(%arg15 : memref<!tpu.dma_semaphore, #tpu.memory_space<semaphore_mem>>)
    } else {
    }
    %run_scoped3A_74 = arith.constant 38 : i32
    "tpu.region"() ({
      %run_scoped3A_93 = tpu.sem_alloc : memref<!tpu.dma_semaphore, #tpu.memory_space<semaphore_mem>>
      %dma_start3A = arith.constant 0 : i32
      %dma_start3A_94 = tpu.memref_slice %arg10[%run_scoped3A_74, %dma_start3A] : memref<40x128xi32, #tpu.memory_space<vmem>> -> memref<1x128xi32, #tpu.memory_space<vmem>>
      %dma_start3A_95 = tpu.memref_squeeze %dma_start3A_94 : memref<1x128xi32, #tpu.memory_space<vmem>> -> memref<128xi32, #tpu.memory_space<vmem>>
      %dma_start3A_96 = arith.constant 0 : i32
      %dma_start3A_97 = arith.constant 0 : i32
      %dma_start3A_98 = tpu.memref_slice %arg13[%dma_start3A_96, %dma_start3A_97] : memref<10112x128xf32, #tpu.memory_space<vmem_shared>> -> memref<10112x128xf32, #tpu.memory_space<vmem_shared>>
      tpu.enqueue_indirect_dma source(%arg11 : memref<128x128xf32, #tpu.memory_space<vmem>>) target(%dma_start3A_98 : memref<10112x128xf32, #tpu.memory_space<vmem_shared>>) offsets(%dma_start3A_95 : memref<128xi32, #tpu.memory_space<vmem>>) semaphore(%run_scoped3A_93 : memref<!tpu.dma_semaphore, #tpu.memory_space<semaphore_mem>>) {add = true}
      %dma_wait3A_99 = arith.constant 0 : i32
      %dma_wait3A_100 = tpu.memref_slice %arg10[%run_scoped3A_74, %dma_wait3A_99] : memref<40x128xi32, #tpu.memory_space<vmem>> -> memref<1x128xi32, #tpu.memory_space<vmem>>
      %dma_wait3A_101 = tpu.memref_squeeze %dma_wait3A_100 : memref<1x128xi32, #tpu.memory_space<vmem>> -> memref<128xi32, #tpu.memory_space<vmem>>
      %dma_wait3A_102 = arith.constant 0 : i32
      %dma_wait3A_103 = arith.constant 0 : i32
      %dma_wait3A_104 = tpu.memref_slice %arg13[%dma_wait3A_102, %dma_wait3A_103] : memref<10112x128xf32, #tpu.memory_space<vmem_shared>> -> memref<10112x128xf32, #tpu.memory_space<vmem_shared>>
      tpu.wait_indirect_dma semaphore(%run_scoped3A_93 : memref<!tpu.dma_semaphore, #tpu.memory_space<semaphore_mem>>) src(%arg11 : memref<128x128xf32, #tpu.memory_space<vmem>>) dst(%dma_wait3A_104 : memref<10112x128xf32, #tpu.memory_space<vmem_shared>>)
      tpu.yield
    }) : () -> ()
    %dma_wait3A_75 = arith.constant 0 : i32
    %dma_wait3A_76 = arith.constant 0 : i32
    %dma_wait3A_77 = tpu.memref_slice %arg2[%dma_wait3A_75, %dma_wait3A_76] : memref<10000x128xf32, #tpu.memory_space<hbm>> -> memref<128x128xf32, #tpu.memory_space<hbm>>
    %dma_wait3A_78 = arith.constant 0 : i32
    %dma_wait3A_79 = arith.constant 0 : i32
    %dma_wait3A_80 = tpu.memref_slice %arg2[%dma_wait3A_78, %dma_wait3A_79] : memref<10000x128xf32, #tpu.memory_space<hbm>> -> memref<128x128xf32, #tpu.memory_space<hbm>>
    tpu.wait_dma2 semaphore(%arg15 : memref<!tpu.dma_semaphore, #tpu.memory_space<semaphore_mem>>) src(%dma_wait3A_80 : memref<128x128xf32, #tpu.memory_space<hbm>>) dst(%arg12 : memref<128x128xf32, #tpu.memory_space<vmem>>)
    %run_scoped3A_81 = arith.constant 39 : i32
    "tpu.region"() ({
      %run_scoped3A_93 = tpu.sem_alloc : memref<!tpu.dma_semaphore, #tpu.memory_space<semaphore_mem>>
      %dma_start3A = arith.constant 0 : i32
      %dma_start3A_94 = tpu.memref_slice %arg10[%run_scoped3A_81, %dma_start3A] : memref<40x128xi32, #tpu.memory_space<vmem>> -> memref<1x128xi32, #tpu.memory_space<vmem>>
      %dma_start3A_95 = tpu.memref_squeeze %dma_start3A_94 : memref<1x128xi32, #tpu.memory_space<vmem>> -> memref<128xi32, #tpu.memory_space<vmem>>
      %dma_start3A_96 = arith.constant 0 : i32
      %dma_start3A_97 = arith.constant 0 : i32
      %dma_start3A_98 = tpu.memref_slice %arg13[%dma_start3A_96, %dma_start3A_97] : memref<10112x128xf32, #tpu.memory_space<vmem_shared>> -> memref<10112x128xf32, #tpu.memory_space<vmem_shared>>
      tpu.enqueue_indirect_dma source(%arg12 : memref<128x128xf32, #tpu.memory_space<vmem>>) target(%dma_start3A_98 : memref<10112x128xf32, #tpu.memory_space<vmem_shared>>) offsets(%dma_start3A_95 : memref<128xi32, #tpu.memory_space<vmem>>) semaphore(%run_scoped3A_93 : memref<!tpu.dma_semaphore, #tpu.memory_space<semaphore_mem>>) {add = true}
      %dma_wait3A_99 = arith.constant 0 : i32
      %dma_wait3A_100 = tpu.memref_slice %arg10[%run_scoped3A_81, %dma_wait3A_99] : memref<40x128xi32, #tpu.memory_space<vmem>> -> memref<1x128xi32, #tpu.memory_space<vmem>>
      %dma_wait3A_101 = tpu.memref_squeeze %dma_wait3A_100 : memref<1x128xi32, #tpu.memory_space<vmem>> -> memref<128xi32, #tpu.memory_space<vmem>>
      %dma_wait3A_102 = arith.constant 0 : i32
      %dma_wait3A_103 = arith.constant 0 : i32
      %dma_wait3A_104 = tpu.memref_slice %arg13[%dma_wait3A_102, %dma_wait3A_103] : memref<10112x128xf32, #tpu.memory_space<vmem_shared>> -> memref<10112x128xf32, #tpu.memory_space<vmem_shared>>
      tpu.wait_indirect_dma semaphore(%run_scoped3A_93 : memref<!tpu.dma_semaphore, #tpu.memory_space<semaphore_mem>>) src(%arg12 : memref<128x128xf32, #tpu.memory_space<vmem>>) dst(%dma_wait3A_104 : memref<10112x128xf32, #tpu.memory_space<vmem_shared>>)
      tpu.yield
    }) : () -> ()
    %barrier3A_82 = arith.constant 0 : index
    tpu.barrier barrier_id(%barrier3A_82)
    %eq3A_83 = arith.constant 0 : i32
    %eq3A_84 = arith.cmpi eq, %arg0, %eq3A_83 : i32
    %convert_element_type3A_85 = arith.extui %eq3A_84 : i1 to i32
    %cond3A_86 = arith.constant 0 : i32
    %cond3A_87 = arith.cmpi ne, %convert_element_type3A_85, %cond3A_86 : i32
    scf.if %cond3A_87 {
      %mul3A_93 = arith.constant 624 : i32
      %mul3A_94 = arith.muli %arg1, %mul3A_93 : i32
      %mul3A_95 = arith.constant 624 : i32
      %mul3A_96 = arith.muli %arg1, %mul3A_95 : i32
      "tpu.region"() ({
        %run_scoped3A_102 = tpu.sem_alloc : memref<!tpu.dma_semaphore, #tpu.memory_space<semaphore_mem>>
        %dma_start3A = arith.constant 0 : i32
        %dma_start3A_103 = tpu.memref_slice %arg7[%mul3A_96, %dma_start3A] : memref<10000x128xf32, #tpu.memory_space<hbm>> -> memref<624x128xf32, #tpu.memory_space<hbm>>
        %dma_start3A_104 = arith.constant 0 : i32
        %dma_start3A_105 = tpu.memref_slice %arg13[%mul3A_94, %dma_start3A_104] : memref<10112x128xf32, #tpu.memory_space<vmem_shared>> -> memref<624x128xf32, #tpu.memory_space<vmem_shared>>
        tpu.enqueue_dma source(%dma_start3A_105 : memref<624x128xf32, #tpu.memory_space<vmem_shared>>) target(%dma_start3A_103 : memref<624x128xf32, #tpu.memory_space<hbm>>) target_semaphore(%run_scoped3A_102 : memref<!tpu.dma_semaphore, #tpu.memory_space<semaphore_mem>>)
        %dma_wait3A_106 = arith.constant 0 : i32
        %dma_wait3A_107 = tpu.memref_slice %arg7[%mul3A_96, %dma_wait3A_106] : memref<10000x128xf32, #tpu.memory_space<hbm>> -> memref<624x128xf32, #tpu.memory_space<hbm>>
        %dma_wait3A_108 = arith.constant 0 : i32
        %dma_wait3A_109 = tpu.memref_slice %arg13[%mul3A_94, %dma_wait3A_108] : memref<10112x128xf32, #tpu.memory_space<vmem_shared>> -> memref<624x128xf32, #tpu.memory_space<vmem_shared>>
        tpu.wait_dma2 semaphore(%run_scoped3A_102 : memref<!tpu.dma_semaphore, #tpu.memory_space<semaphore_mem>>) src(%dma_wait3A_109 : memref<624x128xf32, #tpu.memory_space<vmem_shared>>) dst(%dma_wait3A_107 : memref<624x128xf32, #tpu.memory_space<hbm>>)
        tpu.yield
      }) : () -> ()
      %eq3A_97 = arith.constant 0 : i32
      %eq3A_98 = arith.cmpi eq, %arg1, %eq3A_97 : i32
      %convert_element_type3A_99 = arith.extui %eq3A_98 : i1 to i32
      %cond3A_100 = arith.constant 0 : i32
      %cond3A_101 = arith.cmpi ne, %convert_element_type3A_99, %cond3A_100 : i32
      scf.if %cond3A_101 {
        "tpu.region"() ({
          %run_scoped3A_102 = tpu.sem_alloc : memref<!tpu.dma_semaphore, #tpu.memory_space<semaphore_mem>>
          %dma_start3A = arith.constant 9984 : i32
          %dma_start3A_103 = arith.constant 0 : i32
          %dma_start3A_104 = tpu.memref_slice %arg7[%dma_start3A, %dma_start3A_103] : memref<10000x128xf32, #tpu.memory_space<hbm>> -> memref<16x128xf32, #tpu.memory_space<hbm>>
          %dma_start3A_105 = arith.constant 9984 : i32
          %dma_start3A_106 = arith.constant 0 : i32
          %dma_start3A_107 = tpu.memref_slice %arg13[%dma_start3A_105, %dma_start3A_106] : memref<10112x128xf32, #tpu.memory_space<vmem_shared>> -> memref<16x128xf32, #tpu.memory_space<vmem_shared>>
          tpu.enqueue_dma source(%dma_start3A_107 : memref<16x128xf32, #tpu.memory_space<vmem_shared>>) target(%dma_start3A_104 : memref<16x128xf32, #tpu.memory_space<hbm>>) target_semaphore(%run_scoped3A_102 : memref<!tpu.dma_semaphore, #tpu.memory_space<semaphore_mem>>)
          %dma_wait3A_108 = arith.constant 9984 : i32
          %dma_wait3A_109 = arith.constant 0 : i32
          %dma_wait3A_110 = tpu.memref_slice %arg7[%dma_wait3A_108, %dma_wait3A_109] : memref<10000x128xf32, #tpu.memory_space<hbm>> -> memref<16x128xf32, #tpu.memory_space<hbm>>
          %dma_wait3A_111 = arith.constant 9984 : i32
          %dma_wait3A_112 = arith.constant 0 : i32
          %dma_wait3A_113 = tpu.memref_slice %arg13[%dma_wait3A_111, %dma_wait3A_112] : memref<10112x128xf32, #tpu.memory_space<vmem_shared>> -> memref<16x128xf32, #tpu.memory_space<vmem_shared>>
          tpu.wait_dma2 semaphore(%run_scoped3A_102 : memref<!tpu.dma_semaphore, #tpu.memory_space<semaphore_mem>>) src(%dma_wait3A_113 : memref<16x128xf32, #tpu.memory_space<vmem_shared>>) dst(%dma_wait3A_110 : memref<16x128xf32, #tpu.memory_space<hbm>>)
          tpu.yield
        }) : () -> ()
      } else {
      }
    } else {
    }
    %eq3A_88 = arith.constant 1 : i32
    %eq3A_89 = arith.cmpi eq, %arg0, %eq3A_88 : i32
    %convert_element_type3A_90 = arith.extui %eq3A_89 : i1 to i32
    %cond3A_91 = arith.constant 0 : i32
    %cond3A_92 = arith.cmpi ne, %convert_element_type3A_90, %cond3A_91 : i32
    scf.if %cond3A_92 {
      %mul3A_93 = arith.constant 624 : i32
      %mul3A_94 = arith.muli %arg1, %mul3A_93 : i32
      %mul3A_95 = arith.constant 624 : i32
      %mul3A_96 = arith.muli %arg1, %mul3A_95 : i32
      "tpu.region"() ({
        %run_scoped3A_102 = tpu.sem_alloc : memref<!tpu.dma_semaphore, #tpu.memory_space<semaphore_mem>>
        %dma_start3A = arith.constant 0 : i32
        %dma_start3A_103 = tpu.memref_slice %arg8[%mul3A_96, %dma_start3A] : memref<10000x128xf32, #tpu.memory_space<hbm>> -> memref<624x128xf32, #tpu.memory_space<hbm>>
        %dma_start3A_104 = arith.constant 0 : i32
        %dma_start3A_105 = tpu.memref_slice %arg13[%mul3A_94, %dma_start3A_104] : memref<10112x128xf32, #tpu.memory_space<vmem_shared>> -> memref<624x128xf32, #tpu.memory_space<vmem_shared>>
        tpu.enqueue_dma source(%dma_start3A_105 : memref<624x128xf32, #tpu.memory_space<vmem_shared>>) target(%dma_start3A_103 : memref<624x128xf32, #tpu.memory_space<hbm>>) target_semaphore(%run_scoped3A_102 : memref<!tpu.dma_semaphore, #tpu.memory_space<semaphore_mem>>)
        %dma_wait3A_106 = arith.constant 0 : i32
        %dma_wait3A_107 = tpu.memref_slice %arg8[%mul3A_96, %dma_wait3A_106] : memref<10000x128xf32, #tpu.memory_space<hbm>> -> memref<624x128xf32, #tpu.memory_space<hbm>>
        %dma_wait3A_108 = arith.constant 0 : i32
        %dma_wait3A_109 = tpu.memref_slice %arg13[%mul3A_94, %dma_wait3A_108] : memref<10112x128xf32, #tpu.memory_space<vmem_shared>> -> memref<624x128xf32, #tpu.memory_space<vmem_shared>>
        tpu.wait_dma2 semaphore(%run_scoped3A_102 : memref<!tpu.dma_semaphore, #tpu.memory_space<semaphore_mem>>) src(%dma_wait3A_109 : memref<624x128xf32, #tpu.memory_space<vmem_shared>>) dst(%dma_wait3A_107 : memref<624x128xf32, #tpu.memory_space<hbm>>)
        tpu.yield
      }) : () -> ()
      %eq3A_97 = arith.constant 0 : i32
      %eq3A_98 = arith.cmpi eq, %arg1, %eq3A_97 : i32
      %convert_element_type3A_99 = arith.extui %eq3A_98 : i1 to i32
      %cond3A_100 = arith.constant 0 : i32
      %cond3A_101 = arith.cmpi ne, %convert_element_type3A_99, %cond3A_100 : i32
      scf.if %cond3A_101 {
        "tpu.region"() ({
          %run_scoped3A_102 = tpu.sem_alloc : memref<!tpu.dma_semaphore, #tpu.memory_space<semaphore_mem>>
          %dma_start3A = arith.constant 9984 : i32
          %dma_start3A_103 = arith.constant 0 : i32
          %dma_start3A_104 = tpu.memref_slice %arg8[%dma_start3A, %dma_start3A_103] : memref<10000x128xf32, #tpu.memory_space<hbm>> -> memref<16x128xf32, #tpu.memory_space<hbm>>
          %dma_start3A_105 = arith.constant 9984 : i32
          %dma_start3A_106 = arith.constant 0 : i32
          %dma_start3A_107 = tpu.memref_slice %arg13[%dma_start3A_105, %dma_start3A_106] : memref<10112x128xf32, #tpu.memory_space<vmem_shared>> -> memref<16x128xf32, #tpu.memory_space<vmem_shared>>
          tpu.enqueue_dma source(%dma_start3A_107 : memref<16x128xf32, #tpu.memory_space<vmem_shared>>) target(%dma_start3A_104 : memref<16x128xf32, #tpu.memory_space<hbm>>) target_semaphore(%run_scoped3A_102 : memref<!tpu.dma_semaphore, #tpu.memory_space<semaphore_mem>>)
          %dma_wait3A_108 = arith.constant 9984 : i32
          %dma_wait3A_109 = arith.constant 0 : i32
          %dma_wait3A_110 = tpu.memref_slice %arg8[%dma_wait3A_108, %dma_wait3A_109] : memref<10000x128xf32, #tpu.memory_space<hbm>> -> memref<16x128xf32, #tpu.memory_space<hbm>>
          %dma_wait3A_111 = arith.constant 9984 : i32
          %dma_wait3A_112 = arith.constant 0 : i32
          %dma_wait3A_113 = tpu.memref_slice %arg13[%dma_wait3A_111, %dma_wait3A_112] : memref<10112x128xf32, #tpu.memory_space<vmem_shared>> -> memref<16x128xf32, #tpu.memory_space<vmem_shared>>
          tpu.wait_dma2 semaphore(%run_scoped3A_102 : memref<!tpu.dma_semaphore, #tpu.memory_space<semaphore_mem>>) src(%dma_wait3A_113 : memref<16x128xf32, #tpu.memory_space<vmem_shared>>) dst(%dma_wait3A_110 : memref<16x128xf32, #tpu.memory_space<hbm>>)
          tpu.yield
        }) : () -> ()
      } else {
      }
    } else {
    }
    return
  }
}

#map = affine_map<(d0, d1) -> (0, 0)>
module attributes {stable_mosaic.version = 14 : i64} {
  func.func @k(%arg0: i32, %arg1: i32, %arg2: memref<10000x128xf32, #tpu.memory_space<hbm>>, %arg3: memref<10000x128xf32, #tpu.memory_space<hbm>>, %arg4: memref<1280x128xi32, #tpu.memory_space<hbm>>, %arg5: memref<1280x128xi32, #tpu.memory_space<hbm>>, %arg6: memref<632x128xf32, #tpu.memory_space<hbm>>, %arg7: memref<10000x128xf32, #tpu.memory_space<hbm>>, %arg8: memref<10000x128xf32, #tpu.memory_space<hbm>>, %arg9: memref<40x128xi32, #tpu.memory_space<vmem>>, %arg10: memref<40x128xi32, #tpu.memory_space<vmem>>, %arg11: memref<128x128xf32, #tpu.memory_space<vmem>>, %arg12: memref<128x128xf32, #tpu.memory_space<vmem>>, %arg13: memref<10112x128xf32, #tpu.memory_space<vmem_shared>>, %arg14: memref<!tpu.dma_semaphore, #tpu.memory_space<semaphore_mem>>, %arg15: memref<!tpu.dma_semaphore, #tpu.memory_space<semaphore_mem>>) attributes {dimension_semantics = [#tpu.dimension_semantics<core_parallel>, #tpu.dimension_semantics<subcore_parallel>], iteration_bounds = array<i64: 2, 16>, scalar_prefetch = 0 : i64, scratch_operands = 7 : i64, tpu.core_type = #tpu.core_type<sc_vector_subcore>, window_params = [{transform_indices = #map}, {transform_indices = #map}, {transform_indices = #map}, {transform_indices = #map}, {transform_indices = #map}, {transform_indices = #map}, {transform_indices = #map}]} {
    %mul3A = arith.constant 80 : i32
    %mul3A_0 = arith.muli %arg1, %mul3A : i32
    %mul3A_1 = arith.constant 632 : i32
    %mul3A_2 = arith.muli %arg1, %mul3A_1 : i32
    "tpu.region"() ({
      %run_scoped3A_93 = tpu.sem_alloc : memref<!tpu.dma_semaphore, #tpu.memory_space<semaphore_mem>>
      %dma_start3A = arith.constant 0 : i32
      %dma_start3A_94 = tpu.memref_slice %arg13[%mul3A_2, %dma_start3A] : memref<10112x128xf32, #tpu.memory_space<vmem_shared>> -> memref<632x128xf32, #tpu.memory_space<vmem_shared>>
      tpu.enqueue_dma source(%arg6 : memref<632x128xf32, #tpu.memory_space<hbm>>) target(%dma_start3A_94 : memref<632x128xf32, #tpu.memory_space<vmem_shared>>) target_semaphore(%run_scoped3A_93 : memref<!tpu.dma_semaphore, #tpu.memory_space<semaphore_mem>>)
      %dma_wait3A_95 = arith.constant 0 : i32
      %dma_wait3A_96 = tpu.memref_slice %arg13[%mul3A_2, %dma_wait3A_95] : memref<10112x128xf32, #tpu.memory_space<vmem_shared>> -> memref<632x128xf32, #tpu.memory_space<vmem_shared>>
      tpu.wait_dma2 semaphore(%run_scoped3A_93 : memref<!tpu.dma_semaphore, #tpu.memory_space<semaphore_mem>>) src(%arg6 : memref<632x128xf32, #tpu.memory_space<hbm>>) dst(%dma_wait3A_96 : memref<632x128xf32, #tpu.memory_space<vmem_shared>>)
      tpu.yield
    }) : () -> ()
    %barrier3A = arith.constant 0 : index
    tpu.barrier barrier_id(%barrier3A)
    %add3A = arith.constant 0 : i32
    %add3A_3 = arith.addi %mul3A_0, %add3A : i32
    "tpu.region"() ({
      %run_scoped3A_93 = tpu.sem_alloc : memref<!tpu.dma_semaphore, #tpu.memory_space<semaphore_mem>>
      %dma_start3A = arith.constant 0 : i32
      %dma_start3A_94 = tpu.memref_slice %arg4[%add3A_3, %dma_start3A] : memref<1280x128xi32, #tpu.memory_space<hbm>> -> memref<40x128xi32, #tpu.memory_space<hbm>>
      %dma_start3A_95 = arith.constant 0 : i32
      %dma_start3A_96 = tpu.memref_slice %arg4[%add3A_3, %dma_start3A_95] : memref<1280x128xi32, #tpu.memory_space<hbm>> -> memref<40x128xi32, #tpu.memory_space<hbm>>
      tpu.enqueue_dma source(%dma_start3A_96 : memref<40x128xi32, #tpu.memory_space<hbm>>) target(%arg9 : memref<40x128xi32, #tpu.memory_space<vmem>>) target_semaphore(%run_scoped3A_93 : memref<!tpu.dma_semaphore, #tpu.memory_space<semaphore_mem>>)
      %dma_wait3A_97 = arith.constant 0 : i32
      %dma_wait3A_98 = tpu.memref_slice %arg4[%add3A_3, %dma_wait3A_97] : memref<1280x128xi32, #tpu.memory_space<hbm>> -> memref<40x128xi32, #tpu.memory_space<hbm>>
      %dma_wait3A_99 = arith.constant 0 : i32
      %dma_wait3A_100 = tpu.memref_slice %arg4[%add3A_3, %dma_wait3A_99] : memref<1280x128xi32, #tpu.memory_space<hbm>> -> memref<40x128xi32, #tpu.memory_space<hbm>>
      tpu.wait_dma2 semaphore(%run_scoped3A_93 : memref<!tpu.dma_semaphore, #tpu.memory_space<semaphore_mem>>) src(%dma_wait3A_100 : memref<40x128xi32, #tpu.memory_space<hbm>>) dst(%arg9 : memref<40x128xi32, #tpu.memory_space<vmem>>)
      tpu.yield
    }) : () -> ()
    %add3A_4 = arith.constant 0 : i32
    %add3A_5 = arith.addi %mul3A_0, %add3A_4 : i32
    "tpu.region"() ({
      %run_scoped3A_93 = tpu.sem_alloc : memref<!tpu.dma_semaphore, #tpu.memory_space<semaphore_mem>>
      %dma_start3A = arith.constant 0 : i32
      %dma_start3A_94 = tpu.memref_slice %arg5[%add3A_5, %dma_start3A] : memref<1280x128xi32, #tpu.memory_space<hbm>> -> memref<40x128xi32, #tpu.memory_space<hbm>>
      %dma_start3A_95 = arith.constant 0 : i32
      %dma_start3A_96 = tpu.memref_slice %arg5[%add3A_5, %dma_start3A_95] : memref<1280x128xi32, #tpu.memory_space<hbm>> -> memref<40x128xi32, #tpu.memory_space<hbm>>
      tpu.enqueue_dma source(%dma_start3A_96 : memref<40x128xi32, #tpu.memory_space<hbm>>) target(%arg10 : memref<40x128xi32, #tpu.memory_space<vmem>>) target_semaphore(%run_scoped3A_93 : memref<!tpu.dma_semaphore, #tpu.memory_space<semaphore_mem>>)
      %dma_wait3A_97 = arith.constant 0 : i32
      %dma_wait3A_98 = tpu.memref_slice %arg5[%add3A_5, %dma_wait3A_97] : memref<1280x128xi32, #tpu.memory_space<hbm>> -> memref<40x128xi32, #tpu.memory_space<hbm>>
      %dma_wait3A_99 = arith.constant 0 : i32
      %dma_wait3A_100 = tpu.memref_slice %arg5[%add3A_5, %dma_wait3A_99] : memref<1280x128xi32, #tpu.memory_space<hbm>> -> memref<40x128xi32, #tpu.memory_space<hbm>>
      tpu.wait_dma2 semaphore(%run_scoped3A_93 : memref<!tpu.dma_semaphore, #tpu.memory_space<semaphore_mem>>) src(%dma_wait3A_100 : memref<40x128xi32, #tpu.memory_space<hbm>>) dst(%arg10 : memref<40x128xi32, #tpu.memory_space<vmem>>)
      tpu.yield
    }) : () -> ()
    %eq3A = arith.constant 0 : i32
    %eq3A_6 = arith.cmpi eq, %arg0, %eq3A : i32
    %convert_element_type3A = arith.extui %eq3A_6 : i1 to i32
    %cond3A = arith.constant 0 : i32
    %cond3A_7 = arith.cmpi ne, %convert_element_type3A, %cond3A : i32
    scf.if %cond3A_7 {
      %dma_start3A = arith.constant 0 : i32
      %dma_start3A_93 = arith.constant 0 : i32
      %dma_start3A_94 = tpu.memref_slice %arg9[%dma_start3A, %dma_start3A_93] : memref<40x128xi32, #tpu.memory_space<vmem>> -> memref<1x128xi32, #tpu.memory_space<vmem>>
      %dma_start3A_95 = tpu.memref_squeeze %dma_start3A_94 : memref<1x128xi32, #tpu.memory_space<vmem>> -> memref<128xi32, #tpu.memory_space<vmem>>
      %dma_start3A_96 = arith.constant 0 : i32
      %dma_start3A_97 = arith.constant 0 : i32
      %dma_start3A_98 = tpu.memref_slice %arg2[%dma_start3A_96, %dma_start3A_97] : memref<10000x128xf32, #tpu.memory_space<hbm>> -> memref<10000x128xf32, #tpu.memory_space<hbm>>
      tpu.enqueue_indirect_dma source(%dma_start3A_98 : memref<10000x128xf32, #tpu.memory_space<hbm>>) target(%arg11 : memref<128x128xf32, #tpu.memory_space<vmem>>) offsets(%dma_start3A_95 : memref<128xi32, #tpu.memory_space<vmem>>) semaphore(%arg14 : memref<!tpu.dma_semaphore, #tpu.memory_space<semaphore_mem>>)
    } else {
    }
    %eq3A_8 = arith.constant 1 : i32
    %eq3A_9 = arith.cmpi eq, %arg0, %eq3A_8 : i32
    %convert_element_type3A_10 = arith.extui %eq3A_9 : i1 to i32
    %cond3A_11 = arith.constant 0 : i32
    %cond3A_12 = arith.cmpi ne, %convert_element_type3A_10, %cond3A_11 : i32
    scf.if %cond3A_12 {
      %dma_start3A = arith.constant 0 : i32
      %dma_start3A_93 = arith.constant 0 : i32
      %dma_start3A_94 = tpu.memref_slice %arg9[%dma_start3A, %dma_start3A_93] : memref<40x128xi32, #tpu.memory_space<vmem>> -> memref<1x128xi32, #tpu.memory_space<vmem>>
      %dma_start3A_95 = tpu.memref_squeeze %dma_start3A_94 : memref<1x128xi32, #tpu.memory_space<vmem>> -> memref<128xi32, #tpu.memory_space<vmem>>
      %dma_start3A_96 = arith.constant 0 : i32
      %dma_start3A_97 = arith.constant 0 : i32
      %dma_start3A_98 = tpu.memref_slice %arg3[%dma_start3A_96, %dma_start3A_97] : memref<10000x128xf32, #tpu.memory_space<hbm>> -> memref<10000x128xf32, #tpu.memory_space<hbm>>
      tpu.enqueue_indirect_dma source(%dma_start3A_98 : memref<10000x128xf32, #tpu.memory_space<hbm>>) target(%arg11 : memref<128x128xf32, #tpu.memory_space<vmem>>) offsets(%dma_start3A_95 : memref<128xi32, #tpu.memory_space<vmem>>) semaphore(%arg14 : memref<!tpu.dma_semaphore, #tpu.memory_space<semaphore_mem>>)
    } else {
    }
    %scan3A = arith.constant 0 : i32
    %scan3A_13 = arith.constant 19 : i32
    %scan3A_14 = arith.addi %scan3A, %scan3A_13 : i32
    %scan3A_15 = arith.constant 1 : i32
    scf.for %scan3A_93 = %scan3A to %scan3A_14 step %scan3A_15  : i32 {
      %mul3A_94 = arith.constant 1 : i32
      %mul3A_95 = arith.muli %scan3A_93, %mul3A_94 : i32
      %add3A_96 = arith.constant 0 : i32
      %add3A_97 = arith.addi %add3A_96, %mul3A_95 : i32
      %mul3A_98 = arith.constant 2 : i32
      %mul3A_99 = arith.muli %mul3A_98, %add3A_97 : i32
      %dma_wait3A_100 = arith.constant 0 : i32
      %dma_wait3A_101 = arith.constant 0 : i32
      %dma_wait3A_102 = tpu.memref_slice %arg2[%dma_wait3A_100, %dma_wait3A_101] : memref<10000x128xf32, #tpu.memory_space<hbm>> -> memref<128x128xf32, #tpu.memory_space<hbm>>
      %dma_wait3A_103 = arith.constant 0 : i32
      %dma_wait3A_104 = arith.constant 0 : i32
      %dma_wait3A_105 = tpu.memref_slice %arg2[%dma_wait3A_103, %dma_wait3A_104] : memref<10000x128xf32, #tpu.memory_space<hbm>> -> memref<128x128xf32, #tpu.memory_space<hbm>>
      tpu.wait_dma2 semaphore(%arg14 : memref<!tpu.dma_semaphore, #tpu.memory_space<semaphore_mem>>) src(%dma_wait3A_105 : memref<128x128xf32, #tpu.memory_space<hbm>>) dst(%arg11 : memref<128x128xf32, #tpu.memory_space<vmem>>)
      %add3A_106 = arith.constant 1 : i32
      %add3A_107 = arith.addi %mul3A_99, %add3A_106 : i32
      %eq3A_108 = arith.constant 0 : i32
      %eq3A_109 = arith.cmpi eq, %arg0, %eq3A_108 : i32
      %convert_element_type3A_110 = arith.extui %eq3A_109 : i1 to i32
      %cond3A_111 = arith.constant 0 : i32
      %cond3A_112 = arith.cmpi ne, %convert_element_type3A_110, %cond3A_111 : i32
      scf.if %cond3A_112 {
        %dma_start3A = arith.constant 0 : i32
        %dma_start3A_138 = tpu.memref_slice %arg9[%add3A_107, %dma_start3A] : memref<40x128xi32, #tpu.memory_space<vmem>> -> memref<1x128xi32, #tpu.memory_space<vmem>>
        %dma_start3A_139 = tpu.memref_squeeze %dma_start3A_138 : memref<1x128xi32, #tpu.memory_space<vmem>> -> memref<128xi32, #tpu.memory_space<vmem>>
        %dma_start3A_140 = arith.constant 0 : i32
        %dma_start3A_141 = arith.constant 0 : i32
        %dma_start3A_142 = tpu.memref_slice %arg2[%dma_start3A_140, %dma_start3A_141] : memref<10000x128xf32, #tpu.memory_space<hbm>> -> memref<10000x128xf32, #tpu.memory_space<hbm>>
        tpu.enqueue_indirect_dma source(%dma_start3A_142 : memref<10000x128xf32, #tpu.memory_space<hbm>>) target(%arg12 : memref<128x128xf32, #tpu.memory_space<vmem>>) offsets(%dma_start3A_139 : memref<128xi32, #tpu.memory_space<vmem>>) semaphore(%arg15 : memref<!tpu.dma_semaphore, #tpu.memory_space<semaphore_mem>>)
      } else {
      }
      %eq3A_113 = arith.constant 1 : i32
      %eq3A_114 = arith.cmpi eq, %arg0, %eq3A_113 : i32
      %convert_element_type3A_115 = arith.extui %eq3A_114 : i1 to i32
      %cond3A_116 = arith.constant 0 : i32
      %cond3A_117 = arith.cmpi ne, %convert_element_type3A_115, %cond3A_116 : i32
      scf.if %cond3A_117 {
        %dma_start3A = arith.constant 0 : i32
        %dma_start3A_138 = tpu.memref_slice %arg9[%add3A_107, %dma_start3A] : memref<40x128xi32, #tpu.memory_space<vmem>> -> memref<1x128xi32, #tpu.memory_space<vmem>>
        %dma_start3A_139 = tpu.memref_squeeze %dma_start3A_138 : memref<1x128xi32, #tpu.memory_space<vmem>> -> memref<128xi32, #tpu.memory_space<vmem>>
        %dma_start3A_140 = arith.constant 0 : i32
        %dma_start3A_141 = arith.constant 0 : i32
        %dma_start3A_142 = tpu.memref_slice %arg3[%dma_start3A_140, %dma_start3A_141] : memref<10000x128xf32, #tpu.memory_space<hbm>> -> memref<10000x128xf32, #tpu.memory_space<hbm>>
        tpu.enqueue_indirect_dma source(%dma_start3A_142 : memref<10000x128xf32, #tpu.memory_space<hbm>>) target(%arg12 : memref<128x128xf32, #tpu.memory_space<vmem>>) offsets(%dma_start3A_139 : memref<128xi32, #tpu.memory_space<vmem>>) semaphore(%arg15 : memref<!tpu.dma_semaphore, #tpu.memory_space<semaphore_mem>>)
      } else {
      }
      "tpu.region"() ({
        %run_scoped3A_138 = tpu.sem_alloc : memref<!tpu.dma_semaphore, #tpu.memory_space<semaphore_mem>>
        %dma_start3A = arith.constant 0 : i32
        %dma_start3A_139 = tpu.memref_slice %arg10[%mul3A_99, %dma_start3A] : memref<40x128xi32, #tpu.memory_space<vmem>> -> memref<1x128xi32, #tpu.memory_space<vmem>>
        %dma_start3A_140 = tpu.memref_squeeze %dma_start3A_139 : memref<1x128xi32, #tpu.memory_space<vmem>> -> memref<128xi32, #tpu.memory_space<vmem>>
        %dma_start3A_141 = arith.constant 0 : i32
        %dma_start3A_142 = arith.constant 0 : i32
        %dma_start3A_143 = tpu.memref_slice %arg13[%dma_start3A_141, %dma_start3A_142] : memref<10112x128xf32, #tpu.memory_space<vmem_shared>> -> memref<10112x128xf32, #tpu.memory_space<vmem_shared>>
        tpu.enqueue_indirect_dma source(%arg11 : memref<128x128xf32, #tpu.memory_space<vmem>>) target(%dma_start3A_143 : memref<10112x128xf32, #tpu.memory_space<vmem_shared>>) offsets(%dma_start3A_140 : memref<128xi32, #tpu.memory_space<vmem>>) semaphore(%run_scoped3A_138 : memref<!tpu.dma_semaphore, #tpu.memory_space<semaphore_mem>>) {add = true}
        %dma_wait3A_144 = arith.constant 0 : i32
        %dma_wait3A_145 = tpu.memref_slice %arg10[%mul3A_99, %dma_wait3A_144] : memref<40x128xi32, #tpu.memory_space<vmem>> -> memref<1x128xi32, #tpu.memory_space<vmem>>
        %dma_wait3A_146 = tpu.memref_squeeze %dma_wait3A_145 : memref<1x128xi32, #tpu.memory_space<vmem>> -> memref<128xi32, #tpu.memory_space<vmem>>
        %dma_wait3A_147 = arith.constant 0 : i32
        %dma_wait3A_148 = arith.constant 0 : i32
        %dma_wait3A_149 = tpu.memref_slice %arg13[%dma_wait3A_147, %dma_wait3A_148] : memref<10112x128xf32, #tpu.memory_space<vmem_shared>> -> memref<10112x128xf32, #tpu.memory_space<vmem_shared>>
        tpu.wait_indirect_dma semaphore(%run_scoped3A_138 : memref<!tpu.dma_semaphore, #tpu.memory_space<semaphore_mem>>) src(%arg11 : memref<128x128xf32, #tpu.memory_space<vmem>>) dst(%dma_wait3A_149 : memref<10112x128xf32, #tpu.memory_space<vmem_shared>>)
        tpu.yield
      }) : () -> ()
      %dma_wait3A_118 = arith.constant 0 : i32
      %dma_wait3A_119 = arith.constant 0 : i32
      %dma_wait3A_120 = tpu.memref_slice %arg2[%dma_wait3A_118, %dma_wait3A_119] : memref<10000x128xf32, #tpu.memory_space<hbm>> -> memref<128x128xf32, #tpu.memory_space<hbm>>
      %dma_wait3A_121 = arith.constant 0 : i32
      %dma_wait3A_122 = arith.constant 0 : i32
      %dma_wait3A_123 = tpu.memref_slice %arg2[%dma_wait3A_121, %dma_wait3A_122] : memref<10000x128xf32, #tpu.memory_space<hbm>> -> memref<128x128xf32, #tpu.memory_space<hbm>>
      tpu.wait_dma2 semaphore(%arg15 : memref<!tpu.dma_semaphore, #tpu.memory_space<semaphore_mem>>) src(%dma_wait3A_123 : memref<128x128xf32, #tpu.memory_space<hbm>>) dst(%arg12 : memref<128x128xf32, #tpu.memory_space<vmem>>)
      %add3A_124 = arith.constant 2 : i32
      %add3A_125 = arith.addi %mul3A_99, %add3A_124 : i32
      %eq3A_126 = arith.constant 0 : i32
      %eq3A_127 = arith.cmpi eq, %arg0, %eq3A_126 : i32
      %convert_element_type3A_128 = arith.extui %eq3A_127 : i1 to i32
      %cond3A_129 = arith.constant 0 : i32
      %cond3A_130 = arith.cmpi ne, %convert_element_type3A_128, %cond3A_129 : i32
      scf.if %cond3A_130 {
        %dma_start3A = arith.constant 0 : i32
        %dma_start3A_138 = tpu.memref_slice %arg9[%add3A_125, %dma_start3A] : memref<40x128xi32, #tpu.memory_space<vmem>> -> memref<1x128xi32, #tpu.memory_space<vmem>>
        %dma_start3A_139 = tpu.memref_squeeze %dma_start3A_138 : memref<1x128xi32, #tpu.memory_space<vmem>> -> memref<128xi32, #tpu.memory_space<vmem>>
        %dma_start3A_140 = arith.constant 0 : i32
        %dma_start3A_141 = arith.constant 0 : i32
        %dma_start3A_142 = tpu.memref_slice %arg2[%dma_start3A_140, %dma_start3A_141] : memref<10000x128xf32, #tpu.memory_space<hbm>> -> memref<10000x128xf32, #tpu.memory_space<hbm>>
        tpu.enqueue_indirect_dma source(%dma_start3A_142 : memref<10000x128xf32, #tpu.memory_space<hbm>>) target(%arg11 : memref<128x128xf32, #tpu.memory_space<vmem>>) offsets(%dma_start3A_139 : memref<128xi32, #tpu.memory_space<vmem>>) semaphore(%arg14 : memref<!tpu.dma_semaphore, #tpu.memory_space<semaphore_mem>>)
      } else {
      }
      %eq3A_131 = arith.constant 1 : i32
      %eq3A_132 = arith.cmpi eq, %arg0, %eq3A_131 : i32
      %convert_element_type3A_133 = arith.extui %eq3A_132 : i1 to i32
      %cond3A_134 = arith.constant 0 : i32
      %cond3A_135 = arith.cmpi ne, %convert_element_type3A_133, %cond3A_134 : i32
      scf.if %cond3A_135 {
        %dma_start3A = arith.constant 0 : i32
        %dma_start3A_138 = tpu.memref_slice %arg9[%add3A_125, %dma_start3A] : memref<40x128xi32, #tpu.memory_space<vmem>> -> memref<1x128xi32, #tpu.memory_space<vmem>>
        %dma_start3A_139 = tpu.memref_squeeze %dma_start3A_138 : memref<1x128xi32, #tpu.memory_space<vmem>> -> memref<128xi32, #tpu.memory_space<vmem>>
        %dma_start3A_140 = arith.constant 0 : i32
        %dma_start3A_141 = arith.constant 0 : i32
        %dma_start3A_142 = tpu.memref_slice %arg3[%dma_start3A_140, %dma_start3A_141] : memref<10000x128xf32, #tpu.memory_space<hbm>> -> memref<10000x128xf32, #tpu.memory_space<hbm>>
        tpu.enqueue_indirect_dma source(%dma_start3A_142 : memref<10000x128xf32, #tpu.memory_space<hbm>>) target(%arg11 : memref<128x128xf32, #tpu.memory_space<vmem>>) offsets(%dma_start3A_139 : memref<128xi32, #tpu.memory_space<vmem>>) semaphore(%arg14 : memref<!tpu.dma_semaphore, #tpu.memory_space<semaphore_mem>>)
      } else {
      }
      %add3A_136 = arith.constant 1 : i32
      %add3A_137 = arith.addi %mul3A_99, %add3A_136 : i32
      "tpu.region"() ({
        %run_scoped3A_138 = tpu.sem_alloc : memref<!tpu.dma_semaphore, #tpu.memory_space<semaphore_mem>>
        %dma_start3A = arith.constant 0 : i32
        %dma_start3A_139 = tpu.memref_slice %arg10[%add3A_137, %dma_start3A] : memref<40x128xi32, #tpu.memory_space<vmem>> -> memref<1x128xi32, #tpu.memory_space<vmem>>
        %dma_start3A_140 = tpu.memref_squeeze %dma_start3A_139 : memref<1x128xi32, #tpu.memory_space<vmem>> -> memref<128xi32, #tpu.memory_space<vmem>>
        %dma_start3A_141 = arith.constant 0 : i32
        %dma_start3A_142 = arith.constant 0 : i32
        %dma_start3A_143 = tpu.memref_slice %arg13[%dma_start3A_141, %dma_start3A_142] : memref<10112x128xf32, #tpu.memory_space<vmem_shared>> -> memref<10112x128xf32, #tpu.memory_space<vmem_shared>>
        tpu.enqueue_indirect_dma source(%arg12 : memref<128x128xf32, #tpu.memory_space<vmem>>) target(%dma_start3A_143 : memref<10112x128xf32, #tpu.memory_space<vmem_shared>>) offsets(%dma_start3A_140 : memref<128xi32, #tpu.memory_space<vmem>>) semaphore(%run_scoped3A_138 : memref<!tpu.dma_semaphore, #tpu.memory_space<semaphore_mem>>) {add = true}
        %dma_wait3A_144 = arith.constant 0 : i32
        %dma_wait3A_145 = tpu.memref_slice %arg10[%add3A_137, %dma_wait3A_144] : memref<40x128xi32, #tpu.memory_space<vmem>> -> memref<1x128xi32, #tpu.memory_space<vmem>>
        %dma_wait3A_146 = tpu.memref_squeeze %dma_wait3A_145 : memref<1x128xi32, #tpu.memory_space<vmem>> -> memref<128xi32, #tpu.memory_space<vmem>>
        %dma_wait3A_147 = arith.constant 0 : i32
        %dma_wait3A_148 = arith.constant 0 : i32
        %dma_wait3A_149 = tpu.memref_slice %arg13[%dma_wait3A_147, %dma_wait3A_148] : memref<10112x128xf32, #tpu.memory_space<vmem_shared>> -> memref<10112x128xf32, #tpu.memory_space<vmem_shared>>
        tpu.wait_indirect_dma semaphore(%run_scoped3A_138 : memref<!tpu.dma_semaphore, #tpu.memory_space<semaphore_mem>>) src(%arg12 : memref<128x128xf32, #tpu.memory_space<vmem>>) dst(%dma_wait3A_149 : memref<10112x128xf32, #tpu.memory_space<vmem_shared>>)
        tpu.yield
      }) : () -> ()
    }
    %scan3A_16 = arith.constant 19 : i32
    %dma_wait3A = arith.constant 0 : i32
    %dma_wait3A_17 = arith.constant 0 : i32
    %dma_wait3A_18 = tpu.memref_slice %arg2[%dma_wait3A, %dma_wait3A_17] : memref<10000x128xf32, #tpu.memory_space<hbm>> -> memref<128x128xf32, #tpu.memory_space<hbm>>
    %dma_wait3A_19 = arith.constant 0 : i32
    %dma_wait3A_20 = arith.constant 0 : i32
    %dma_wait3A_21 = tpu.memref_slice %arg2[%dma_wait3A_19, %dma_wait3A_20] : memref<10000x128xf32, #tpu.memory_space<hbm>> -> memref<128x128xf32, #tpu.memory_space<hbm>>
    tpu.wait_dma2 semaphore(%arg14 : memref<!tpu.dma_semaphore, #tpu.memory_space<semaphore_mem>>) src(%dma_wait3A_21 : memref<128x128xf32, #tpu.memory_space<hbm>>) dst(%arg11 : memref<128x128xf32, #tpu.memory_space<vmem>>)
    %eq3A_22 = arith.constant 0 : i32
    %eq3A_23 = arith.cmpi eq, %arg0, %eq3A_22 : i32
    %convert_element_type3A_24 = arith.extui %eq3A_23 : i1 to i32
    %cond3A_25 = arith.constant 0 : i32
    %cond3A_26 = arith.cmpi ne, %convert_element_type3A_24, %cond3A_25 : i32
    scf.if %cond3A_26 {
      %dma_start3A = arith.constant 39 : i32
      %dma_start3A_93 = arith.constant 0 : i32
      %dma_start3A_94 = tpu.memref_slice %arg9[%dma_start3A, %dma_start3A_93] : memref<40x128xi32, #tpu.memory_space<vmem>> -> memref<1x128xi32, #tpu.memory_space<vmem>>
      %dma_start3A_95 = tpu.memref_squeeze %dma_start3A_94 : memref<1x128xi32, #tpu.memory_space<vmem>> -> memref<128xi32, #tpu.memory_space<vmem>>
      %dma_start3A_96 = arith.constant 0 : i32
      %dma_start3A_97 = arith.constant 0 : i32
      %dma_start3A_98 = tpu.memref_slice %arg2[%dma_start3A_96, %dma_start3A_97] : memref<10000x128xf32, #tpu.memory_space<hbm>> -> memref<10000x128xf32, #tpu.memory_space<hbm>>
      tpu.enqueue_indirect_dma source(%dma_start3A_98 : memref<10000x128xf32, #tpu.memory_space<hbm>>) target(%arg12 : memref<128x128xf32, #tpu.memory_space<vmem>>) offsets(%dma_start3A_95 : memref<128xi32, #tpu.memory_space<vmem>>) semaphore(%arg15 : memref<!tpu.dma_semaphore, #tpu.memory_space<semaphore_mem>>)
    } else {
    }
    %eq3A_27 = arith.constant 1 : i32
    %eq3A_28 = arith.cmpi eq, %arg0, %eq3A_27 : i32
    %convert_element_type3A_29 = arith.extui %eq3A_28 : i1 to i32
    %cond3A_30 = arith.constant 0 : i32
    %cond3A_31 = arith.cmpi ne, %convert_element_type3A_29, %cond3A_30 : i32
    scf.if %cond3A_31 {
      %dma_start3A = arith.constant 39 : i32
      %dma_start3A_93 = arith.constant 0 : i32
      %dma_start3A_94 = tpu.memref_slice %arg9[%dma_start3A, %dma_start3A_93] : memref<40x128xi32, #tpu.memory_space<vmem>> -> memref<1x128xi32, #tpu.memory_space<vmem>>
      %dma_start3A_95 = tpu.memref_squeeze %dma_start3A_94 : memref<1x128xi32, #tpu.memory_space<vmem>> -> memref<128xi32, #tpu.memory_space<vmem>>
      %dma_start3A_96 = arith.constant 0 : i32
      %dma_start3A_97 = arith.constant 0 : i32
      %dma_start3A_98 = tpu.memref_slice %arg3[%dma_start3A_96, %dma_start3A_97] : memref<10000x128xf32, #tpu.memory_space<hbm>> -> memref<10000x128xf32, #tpu.memory_space<hbm>>
      tpu.enqueue_indirect_dma source(%dma_start3A_98 : memref<10000x128xf32, #tpu.memory_space<hbm>>) target(%arg12 : memref<128x128xf32, #tpu.memory_space<vmem>>) offsets(%dma_start3A_95 : memref<128xi32, #tpu.memory_space<vmem>>) semaphore(%arg15 : memref<!tpu.dma_semaphore, #tpu.memory_space<semaphore_mem>>)
    } else {
    }
    %run_scoped3A = arith.constant 38 : i32
    "tpu.region"() ({
      %run_scoped3A_93 = tpu.sem_alloc : memref<!tpu.dma_semaphore, #tpu.memory_space<semaphore_mem>>
      %dma_start3A = arith.constant 0 : i32
      %dma_start3A_94 = tpu.memref_slice %arg10[%run_scoped3A, %dma_start3A] : memref<40x128xi32, #tpu.memory_space<vmem>> -> memref<1x128xi32, #tpu.memory_space<vmem>>
      %dma_start3A_95 = tpu.memref_squeeze %dma_start3A_94 : memref<1x128xi32, #tpu.memory_space<vmem>> -> memref<128xi32, #tpu.memory_space<vmem>>
      %dma_start3A_96 = arith.constant 0 : i32
      %dma_start3A_97 = arith.constant 0 : i32
      %dma_start3A_98 = tpu.memref_slice %arg13[%dma_start3A_96, %dma_start3A_97] : memref<10112x128xf32, #tpu.memory_space<vmem_shared>> -> memref<10112x128xf32, #tpu.memory_space<vmem_shared>>
      tpu.enqueue_indirect_dma source(%arg11 : memref<128x128xf32, #tpu.memory_space<vmem>>) target(%dma_start3A_98 : memref<10112x128xf32, #tpu.memory_space<vmem_shared>>) offsets(%dma_start3A_95 : memref<128xi32, #tpu.memory_space<vmem>>) semaphore(%run_scoped3A_93 : memref<!tpu.dma_semaphore, #tpu.memory_space<semaphore_mem>>) {add = true}
      %dma_wait3A_99 = arith.constant 0 : i32
      %dma_wait3A_100 = tpu.memref_slice %arg10[%run_scoped3A, %dma_wait3A_99] : memref<40x128xi32, #tpu.memory_space<vmem>> -> memref<1x128xi32, #tpu.memory_space<vmem>>
      %dma_wait3A_101 = tpu.memref_squeeze %dma_wait3A_100 : memref<1x128xi32, #tpu.memory_space<vmem>> -> memref<128xi32, #tpu.memory_space<vmem>>
      %dma_wait3A_102 = arith.constant 0 : i32
      %dma_wait3A_103 = arith.constant 0 : i32
      %dma_wait3A_104 = tpu.memref_slice %arg13[%dma_wait3A_102, %dma_wait3A_103] : memref<10112x128xf32, #tpu.memory_space<vmem_shared>> -> memref<10112x128xf32, #tpu.memory_space<vmem_shared>>
      tpu.wait_indirect_dma semaphore(%run_scoped3A_93 : memref<!tpu.dma_semaphore, #tpu.memory_space<semaphore_mem>>) src(%arg11 : memref<128x128xf32, #tpu.memory_space<vmem>>) dst(%dma_wait3A_104 : memref<10112x128xf32, #tpu.memory_space<vmem_shared>>)
      tpu.yield
    }) : () -> ()
    %dma_wait3A_32 = arith.constant 0 : i32
    %dma_wait3A_33 = arith.constant 0 : i32
    %dma_wait3A_34 = tpu.memref_slice %arg2[%dma_wait3A_32, %dma_wait3A_33] : memref<10000x128xf32, #tpu.memory_space<hbm>> -> memref<128x128xf32, #tpu.memory_space<hbm>>
    %dma_wait3A_35 = arith.constant 0 : i32
    %dma_wait3A_36 = arith.constant 0 : i32
    %dma_wait3A_37 = tpu.memref_slice %arg2[%dma_wait3A_35, %dma_wait3A_36] : memref<10000x128xf32, #tpu.memory_space<hbm>> -> memref<128x128xf32, #tpu.memory_space<hbm>>
    tpu.wait_dma2 semaphore(%arg15 : memref<!tpu.dma_semaphore, #tpu.memory_space<semaphore_mem>>) src(%dma_wait3A_37 : memref<128x128xf32, #tpu.memory_space<hbm>>) dst(%arg12 : memref<128x128xf32, #tpu.memory_space<vmem>>)
    %run_scoped3A_38 = arith.constant 39 : i32
    "tpu.region"() ({
      %run_scoped3A_93 = tpu.sem_alloc : memref<!tpu.dma_semaphore, #tpu.memory_space<semaphore_mem>>
      %dma_start3A = arith.constant 0 : i32
      %dma_start3A_94 = tpu.memref_slice %arg10[%run_scoped3A_38, %dma_start3A] : memref<40x128xi32, #tpu.memory_space<vmem>> -> memref<1x128xi32, #tpu.memory_space<vmem>>
      %dma_start3A_95 = tpu.memref_squeeze %dma_start3A_94 : memref<1x128xi32, #tpu.memory_space<vmem>> -> memref<128xi32, #tpu.memory_space<vmem>>
      %dma_start3A_96 = arith.constant 0 : i32
      %dma_start3A_97 = arith.constant 0 : i32
      %dma_start3A_98 = tpu.memref_slice %arg13[%dma_start3A_96, %dma_start3A_97] : memref<10112x128xf32, #tpu.memory_space<vmem_shared>> -> memref<10112x128xf32, #tpu.memory_space<vmem_shared>>
      tpu.enqueue_indirect_dma source(%arg12 : memref<128x128xf32, #tpu.memory_space<vmem>>) target(%dma_start3A_98 : memref<10112x128xf32, #tpu.memory_space<vmem_shared>>) offsets(%dma_start3A_95 : memref<128xi32, #tpu.memory_space<vmem>>) semaphore(%run_scoped3A_93 : memref<!tpu.dma_semaphore, #tpu.memory_space<semaphore_mem>>) {add = true}
      %dma_wait3A_99 = arith.constant 0 : i32
      %dma_wait3A_100 = tpu.memref_slice %arg10[%run_scoped3A_38, %dma_wait3A_99] : memref<40x128xi32, #tpu.memory_space<vmem>> -> memref<1x128xi32, #tpu.memory_space<vmem>>
      %dma_wait3A_101 = tpu.memref_squeeze %dma_wait3A_100 : memref<1x128xi32, #tpu.memory_space<vmem>> -> memref<128xi32, #tpu.memory_space<vmem>>
      %dma_wait3A_102 = arith.constant 0 : i32
      %dma_wait3A_103 = arith.constant 0 : i32
      %dma_wait3A_104 = tpu.memref_slice %arg13[%dma_wait3A_102, %dma_wait3A_103] : memref<10112x128xf32, #tpu.memory_space<vmem_shared>> -> memref<10112x128xf32, #tpu.memory_space<vmem_shared>>
      tpu.wait_indirect_dma semaphore(%run_scoped3A_93 : memref<!tpu.dma_semaphore, #tpu.memory_space<semaphore_mem>>) src(%arg12 : memref<128x128xf32, #tpu.memory_space<vmem>>) dst(%dma_wait3A_104 : memref<10112x128xf32, #tpu.memory_space<vmem_shared>>)
      tpu.yield
    }) : () -> ()
    %add3A_39 = arith.constant 40 : i32
    %add3A_40 = arith.addi %mul3A_0, %add3A_39 : i32
    "tpu.region"() ({
      %run_scoped3A_93 = tpu.sem_alloc : memref<!tpu.dma_semaphore, #tpu.memory_space<semaphore_mem>>
      %dma_start3A = arith.constant 0 : i32
      %dma_start3A_94 = tpu.memref_slice %arg4[%add3A_40, %dma_start3A] : memref<1280x128xi32, #tpu.memory_space<hbm>> -> memref<40x128xi32, #tpu.memory_space<hbm>>
      %dma_start3A_95 = arith.constant 0 : i32
      %dma_start3A_96 = tpu.memref_slice %arg4[%add3A_40, %dma_start3A_95] : memref<1280x128xi32, #tpu.memory_space<hbm>> -> memref<40x128xi32, #tpu.memory_space<hbm>>
      tpu.enqueue_dma source(%dma_start3A_96 : memref<40x128xi32, #tpu.memory_space<hbm>>) target(%arg9 : memref<40x128xi32, #tpu.memory_space<vmem>>) target_semaphore(%run_scoped3A_93 : memref<!tpu.dma_semaphore, #tpu.memory_space<semaphore_mem>>)
      %dma_wait3A_97 = arith.constant 0 : i32
      %dma_wait3A_98 = tpu.memref_slice %arg4[%add3A_40, %dma_wait3A_97] : memref<1280x128xi32, #tpu.memory_space<hbm>> -> memref<40x128xi32, #tpu.memory_space<hbm>>
      %dma_wait3A_99 = arith.constant 0 : i32
      %dma_wait3A_100 = tpu.memref_slice %arg4[%add3A_40, %dma_wait3A_99] : memref<1280x128xi32, #tpu.memory_space<hbm>> -> memref<40x128xi32, #tpu.memory_space<hbm>>
      tpu.wait_dma2 semaphore(%run_scoped3A_93 : memref<!tpu.dma_semaphore, #tpu.memory_space<semaphore_mem>>) src(%dma_wait3A_100 : memref<40x128xi32, #tpu.memory_space<hbm>>) dst(%arg9 : memref<40x128xi32, #tpu.memory_space<vmem>>)
      tpu.yield
    }) : () -> ()
    %add3A_41 = arith.constant 40 : i32
    %add3A_42 = arith.addi %mul3A_0, %add3A_41 : i32
    "tpu.region"() ({
      %run_scoped3A_93 = tpu.sem_alloc : memref<!tpu.dma_semaphore, #tpu.memory_space<semaphore_mem>>
      %dma_start3A = arith.constant 0 : i32
      %dma_start3A_94 = tpu.memref_slice %arg5[%add3A_42, %dma_start3A] : memref<1280x128xi32, #tpu.memory_space<hbm>> -> memref<40x128xi32, #tpu.memory_space<hbm>>
      %dma_start3A_95 = arith.constant 0 : i32
      %dma_start3A_96 = tpu.memref_slice %arg5[%add3A_42, %dma_start3A_95] : memref<1280x128xi32, #tpu.memory_space<hbm>> -> memref<40x128xi32, #tpu.memory_space<hbm>>
      tpu.enqueue_dma source(%dma_start3A_96 : memref<40x128xi32, #tpu.memory_space<hbm>>) target(%arg10 : memref<40x128xi32, #tpu.memory_space<vmem>>) target_semaphore(%run_scoped3A_93 : memref<!tpu.dma_semaphore, #tpu.memory_space<semaphore_mem>>)
      %dma_wait3A_97 = arith.constant 0 : i32
      %dma_wait3A_98 = tpu.memref_slice %arg5[%add3A_42, %dma_wait3A_97] : memref<1280x128xi32, #tpu.memory_space<hbm>> -> memref<40x128xi32, #tpu.memory_space<hbm>>
      %dma_wait3A_99 = arith.constant 0 : i32
      %dma_wait3A_100 = tpu.memref_slice %arg5[%add3A_42, %dma_wait3A_99] : memref<1280x128xi32, #tpu.memory_space<hbm>> -> memref<40x128xi32, #tpu.memory_space<hbm>>
      tpu.wait_dma2 semaphore(%run_scoped3A_93 : memref<!tpu.dma_semaphore, #tpu.memory_space<semaphore_mem>>) src(%dma_wait3A_100 : memref<40x128xi32, #tpu.memory_space<hbm>>) dst(%arg10 : memref<40x128xi32, #tpu.memory_space<vmem>>)
      tpu.yield
    }) : () -> ()
    %eq3A_43 = arith.constant 0 : i32
    %eq3A_44 = arith.cmpi eq, %arg0, %eq3A_43 : i32
    %convert_element_type3A_45 = arith.extui %eq3A_44 : i1 to i32
    %cond3A_46 = arith.constant 0 : i32
    %cond3A_47 = arith.cmpi ne, %convert_element_type3A_45, %cond3A_46 : i32
    scf.if %cond3A_47 {
      %dma_start3A = arith.constant 0 : i32
      %dma_start3A_93 = arith.constant 0 : i32
      %dma_start3A_94 = tpu.memref_slice %arg9[%dma_start3A, %dma_start3A_93] : memref<40x128xi32, #tpu.memory_space<vmem>> -> memref<1x128xi32, #tpu.memory_space<vmem>>
      %dma_start3A_95 = tpu.memref_squeeze %dma_start3A_94 : memref<1x128xi32, #tpu.memory_space<vmem>> -> memref<128xi32, #tpu.memory_space<vmem>>
      %dma_start3A_96 = arith.constant 0 : i32
      %dma_start3A_97 = arith.constant 0 : i32
      %dma_start3A_98 = tpu.memref_slice %arg2[%dma_start3A_96, %dma_start3A_97] : memref<10000x128xf32, #tpu.memory_space<hbm>> -> memref<10000x128xf32, #tpu.memory_space<hbm>>
      tpu.enqueue_indirect_dma source(%dma_start3A_98 : memref<10000x128xf32, #tpu.memory_space<hbm>>) target(%arg11 : memref<128x128xf32, #tpu.memory_space<vmem>>) offsets(%dma_start3A_95 : memref<128xi32, #tpu.memory_space<vmem>>) semaphore(%arg14 : memref<!tpu.dma_semaphore, #tpu.memory_space<semaphore_mem>>)
    } else {
    }
    %eq3A_48 = arith.constant 1 : i32
    %eq3A_49 = arith.cmpi eq, %arg0, %eq3A_48 : i32
    %convert_element_type3A_50 = arith.extui %eq3A_49 : i1 to i32
    %cond3A_51 = arith.constant 0 : i32
    %cond3A_52 = arith.cmpi ne, %convert_element_type3A_50, %cond3A_51 : i32
    scf.if %cond3A_52 {
      %dma_start3A = arith.constant 0 : i32
      %dma_start3A_93 = arith.constant 0 : i32
      %dma_start3A_94 = tpu.memref_slice %arg9[%dma_start3A, %dma_start3A_93] : memref<40x128xi32, #tpu.memory_space<vmem>> -> memref<1x128xi32, #tpu.memory_space<vmem>>
      %dma_start3A_95 = tpu.memref_squeeze %dma_start3A_94 : memref<1x128xi32, #tpu.memory_space<vmem>> -> memref<128xi32, #tpu.memory_space<vmem>>
      %dma_start3A_96 = arith.constant 0 : i32
      %dma_start3A_97 = arith.constant 0 : i32
      %dma_start3A_98 = tpu.memref_slice %arg3[%dma_start3A_96, %dma_start3A_97] : memref<10000x128xf32, #tpu.memory_space<hbm>> -> memref<10000x128xf32, #tpu.memory_space<hbm>>
      tpu.enqueue_indirect_dma source(%dma_start3A_98 : memref<10000x128xf32, #tpu.memory_space<hbm>>) target(%arg11 : memref<128x128xf32, #tpu.memory_space<vmem>>) offsets(%dma_start3A_95 : memref<128xi32, #tpu.memory_space<vmem>>) semaphore(%arg14 : memref<!tpu.dma_semaphore, #tpu.memory_space<semaphore_mem>>)
    } else {
    }
    %scan3A_53 = arith.constant 0 : i32
    %scan3A_54 = arith.constant 19 : i32
    %scan3A_55 = arith.addi %scan3A_53, %scan3A_54 : i32
    %scan3A_56 = arith.constant 1 : i32
    scf.for %scan3A_93 = %scan3A_53 to %scan3A_55 step %scan3A_56  : i32 {
      %mul3A_94 = arith.constant 1 : i32
      %mul3A_95 = arith.muli %scan3A_93, %mul3A_94 : i32
      %add3A_96 = arith.constant 0 : i32
      %add3A_97 = arith.addi %add3A_96, %mul3A_95 : i32
      %mul3A_98 = arith.constant 2 : i32
      %mul3A_99 = arith.muli %mul3A_98, %add3A_97 : i32
      %dma_wait3A_100 = arith.constant 0 : i32
      %dma_wait3A_101 = arith.constant 0 : i32
      %dma_wait3A_102 = tpu.memref_slice %arg2[%dma_wait3A_100, %dma_wait3A_101] : memref<10000x128xf32, #tpu.memory_space<hbm>> -> memref<128x128xf32, #tpu.memory_space<hbm>>
      %dma_wait3A_103 = arith.constant 0 : i32
      %dma_wait3A_104 = arith.constant 0 : i32
      %dma_wait3A_105 = tpu.memref_slice %arg2[%dma_wait3A_103, %dma_wait3A_104] : memref<10000x128xf32, #tpu.memory_space<hbm>> -> memref<128x128xf32, #tpu.memory_space<hbm>>
      tpu.wait_dma2 semaphore(%arg14 : memref<!tpu.dma_semaphore, #tpu.memory_space<semaphore_mem>>) src(%dma_wait3A_105 : memref<128x128xf32, #tpu.memory_space<hbm>>) dst(%arg11 : memref<128x128xf32, #tpu.memory_space<vmem>>)
      %add3A_106 = arith.constant 1 : i32
      %add3A_107 = arith.addi %mul3A_99, %add3A_106 : i32
      %eq3A_108 = arith.constant 0 : i32
      %eq3A_109 = arith.cmpi eq, %arg0, %eq3A_108 : i32
      %convert_element_type3A_110 = arith.extui %eq3A_109 : i1 to i32
      %cond3A_111 = arith.constant 0 : i32
      %cond3A_112 = arith.cmpi ne, %convert_element_type3A_110, %cond3A_111 : i32
      scf.if %cond3A_112 {
        %dma_start3A = arith.constant 0 : i32
        %dma_start3A_138 = tpu.memref_slice %arg9[%add3A_107, %dma_start3A] : memref<40x128xi32, #tpu.memory_space<vmem>> -> memref<1x128xi32, #tpu.memory_space<vmem>>
        %dma_start3A_139 = tpu.memref_squeeze %dma_start3A_138 : memref<1x128xi32, #tpu.memory_space<vmem>> -> memref<128xi32, #tpu.memory_space<vmem>>
        %dma_start3A_140 = arith.constant 0 : i32
        %dma_start3A_141 = arith.constant 0 : i32
        %dma_start3A_142 = tpu.memref_slice %arg2[%dma_start3A_140, %dma_start3A_141] : memref<10000x128xf32, #tpu.memory_space<hbm>> -> memref<10000x128xf32, #tpu.memory_space<hbm>>
        tpu.enqueue_indirect_dma source(%dma_start3A_142 : memref<10000x128xf32, #tpu.memory_space<hbm>>) target(%arg12 : memref<128x128xf32, #tpu.memory_space<vmem>>) offsets(%dma_start3A_139 : memref<128xi32, #tpu.memory_space<vmem>>) semaphore(%arg15 : memref<!tpu.dma_semaphore, #tpu.memory_space<semaphore_mem>>)
      } else {
      }
      %eq3A_113 = arith.constant 1 : i32
      %eq3A_114 = arith.cmpi eq, %arg0, %eq3A_113 : i32
      %convert_element_type3A_115 = arith.extui %eq3A_114 : i1 to i32
      %cond3A_116 = arith.constant 0 : i32
      %cond3A_117 = arith.cmpi ne, %convert_element_type3A_115, %cond3A_116 : i32
      scf.if %cond3A_117 {
        %dma_start3A = arith.constant 0 : i32
        %dma_start3A_138 = tpu.memref_slice %arg9[%add3A_107, %dma_start3A] : memref<40x128xi32, #tpu.memory_space<vmem>> -> memref<1x128xi32, #tpu.memory_space<vmem>>
        %dma_start3A_139 = tpu.memref_squeeze %dma_start3A_138 : memref<1x128xi32, #tpu.memory_space<vmem>> -> memref<128xi32, #tpu.memory_space<vmem>>
        %dma_start3A_140 = arith.constant 0 : i32
        %dma_start3A_141 = arith.constant 0 : i32
        %dma_start3A_142 = tpu.memref_slice %arg3[%dma_start3A_140, %dma_start3A_141] : memref<10000x128xf32, #tpu.memory_space<hbm>> -> memref<10000x128xf32, #tpu.memory_space<hbm>>
        tpu.enqueue_indirect_dma source(%dma_start3A_142 : memref<10000x128xf32, #tpu.memory_space<hbm>>) target(%arg12 : memref<128x128xf32, #tpu.memory_space<vmem>>) offsets(%dma_start3A_139 : memref<128xi32, #tpu.memory_space<vmem>>) semaphore(%arg15 : memref<!tpu.dma_semaphore, #tpu.memory_space<semaphore_mem>>)
      } else {
      }
      "tpu.region"() ({
        %run_scoped3A_138 = tpu.sem_alloc : memref<!tpu.dma_semaphore, #tpu.memory_space<semaphore_mem>>
        %dma_start3A = arith.constant 0 : i32
        %dma_start3A_139 = tpu.memref_slice %arg10[%mul3A_99, %dma_start3A] : memref<40x128xi32, #tpu.memory_space<vmem>> -> memref<1x128xi32, #tpu.memory_space<vmem>>
        %dma_start3A_140 = tpu.memref_squeeze %dma_start3A_139 : memref<1x128xi32, #tpu.memory_space<vmem>> -> memref<128xi32, #tpu.memory_space<vmem>>
        %dma_start3A_141 = arith.constant 0 : i32
        %dma_start3A_142 = arith.constant 0 : i32
        %dma_start3A_143 = tpu.memref_slice %arg13[%dma_start3A_141, %dma_start3A_142] : memref<10112x128xf32, #tpu.memory_space<vmem_shared>> -> memref<10112x128xf32, #tpu.memory_space<vmem_shared>>
        tpu.enqueue_indirect_dma source(%arg11 : memref<128x128xf32, #tpu.memory_space<vmem>>) target(%dma_start3A_143 : memref<10112x128xf32, #tpu.memory_space<vmem_shared>>) offsets(%dma_start3A_140 : memref<128xi32, #tpu.memory_space<vmem>>) semaphore(%run_scoped3A_138 : memref<!tpu.dma_semaphore, #tpu.memory_space<semaphore_mem>>) {add = true}
        %dma_wait3A_144 = arith.constant 0 : i32
        %dma_wait3A_145 = tpu.memref_slice %arg10[%mul3A_99, %dma_wait3A_144] : memref<40x128xi32, #tpu.memory_space<vmem>> -> memref<1x128xi32, #tpu.memory_space<vmem>>
        %dma_wait3A_146 = tpu.memref_squeeze %dma_wait3A_145 : memref<1x128xi32, #tpu.memory_space<vmem>> -> memref<128xi32, #tpu.memory_space<vmem>>
        %dma_wait3A_147 = arith.constant 0 : i32
        %dma_wait3A_148 = arith.constant 0 : i32
        %dma_wait3A_149 = tpu.memref_slice %arg13[%dma_wait3A_147, %dma_wait3A_148] : memref<10112x128xf32, #tpu.memory_space<vmem_shared>> -> memref<10112x128xf32, #tpu.memory_space<vmem_shared>>
        tpu.wait_indirect_dma semaphore(%run_scoped3A_138 : memref<!tpu.dma_semaphore, #tpu.memory_space<semaphore_mem>>) src(%arg11 : memref<128x128xf32, #tpu.memory_space<vmem>>) dst(%dma_wait3A_149 : memref<10112x128xf32, #tpu.memory_space<vmem_shared>>)
        tpu.yield
      }) : () -> ()
      %dma_wait3A_118 = arith.constant 0 : i32
      %dma_wait3A_119 = arith.constant 0 : i32
      %dma_wait3A_120 = tpu.memref_slice %arg2[%dma_wait3A_118, %dma_wait3A_119] : memref<10000x128xf32, #tpu.memory_space<hbm>> -> memref<128x128xf32, #tpu.memory_space<hbm>>
      %dma_wait3A_121 = arith.constant 0 : i32
      %dma_wait3A_122 = arith.constant 0 : i32
      %dma_wait3A_123 = tpu.memref_slice %arg2[%dma_wait3A_121, %dma_wait3A_122] : memref<10000x128xf32, #tpu.memory_space<hbm>> -> memref<128x128xf32, #tpu.memory_space<hbm>>
      tpu.wait_dma2 semaphore(%arg15 : memref<!tpu.dma_semaphore, #tpu.memory_space<semaphore_mem>>) src(%dma_wait3A_123 : memref<128x128xf32, #tpu.memory_space<hbm>>) dst(%arg12 : memref<128x128xf32, #tpu.memory_space<vmem>>)
      %add3A_124 = arith.constant 2 : i32
      %add3A_125 = arith.addi %mul3A_99, %add3A_124 : i32
      %eq3A_126 = arith.constant 0 : i32
      %eq3A_127 = arith.cmpi eq, %arg0, %eq3A_126 : i32
      %convert_element_type3A_128 = arith.extui %eq3A_127 : i1 to i32
      %cond3A_129 = arith.constant 0 : i32
      %cond3A_130 = arith.cmpi ne, %convert_element_type3A_128, %cond3A_129 : i32
      scf.if %cond3A_130 {
        %dma_start3A = arith.constant 0 : i32
        %dma_start3A_138 = tpu.memref_slice %arg9[%add3A_125, %dma_start3A] : memref<40x128xi32, #tpu.memory_space<vmem>> -> memref<1x128xi32, #tpu.memory_space<vmem>>
        %dma_start3A_139 = tpu.memref_squeeze %dma_start3A_138 : memref<1x128xi32, #tpu.memory_space<vmem>> -> memref<128xi32, #tpu.memory_space<vmem>>
        %dma_start3A_140 = arith.constant 0 : i32
        %dma_start3A_141 = arith.constant 0 : i32
        %dma_start3A_142 = tpu.memref_slice %arg2[%dma_start3A_140, %dma_start3A_141] : memref<10000x128xf32, #tpu.memory_space<hbm>> -> memref<10000x128xf32, #tpu.memory_space<hbm>>
        tpu.enqueue_indirect_dma source(%dma_start3A_142 : memref<10000x128xf32, #tpu.memory_space<hbm>>) target(%arg11 : memref<128x128xf32, #tpu.memory_space<vmem>>) offsets(%dma_start3A_139 : memref<128xi32, #tpu.memory_space<vmem>>) semaphore(%arg14 : memref<!tpu.dma_semaphore, #tpu.memory_space<semaphore_mem>>)
      } else {
      }
      %eq3A_131 = arith.constant 1 : i32
      %eq3A_132 = arith.cmpi eq, %arg0, %eq3A_131 : i32
      %convert_element_type3A_133 = arith.extui %eq3A_132 : i1 to i32
      %cond3A_134 = arith.constant 0 : i32
      %cond3A_135 = arith.cmpi ne, %convert_element_type3A_133, %cond3A_134 : i32
      scf.if %cond3A_135 {
        %dma_start3A = arith.constant 0 : i32
        %dma_start3A_138 = tpu.memref_slice %arg9[%add3A_125, %dma_start3A] : memref<40x128xi32, #tpu.memory_space<vmem>> -> memref<1x128xi32, #tpu.memory_space<vmem>>
        %dma_start3A_139 = tpu.memref_squeeze %dma_start3A_138 : memref<1x128xi32, #tpu.memory_space<vmem>> -> memref<128xi32, #tpu.memory_space<vmem>>
        %dma_start3A_140 = arith.constant 0 : i32
        %dma_start3A_141 = arith.constant 0 : i32
        %dma_start3A_142 = tpu.memref_slice %arg3[%dma_start3A_140, %dma_start3A_141] : memref<10000x128xf32, #tpu.memory_space<hbm>> -> memref<10000x128xf32, #tpu.memory_space<hbm>>
        tpu.enqueue_indirect_dma source(%dma_start3A_142 : memref<10000x128xf32, #tpu.memory_space<hbm>>) target(%arg11 : memref<128x128xf32, #tpu.memory_space<vmem>>) offsets(%dma_start3A_139 : memref<128xi32, #tpu.memory_space<vmem>>) semaphore(%arg14 : memref<!tpu.dma_semaphore, #tpu.memory_space<semaphore_mem>>)
      } else {
      }
      %add3A_136 = arith.constant 1 : i32
      %add3A_137 = arith.addi %mul3A_99, %add3A_136 : i32
      "tpu.region"() ({
        %run_scoped3A_138 = tpu.sem_alloc : memref<!tpu.dma_semaphore, #tpu.memory_space<semaphore_mem>>
        %dma_start3A = arith.constant 0 : i32
        %dma_start3A_139 = tpu.memref_slice %arg10[%add3A_137, %dma_start3A] : memref<40x128xi32, #tpu.memory_space<vmem>> -> memref<1x128xi32, #tpu.memory_space<vmem>>
        %dma_start3A_140 = tpu.memref_squeeze %dma_start3A_139 : memref<1x128xi32, #tpu.memory_space<vmem>> -> memref<128xi32, #tpu.memory_space<vmem>>
        %dma_start3A_141 = arith.constant 0 : i32
        %dma_start3A_142 = arith.constant 0 : i32
        %dma_start3A_143 = tpu.memref_slice %arg13[%dma_start3A_141, %dma_start3A_142] : memref<10112x128xf32, #tpu.memory_space<vmem_shared>> -> memref<10112x128xf32, #tpu.memory_space<vmem_shared>>
        tpu.enqueue_indirect_dma source(%arg12 : memref<128x128xf32, #tpu.memory_space<vmem>>) target(%dma_start3A_143 : memref<10112x128xf32, #tpu.memory_space<vmem_shared>>) offsets(%dma_start3A_140 : memref<128xi32, #tpu.memory_space<vmem>>) semaphore(%run_scoped3A_138 : memref<!tpu.dma_semaphore, #tpu.memory_space<semaphore_mem>>) {add = true}
        %dma_wait3A_144 = arith.constant 0 : i32
        %dma_wait3A_145 = tpu.memref_slice %arg10[%add3A_137, %dma_wait3A_144] : memref<40x128xi32, #tpu.memory_space<vmem>> -> memref<1x128xi32, #tpu.memory_space<vmem>>
        %dma_wait3A_146 = tpu.memref_squeeze %dma_wait3A_145 : memref<1x128xi32, #tpu.memory_space<vmem>> -> memref<128xi32, #tpu.memory_space<vmem>>
        %dma_wait3A_147 = arith.constant 0 : i32
        %dma_wait3A_148 = arith.constant 0 : i32
        %dma_wait3A_149 = tpu.memref_slice %arg13[%dma_wait3A_147, %dma_wait3A_148] : memref<10112x128xf32, #tpu.memory_space<vmem_shared>> -> memref<10112x128xf32, #tpu.memory_space<vmem_shared>>
        tpu.wait_indirect_dma semaphore(%run_scoped3A_138 : memref<!tpu.dma_semaphore, #tpu.memory_space<semaphore_mem>>) src(%arg12 : memref<128x128xf32, #tpu.memory_space<vmem>>) dst(%dma_wait3A_149 : memref<10112x128xf32, #tpu.memory_space<vmem_shared>>)
        tpu.yield
      }) : () -> ()
    }
    %scan3A_57 = arith.constant 19 : i32
    %dma_wait3A_58 = arith.constant 0 : i32
    %dma_wait3A_59 = arith.constant 0 : i32
    %dma_wait3A_60 = tpu.memref_slice %arg2[%dma_wait3A_58, %dma_wait3A_59] : memref<10000x128xf32, #tpu.memory_space<hbm>> -> memref<128x128xf32, #tpu.memory_space<hbm>>
    %dma_wait3A_61 = arith.constant 0 : i32
    %dma_wait3A_62 = arith.constant 0 : i32
    %dma_wait3A_63 = tpu.memref_slice %arg2[%dma_wait3A_61, %dma_wait3A_62] : memref<10000x128xf32, #tpu.memory_space<hbm>> -> memref<128x128xf32, #tpu.memory_space<hbm>>
    tpu.wait_dma2 semaphore(%arg14 : memref<!tpu.dma_semaphore, #tpu.memory_space<semaphore_mem>>) src(%dma_wait3A_63 : memref<128x128xf32, #tpu.memory_space<hbm>>) dst(%arg11 : memref<128x128xf32, #tpu.memory_space<vmem>>)
    %eq3A_64 = arith.constant 0 : i32
    %eq3A_65 = arith.cmpi eq, %arg0, %eq3A_64 : i32
    %convert_element_type3A_66 = arith.extui %eq3A_65 : i1 to i32
    %cond3A_67 = arith.constant 0 : i32
    %cond3A_68 = arith.cmpi ne, %convert_element_type3A_66, %cond3A_67 : i32
    scf.if %cond3A_68 {
      %dma_start3A = arith.constant 39 : i32
      %dma_start3A_93 = arith.constant 0 : i32
      %dma_start3A_94 = tpu.memref_slice %arg9[%dma_start3A, %dma_start3A_93] : memref<40x128xi32, #tpu.memory_space<vmem>> -> memref<1x128xi32, #tpu.memory_space<vmem>>
      %dma_start3A_95 = tpu.memref_squeeze %dma_start3A_94 : memref<1x128xi32, #tpu.memory_space<vmem>> -> memref<128xi32, #tpu.memory_space<vmem>>
      %dma_start3A_96 = arith.constant 0 : i32
      %dma_start3A_97 = arith.constant 0 : i32
      %dma_start3A_98 = tpu.memref_slice %arg2[%dma_start3A_96, %dma_start3A_97] : memref<10000x128xf32, #tpu.memory_space<hbm>> -> memref<10000x128xf32, #tpu.memory_space<hbm>>
      tpu.enqueue_indirect_dma source(%dma_start3A_98 : memref<10000x128xf32, #tpu.memory_space<hbm>>) target(%arg12 : memref<128x128xf32, #tpu.memory_space<vmem>>) offsets(%dma_start3A_95 : memref<128xi32, #tpu.memory_space<vmem>>) semaphore(%arg15 : memref<!tpu.dma_semaphore, #tpu.memory_space<semaphore_mem>>)
    } else {
    }
    %eq3A_69 = arith.constant 1 : i32
    %eq3A_70 = arith.cmpi eq, %arg0, %eq3A_69 : i32
    %convert_element_type3A_71 = arith.extui %eq3A_70 : i1 to i32
    %cond3A_72 = arith.constant 0 : i32
    %cond3A_73 = arith.cmpi ne, %convert_element_type3A_71, %cond3A_72 : i32
    scf.if %cond3A_73 {
      %dma_start3A = arith.constant 39 : i32
      %dma_start3A_93 = arith.constant 0 : i32
      %dma_start3A_94 = tpu.memref_slice %arg9[%dma_start3A, %dma_start3A_93] : memref<40x128xi32, #tpu.memory_space<vmem>> -> memref<1x128xi32, #tpu.memory_space<vmem>>
      %dma_start3A_95 = tpu.memref_squeeze %dma_start3A_94 : memref<1x128xi32, #tpu.memory_space<vmem>> -> memref<128xi32, #tpu.memory_space<vmem>>
      %dma_start3A_96 = arith.constant 0 : i32
      %dma_start3A_97 = arith.constant 0 : i32
      %dma_start3A_98 = tpu.memref_slice %arg3[%dma_start3A_96, %dma_start3A_97] : memref<10000x128xf32, #tpu.memory_space<hbm>> -> memref<10000x128xf32, #tpu.memory_space<hbm>>
      tpu.enqueue_indirect_dma source(%dma_start3A_98 : memref<10000x128xf32, #tpu.memory_space<hbm>>) target(%arg12 : memref<128x128xf32, #tpu.memory_space<vmem>>) offsets(%dma_start3A_95 : memref<128xi32, #tpu.memory_space<vmem>>) semaphore(%arg15 : memref<!tpu.dma_semaphore, #tpu.memory_space<semaphore_mem>>)
    } else {
    }
    %run_scoped3A_74 = arith.constant 38 : i32
    "tpu.region"() ({
      %run_scoped3A_93 = tpu.sem_alloc : memref<!tpu.dma_semaphore, #tpu.memory_space<semaphore_mem>>
      %dma_start3A = arith.constant 0 : i32
      %dma_start3A_94 = tpu.memref_slice %arg10[%run_scoped3A_74, %dma_start3A] : memref<40x128xi32, #tpu.memory_space<vmem>> -> memref<1x128xi32, #tpu.memory_space<vmem>>
      %dma_start3A_95 = tpu.memref_squeeze %dma_start3A_94 : memref<1x128xi32, #tpu.memory_space<vmem>> -> memref<128xi32, #tpu.memory_space<vmem>>
      %dma_start3A_96 = arith.constant 0 : i32
      %dma_start3A_97 = arith.constant 0 : i32
      %dma_start3A_98 = tpu.memref_slice %arg13[%dma_start3A_96, %dma_start3A_97] : memref<10112x128xf32, #tpu.memory_space<vmem_shared>> -> memref<10112x128xf32, #tpu.memory_space<vmem_shared>>
      tpu.enqueue_indirect_dma source(%arg11 : memref<128x128xf32, #tpu.memory_space<vmem>>) target(%dma_start3A_98 : memref<10112x128xf32, #tpu.memory_space<vmem_shared>>) offsets(%dma_start3A_95 : memref<128xi32, #tpu.memory_space<vmem>>) semaphore(%run_scoped3A_93 : memref<!tpu.dma_semaphore, #tpu.memory_space<semaphore_mem>>) {add = true}
      %dma_wait3A_99 = arith.constant 0 : i32
      %dma_wait3A_100 = tpu.memref_slice %arg10[%run_scoped3A_74, %dma_wait3A_99] : memref<40x128xi32, #tpu.memory_space<vmem>> -> memref<1x128xi32, #tpu.memory_space<vmem>>
      %dma_wait3A_101 = tpu.memref_squeeze %dma_wait3A_100 : memref<1x128xi32, #tpu.memory_space<vmem>> -> memref<128xi32, #tpu.memory_space<vmem>>
      %dma_wait3A_102 = arith.constant 0 : i32
      %dma_wait3A_103 = arith.constant 0 : i32
      %dma_wait3A_104 = tpu.memref_slice %arg13[%dma_wait3A_102, %dma_wait3A_103] : memref<10112x128xf32, #tpu.memory_space<vmem_shared>> -> memref<10112x128xf32, #tpu.memory_space<vmem_shared>>
      tpu.wait_indirect_dma semaphore(%run_scoped3A_93 : memref<!tpu.dma_semaphore, #tpu.memory_space<semaphore_mem>>) src(%arg11 : memref<128x128xf32, #tpu.memory_space<vmem>>) dst(%dma_wait3A_104 : memref<10112x128xf32, #tpu.memory_space<vmem_shared>>)
      tpu.yield
    }) : () -> ()
    %dma_wait3A_75 = arith.constant 0 : i32
    %dma_wait3A_76 = arith.constant 0 : i32
    %dma_wait3A_77 = tpu.memref_slice %arg2[%dma_wait3A_75, %dma_wait3A_76] : memref<10000x128xf32, #tpu.memory_space<hbm>> -> memref<128x128xf32, #tpu.memory_space<hbm>>
    %dma_wait3A_78 = arith.constant 0 : i32
    %dma_wait3A_79 = arith.constant 0 : i32
    %dma_wait3A_80 = tpu.memref_slice %arg2[%dma_wait3A_78, %dma_wait3A_79] : memref<10000x128xf32, #tpu.memory_space<hbm>> -> memref<128x128xf32, #tpu.memory_space<hbm>>
    tpu.wait_dma2 semaphore(%arg15 : memref<!tpu.dma_semaphore, #tpu.memory_space<semaphore_mem>>) src(%dma_wait3A_80 : memref<128x128xf32, #tpu.memory_space<hbm>>) dst(%arg12 : memref<128x128xf32, #tpu.memory_space<vmem>>)
    %run_scoped3A_81 = arith.constant 39 : i32
    "tpu.region"() ({
      %run_scoped3A_93 = tpu.sem_alloc : memref<!tpu.dma_semaphore, #tpu.memory_space<semaphore_mem>>
      %dma_start3A = arith.constant 0 : i32
      %dma_start3A_94 = tpu.memref_slice %arg10[%run_scoped3A_81, %dma_start3A] : memref<40x128xi32, #tpu.memory_space<vmem>> -> memref<1x128xi32, #tpu.memory_space<vmem>>
      %dma_start3A_95 = tpu.memref_squeeze %dma_start3A_94 : memref<1x128xi32, #tpu.memory_space<vmem>> -> memref<128xi32, #tpu.memory_space<vmem>>
      %dma_start3A_96 = arith.constant 0 : i32
      %dma_start3A_97 = arith.constant 0 : i32
      %dma_start3A_98 = tpu.memref_slice %arg13[%dma_start3A_96, %dma_start3A_97] : memref<10112x128xf32, #tpu.memory_space<vmem_shared>> -> memref<10112x128xf32, #tpu.memory_space<vmem_shared>>
      tpu.enqueue_indirect_dma source(%arg12 : memref<128x128xf32, #tpu.memory_space<vmem>>) target(%dma_start3A_98 : memref<10112x128xf32, #tpu.memory_space<vmem_shared>>) offsets(%dma_start3A_95 : memref<128xi32, #tpu.memory_space<vmem>>) semaphore(%run_scoped3A_93 : memref<!tpu.dma_semaphore, #tpu.memory_space<semaphore_mem>>) {add = true}
      %dma_wait3A_99 = arith.constant 0 : i32
      %dma_wait3A_100 = tpu.memref_slice %arg10[%run_scoped3A_81, %dma_wait3A_99] : memref<40x128xi32, #tpu.memory_space<vmem>> -> memref<1x128xi32, #tpu.memory_space<vmem>>
      %dma_wait3A_101 = tpu.memref_squeeze %dma_wait3A_100 : memref<1x128xi32, #tpu.memory_space<vmem>> -> memref<128xi32, #tpu.memory_space<vmem>>
      %dma_wait3A_102 = arith.constant 0 : i32
      %dma_wait3A_103 = arith.constant 0 : i32
      %dma_wait3A_104 = tpu.memref_slice %arg13[%dma_wait3A_102, %dma_wait3A_103] : memref<10112x128xf32, #tpu.memory_space<vmem_shared>> -> memref<10112x128xf32, #tpu.memory_space<vmem_shared>>
      tpu.wait_indirect_dma semaphore(%run_scoped3A_93 : memref<!tpu.dma_semaphore, #tpu.memory_space<semaphore_mem>>) src(%arg12 : memref<128x128xf32, #tpu.memory_space<vmem>>) dst(%dma_wait3A_104 : memref<10112x128xf32, #tpu.memory_space<vmem_shared>>)
      tpu.yield
    }) : () -> ()
    %barrier3A_82 = arith.constant 0 : index
    tpu.barrier barrier_id(%barrier3A_82)
    %eq3A_83 = arith.constant 0 : i32
    %eq3A_84 = arith.cmpi eq, %arg0, %eq3A_83 : i32
    %convert_element_type3A_85 = arith.extui %eq3A_84 : i1 to i32
    %cond3A_86 = arith.constant 0 : i32
    %cond3A_87 = arith.cmpi ne, %convert_element_type3A_85, %cond3A_86 : i32
    scf.if %cond3A_87 {
      %mul3A_93 = arith.constant 624 : i32
      %mul3A_94 = arith.muli %arg1, %mul3A_93 : i32
      %mul3A_95 = arith.constant 624 : i32
      %mul3A_96 = arith.muli %arg1, %mul3A_95 : i32
      "tpu.region"() ({
        %run_scoped3A_102 = tpu.sem_alloc : memref<!tpu.dma_semaphore, #tpu.memory_space<semaphore_mem>>
        %dma_start3A = arith.constant 0 : i32
        %dma_start3A_103 = tpu.memref_slice %arg7[%mul3A_96, %dma_start3A] : memref<10000x128xf32, #tpu.memory_space<hbm>> -> memref<624x128xf32, #tpu.memory_space<hbm>>
        %dma_start3A_104 = arith.constant 0 : i32
        %dma_start3A_105 = tpu.memref_slice %arg13[%mul3A_94, %dma_start3A_104] : memref<10112x128xf32, #tpu.memory_space<vmem_shared>> -> memref<624x128xf32, #tpu.memory_space<vmem_shared>>
        tpu.enqueue_dma source(%dma_start3A_105 : memref<624x128xf32, #tpu.memory_space<vmem_shared>>) target(%dma_start3A_103 : memref<624x128xf32, #tpu.memory_space<hbm>>) target_semaphore(%run_scoped3A_102 : memref<!tpu.dma_semaphore, #tpu.memory_space<semaphore_mem>>)
        %dma_wait3A_106 = arith.constant 0 : i32
        %dma_wait3A_107 = tpu.memref_slice %arg7[%mul3A_96, %dma_wait3A_106] : memref<10000x128xf32, #tpu.memory_space<hbm>> -> memref<624x128xf32, #tpu.memory_space<hbm>>
        %dma_wait3A_108 = arith.constant 0 : i32
        %dma_wait3A_109 = tpu.memref_slice %arg13[%mul3A_94, %dma_wait3A_108] : memref<10112x128xf32, #tpu.memory_space<vmem_shared>> -> memref<624x128xf32, #tpu.memory_space<vmem_shared>>
        tpu.wait_dma2 semaphore(%run_scoped3A_102 : memref<!tpu.dma_semaphore, #tpu.memory_space<semaphore_mem>>) src(%dma_wait3A_109 : memref<624x128xf32, #tpu.memory_space<vmem_shared>>) dst(%dma_wait3A_107 : memref<624x128xf32, #tpu.memory_space<hbm>>)
        tpu.yield
      }) : () -> ()
      %eq3A_97 = arith.constant 0 : i32
      %eq3A_98 = arith.cmpi eq, %arg1, %eq3A_97 : i32
      %convert_element_type3A_99 = arith.extui %eq3A_98 : i1 to i32
      %cond3A_100 = arith.constant 0 : i32
      %cond3A_101 = arith.cmpi ne, %convert_element_type3A_99, %cond3A_100 : i32
      scf.if %cond3A_101 {
        "tpu.region"() ({
          %run_scoped3A_102 = tpu.sem_alloc : memref<!tpu.dma_semaphore, #tpu.memory_space<semaphore_mem>>
          %dma_start3A = arith.constant 9984 : i32
          %dma_start3A_103 = arith.constant 0 : i32
          %dma_start3A_104 = tpu.memref_slice %arg7[%dma_start3A, %dma_start3A_103] : memref<10000x128xf32, #tpu.memory_space<hbm>> -> memref<16x128xf32, #tpu.memory_space<hbm>>
          %dma_start3A_105 = arith.constant 9984 : i32
          %dma_start3A_106 = arith.constant 0 : i32
          %dma_start3A_107 = tpu.memref_slice %arg13[%dma_start3A_105, %dma_start3A_106] : memref<10112x128xf32, #tpu.memory_space<vmem_shared>> -> memref<16x128xf32, #tpu.memory_space<vmem_shared>>
          tpu.enqueue_dma source(%dma_start3A_107 : memref<16x128xf32, #tpu.memory_space<vmem_shared>>) target(%dma_start3A_104 : memref<16x128xf32, #tpu.memory_space<hbm>>) target_semaphore(%run_scoped3A_102 : memref<!tpu.dma_semaphore, #tpu.memory_space<semaphore_mem>>)
          %dma_wait3A_108 = arith.constant 9984 : i32
          %dma_wait3A_109 = arith.constant 0 : i32
          %dma_wait3A_110 = tpu.memref_slice %arg7[%dma_wait3A_108, %dma_wait3A_109] : memref<10000x128xf32, #tpu.memory_space<hbm>> -> memref<16x128xf32, #tpu.memory_space<hbm>>
          %dma_wait3A_111 = arith.constant 9984 : i32
          %dma_wait3A_112 = arith.constant 0 : i32
          %dma_wait3A_113 = tpu.memref_slice %arg13[%dma_wait3A_111, %dma_wait3A_112] : memref<10112x128xf32, #tpu.memory_space<vmem_shared>> -> memref<16x128xf32, #tpu.memory_space<vmem_shared>>
          tpu.wait_dma2 semaphore(%run_scoped3A_102 : memref<!tpu.dma_semaphore, #tpu.memory_space<semaphore_mem>>) src(%dma_wait3A_113 : memref<16x128xf32, #tpu.memory_space<vmem_shared>>) dst(%dma_wait3A_110 : memref<16x128xf32, #tpu.memory_space<hbm>>)
          tpu.yield
        }) : () -> ()
      } else {
      }
    } else {
    }
    %eq3A_88 = arith.constant 1 : i32
    %eq3A_89 = arith.cmpi eq, %arg0, %eq3A_88 : i32
    %convert_element_type3A_90 = arith.extui %eq3A_89 : i1 to i32
    %cond3A_91 = arith.constant 0 : i32
    %cond3A_92 = arith.cmpi ne, %convert_element_type3A_90, %cond3A_91 : i32
    scf.if %cond3A_92 {
      %mul3A_93 = arith.constant 624 : i32
      %mul3A_94 = arith.muli %arg1, %mul3A_93 : i32
      %mul3A_95 = arith.constant 624 : i32
      %mul3A_96 = arith.muli %arg1, %mul3A_95 : i32
      "tpu.region"() ({
        %run_scoped3A_102 = tpu.sem_alloc : memref<!tpu.dma_semaphore, #tpu.memory_space<semaphore_mem>>
        %dma_start3A = arith.constant 0 : i32
        %dma_start3A_103 = tpu.memref_slice %arg8[%mul3A_96, %dma_start3A] : memref<10000x128xf32, #tpu.memory_space<hbm>> -> memref<624x128xf32, #tpu.memory_space<hbm>>
        %dma_start3A_104 = arith.constant 0 : i32
        %dma_start3A_105 = tpu.memref_slice %arg13[%mul3A_94, %dma_start3A_104] : memref<10112x128xf32, #tpu.memory_space<vmem_shared>> -> memref<624x128xf32, #tpu.memory_space<vmem_shared>>
        tpu.enqueue_dma source(%dma_start3A_105 : memref<624x128xf32, #tpu.memory_space<vmem_shared>>) target(%dma_start3A_103 : memref<624x128xf32, #tpu.memory_space<hbm>>) target_semaphore(%run_scoped3A_102 : memref<!tpu.dma_semaphore, #tpu.memory_space<semaphore_mem>>)
        %dma_wait3A_106 = arith.constant 0 : i32
        %dma_wait3A_107 = tpu.memref_slice %arg8[%mul3A_96, %dma_wait3A_106] : memref<10000x128xf32, #tpu.memory_space<hbm>> -> memref<624x128xf32, #tpu.memory_space<hbm>>
        %dma_wait3A_108 = arith.constant 0 : i32
        %dma_wait3A_109 = tpu.memref_slice %arg13[%mul3A_94, %dma_wait3A_108] : memref<10112x128xf32, #tpu.memory_space<vmem_shared>> -> memref<624x128xf32, #tpu.memory_space<vmem_shared>>
        tpu.wait_dma2 semaphore(%run_scoped3A_102 : memref<!tpu.dma_semaphore, #tpu.memory_space<semaphore_mem>>) src(%dma_wait3A_109 : memref<624x128xf32, #tpu.memory_space<vmem_shared>>) dst(%dma_wait3A_107 : memref<624x128xf32, #tpu.memory_space<hbm>>)
        tpu.yield
      }) : () -> ()
      %eq3A_97 = arith.constant 0 : i32
      %eq3A_98 = arith.cmpi eq, %arg1, %eq3A_97 : i32
      %convert_element_type3A_99 = arith.extui %eq3A_98 : i1 to i32
      %cond3A_100 = arith.constant 0 : i32
      %cond3A_101 = arith.cmpi ne, %convert_element_type3A_99, %cond3A_100 : i32
      scf.if %cond3A_101 {
        "tpu.region"() ({
          %run_scoped3A_102 = tpu.sem_alloc : memref<!tpu.dma_semaphore, #tpu.memory_space<semaphore_mem>>
          %dma_start3A = arith.constant 9984 : i32
          %dma_start3A_103 = arith.constant 0 : i32
          %dma_start3A_104 = tpu.memref_slice %arg8[%dma_start3A, %dma_start3A_103] : memref<10000x128xf32, #tpu.memory_space<hbm>> -> memref<16x128xf32, #tpu.memory_space<hbm>>
          %dma_start3A_105 = arith.constant 9984 : i32
          %dma_start3A_106 = arith.constant 0 : i32
          %dma_start3A_107 = tpu.memref_slice %arg13[%dma_start3A_105, %dma_start3A_106] : memref<10112x128xf32, #tpu.memory_space<vmem_shared>> -> memref<16x128xf32, #tpu.memory_space<vmem_shared>>
          tpu.enqueue_dma source(%dma_start3A_107 : memref<16x128xf32, #tpu.memory_space<vmem_shared>>) target(%dma_start3A_104 : memref<16x128xf32, #tpu.memory_space<hbm>>) target_semaphore(%run_scoped3A_102 : memref<!tpu.dma_semaphore, #tpu.memory_space<semaphore_mem>>)
          %dma_wait3A_108 = arith.constant 9984 : i32
          %dma_wait3A_109 = arith.constant 0 : i32
          %dma_wait3A_110 = tpu.memref_slice %arg8[%dma_wait3A_108, %dma_wait3A_109] : memref<10000x128xf32, #tpu.memory_space<hbm>> -> memref<16x128xf32, #tpu.memory_space<hbm>>
          %dma_wait3A_111 = arith.constant 9984 : i32
          %dma_wait3A_112 = arith.constant 0 : i32
          %dma_wait3A_113 = tpu.memref_slice %arg13[%dma_wait3A_111, %dma_wait3A_112] : memref<10112x128xf32, #tpu.memory_space<vmem_shared>> -> memref<16x128xf32, #tpu.memory_space<vmem_shared>>
          tpu.wait_dma2 semaphore(%run_scoped3A_102 : memref<!tpu.dma_semaphore, #tpu.memory_space<semaphore_mem>>) src(%dma_wait3A_113 : memref<16x128xf32, #tpu.memory_space<vmem_shared>>) dst(%dma_wait3A_110 : memref<16x128xf32, #tpu.memory_space<hbm>>)
          tpu.yield
        }) : () -> ()
      } else {
      }
    } else {
    }
    return
  }
}

module attributes {stable_mosaic.version = 14 : i64} {
  func.func @body(%arg0: i32, %arg1: memref<1x1x1000xi32, #tpu.memory_space<vmem>>, %arg2: memref<1x1x1000xi32, #tpu.memory_space<vmem>>, %arg3: memref<24x32xf32, #tpu.memory_space<vmem>>, %arg4: memref<8x8xf32, #tpu.memory_space<vmem>>, %arg5: memref<40x256xf32, #tpu.memory_space<vmem>>, %arg6: memref<1x256xf32, #tpu.memory_space<vmem>>, %arg7: memref<256x256xf32, #tpu.memory_space<vmem>>, %arg8: memref<1x256xf32, #tpu.memory_space<vmem>>, %arg9: memref<1000x128xf32, #tpu.memory_space<vmem>>, %arg10: memref<1000x128xf32, #tpu.memory_space<vmem>>) attributes {dimension_semantics = [#tpu.dimension_semantics<arbitrary>], iteration_bounds = array<i64: 10>, scalar_prefetch = 0 : i64, scratch_operands = 0 : i64, tpu.core_type = #tpu.core_type<tc>, window_params = [{transform_indices = @transform_0, window_bounds = array<i64: 1, 1, 1000>}, {transform_indices = @transform_1, window_bounds = array<i64: 1, 1, 1000>}, {pipeline_mode = #tpu.pipeline_mode<synchronous>, transform_indices = @transform_2, window_bounds = array<i64: 24, 32>}, {pipeline_mode = #tpu.pipeline_mode<synchronous>, transform_indices = @transform_3, window_bounds = array<i64: 8, 8>}, {pipeline_mode = #tpu.pipeline_mode<synchronous>, transform_indices = @transform_4, window_bounds = array<i64: 40, 256>}, {pipeline_mode = #tpu.pipeline_mode<synchronous>, transform_indices = @transform_5, window_bounds = array<i64: 1, 256>}, {pipeline_mode = #tpu.pipeline_mode<synchronous>, transform_indices = @transform_6, window_bounds = array<i64: 256, 256>}, {pipeline_mode = #tpu.pipeline_mode<synchronous>, transform_indices = @transform_7, window_bounds = array<i64: 1, 256>}, {transform_indices = @transform_8, window_bounds = array<i64: 1000, 128>}, {transform_indices = @transform_9, window_bounds = array<i64: 1000, 128>}]} {
    %get3A = arith.constant 0 : index
    %get3A_0 = arith.constant 0 : index
    %get3A_1 = arith.constant 0 : index
    %get3A_2 = vector.load %arg1[%get3A, %get3A_0, %get3A_1] : memref<1x1x1000xi32, #tpu.memory_space<vmem>>, vector<1x1x1000xi32>
    %get3A_3 = vector.shape_cast %get3A_2 : vector<1x1x1000xi32> to vector<1000xi32>
    %get3A_4 = arith.constant 0 : index
    %get3A_5 = arith.constant 0 : index
    %get3A_6 = arith.constant 0 : index
    %get3A_7 = vector.load %arg2[%get3A_4, %get3A_5, %get3A_6] : memref<1x1x1000xi32, #tpu.memory_space<vmem>>, vector<1x1x1000xi32>
    %get3A_8 = vector.shape_cast %get3A_7 : vector<1x1x1000xi32> to vector<1000xi32>
    %get3A_9 = arith.constant 0 : index
    %get3A_10 = arith.constant 0 : index
    %get3A_11 = vector.load %arg3[%get3A_9, %get3A_10] : memref<24x32xf32, #tpu.memory_space<vmem>>, vector<24x32xf32>
    %get3A_12 = arith.constant 0 : index
    %get3A_13 = arith.constant 0 : index
    %get3A_14 = vector.load %arg5[%get3A_12, %get3A_13] : memref<40x256xf32, #tpu.memory_space<vmem>>, vector<32x256xf32>
    %dot_general3A = arith.constant dense<0.000000e+00> : vector<24x256xf32>
    %dot_general3A_15 = tpu.matmul %get3A_11, %get3A_14, %dot_general3A {dimension_numbers = #tpu.dot_dimension_numbers<[1], [0], [0], [1], [0, 0, 1, 1], [], []>, transpose_lhs_hint = false} : vector<24x32xf32>, vector<32x256xf32>, vector<24x256xf32> -> vector<24x256xf32>
    %get3A_16 = arith.constant 0 : index
    %get3A_17 = arith.constant 0 : index
    %get3A_18 = vector.load %arg4[%get3A_16, %get3A_17] : memref<8x8xf32, #tpu.memory_space<vmem>>, vector<8x8xf32>
    %get3A_19 = arith.constant 32 : index
    %get3A_20 = arith.constant 0 : index
    %get3A_21 = vector.load %arg5[%get3A_19, %get3A_20] : memref<40x256xf32, #tpu.memory_space<vmem>>, vector<8x256xf32>
    %dot_general3A_22 = arith.constant dense<0.000000e+00> : vector<8x256xf32>
    %dot_general3A_23 = tpu.matmul %get3A_18, %get3A_21, %dot_general3A_22 {dimension_numbers = #tpu.dot_dimension_numbers<[1], [0], [0], [1], [0, 0, 1, 1], [], []>, transpose_lhs_hint = false} : vector<8x8xf32>, vector<8x256xf32>, vector<8x256xf32> -> vector<8x256xf32>
    %iota3A = tpu.iota {dimensions = array<i32: 1>} : vector<1000x24xi32>
    %broadcast_in_dim3A = vector.shape_cast %get3A_3 : vector<1000xi32> to vector<1000x1xi32>
    %eq3A = vector.broadcast %broadcast_in_dim3A : vector<1000x1xi32> to vector<1000x24xi32>
    %eq3A_24 = arith.cmpi eq, %iota3A, %eq3A : vector<1000x24xi32>
    %convert_element_type3A = arith.extui %eq3A_24 : vector<1000x24xi1> to vector<1000x24xi32>
    %convert_element_type3A_25 = arith.sitofp %convert_element_type3A : vector<1000x24xi32> to vector<1000x24xf32>
    %iota3A_26 = tpu.iota {dimensions = array<i32: 1>} : vector<1000x8xi32>
    %broadcast_in_dim3A_27 = vector.shape_cast %get3A_8 : vector<1000xi32> to vector<1000x1xi32>
    %eq3A_28 = vector.broadcast %broadcast_in_dim3A_27 : vector<1000x1xi32> to vector<1000x8xi32>
    %eq3A_29 = arith.cmpi eq, %iota3A_26, %eq3A_28 : vector<1000x8xi32>
    %convert_element_type3A_30 = arith.extui %eq3A_29 : vector<1000x8xi1> to vector<1000x8xi32>
    %convert_element_type3A_31 = arith.sitofp %convert_element_type3A_30 : vector<1000x8xi32> to vector<1000x8xf32>
    %dot_general3A_32 = arith.constant dense<0.000000e+00> : vector<1000x256xf32>
    %dot_general3A_33 = tpu.matmul %convert_element_type3A_25, %dot_general3A_15, %dot_general3A_32 {dimension_numbers = #tpu.dot_dimension_numbers<[1], [0], [0], [1], [0, 0, 1, 1], [], []>, transpose_lhs_hint = false} : vector<1000x24xf32>, vector<24x256xf32>, vector<1000x256xf32> -> vector<1000x256xf32>
    %dot_general3A_34 = arith.constant dense<0.000000e+00> : vector<1000x256xf32>
    %dot_general3A_35 = tpu.matmul %convert_element_type3A_31, %dot_general3A_23, %dot_general3A_34 {dimension_numbers = #tpu.dot_dimension_numbers<[1], [0], [0], [1], [0, 0, 1, 1], [], []>, transpose_lhs_hint = false} : vector<1000x8xf32>, vector<8x256xf32>, vector<1000x256xf32> -> vector<1000x256xf32>
    %add3A = arith.addf %dot_general3A_33, %dot_general3A_35 : vector<1000x256xf32>
    %get3A_36 = arith.constant 0 : index
    %get3A_37 = arith.constant 0 : index
    %get3A_38 = vector.load %arg6[%get3A_36, %get3A_37] : memref<1x256xf32, #tpu.memory_space<vmem>>, vector<1x256xf32>
    %add3A_39 = vector.broadcast %get3A_38 : vector<1x256xf32> to vector<1000x256xf32>
    %add3A_40 = arith.addf %add3A, %add3A_39 : vector<1000x256xf32>
    %max3A = arith.constant 0.000000e+00 : f32
    %max3A_41 = vector.broadcast %max3A : f32 to vector<1000x256xf32>
    %max3A_42 = arith.maximumf %add3A_40, %max3A_41 : vector<1000x256xf32>
    %get3A_43 = arith.constant 0 : index
    %get3A_44 = arith.constant 0 : index
    %get3A_45 = vector.load %arg7[%get3A_43, %get3A_44] : memref<256x256xf32, #tpu.memory_space<vmem>>, vector<256x256xf32>
    %dot_general3A_46 = arith.constant dense<0.000000e+00> : vector<1000x256xf32>
    %dot_general3A_47 = tpu.matmul %max3A_42, %get3A_45, %dot_general3A_46 {dimension_numbers = #tpu.dot_dimension_numbers<[1], [0], [0], [1], [0, 0, 1, 1], [], []>, transpose_lhs_hint = false} : vector<1000x256xf32>, vector<256x256xf32>, vector<1000x256xf32> -> vector<1000x256xf32>
    %get3A_48 = arith.constant 0 : index
    %get3A_49 = arith.constant 0 : index
    %get3A_50 = vector.load %arg8[%get3A_48, %get3A_49] : memref<1x256xf32, #tpu.memory_space<vmem>>, vector<1x256xf32>
    %add3A_51 = vector.broadcast %get3A_50 : vector<1x256xf32> to vector<1000x256xf32>
    %add3A_52 = arith.addf %dot_general3A_47, %add3A_51 : vector<1000x256xf32>
    %slice3A = vector.extract_strided_slice %add3A_52 {offsets = [0, 0], sizes = [1000, 128], strides = [1, 1]} : vector<1000x256xf32> to vector<1000x128xf32>
    %swap3A = arith.constant 0 : index
    %swap3A_53 = arith.constant 0 : index
    %swap3A_54 = vector.load %arg9[%swap3A, %swap3A_53] : memref<1000x128xf32, #tpu.memory_space<vmem>>, vector<1000x128xf32>
    tpu.vector_store %arg9[%swap3A, %swap3A_53], %slice3A {strides = array<i32>} : memref<1000x128xf32, #tpu.memory_space<vmem>>, vector<1000x128xf32>,
    %slice3A_55 = vector.extract_strided_slice %add3A_52 {offsets = [0, 128], sizes = [1000, 128], strides = [1, 1]} : vector<1000x256xf32> to vector<1000x128xf32>
    %swap3A_56 = arith.constant 0 : index
    %swap3A_57 = arith.constant 0 : index
    %swap3A_58 = vector.load %arg10[%swap3A_56, %swap3A_57] : memref<1000x128xf32, #tpu.memory_space<vmem>>, vector<1000x128xf32>
    tpu.vector_store %arg10[%swap3A_56, %swap3A_57], %slice3A_55 {strides = array<i32>} : memref<1000x128xf32, #tpu.memory_space<vmem>>, vector<1000x128xf32>,
    return
  }
  func.func @transform_0(%arg0: i32) -> (i32, i32, i32) {
    %c0_i32 = arith.constant 0 : i32
    %c0_i32_0 = arith.constant 0 : i32
    %c0_i32_1 = arith.constant 0 : i32
    return %arg0, %c0_i32, %c0_i32_0 : i32, i32, i32
  }
  func.func @transform_1(%arg0: i32) -> (i32, i32, i32) {
    %c0_i32 = arith.constant 0 : i32
    %c0_i32_0 = arith.constant 0 : i32
    %c0_i32_1 = arith.constant 0 : i32
    return %arg0, %c0_i32, %c0_i32_0 : i32, i32, i32
  }
  func.func @transform_2(%arg0: i32) -> (i32, i32) {
    %c0_i32 = arith.constant 0 : i32
    %c0_i32_0 = arith.constant 0 : i32
    %c0_i32_1 = arith.constant 0 : i32
    return %c0_i32, %c0_i32_0 : i32, i32
  }
  func.func @transform_3(%arg0: i32) -> (i32, i32) {
    %c0_i32 = arith.constant 0 : i32
    %c0_i32_0 = arith.constant 0 : i32
    %c0_i32_1 = arith.constant 0 : i32
    return %c0_i32, %c0_i32_0 : i32, i32
  }
  func.func @transform_4(%arg0: i32) -> (i32, i32) {
    %c0_i32 = arith.constant 0 : i32
    %c0_i32_0 = arith.constant 0 : i32
    %c0_i32_1 = arith.constant 0 : i32
    return %c0_i32, %c0_i32_0 : i32, i32
  }
  func.func @transform_5(%arg0: i32) -> (i32, i32) {
    %c0_i32 = arith.constant 0 : i32
    %c0_i32_0 = arith.constant 0 : i32
    %c0_i32_1 = arith.constant 0 : i32
    return %c0_i32, %c0_i32_0 : i32, i32
  }
  func.func @transform_6(%arg0: i32) -> (i32, i32) {
    %c0_i32 = arith.constant 0 : i32
    %c0_i32_0 = arith.constant 0 : i32
    %c0_i32_1 = arith.constant 0 : i32
    return %c0_i32, %c0_i32_0 : i32, i32
  }
  func.func @transform_7(%arg0: i32) -> (i32, i32) {
    %c0_i32 = arith.constant 0 : i32
    %c0_i32_0 = arith.constant 0 : i32
    %c0_i32_1 = arith.constant 0 : i32
    return %c0_i32, %c0_i32_0 : i32, i32
  }
  func.func @transform_8(%arg0: i32) -> (i32, i32) {
    %c0_i32 = arith.constant 0 : i32
    %c0_i32_0 = arith.constant 0 : i32
    return %arg0, %c0_i32 : i32, i32
  }
  func.func @transform_9(%arg0: i32) -> (i32, i32) {
    %c0_i32 = arith.constant 0 : i32
    %c0_i32_0 = arith.constant 0 : i32
    return %arg0, %c0_i32 : i32, i32
  }
}

module attributes {stable_mosaic.version = 14 : i64} {
  func.func @body(%arg0: i32, %arg1: memref<1000x128xf32, #tpu.memory_space<vmem>>, %arg2: memref<1000x128xf32, #tpu.memory_space<vmem>>, %arg3: memref<1000x128xf32, #tpu.memory_space<vmem>>, %arg4: memref<1000x128xf32, #tpu.memory_space<vmem>>, %arg5: memref<1000x128xf32, #tpu.memory_space<vmem>>, %arg6: memref<1000x128xf32, #tpu.memory_space<vmem>>, %arg7: memref<256x256xf32, #tpu.memory_space<vmem>>, %arg8: memref<1x256xf32, #tpu.memory_space<vmem>>, %arg9: memref<256x256xf32, #tpu.memory_space<vmem>>, %arg10: memref<1x256xf32, #tpu.memory_space<vmem>>, %arg11: memref<1x256xf32, #tpu.memory_space<vmem>>, %arg12: memref<1000x128xf32, #tpu.memory_space<vmem>>, %arg13: memref<1000x128xf32, #tpu.memory_space<vmem>>) attributes {dimension_semantics = [#tpu.dimension_semantics<arbitrary>], iteration_bounds = array<i64: 10>, scalar_prefetch = 0 : i64, scratch_operands = 0 : i64, tpu.core_type = #tpu.core_type<tc>, window_params = [{transform_indices = @transform_0, window_bounds = array<i64: 1000, 128>}, {transform_indices = @transform_1, window_bounds = array<i64: 1000, 128>}, {transform_indices = @transform_2, window_bounds = array<i64: 1000, 128>}, {transform_indices = @transform_3, window_bounds = array<i64: 1000, 128>}, {transform_indices = @transform_4, window_bounds = array<i64: 1000, 128>}, {transform_indices = @transform_5, window_bounds = array<i64: 1000, 128>}, {pipeline_mode = #tpu.pipeline_mode<synchronous>, transform_indices = @transform_6, window_bounds = array<i64: 256, 256>}, {pipeline_mode = #tpu.pipeline_mode<synchronous>, transform_indices = @transform_7, window_bounds = array<i64: 1, 256>}, {pipeline_mode = #tpu.pipeline_mode<synchronous>, transform_indices = @transform_8, window_bounds = array<i64: 256, 256>}, {pipeline_mode = #tpu.pipeline_mode<synchronous>, transform_indices = @transform_9, window_bounds = array<i64: 1, 256>}, {pipeline_mode = #tpu.pipeline_mode<synchronous>, transform_indices = @transform_10, window_bounds = array<i64: 1, 256>}, {transform_indices = @transform_11, window_bounds = array<i64: 1000, 128>}, {transform_indices = @transform_12, window_bounds = array<i64: 1000, 128>}]} {
    %get3A = arith.constant 0 : index
    %get3A_0 = arith.constant 0 : index
    %get3A_1 = vector.load %arg1[%get3A, %get3A_0] : memref<1000x128xf32, #tpu.memory_space<vmem>>, vector<1000x128xf32>
    %get3A_2 = arith.constant 0 : index
    %get3A_3 = arith.constant 0 : index
    %get3A_4 = vector.load %arg2[%get3A_2, %get3A_3] : memref<1000x128xf32, #tpu.memory_space<vmem>>, vector<1000x128xf32>
    %concatenate3A = tpu.concatenate %get3A_1, %get3A_4 in 1 : vector<1000x128xf32>, vector<1000x128xf32> -> vector<1000x256xf32>
    %get3A_5 = arith.constant 0 : index
    %get3A_6 = arith.constant 0 : index
    %get3A_7 = vector.load %arg3[%get3A_5, %get3A_6] : memref<1000x128xf32, #tpu.memory_space<vmem>>, vector<1000x128xf32>
    %get3A_8 = arith.constant 0 : index
    %get3A_9 = arith.constant 0 : index
    %get3A_10 = vector.load %arg4[%get3A_8, %get3A_9] : memref<1000x128xf32, #tpu.memory_space<vmem>>, vector<1000x128xf32>
    %concatenate3A_11 = tpu.concatenate %get3A_7, %get3A_10 in 1 : vector<1000x128xf32>, vector<1000x128xf32> -> vector<1000x256xf32>
    %get3A_12 = arith.constant 0 : index
    %get3A_13 = arith.constant 0 : index
    %get3A_14 = vector.load %arg5[%get3A_12, %get3A_13] : memref<1000x128xf32, #tpu.memory_space<vmem>>, vector<1000x1xf32>
    %get3A_15 = arith.constant 0 : index
    %get3A_16 = arith.constant 0 : index
    %get3A_17 = vector.load %arg6[%get3A_15, %get3A_16] : memref<1000x128xf32, #tpu.memory_space<vmem>>, vector<1000x1xf32>
    %add3A = arith.addf %get3A_14, %get3A_17 : vector<1000x1xf32>
    %max3A = arith.constant 1.000000e+00 : f32
    %max3A_18 = vector.broadcast %max3A : f32 to vector<1000x1xf32>
    %max3A_19 = arith.maximumf %add3A, %max3A_18 : vector<1000x1xf32>
    %div3A = vector.broadcast %max3A_19 : vector<1000x1xf32> to vector<1000x256xf32>
    %div3A_20 = arith.divf %concatenate3A_11, %div3A : vector<1000x256xf32>
    %get3A_21 = arith.constant 0 : index
    %get3A_22 = arith.constant 0 : index
    %get3A_23 = vector.load %arg7[%get3A_21, %get3A_22] : memref<256x256xf32, #tpu.memory_space<vmem>>, vector<256x256xf32>
    %dot_general3A = arith.constant dense<0.000000e+00> : vector<1000x256xf32>
    %dot_general3A_24 = tpu.matmul %div3A_20, %get3A_23, %dot_general3A {dimension_numbers = #tpu.dot_dimension_numbers<[1], [0], [0], [1], [0, 0, 1, 1], [], []>, transpose_lhs_hint = false} : vector<1000x256xf32>, vector<256x256xf32>, vector<1000x256xf32> -> vector<1000x256xf32>
    %get3A_25 = arith.constant 0 : index
    %get3A_26 = arith.constant 0 : index
    %get3A_27 = vector.load %arg8[%get3A_25, %get3A_26] : memref<1x256xf32, #tpu.memory_space<vmem>>, vector<1x256xf32>
    %add3A_28 = vector.broadcast %get3A_27 : vector<1x256xf32> to vector<1000x256xf32>
    %add3A_29 = arith.addf %dot_general3A_24, %add3A_28 : vector<1000x256xf32>
    %get3A_30 = arith.constant 0 : index
    %get3A_31 = arith.constant 0 : index
    %get3A_32 = vector.load %arg9[%get3A_30, %get3A_31] : memref<256x256xf32, #tpu.memory_space<vmem>>, vector<256x256xf32>
    %dot_general3A_33 = arith.constant dense<0.000000e+00> : vector<1000x256xf32>
    %dot_general3A_34 = tpu.matmul %concatenate3A, %get3A_32, %dot_general3A_33 {dimension_numbers = #tpu.dot_dimension_numbers<[1], [0], [0], [1], [0, 0, 1, 1], [], []>, transpose_lhs_hint = false} : vector<1000x256xf32>, vector<256x256xf32>, vector<1000x256xf32> -> vector<1000x256xf32>
    %add3A_35 = arith.addf %add3A_29, %dot_general3A_34 : vector<1000x256xf32>
    %mul3A = arith.mulf %add3A_35, %add3A_35 : vector<1000x256xf32>
    %reduce_sum3A = arith.constant dense<0.000000e+00> : vector<1000xf32>
    %reduce_sum3A_36 = vector.multi_reduction <add>, %mul3A, %reduce_sum3A [1] : vector<1000x256xf32> to vector<1000xf32>
    %broadcast_in_dim3A = vector.shape_cast %reduce_sum3A_36 : vector<1000xf32> to vector<1000x1xf32>
    %sqrt3A = math.sqrt %broadcast_in_dim3A : vector<1000x1xf32>
    %max3A_37 = arith.constant 9.99999996E-13 : f32
    %max3A_38 = vector.broadcast %max3A_37 : f32 to vector<1000x1xf32>
    %max3A_39 = arith.maximumf %sqrt3A, %max3A_38 : vector<1000x1xf32>
    %div3A_40 = vector.broadcast %max3A_39 : vector<1000x1xf32> to vector<1000x256xf32>
    %div3A_41 = arith.divf %add3A_35, %div3A_40 : vector<1000x256xf32>
    %add3A_42 = arith.addf %concatenate3A, %div3A_41 : vector<1000x256xf32>
    %reduce_sum3A_43 = arith.constant dense<0.000000e+00> : vector<1000xf32>
    %reduce_sum3A_44 = vector.multi_reduction <add>, %add3A_42, %reduce_sum3A_43 [1] : vector<1000x256xf32> to vector<1000xf32>
    %broadcast_in_dim3A_45 = vector.shape_cast %reduce_sum3A_44 : vector<1000xf32> to vector<1000x1xf32>
    %div3A_46 = arith.constant 2.560000e+02 : f32
    %div3A_47 = vector.broadcast %div3A_46 : f32 to vector<1000x1xf32>
    %div3A_48 = arith.divf %broadcast_in_dim3A_45, %div3A_47 : vector<1000x1xf32>
    %sub3A = vector.broadcast %div3A_48 : vector<1000x1xf32> to vector<1000x256xf32>
    %sub3A_49 = arith.subf %add3A_42, %sub3A : vector<1000x256xf32>
    %sub3A_50 = vector.broadcast %div3A_48 : vector<1000x1xf32> to vector<1000x256xf32>
    %sub3A_51 = arith.subf %add3A_42, %sub3A_50 : vector<1000x256xf32>
    %mul3A_52 = arith.mulf %sub3A_49, %sub3A_51 : vector<1000x256xf32>
    %reduce_sum3A_53 = arith.constant dense<0.000000e+00> : vector<1000xf32>
    %reduce_sum3A_54 = vector.multi_reduction <add>, %mul3A_52, %reduce_sum3A_53 [1] : vector<1000x256xf32> to vector<1000xf32>
    %broadcast_in_dim3A_55 = vector.shape_cast %reduce_sum3A_54 : vector<1000xf32> to vector<1000x1xf32>
    %div3A_56 = arith.constant 2.560000e+02 : f32
    %div3A_57 = vector.broadcast %div3A_56 : f32 to vector<1000x1xf32>
    %div3A_58 = arith.divf %broadcast_in_dim3A_55, %div3A_57 : vector<1000x1xf32>
    %sub3A_59 = vector.broadcast %div3A_48 : vector<1000x1xf32> to vector<1000x256xf32>
    %sub3A_60 = arith.subf %add3A_42, %sub3A_59 : vector<1000x256xf32>
    %add3A_61 = arith.constant 9.99999974E-6 : f32
    %add3A_62 = vector.broadcast %add3A_61 : f32 to vector<1000x1xf32>
    %add3A_63 = arith.addf %div3A_58, %add3A_62 : vector<1000x1xf32>
    %rsqrt3A = math.rsqrt %add3A_63 : vector<1000x1xf32>
    %mul3A_64 = vector.broadcast %rsqrt3A : vector<1000x1xf32> to vector<1000x256xf32>
    %mul3A_65 = arith.mulf %sub3A_60, %mul3A_64 : vector<1000x256xf32>
    %get3A_66 = arith.constant 0 : index
    %get3A_67 = arith.constant 0 : index
    %get3A_68 = vector.load %arg10[%get3A_66, %get3A_67] : memref<1x256xf32, #tpu.memory_space<vmem>>, vector<1x256xf32>
    %mul3A_69 = vector.broadcast %get3A_68 : vector<1x256xf32> to vector<1000x256xf32>
    %mul3A_70 = arith.mulf %mul3A_65, %mul3A_69 : vector<1000x256xf32>
    %get3A_71 = arith.constant 0 : index
    %get3A_72 = arith.constant 0 : index
    %get3A_73 = vector.load %arg11[%get3A_71, %get3A_72] : memref<1x256xf32, #tpu.memory_space<vmem>>, vector<1x256xf32>
    %add3A_74 = vector.broadcast %get3A_73 : vector<1x256xf32> to vector<1000x256xf32>
    %add3A_75 = arith.addf %mul3A_70, %add3A_74 : vector<1000x256xf32>
    %max3A_76 = arith.constant 0.000000e+00 : f32
    %max3A_77 = vector.broadcast %max3A_76 : f32 to vector<1000x256xf32>
    %max3A_78 = arith.maximumf %add3A_75, %max3A_77 : vector<1000x256xf32>
    %slice3A = vector.extract_strided_slice %max3A_78 {offsets = [0, 0], sizes = [1000, 128], strides = [1, 1]} : vector<1000x256xf32> to vector<1000x128xf32>
    %swap3A = arith.constant 0 : index
    %swap3A_79 = arith.constant 0 : index
    %swap3A_80 = vector.load %arg12[%swap3A, %swap3A_79] : memref<1000x128xf32, #tpu.memory_space<vmem>>, vector<1000x128xf32>
    tpu.vector_store %arg12[%swap3A, %swap3A_79], %slice3A {strides = array<i32>} : memref<1000x128xf32, #tpu.memory_space<vmem>>, vector<1000x128xf32>,
    %slice3A_81 = vector.extract_strided_slice %max3A_78 {offsets = [0, 128], sizes = [1000, 128], strides = [1, 1]} : vector<1000x256xf32> to vector<1000x128xf32>
    %swap3A_82 = arith.constant 0 : index
    %swap3A_83 = arith.constant 0 : index
    %swap3A_84 = vector.load %arg13[%swap3A_82, %swap3A_83] : memref<1000x128xf32, #tpu.memory_space<vmem>>, vector<1000x128xf32>
    tpu.vector_store %arg13[%swap3A_82, %swap3A_83], %slice3A_81 {strides = array<i32>} : memref<1000x128xf32, #tpu.memory_space<vmem>>, vector<1000x128xf32>,
    return
  }
  func.func @transform_0(%arg0: i32) -> (i32, i32) {
    %c0_i32 = arith.constant 0 : i32
    %c0_i32_0 = arith.constant 0 : i32
    return %arg0, %c0_i32 : i32, i32
  }
  func.func @transform_1(%arg0: i32) -> (i32, i32) {
    %c0_i32 = arith.constant 0 : i32
    %c0_i32_0 = arith.constant 0 : i32
    return %arg0, %c0_i32 : i32, i32
  }
  func.func @transform_2(%arg0: i32) -> (i32, i32) {
    %c0_i32 = arith.constant 0 : i32
    %c0_i32_0 = arith.constant 0 : i32
    return %arg0, %c0_i32 : i32, i32
  }
  func.func @transform_3(%arg0: i32) -> (i32, i32) {
    %c0_i32 = arith.constant 0 : i32
    %c0_i32_0 = arith.constant 0 : i32
    return %arg0, %c0_i32 : i32, i32
  }
  func.func @transform_4(%arg0: i32) -> (i32, i32) {
    %c0_i32 = arith.constant 0 : i32
    %c0_i32_0 = arith.constant 0 : i32
    return %arg0, %c0_i32 : i32, i32
  }
  func.func @transform_5(%arg0: i32) -> (i32, i32) {
    %c0_i32 = arith.constant 0 : i32
    %c0_i32_0 = arith.constant 0 : i32
    return %arg0, %c0_i32 : i32, i32
  }
  func.func @transform_6(%arg0: i32) -> (i32, i32) {
    %c0_i32 = arith.constant 0 : i32
    %c0_i32_0 = arith.constant 0 : i32
    %c0_i32_1 = arith.constant 0 : i32
    return %c0_i32, %c0_i32_0 : i32, i32
  }
  func.func @transform_7(%arg0: i32) -> (i32, i32) {
    %c0_i32 = arith.constant 0 : i32
    %c0_i32_0 = arith.constant 0 : i32
    %c0_i32_1 = arith.constant 0 : i32
    return %c0_i32, %c0_i32_0 : i32, i32
  }
  func.func @transform_8(%arg0: i32) -> (i32, i32) {
    %c0_i32 = arith.constant 0 : i32
    %c0_i32_0 = arith.constant 0 : i32
    %c0_i32_1 = arith.constant 0 : i32
    return %c0_i32, %c0_i32_0 : i32, i32
  }
  func.func @transform_9(%arg0: i32) -> (i32, i32) {
    %c0_i32 = arith.constant 0 : i32
    %c0_i32_0 = arith.constant 0 : i32
    %c0_i32_1 = arith.constant 0 : i32
    return %c0_i32, %c0_i32_0 : i32, i32
  }
  func.func @transform_10(%arg0: i32) -> (i32, i32) {
    %c0_i32 = arith.constant 0 : i32
    %c0_i32_0 = arith.constant 0 : i32
    %c0_i32_1 = arith.constant 0 : i32
    return %c0_i32, %c0_i32_0 : i32, i32
  }
  func.func @transform_11(%arg0: i32) -> (i32, i32) {
    %c0_i32 = arith.constant 0 : i32
    %c0_i32_0 = arith.constant 0 : i32
    return %arg0, %c0_i32 : i32, i32
  }
  func.func @transform_12(%arg0: i32) -> (i32, i32) {
    %c0_i32 = arith.constant 0 : i32
    %c0_i32_0 = arith.constant 0 : i32
    return %arg0, %c0_i32 : i32, i32
  }
}

module attributes {stable_mosaic.version = 14 : i64} {
  func.func @body(%arg0: i32, %arg1: memref<1000x128xf32, #tpu.memory_space<vmem>>, %arg2: memref<1000x128xf32, #tpu.memory_space<vmem>>, %arg3: memref<1000x128xf32, #tpu.memory_space<vmem>>, %arg4: memref<1000x128xf32, #tpu.memory_space<vmem>>, %arg5: memref<1000x128xf32, #tpu.memory_space<vmem>>, %arg6: memref<1000x128xf32, #tpu.memory_space<vmem>>, %arg7: memref<256x256xf32, #tpu.memory_space<vmem>>, %arg8: memref<1x256xf32, #tpu.memory_space<vmem>>, %arg9: memref<256x256xf32, #tpu.memory_space<vmem>>, %arg10: memref<1x256xf32, #tpu.memory_space<vmem>>, %arg11: memref<1x256xf32, #tpu.memory_space<vmem>>, %arg12: memref<256x8xf32, #tpu.memory_space<vmem>>, %arg13: memref<1x8xf32, #tpu.memory_space<vmem>>, %arg14: memref<1000x128xf32, #tpu.memory_space<vmem>>, %arg15: memref<1000x128xf32, #tpu.memory_space<vmem>>, %arg16: memref<1000x8xf32, #tpu.memory_space<vmem>>) attributes {dimension_semantics = [#tpu.dimension_semantics<arbitrary>], iteration_bounds = array<i64: 10>, scalar_prefetch = 0 : i64, scratch_operands = 0 : i64, tpu.core_type = #tpu.core_type<tc>, window_params = [{transform_indices = @transform_0, window_bounds = array<i64: 1000, 128>}, {transform_indices = @transform_1, window_bounds = array<i64: 1000, 128>}, {transform_indices = @transform_2, window_bounds = array<i64: 1000, 128>}, {transform_indices = @transform_3, window_bounds = array<i64: 1000, 128>}, {transform_indices = @transform_4, window_bounds = array<i64: 1000, 128>}, {transform_indices = @transform_5, window_bounds = array<i64: 1000, 128>}, {pipeline_mode = #tpu.pipeline_mode<synchronous>, transform_indices = @transform_6, window_bounds = array<i64: 256, 256>}, {pipeline_mode = #tpu.pipeline_mode<synchronous>, transform_indices = @transform_7, window_bounds = array<i64: 1, 256>}, {pipeline_mode = #tpu.pipeline_mode<synchronous>, transform_indices = @transform_8, window_bounds = array<i64: 256, 256>}, {pipeline_mode = #tpu.pipeline_mode<synchronous>, transform_indices = @transform_9, window_bounds = array<i64: 1, 256>}, {pipeline_mode = #tpu.pipeline_mode<synchronous>, transform_indices = @transform_10, window_bounds = array<i64: 1, 256>}, {pipeline_mode = #tpu.pipeline_mode<synchronous>, transform_indices = @transform_11, window_bounds = array<i64: 256, 8>}, {pipeline_mode = #tpu.pipeline_mode<synchronous>, transform_indices = @transform_12, window_bounds = array<i64: 1, 8>}, {transform_indices = @transform_13, window_bounds = array<i64: 1000, 128>}, {transform_indices = @transform_14, window_bounds = array<i64: 1000, 128>}, {transform_indices = @transform_15, window_bounds = array<i64: 1000, 8>}]} {
    %get3A = arith.constant 0 : index
    %get3A_0 = arith.constant 0 : index
    %get3A_1 = vector.load %arg1[%get3A, %get3A_0] : memref<1000x128xf32, #tpu.memory_space<vmem>>, vector<1000x128xf32>
    %get3A_2 = arith.constant 0 : index
    %get3A_3 = arith.constant 0 : index
    %get3A_4 = vector.load %arg2[%get3A_2, %get3A_3] : memref<1000x128xf32, #tpu.memory_space<vmem>>, vector<1000x128xf32>
    %concatenate3A = tpu.concatenate %get3A_1, %get3A_4 in 1 : vector<1000x128xf32>, vector<1000x128xf32> -> vector<1000x256xf32>
    %get3A_5 = arith.constant 0 : index
    %get3A_6 = arith.constant 0 : index
    %get3A_7 = vector.load %arg3[%get3A_5, %get3A_6] : memref<1000x128xf32, #tpu.memory_space<vmem>>, vector<1000x128xf32>
    %get3A_8 = arith.constant 0 : index
    %get3A_9 = arith.constant 0 : index
    %get3A_10 = vector.load %arg4[%get3A_8, %get3A_9] : memref<1000x128xf32, #tpu.memory_space<vmem>>, vector<1000x128xf32>
    %concatenate3A_11 = tpu.concatenate %get3A_7, %get3A_10 in 1 : vector<1000x128xf32>, vector<1000x128xf32> -> vector<1000x256xf32>
    %get3A_12 = arith.constant 0 : index
    %get3A_13 = arith.constant 0 : index
    %get3A_14 = vector.load %arg5[%get3A_12, %get3A_13] : memref<1000x128xf32, #tpu.memory_space<vmem>>, vector<1000x1xf32>
    %get3A_15 = arith.constant 0 : index
    %get3A_16 = arith.constant 0 : index
    %get3A_17 = vector.load %arg6[%get3A_15, %get3A_16] : memref<1000x128xf32, #tpu.memory_space<vmem>>, vector<1000x1xf32>
    %add3A = arith.addf %get3A_14, %get3A_17 : vector<1000x1xf32>
    %max3A = arith.constant 1.000000e+00 : f32
    %max3A_18 = vector.broadcast %max3A : f32 to vector<1000x1xf32>
    %max3A_19 = arith.maximumf %add3A, %max3A_18 : vector<1000x1xf32>
    %div3A = vector.broadcast %max3A_19 : vector<1000x1xf32> to vector<1000x256xf32>
    %div3A_20 = arith.divf %concatenate3A_11, %div3A : vector<1000x256xf32>
    %get3A_21 = arith.constant 0 : index
    %get3A_22 = arith.constant 0 : index
    %get3A_23 = vector.load %arg7[%get3A_21, %get3A_22] : memref<256x256xf32, #tpu.memory_space<vmem>>, vector<256x256xf32>
    %dot_general3A = arith.constant dense<0.000000e+00> : vector<1000x256xf32>
    %dot_general3A_24 = tpu.matmul %div3A_20, %get3A_23, %dot_general3A {dimension_numbers = #tpu.dot_dimension_numbers<[1], [0], [0], [1], [0, 0, 1, 1], [], []>, transpose_lhs_hint = false} : vector<1000x256xf32>, vector<256x256xf32>, vector<1000x256xf32> -> vector<1000x256xf32>
    %get3A_25 = arith.constant 0 : index
    %get3A_26 = arith.constant 0 : index
    %get3A_27 = vector.load %arg8[%get3A_25, %get3A_26] : memref<1x256xf32, #tpu.memory_space<vmem>>, vector<1x256xf32>
    %add3A_28 = vector.broadcast %get3A_27 : vector<1x256xf32> to vector<1000x256xf32>
    %add3A_29 = arith.addf %dot_general3A_24, %add3A_28 : vector<1000x256xf32>
    %get3A_30 = arith.constant 0 : index
    %get3A_31 = arith.constant 0 : index
    %get3A_32 = vector.load %arg9[%get3A_30, %get3A_31] : memref<256x256xf32, #tpu.memory_space<vmem>>, vector<256x256xf32>
    %dot_general3A_33 = arith.constant dense<0.000000e+00> : vector<1000x256xf32>
    %dot_general3A_34 = tpu.matmul %concatenate3A, %get3A_32, %dot_general3A_33 {dimension_numbers = #tpu.dot_dimension_numbers<[1], [0], [0], [1], [0, 0, 1, 1], [], []>, transpose_lhs_hint = false} : vector<1000x256xf32>, vector<256x256xf32>, vector<1000x256xf32> -> vector<1000x256xf32>
    %add3A_35 = arith.addf %add3A_29, %dot_general3A_34 : vector<1000x256xf32>
    %mul3A = arith.mulf %add3A_35, %add3A_35 : vector<1000x256xf32>
    %reduce_sum3A = arith.constant dense<0.000000e+00> : vector<1000xf32>
    %reduce_sum3A_36 = vector.multi_reduction <add>, %mul3A, %reduce_sum3A [1] : vector<1000x256xf32> to vector<1000xf32>
    %broadcast_in_dim3A = vector.shape_cast %reduce_sum3A_36 : vector<1000xf32> to vector<1000x1xf32>
    %sqrt3A = math.sqrt %broadcast_in_dim3A : vector<1000x1xf32>
    %max3A_37 = arith.constant 9.99999996E-13 : f32
    %max3A_38 = vector.broadcast %max3A_37 : f32 to vector<1000x1xf32>
    %max3A_39 = arith.maximumf %sqrt3A, %max3A_38 : vector<1000x1xf32>
    %div3A_40 = vector.broadcast %max3A_39 : vector<1000x1xf32> to vector<1000x256xf32>
    %div3A_41 = arith.divf %add3A_35, %div3A_40 : vector<1000x256xf32>
    %add3A_42 = arith.addf %concatenate3A, %div3A_41 : vector<1000x256xf32>
    %reduce_sum3A_43 = arith.constant dense<0.000000e+00> : vector<1000xf32>
    %reduce_sum3A_44 = vector.multi_reduction <add>, %add3A_42, %reduce_sum3A_43 [1] : vector<1000x256xf32> to vector<1000xf32>
    %broadcast_in_dim3A_45 = vector.shape_cast %reduce_sum3A_44 : vector<1000xf32> to vector<1000x1xf32>
    %div3A_46 = arith.constant 2.560000e+02 : f32
    %div3A_47 = vector.broadcast %div3A_46 : f32 to vector<1000x1xf32>
    %div3A_48 = arith.divf %broadcast_in_dim3A_45, %div3A_47 : vector<1000x1xf32>
    %sub3A = vector.broadcast %div3A_48 : vector<1000x1xf32> to vector<1000x256xf32>
    %sub3A_49 = arith.subf %add3A_42, %sub3A : vector<1000x256xf32>
    %sub3A_50 = vector.broadcast %div3A_48 : vector<1000x1xf32> to vector<1000x256xf32>
    %sub3A_51 = arith.subf %add3A_42, %sub3A_50 : vector<1000x256xf32>
    %mul3A_52 = arith.mulf %sub3A_49, %sub3A_51 : vector<1000x256xf32>
    %reduce_sum3A_53 = arith.constant dense<0.000000e+00> : vector<1000xf32>
    %reduce_sum3A_54 = vector.multi_reduction <add>, %mul3A_52, %reduce_sum3A_53 [1] : vector<1000x256xf32> to vector<1000xf32>
    %broadcast_in_dim3A_55 = vector.shape_cast %reduce_sum3A_54 : vector<1000xf32> to vector<1000x1xf32>
    %div3A_56 = arith.constant 2.560000e+02 : f32
    %div3A_57 = vector.broadcast %div3A_56 : f32 to vector<1000x1xf32>
    %div3A_58 = arith.divf %broadcast_in_dim3A_55, %div3A_57 : vector<1000x1xf32>
    %sub3A_59 = vector.broadcast %div3A_48 : vector<1000x1xf32> to vector<1000x256xf32>
    %sub3A_60 = arith.subf %add3A_42, %sub3A_59 : vector<1000x256xf32>
    %add3A_61 = arith.constant 9.99999974E-6 : f32
    %add3A_62 = vector.broadcast %add3A_61 : f32 to vector<1000x1xf32>
    %add3A_63 = arith.addf %div3A_58, %add3A_62 : vector<1000x1xf32>
    %rsqrt3A = math.rsqrt %add3A_63 : vector<1000x1xf32>
    %mul3A_64 = vector.broadcast %rsqrt3A : vector<1000x1xf32> to vector<1000x256xf32>
    %mul3A_65 = arith.mulf %sub3A_60, %mul3A_64 : vector<1000x256xf32>
    %get3A_66 = arith.constant 0 : index
    %get3A_67 = arith.constant 0 : index
    %get3A_68 = vector.load %arg10[%get3A_66, %get3A_67] : memref<1x256xf32, #tpu.memory_space<vmem>>, vector<1x256xf32>
    %mul3A_69 = vector.broadcast %get3A_68 : vector<1x256xf32> to vector<1000x256xf32>
    %mul3A_70 = arith.mulf %mul3A_65, %mul3A_69 : vector<1000x256xf32>
    %get3A_71 = arith.constant 0 : index
    %get3A_72 = arith.constant 0 : index
    %get3A_73 = vector.load %arg11[%get3A_71, %get3A_72] : memref<1x256xf32, #tpu.memory_space<vmem>>, vector<1x256xf32>
    %add3A_74 = vector.broadcast %get3A_73 : vector<1x256xf32> to vector<1000x256xf32>
    %add3A_75 = arith.addf %mul3A_70, %add3A_74 : vector<1000x256xf32>
    %max3A_76 = arith.constant 0.000000e+00 : f32
    %max3A_77 = vector.broadcast %max3A_76 : f32 to vector<1000x256xf32>
    %max3A_78 = arith.maximumf %add3A_75, %max3A_77 : vector<1000x256xf32>
    %slice3A = vector.extract_strided_slice %max3A_78 {offsets = [0, 0], sizes = [1000, 128], strides = [1, 1]} : vector<1000x256xf32> to vector<1000x128xf32>
    %swap3A = arith.constant 0 : index
    %swap3A_79 = arith.constant 0 : index
    %swap3A_80 = vector.load %arg14[%swap3A, %swap3A_79] : memref<1000x128xf32, #tpu.memory_space<vmem>>, vector<1000x128xf32>
    tpu.vector_store %arg14[%swap3A, %swap3A_79], %slice3A {strides = array<i32>} : memref<1000x128xf32, #tpu.memory_space<vmem>>, vector<1000x128xf32>,
    %slice3A_81 = vector.extract_strided_slice %max3A_78 {offsets = [0, 128], sizes = [1000, 128], strides = [1, 1]} : vector<1000x256xf32> to vector<1000x128xf32>
    %swap3A_82 = arith.constant 0 : index
    %swap3A_83 = arith.constant 0 : index
    %swap3A_84 = vector.load %arg15[%swap3A_82, %swap3A_83] : memref<1000x128xf32, #tpu.memory_space<vmem>>, vector<1000x128xf32>
    tpu.vector_store %arg15[%swap3A_82, %swap3A_83], %slice3A_81 {strides = array<i32>} : memref<1000x128xf32, #tpu.memory_space<vmem>>, vector<1000x128xf32>,
    %get3A_85 = arith.constant 0 : index
    %get3A_86 = arith.constant 0 : index
    %get3A_87 = vector.load %arg12[%get3A_85, %get3A_86] : memref<256x8xf32, #tpu.memory_space<vmem>>, vector<256x8xf32>
    %dot_general3A_88 = arith.constant dense<0.000000e+00> : vector<1000x8xf32>
    %dot_general3A_89 = tpu.matmul %max3A_78, %get3A_87, %dot_general3A_88 {dimension_numbers = #tpu.dot_dimension_numbers<[1], [0], [0], [1], [0, 0, 1, 1], [], []>, transpose_lhs_hint = false} : vector<1000x256xf32>, vector<256x8xf32>, vector<1000x8xf32> -> vector<1000x8xf32>
    %get3A_90 = arith.constant 0 : index
    %get3A_91 = arith.constant 0 : index
    %get3A_92 = vector.load %arg13[%get3A_90, %get3A_91] : memref<1x8xf32, #tpu.memory_space<vmem>>, vector<1x8xf32>
    %add3A_93 = vector.broadcast %get3A_92 : vector<1x8xf32> to vector<1000x8xf32>
    %add3A_94 = arith.addf %dot_general3A_89, %add3A_93 : vector<1000x8xf32>
    %swap3A_95 = arith.constant 0 : index
    %swap3A_96 = arith.constant 0 : index
    %swap3A_97 = vector.load %arg16[%swap3A_95, %swap3A_96] : memref<1000x8xf32, #tpu.memory_space<vmem>>, vector<1000x8xf32>
    tpu.vector_store %arg16[%swap3A_95, %swap3A_96], %add3A_94 {strides = array<i32>} : memref<1000x8xf32, #tpu.memory_space<vmem>>, vector<1000x8xf32>,
    return
  }
  func.func @transform_0(%arg0: i32) -> (i32, i32) {
    %c0_i32 = arith.constant 0 : i32
    %c0_i32_0 = arith.constant 0 : i32
    return %arg0, %c0_i32 : i32, i32
  }
  func.func @transform_1(%arg0: i32) -> (i32, i32) {
    %c0_i32 = arith.constant 0 : i32
    %c0_i32_0 = arith.constant 0 : i32
    return %arg0, %c0_i32 : i32, i32
  }
  func.func @transform_2(%arg0: i32) -> (i32, i32) {
    %c0_i32 = arith.constant 0 : i32
    %c0_i32_0 = arith.constant 0 : i32
    return %arg0, %c0_i32 : i32, i32
  }
  func.func @transform_3(%arg0: i32) -> (i32, i32) {
    %c0_i32 = arith.constant 0 : i32
    %c0_i32_0 = arith.constant 0 : i32
    return %arg0, %c0_i32 : i32, i32
  }
  func.func @transform_4(%arg0: i32) -> (i32, i32) {
    %c0_i32 = arith.constant 0 : i32
    %c0_i32_0 = arith.constant 0 : i32
    return %arg0, %c0_i32 : i32, i32
  }
  func.func @transform_5(%arg0: i32) -> (i32, i32) {
    %c0_i32 = arith.constant 0 : i32
    %c0_i32_0 = arith.constant 0 : i32
    return %arg0, %c0_i32 : i32, i32
  }
  func.func @transform_6(%arg0: i32) -> (i32, i32) {
    %c0_i32 = arith.constant 0 : i32
    %c0_i32_0 = arith.constant 0 : i32
    %c0_i32_1 = arith.constant 0 : i32
    return %c0_i32, %c0_i32_0 : i32, i32
  }
  func.func @transform_7(%arg0: i32) -> (i32, i32) {
    %c0_i32 = arith.constant 0 : i32
    %c0_i32_0 = arith.constant 0 : i32
    %c0_i32_1 = arith.constant 0 : i32
    return %c0_i32, %c0_i32_0 : i32, i32
  }
  func.func @transform_8(%arg0: i32) -> (i32, i32) {
    %c0_i32 = arith.constant 0 : i32
    %c0_i32_0 = arith.constant 0 : i32
    %c0_i32_1 = arith.constant 0 : i32
    return %c0_i32, %c0_i32_0 : i32, i32
  }
  func.func @transform_9(%arg0: i32) -> (i32, i32) {
    %c0_i32 = arith.constant 0 : i32
    %c0_i32_0 = arith.constant 0 : i32
    %c0_i32_1 = arith.constant 0 : i32
    return %c0_i32, %c0_i32_0 : i32, i32
  }
  func.func @transform_10(%arg0: i32) -> (i32, i32) {
    %c0_i32 = arith.constant 0 : i32
    %c0_i32_0 = arith.constant 0 : i32
    %c0_i32_1 = arith.constant 0 : i32
    return %c0_i32, %c0_i32_0 : i32, i32
  }
  func.func @transform_11(%arg0: i32) -> (i32, i32) {
    %c0_i32 = arith.constant 0 : i32
    %c0_i32_0 = arith.constant 0 : i32
    %c0_i32_1 = arith.constant 0 : i32
    return %c0_i32, %c0_i32_0 : i32, i32
  }
  func.func @transform_12(%arg0: i32) -> (i32, i32) {
    %c0_i32 = arith.constant 0 : i32
    %c0_i32_0 = arith.constant 0 : i32
    %c0_i32_1 = arith.constant 0 : i32
    return %c0_i32, %c0_i32_0 : i32, i32
  }
  func.func @transform_13(%arg0: i32) -> (i32, i32) {
    %c0_i32 = arith.constant 0 : i32
    %c0_i32_0 = arith.constant 0 : i32
    return %arg0, %c0_i32 : i32, i32
  }
  func.func @transform_14(%arg0: i32) -> (i32, i32) {
    %c0_i32 = arith.constant 0 : i32
    %c0_i32_0 = arith.constant 0 : i32
    return %arg0, %c0_i32 : i32, i32
  }
  func.func @transform_15(%arg0: i32) -> (i32, i32) {
    %c0_i32 = arith.constant 0 : i32
    %c0_i32_0 = arith.constant 0 : i32
    return %arg0, %c0_i32 : i32, i32
  }
}

</mosaic_0001>

<sc_bundles>
// kernel: kernel.12.cloned.1.call-start
scs
__scs_entry_jumppad:
0x0: {  	(pc) =	sbr.rel $0x88, $3  }
0x1: {  	(tag) =	ssettag $0x0;
	lr =	simm.s32 $0x1  }
0x2: {  	[smem:$0x3F91] =	sst lr;
	_ =	strace $0xD0000000  }
0x3: {  	_ = 	snop  }
0x4: {  	_ = 	snop  }
0x5: {  	_ = 	snop  }
0x6: {  	_ = 	snop  }
0x7: {  	_ = 	snop  }
__scs_overlays_trampoline_lowered:
0x8: {  	[smem:$0x3FA0] =	sst s0  }
0x9: {  	[smem:$0x3FA1] =	sst s1  }
0xa: {  	[smem:$0x3FA2] =	sst s2  }
0xb: {  	[smem:$0x3FA3] =	sst s3  }
0xc: {  	[smem:$0x3FA4] =	sst s4  }
0xd: {  	[smem:$0x3FA5] =	sst s5  }
0xe: {  	[smem:$0x3FA6] =	sst s6  }
0xf: {  	[smem:$0x3FA7] =	sst s7  }
0x10: {  	[smem:$0x3FA8] =	sst s8  }
0x11: {  	[smem:$0x3FA9] =	sst s9;
	s0 =	simm.s32 @!p0 $0x0  }
0x12: {  	s1 =	sld [smem:$0x3F8F];
	s0 =	simm.s32 @p0 $0x1  }
0x13: {  	[smem:$0x3FAA] =	sst s0;
	s0 =	simm.s32 @!p1 $0x0  }
0x14: {  	s2 =	sld [smem:$0x3F8E];
	s0 =	simm.s32 @p1 $0x1  }
0x15: {  	[smem:$0x3FAB] =	sst s0;
	s0 =	simm.s32 @!p2 $0x0  }
0x16: {  	s3 =	sld [smem:$0x3FDB];
	s0 =	simm.s32 @p2 $0x1  }
0x17: {  	s4 =	simm.s32 $0x1BF5;
	[smem:$0x3FAD] =	sst s0  }
0x18: {  	s0 =	sld [smem:$0x3F90];
	_ =	swait.ge [sflag:s4], $0x0  }
0x19: {  	s7 =	sld [smem:$0x3F91]  }
0x1a: {  	s8 =	sadd.s32 $0xFFFFE003, lr  }
0x1b: {  	s9 =	sadd.s32 $0xFFFFFEF7, lr;
	s5 =	simm.s32 $0xFFFFFFFF;
	p2 =	slt.u32 s8, $0xFFFFF086  }
0x1c: {  	p1 =	slt.u32 s9, $0xF7A;
	s5 =	simm.s32 @!p2 $0x0  }
0x1d: {  	s5 =	simm.s32 @p1 $0x1;
	p0 =	seq.s32 s7, s2  }
0x1e: {  	s7 =	smul.u32 @!p0 $0xF7A, s2;
	p2 =	seq.s32 @!p0 s5, $0x0  }
0x1f: {  	s9 =	smul.u32 $0xF7A, s1;
	s8 =	simm.s32 @!p0 $0x1BF5;
	p2 =	por !p2, p0  }
0x20: {  	[sflag:s8] =	ssyncset.s32 @!p0 $0xFFFFF086;
	s6 =	sadd.s32 @!p0 s3, s7;
	s7 =	simm.s32 @!p0 $0x108  }
0x21: {  	s3 =	sadd.s32 s3, s9;
	s6 =	sadd.s32 @!p0 $0x88, s6;
	s7 =	simm.s32 @p2 $0x1082  }
0x22: {  	[simem:s7], [sflag:s8] =	dma.local @!p0 [hbm:s6], $0xF7A  }
0x23: {  	s9 =	sor.u32 $0xD0000000, s2;
	s6 =	simm.s32 $0x108;
	_ =	swait.ge @!p0 [sflag:s8], $0x0  }
0x24: {  	s3 =	sadd.s32 $0x88, s3;
	s6 =	simm.s32 @!p1 $0x1082;
	[sflag:s4] =	ssyncset.s32 $0xFFFFF086  }
0x25: {  	[simem:s6], [sflag:s4] =	dma.local [hbm:s3], $0xF7A  }
0x26: {  	[smem:$0x3F91] =	sst s1;
	(tag) =	ssettag s2;
	_ =	strace s9  }
0x27: {  	s1 =	sld [smem:$0x3FA1]  }
0x28: {  	s2 =	sld [smem:$0x3FA2]  }
0x29: {  	s4 =	sld [smem:$0x3FA4]  }
0x2a: {  	p0 =	seq.s32 s5, $0x0;
	s5 =	sld [smem:$0x3FA5]  }
0x2b: {  	s6 =	sld [smem:$0x3FA6]  }
0x2c: {  	s7 =	sld [smem:$0x3FA7]  }
0x2d: {  	s3 =	simm.s32 $0x108;
	s8 =	sld [smem:$0x3FA8]  }
0x2e: {  	s3 =	simm.s32 @!p0 $0x1082;
	s9 =	sld [smem:$0x3FA9]  }
0x2f: {  	lr =	sadd.s32 s0, s3;
	s0 =	sld [smem:$0x3FA0]  }
0x30: {  	s3 =	sld [smem:$0x3FA3]  }
0x31: {  	[smem:$0x3FAC] =	sst s10  }
0x32: {  	s10 =	sld [smem:$0x3FAA];
	_ =	sdelay $0x3  }
0x33: {  	p0 =	seq.s32 s10, $0x1;
	s10 =	sld [smem:$0x3FAC];
	_ =	sdelay $0x3  }
0x34: {  	[smem:$0x3FAC] =	sst s10  }
0x35: {  	s10 =	sld [smem:$0x3FAB];
	_ =	sdelay $0x3  }
0x36: {  	p1 =	seq.s32 s10, $0x1;
	s10 =	sld [smem:$0x3FAC];
	_ =	sdelay $0x3  }
0x37: {  	[smem:$0x3FAC] =	sst s10  }
0x38: {  	s10 =	sld [smem:$0x3FAD]  }
0x39: {  	_ = 	snop;
	(pc) =	sbr.ind lr, $3  }
0x3a: {  	_ = 	snop  }
0x3b: {  	_ = 	snop  }
0x3c: {  	p2 =	seq.s32 s10, $0x1;
	s10 =	sld [smem:$0x3FAC]  }
0x3d: {  	_ =	shalt  }
0x3e: {  	_ =	shalt  }
0x3f: {  	_ =	shalt  }
0x40: {  	_ =	shalt  }
0x41: {  	_ =	shalt  }
0x42: {  	_ =	shalt  }
0x43: {  	_ =	shalt  }
0x44: {  	_ =	shalt  }
0x45: {  	_ =	shalt  }
0x46: {  	_ =	shalt  }
0x47: {  	_ =	shalt  }
0x48: {  	_ =	shalt  }
0x49: {  	_ =	shalt  }
0x4a: {  	_ =	shalt  }
0x4b: {  	_ =	shalt  }
0x4c: {  	_ =	shalt  }
0x4d: {  	_ =	shalt  }
0x4e: {  	_ =	shalt  }
0x4f: {  	_ =	shalt  }
0x50: {  	_ =	shalt  }
0x51: {  	_ =	shalt  }
0x52: {  	_ =	shalt  }
0x53: {  	_ =	shalt  }
0x54: {  	_ =	shalt  }
0x55: {  	_ =	shalt  }
0x56: {  	_ =	shalt  }
0x57: {  	_ =	shalt  }
0x58: {  	_ =	shalt  }
0x59: {  	_ =	shalt  }
0x5a: {  	_ =	shalt  }
0x5b: {  	_ =	shalt  }
0x5c: {  	_ =	shalt  }
0x5d: {  	_ =	shalt  }
0x5e: {  	_ =	shalt  }
0x5f: {  	_ =	shalt  }
0x60: {  	_ =	shalt  }
0x61: {  	_ =	shalt  }
0x62: {  	_ =	shalt  }
0x63: {  	_ =	shalt  }
0x64: {  	_ =	shalt  }
0x65: {  	_ =	shalt  }
0x66: {  	_ =	shalt  }
0x67: {  	_ =	shalt  }
0x68: {  	_ =	shalt  }
0x69: {  	_ =	shalt  }
0x6a: {  	_ =	shalt  }
0x6b: {  	_ =	shalt  }
0x6c: {  	_ =	shalt  }
0x6d: {  	_ =	shalt  }
0x6e: {  	_ =	shalt  }
0x6f: {  	_ =	shalt  }
0x70: {  	_ =	shalt  }
0x71: {  	_ =	shalt  }
0x72: {  	_ =	shalt  }
0x73: {  	_ =	shalt  }
0x74: {  	_ =	shalt  }
0x75: {  	_ =	shalt  }
0x76: {  	_ =	shalt  }
0x77: {  	_ =	shalt  }
0x78: {  	_ =	shalt  }
0x79: {  	_ =	shalt  }
0x7a: {  	_ =	shalt  }
0x7b: {  	_ =	shalt  }
0x7c: {  	_ =	shalt  }
0x7d: {  	_ =	shalt  }
0x7e: {  	_ =	shalt  }
0x7f: {  	_ =	shalt  }
0x80: {  	_ =	shalt  }
0x81: {  	_ =	shalt  }
0x82: {  	_ =	shalt  }
0x83: {  	_ =	shalt  }
0x84: {  	_ =	shalt  }
0x85: {  	_ =	shalt  }
0x86: {  	_ =	shalt  }
0x87: {  	_ =	shalt  }
.Lfunc_end0:
.L_simem_size_0:
called_computation_lowered:
.L_overlay_start_0:
0x88: {  	s2 =	sld [smem:$0x3FD9]  }
0x89: {  	s3 =	sld [smem:$0x3FFE];
	_ =	sdelay $0x1  }
0x8a: {  	s1 =	srdreg.scid  }
0x8b: {  	s0 =	sand.u32 $0x1, s1  }
0x8c: {  	s17 =	sshll.u32 s0, $0xA;
	s2 =	sadd.s32 s3, s2  }
0x8d: {  	s2 =	sadd.s32 s2, s17  }
0x8e: {  	[smem:$0x3FB8] =	sst s2  }
0x8f: {  	_ = 	snop  }
0x90: {  	s18 =	sld [smem:$0x3FD0];
	(tm) =	ssettm $0x1  }
0x91: {  	s19 =	sld [smem:$0x3FFB];
	_ =	sdelay $0x3  }
0x92: {  	_ =	strace s19  }
0x93: {  	s2 =	sld [smem:$0x3FFC];
	_ =	sdelay $0x3  }
0x94: {  	_ =	strace s2  }
0x95: {  	s2 =	sld [smem:$0x3FFD];
	_ =	sdelay $0x3  }
0x96: {  	_ =	strace s2  }
0x97: {  	_ =	strace $0x8FFFFFFF  }
0x98: {  	s20 =	sld [smem:$0x3FDB];
	_ =	sdelay $0x1  }
0x99: {  	s4 =	simm.s32 $_scs_section_size  }
0x9a: {  	s5 =	simm.s32 $_size__tile_overlayer_lowered;
	s6 =	simm.s32 $_tile_overlayer_lowered  }
0x9b: {  	s7 =	simm.s32 $0x1BFF;
	s21 =	sshll.u32 s6, $0x1;
	s4 =	sadd.s32 s4, s20  }
0x9c: {  	s22 =	simm.s32 $0x0;
	s5 =	sshll.u32 s5, $0x1;
	s6 =	sadd.s32 s21, s4  }
0x9d: {  	[timem:s22], [sflag:s7] =	dma.local [hbm:s6], s5  }
0x9e: {  	_ =	swait.ge [sflag:s7], s5  }
0x9f: {  	s5 =	ssub.s32 $0x0, s5;
	[sflag:s7] =	ssyncset.done $0x0  }
0xa0: {  	[sflag:s7] =	ssyncadd.s32 s5;
	_ =	sdelay $0x1  }
0xa1: {  	s23 =	simm.s32 $0x1B8B  }
0xa2: {  	_ =	swait.ge [sflag:s23], $0x1  }
0xa3: {  	[sflag:s23] =	ssyncset.done $0x0  }
0xa4: {  	[sflag:s23] =	ssyncadd.s32 $0xFFFFFFFF  }
0xa5: {  	s5 =	sld [smem:$0x0]  }
0xa6: {  	s6 =	sand.u32 $0xFFFFFFFE, s1  }
0xa7: {  	p0 =	sne.s32 s1, s6  }
0xa8: {  	s6 =	sshll.u32 @p0 s6, $0xE  }
0xa9: {  	s6 =	sadd.s32 @p0 $0x11B8D, s6;
	s7 =	sshll.u32 @p0 s5, $0x11  }
0xaa: {  	s6 =	sor.u32 @p0 s7, s6  }
0xab: {  	[sflag:s6] =	ssyncadd.remote.s32 @p0 $0x1;
	_ =	sdelay $0x1  }
0xac: {  	s6 =	simm.s32 @p0 $0x1B8D  }
0xad: {  	_ =	swait.eq @p0 [sflag:s6], $0x1  }
0xae: {  	[sflag:s6] =	ssyncadd.s32 @p0 $0xFFFFFFFF  }
0xaf: {  	s7 =	sshll.u32 @!p0 s1, $0xE  }
0xb0: {  	s7 =	sor.u32 @!p0 $0x4000, s7;
	s6 =	simm.s32 @!p0 $0x1B8D  }
0xb1: {  	s5 =	sshll.u32 @!p0 s5, $0x11;
	s7 =	sadd.s32 @!p0 $0x11B8D, s7;
	_ =	swait.eq @!p0 [sflag:s6], $0x1  }
0xb2: {  	s5 =	sor.u32 @!p0 s5, s7;
	[sflag:s6] =	ssyncadd.s32 @!p0 $0xFFFFFFFF  }
0xb3: {  	s25 =	simm.s32 $0x1B8E;
	s24 =	sld [smem:$0x3FFE];
	[sflag:s5] =	ssyncadd.remote.s32 @!p0 $0x1  }
0xb4: {  	s26 =	simm.s32 $execute0_lowered;
	[smem:$0x3FD2] =	sst s25  }
0xb5: {  	s6 =	sshll.u32 s26, $0x1;
	_ =	strace $0x80000049;
	[dreg:$0x1] =	wrdreg $0xFFFFFFFF  }
0xb6: {  	s28 =	simm.s32 $_size_execute0_lowered;
	s4 =	sadd.s32 s4, s6;
	[dreg:$0x0] =	wrdreg $0x0  }
0xb7: {  	s6 =	sshll.u32 s28, $0x1;
	[dreg:$0x2] =	wrdreg s4  }
0xb8: {  	[dreg:$0x3] =	wrdreg s6  }
0xb9: {  	[dreg:$0x4] =	wrdreg $0xC0  }
0xba: {  	_ =	task [dreg:s22], $0x5FFFF  }
0xbb: {  	[dreg:$0x1] =	wrdreg $0xFFFFFFFF  }
0xbc: {  	[dreg:$0x0] =	wrdreg $0x60  }
0xbd: {  	[dreg:$0x2] =	wrdreg s24  }
0xbe: {  	[dreg:$0x3] =	wrdreg s18  }
0xbf: {  	[dreg:$0x4] =	wrdreg $0x40800  }
0xc0: {  	[dreg:$0x5] =	wrdreg $0x9  }
0xc1: {  	_ =	task.clear_ibuf [dreg:s22], $0x6FFFF;
	_ =	strace $0x90000049  }
0xc2: {  	s29 =	simm.s32 $0x9;
	_ =	strace $0x8000004B  }
0xc3: {  	_ =	swait.ge [sflag:s29], $0x1  }
0xc4: {  	[sflag:s29] =	ssyncadd.s32 $0xFFFFFFFF  }
0xc5: {  	_ =	strace $0x9000004B  }
0xc6: {  	_ =	sfence  }
0xc7: {  	s30 =	sld [smem:$0x0];
	_ =	sdelay $0x2  }
0xc8: {  	s31 =	sshll.u32 s1, $0xD;
	s1 =	sshrl.u32 s1, $0x2  }
0xc9: {  	s4 =	sand.u32 $0x4000, s31;
	s1 =	sadd.s32 s1, s30  }
0xca: {  	s0 =	sor.u32 s4, s0;
	s1 =	sshll.u32 s1, $0x11  }
0xcb: {  	s0 =	sor.u32 s1, s0  }
0xcc: {  	s0 =	sadd.s32 $0x8F2B, s0  }
0xcd: {  	[sflag:s0] =	ssyncadd.remote.s32 $0x1  }
0xce: {  	_ =	sfence.sel $0xFFFF  }
0xcf: {  	[dreg:$0x0] =	wrdreg $0xFFFFFFFF;
	(pc) =	sbr.abs _section_cstart, $3  }
0xd0: {  	[dreg:$0x1] =	wrdreg $0xFFFFFFFF  }
0xd1: {  	_ =	task.clear_ibuf [dreg:s22], $0x2FFFF;
	_ =	strace $0x9FFFFFFF  }
0xd2: {  	(tm) =	ssettm $0x7FFFFFFF  }
0xd3: {  	_ =	shalt  }
tec
execute0_lowered:
.L_overlay_start_1:
0x0: {  	(tag) =	ssettag $0x1  }
0x1: {  	s7 =	rddreg [dreg:$0x0]  }
0x2: {  	s1 =	rddreg [dreg:$0x1]  }
0x3: {  	s2 =	rddreg [dreg:$0x2]  }
0x4: {  	s0 =	rddreg [dreg:$0x3]  }
0x5: {  	s3 =	simm.s32 $0x0;
	s6 =	srdreg.scid;
	s18 =	stileid.u32  }
0x6: {  	[smem:$0x7FF] =	sst s3;
	s4 =	sadd.s32 $0x7200, s7;
	s10 =	smul.u32 $0x4F000, s18  }
0x7: {  	s5 =	sadd.s32 $0xADA00, s7;
	s8 =	sand.u32 $0x1, s6;
	s12 =	smul.u32 $0x4E000, s18  }
0x8: {  	s6 =	sadd.s32 $0xAE200, s7;
	s7 =	sadd.s32 $0xD5400, s7;
	s29 =	smul.u32 $0x2700, s18  }
0x9: {  	s31 =	smul.u32 $0x500, s18;
	s17 =	sadd.s32 $0x138000, s2;
	s14 =	sshll.u32 s18, $0x6  }
0xa: {  	p1 =	sne.s32 s18, $0x0;
	p2 =	seq.s32 s18, $0x0;
	s18 =	simm.s32 $0x0  }
0xb: {  	_ =	strace $0x8000004A;
	s9 =	ssub.s32 $0x2, s8;
	p0 =	seq.s32 s8, $0x1  }
0xc: {  	s13 =	smul.u32 $0x280, s8;
	s14 =	sor.u32 $0x1C01, s14;
	s17 =	sshrl.u32 s17, $0x3  }
.Ltmp0:
0xd: {  	s11 =	sshrl.u32 s9, $0x1;
	s28 =	sshrl.u32 s10, $0x2;
	(pc) =	sbr.rel .LBB2_1-.Ltmp0, $4  }
0xe: {  	s30 =	sshrl.u32 s12, $0x2;
	s8 =	sadd.s32 s6, s29;
	s12 =	simm.s32 $0x80  }
0xf: {  	s11 =	ssub.s32 s9, s11;
	s15 =	sadd.s32 s28, s2;
	s16 =	sadd.s32 s30, s2  }
0x10: {  	s9 =	sadd.s32 s7, s29;
	s10 =	smax.u32 s11, $0x1;
	s11 =	sadd.s32 s13, s31  }
0x11: {  	s13 =	simm.s32 $0x1;
	s15 =	sshrl.u32 s15, $0x3;
	s16 =	sshrl.u32 s16, $0x3  }
.LBB2_6:
0x12: {  	s19 =	sadd.s32 $0x27000, s19  }
0x13: {  	[hbm:s19], [sflag:s14] =	dma.local [spmem:s17], $0x100  }
0x14: {  	_ =	swait.ge [sflag:s13], $0x100  }
0x15: {  	[sflag:s13] =	ssyncset.done $0x0  }
0x16: {  	[sflag:s13] =	ssyncadd.s32 $0xFFFFFF00  }
.LBB2_7:
0x17: {  	s18 =	sadd.s32 $0x1, s18  }
0x18: {  	p3 =	sne.s32 s18, s10  }
.Ltmp1:
0x19: {  	_ = 	snop;
	(pc) =	sbr.rel @!p3 .LBB2_8-.Ltmp1, $1  }
0x1a: {  	_ =	sdelay $0x3  }
.LBB2_1:
0x1b: {  	[tilespmem:s12], [sflag:$0x1] =	stream.linear.gather [hbm4b:s5+s3], $0x4000, $0x38;
	[tilespmem:$0x17C80] =	vst v63  }
0x1c: {  	_ =	swait.ge [sflag:s13], $0x4000  }
0x1d: {  	[sflag:s13] =	ssyncset.done $0x0  }
0x1e: {  	[sflag:s13] =	ssyncadd.s32 $0xFFFFC000  }
0x1f: {  	[spmem:s15], [sflag:s14] =	dma.local [hbm:s1], $0x2780  }
0x20: {  	_ =	swait.ge [sflag:s13], $0x2780  }
0x21: {  	s19 =	sadd.s32 $0x0, s11;
	s20 =	sand.u32 $0x70, s3;
	[sflag:s13] =	ssyncset.done $0x0  }
0x22: {  	s19 =	sand.u32 $0xFFFFF80, s19;
	s20 =	sadd.s32 s4, s20;
	[sflag:s13] =	ssyncadd.s32 $0xFFFFD880  }
0x23: {  	s19 =	sadd.s32 s19, s20;
	[bflag:$0x0] =	sbarrier.arrive $0xFFFF  }
0x24: {  	[tilespmem:s3], [sflag:$0x1] =	stream.linear.gather [hbm4b:s19+s3], $0x80, $0x38;
	[tilespmem:$0x17C80] =	vst v63  }
0x25: {  	_ =	swait.ge [sflag:s13], $0x80  }
0x26: {  	[sflag:s13] =	ssyncset.done $0x0  }
0x27: {  	s31 =	simm.s32 $0x10;
	s21 =	sadd.s32 $0x10, s11;
	[sflag:s13] =	ssyncadd.s32 $0xFFFFFF80  }
0x28: {  	[spmem:s2] =	stream.indirect.scatter.add.f32 [tilespmem:s12], [sflag:$0x1], $0x80, s3, s12, $0xb8;
	[tilespmem:$0x17C80] =	vst v63  }
0x29: {  	s22 =	sand.u32 $0x70, s31;
	s20 =	sand.u32 $0xFFFFF80, s21;
	_ =	swait.ge [sflag:s13], $0x4000  }
0x2a: {  	s21 =	sadd.s32 s4, s22;
	s19 =	simm.s32 $0x20;
	[sflag:s13] =	ssyncset.done $0x0  }
.LBB2_2:
0x2b: {  	s20 =	sadd.s32 s20, s21  }
0x2c: {  	[sflag:s13] =	ssyncadd.s32 $0xFFFFC000;
	s21 =	smov.u32 s19;
	s22 =	sadd.s32 $0x10, s19  }
0x2d: {  	[tilespmem:s3], [sflag:$0x1] =	stream.linear.gather [hbm4b:s20+s3], $0x80, $0x38;
	[tilespmem:$0x17C80] =	vst v63  }
0x2e: {  	p3 =	sne.s32 s19, $0x270;
	_ =	swait.ge [sflag:s13], $0x80  }
.Ltmp2:
0x2f: {  	[sflag:s13] =	ssyncset.done $0x0;
	(pc) =	sbr.rel @p3 .LBB2_2-.Ltmp2, $4  }
0x30: {  	s19 =	sadd.s32 s21, s11;
	[sflag:s13] =	ssyncadd.s32 $0xFFFFFF80  }
0x31: {  	[spmem:s2] =	stream.indirect.scatter.add.f32 [tilespmem:s12], [sflag:$0x1], $0x80, s3, s12, $0xb8;
	[tilespmem:$0x17C80] =	vst v63  }
0x32: {  	s21 =	sand.u32 $0x70, s21;
	s20 =	sand.u32 $0xFFFFF80, s19;
	_ =	swait.ge [sflag:s13], $0x4000  }
0x33: {  	s21 =	sadd.s32 s4, s21;
	s19 =	smov.u32 s22;
	[sflag:s13] =	ssyncset.done $0x0  }
0x34: {  	s19 =	sadd.s32 s20, s21;
	[sflag:s13] =	ssyncadd.s32 $0xFFFFC000  }
0x35: {  	[tilespmem:s3], [sflag:$0x1] =	stream.linear.gather [hbm4b:s19+s3], $0x80, $0x38;
	[tilespmem:$0x17C80] =	vst v63  }
0x36: {  	_ =	swait.ge [sflag:s13], $0x80  }
0x37: {  	[sflag:s13] =	ssyncset.done $0x0  }
0x38: {  	[sflag:s13] =	ssyncadd.s32 $0xFFFFFF80  }
0x39: {  	[spmem:s2] =	stream.indirect.scatter.add.f32 [tilespmem:s12], [sflag:$0x1], $0x80, s3, s12, $0xb8;
	[tilespmem:$0x17C80] =	vst v63  }
.Ltmp3:
0x3a: {  	_ =	swait.ge [sflag:s13], $0x4000;
	(pc) =	sbr.rel @!p0 .LBB2_4-.Ltmp3, $3  }
0x3b: {  	[sflag:s13] =	ssyncset.done $0x0  }
0x3c: {  	[sflag:s13] =	ssyncadd.s32 $0xFFFFC000  }
0x3d: {  	[bflag:$0x0] =	sbarrier.arrive $0xFFFF;
	_ =	sdelay $0x1  }
0x3e: {  	[hbm:s9], [sflag:s14] =	dma.local [spmem:s16], $0x2700  }
.Ltmp4:
0x3f: {  	_ = 	snop;
	(pc) =	sbr.rel @p1 .LBB2_7-.Ltmp4, $4  }
.Ltmp5:
0x40: {  	_ = 	snop;
	(pc) =	sbr.rel @!p1 .LBB2_6-.Ltmp5, $4  }
0x41: {  	_ =	swait.ge [sflag:s13], $0x2700  }
0x42: {  	[sflag:s13] =	ssyncset.done $0x0  }
0x43: {  	s19 =	smov.u32 s7;
	[sflag:s13] =	ssyncadd.s32 $0xFFFFD900  }
0x44: {  	_ = 	snop  }
.LBB2_4:
0x45: {  	[hbm:s8], [sflag:s14] =	dma.local [spmem:s16], $0x2700  }
.Ltmp6:
0x46: {  	_ = 	snop;
	(pc) =	sbr.rel @!p2 .LBB2_7-.Ltmp6, $4  }
.Ltmp7:
0x47: {  	_ = 	snop;
	(pc) =	sbr.rel @p2 .LBB2_6-.Ltmp7, $4  }
0x48: {  	_ =	swait.ge [sflag:s13], $0x2700  }
0x49: {  	[sflag:s13] =	ssyncset.done $0x0  }
0x4a: {  	s19 =	smov.u32 s6;
	[sflag:s13] =	ssyncadd.s32 $0xFFFFD900  }
0x4b: {  	_ = 	snop  }
.LBB2_8:
0x4c: {  	_ =	sfence.sel $0x180000  }
0x4d: {  	[bflag:$0x0] =	sbarrier.arrive $0xFFFF  }
0x4e: {  	_ =	strace $0x9000004A  }
0x4f: {  	s0 =	sadd.s32 @!p1 $0x100000, s0;
	[bflag:$0x2] =	sbarrier.arrive $0xFFFF  }
0x50: {  	[sflag:s0] =	ssyncadd.tile.s32 @!p1 $0x1;
	_ =	shalt  }
.Lfunc_end2:
_tile_overlayer_lowered:
.L_overlay_start_2:
0x51: {  	(tag) =	ssettag $0x2  }
0x52: {  	s0 =	rddreg [dreg:$0x0];
	s2 =	stileid.u32  }
0x53: {  	s1 =	rddreg [dreg:$0x1];
	p0 =	sne.s32 s2, $0x0  }
0x54: {  	s3 =	rddreg [dreg:$0x2];
	[bflag:$0x3] =	sbarrier.arrive $0xFFFF;
	s2 =	simm.s32 @!p0 $0x1C01  }
0x55: {  	[timem:s3], [sflag:s2] =	dma.local @!p0 [hbm:s0], s1  }
0x56: {  	s0 =	simm.s32 @!p0 $0x1  }
0x57: {  	_ =	swait.ge @!p0 [sflag:s0], s1  }
0x58: {  	s1 =	ssub.s32 @!p0 $0x0, s1;
	[sflag:s0] =	ssyncset.done @!p0 $0x0  }
0x59: {  	[sflag:s0] =	ssyncadd.s32 @!p0 s1  }
0x5a: {  	[bflag:$0x3] =	sbarrier.arrive $0xFFFF  }
0x5b: {  	_ =	shalt  }

// kernel: kernel.15.cloned.1.call-start
scs
__scs_entry_jumppad:
0x0: {  	(pc) =	sbr.rel $0x88, $3  }
0x1: {  	(tag) =	ssettag $0x0;
	lr =	simm.s32 $0x1  }
0x2: {  	[smem:$0x3F91] =	sst lr;
	_ =	strace $0xD0000000  }
0x3: {  	_ = 	snop  }
0x4: {  	_ = 	snop  }
0x5: {  	_ = 	snop  }
0x6: {  	_ = 	snop  }
0x7: {  	_ = 	snop  }
__scs_overlays_trampoline_lowered:
0x8: {  	[smem:$0x3FA0] =	sst s0  }
0x9: {  	[smem:$0x3FA1] =	sst s1  }
0xa: {  	[smem:$0x3FA2] =	sst s2  }
0xb: {  	[smem:$0x3FA3] =	sst s3  }
0xc: {  	[smem:$0x3FA4] =	sst s4  }
0xd: {  	[smem:$0x3FA5] =	sst s5  }
0xe: {  	[smem:$0x3FA6] =	sst s6  }
0xf: {  	[smem:$0x3FA7] =	sst s7  }
0x10: {  	[smem:$0x3FA8] =	sst s8  }
0x11: {  	[smem:$0x3FA9] =	sst s9;
	s0 =	simm.s32 @!p0 $0x0  }
0x12: {  	s1 =	sld [smem:$0x3F8F];
	s0 =	simm.s32 @p0 $0x1  }
0x13: {  	[smem:$0x3FAA] =	sst s0;
	s0 =	simm.s32 @!p1 $0x0  }
0x14: {  	s2 =	sld [smem:$0x3F8E];
	s0 =	simm.s32 @p1 $0x1  }
0x15: {  	[smem:$0x3FAB] =	sst s0;
	s0 =	simm.s32 @!p2 $0x0  }
0x16: {  	s3 =	sld [smem:$0x3FDB];
	s0 =	simm.s32 @p2 $0x1  }
0x17: {  	s4 =	simm.s32 $0x1BF5;
	[smem:$0x3FAD] =	sst s0  }
0x18: {  	s0 =	sld [smem:$0x3F90];
	_ =	swait.ge [sflag:s4], $0x0  }
0x19: {  	s7 =	sld [smem:$0x3F91]  }
0x1a: {  	s8 =	sadd.s32 $0xFFFFE003, lr  }
0x1b: {  	s9 =	sadd.s32 $0xFFFFFEF7, lr;
	s5 =	simm.s32 $0xFFFFFFFF;
	p2 =	slt.u32 s8, $0xFFFFF086  }
0x1c: {  	p1 =	slt.u32 s9, $0xF7A;
	s5 =	simm.s32 @!p2 $0x0  }
0x1d: {  	s5 =	simm.s32 @p1 $0x1;
	p0 =	seq.s32 s7, s2  }
0x1e: {  	s7 =	smul.u32 @!p0 $0xF7A, s2;
	p2 =	seq.s32 @!p0 s5, $0x0  }
0x1f: {  	s9 =	smul.u32 $0xF7A, s1;
	s8 =	simm.s32 @!p0 $0x1BF5;
	p2 =	por !p2, p0  }
0x20: {  	[sflag:s8] =	ssyncset.s32 @!p0 $0xFFFFF086;
	s6 =	sadd.s32 @!p0 s3, s7;
	s7 =	simm.s32 @!p0 $0x108  }
0x21: {  	s3 =	sadd.s32 s3, s9;
	s6 =	sadd.s32 @!p0 $0x88, s6;
	s7 =	simm.s32 @p2 $0x1082  }
0x22: {  	[simem:s7], [sflag:s8] =	dma.local @!p0 [hbm:s6], $0xF7A  }
0x23: {  	s9 =	sor.u32 $0xD0000000, s2;
	s6 =	simm.s32 $0x108;
	_ =	swait.ge @!p0 [sflag:s8], $0x0  }
0x24: {  	s3 =	sadd.s32 $0x88, s3;
	s6 =	simm.s32 @!p1 $0x1082;
	[sflag:s4] =	ssyncset.s32 $0xFFFFF086  }
0x25: {  	[simem:s6], [sflag:s4] =	dma.local [hbm:s3], $0xF7A  }
0x26: {  	[smem:$0x3F91] =	sst s1;
	(tag) =	ssettag s2;
	_ =	strace s9  }
0x27: {  	s1 =	sld [smem:$0x3FA1]  }
0x28: {  	s2 =	sld [smem:$0x3FA2]  }
0x29: {  	s4 =	sld [smem:$0x3FA4]  }
0x2a: {  	p0 =	seq.s32 s5, $0x0;
	s5 =	sld [smem:$0x3FA5]  }
0x2b: {  	s6 =	sld [smem:$0x3FA6]  }
0x2c: {  	s7 =	sld [smem:$0x3FA7]  }
0x2d: {  	s3 =	simm.s32 $0x108;
	s8 =	sld [smem:$0x3FA8]  }
0x2e: {  	s3 =	simm.s32 @!p0 $0x1082;
	s9 =	sld [smem:$0x3FA9]  }
0x2f: {  	lr =	sadd.s32 s0, s3;
	s0 =	sld [smem:$0x3FA0]  }
0x30: {  	s3 =	sld [smem:$0x3FA3]  }
0x31: {  	[smem:$0x3FAC] =	sst s10  }
0x32: {  	s10 =	sld [smem:$0x3FAA];
	_ =	sdelay $0x3  }
0x33: {  	p0 =	seq.s32 s10, $0x1;
	s10 =	sld [smem:$0x3FAC];
	_ =	sdelay $0x3  }
0x34: {  	[smem:$0x3FAC] =	sst s10  }
0x35: {  	s10 =	sld [smem:$0x3FAB];
	_ =	sdelay $0x3  }
0x36: {  	p1 =	seq.s32 s10, $0x1;
	s10 =	sld [smem:$0x3FAC];
	_ =	sdelay $0x3  }
0x37: {  	[smem:$0x3FAC] =	sst s10  }
0x38: {  	s10 =	sld [smem:$0x3FAD]  }
0x39: {  	_ = 	snop;
	(pc) =	sbr.ind lr, $3  }
0x3a: {  	_ = 	snop  }
0x3b: {  	_ = 	snop  }
0x3c: {  	p2 =	seq.s32 s10, $0x1;
	s10 =	sld [smem:$0x3FAC]  }
0x3d: {  	_ =	shalt  }
0x3e: {  	_ =	shalt  }
0x3f: {  	_ =	shalt  }
0x40: {  	_ =	shalt  }
0x41: {  	_ =	shalt  }
0x42: {  	_ =	shalt  }
0x43: {  	_ =	shalt  }
0x44: {  	_ =	shalt  }
0x45: {  	_ =	shalt  }
0x46: {  	_ =	shalt  }
0x47: {  	_ =	shalt  }
0x48: {  	_ =	shalt  }
0x49: {  	_ =	shalt  }
0x4a: {  	_ =	shalt  }
0x4b: {  	_ =	shalt  }
0x4c: {  	_ =	shalt  }
0x4d: {  	_ =	shalt  }
0x4e: {  	_ =	shalt  }
0x4f: {  	_ =	shalt  }
0x50: {  	_ =	shalt  }
0x51: {  	_ =	shalt  }
0x52: {  	_ =	shalt  }
0x53: {  	_ =	shalt  }
0x54: {  	_ =	shalt  }
0x55: {  	_ =	shalt  }
0x56: {  	_ =	shalt  }
0x57: {  	_ =	shalt  }
0x58: {  	_ =	shalt  }
0x59: {  	_ =	shalt  }
0x5a: {  	_ =	shalt  }
0x5b: {  	_ =	shalt  }
0x5c: {  	_ =	shalt  }
0x5d: {  	_ =	shalt  }
0x5e: {  	_ =	shalt  }
0x5f: {  	_ =	shalt  }
0x60: {  	_ =	shalt  }
0x61: {  	_ =	shalt  }
0x62: {  	_ =	shalt  }
0x63: {  	_ =	shalt  }
0x64: {  	_ =	shalt  }
0x65: {  	_ =	shalt  }
0x66: {  	_ =	shalt  }
0x67: {  	_ =	shalt  }
0x68: {  	_ =	shalt  }
0x69: {  	_ =	shalt  }
0x6a: {  	_ =	shalt  }
0x6b: {  	_ =	shalt  }
0x6c: {  	_ =	shalt  }
0x6d: {  	_ =	shalt  }
0x6e: {  	_ =	shalt  }
0x6f: {  	_ =	shalt  }
0x70: {  	_ =	shalt  }
0x71: {  	_ =	shalt  }
0x72: {  	_ =	shalt  }
0x73: {  	_ =	shalt  }
0x74: {  	_ =	shalt  }
0x75: {  	_ =	shalt  }
0x76: {  	_ =	shalt  }
0x77: {  	_ =	shalt  }
0x78: {  	_ =	shalt  }
0x79: {  	_ =	shalt  }
0x7a: {  	_ =	shalt  }
0x7b: {  	_ =	shalt  }
0x7c: {  	_ =	shalt  }
0x7d: {  	_ =	shalt  }
0x7e: {  	_ =	shalt  }
0x7f: {  	_ =	shalt  }
0x80: {  	_ =	shalt  }
0x81: {  	_ =	shalt  }
0x82: {  	_ =	shalt  }
0x83: {  	_ =	shalt  }
0x84: {  	_ =	shalt  }
0x85: {  	_ =	shalt  }
0x86: {  	_ =	shalt  }
0x87: {  	_ =	shalt  }
.Lfunc_end0:
.L_simem_size_0:
called_computation.1_lowered:
.L_overlay_start_0:
0x88: {  	s2 =	sld [smem:$0x3FD9]  }
0x89: {  	s3 =	sld [smem:$0x3FFE];
	_ =	sdelay $0x1  }
0x8a: {  	s1 =	srdreg.scid  }
0x8b: {  	s0 =	sand.u32 $0x1, s1  }
0x8c: {  	s17 =	sshll.u32 s0, $0xA;
	s2 =	sadd.s32 s3, s2  }
0x8d: {  	s2 =	sadd.s32 s2, s17  }
0x8e: {  	[smem:$0x3FB8] =	sst s2  }
0x8f: {  	_ = 	snop  }
0x90: {  	s2 =	sld [smem:$0x3FD0];
	(tm) =	ssettm $0x1  }
0x91: {  	s18 =	sld [smem:$0x3FFB];
	_ =	sdelay $0x3  }
0x92: {  	_ =	strace s18  }
0x93: {  	s3 =	sld [smem:$0x3FFC];
	_ =	sdelay $0x3  }
0x94: {  	_ =	strace s3  }
0x95: {  	s3 =	sld [smem:$0x3FFD];
	_ =	sdelay $0x3  }
0x96: {  	_ =	strace s3  }
0x97: {  	_ =	strace $0x8FFFFFFF  }
0x98: {  	s19 =	sld [smem:$0x3FDB];
	_ =	sdelay $0x1  }
0x99: {  	s4 =	simm.s32 $_scs_section_size  }
0x9a: {  	s5 =	simm.s32 $_size__tile_overlayer_lowered;
	s6 =	simm.s32 $_tile_overlayer_lowered  }
0x9b: {  	s22 =	simm.s32 $0x1BFF;
	s21 =	sshll.u32 s6, $0x1;
	s3 =	sadd.s32 s4, s19  }
0x9c: {  	s7 =	simm.s32 $0x0;
	s20 =	sshll.u32 s5, $0x1;
	s5 =	sadd.s32 s21, s3  }
0x9d: {  	[timem:s7], [sflag:s22] =	dma.local [hbm:s5], s20  }
0x9e: {  	_ =	swait.ge [sflag:s22], s20  }
0x9f: {  	s4 =	ssub.s32 $0x0, s20;
	[sflag:s22] =	ssyncset.done $0x0  }
0xa0: {  	[sflag:s22] =	ssyncadd.s32 s4;
	_ =	sdelay $0x1  }
0xa1: {  	s23 =	simm.s32 $0x1B8B  }
0xa2: {  	_ =	swait.ge [sflag:s23], $0x1  }
0xa3: {  	[sflag:s23] =	ssyncset.done $0x0  }
0xa4: {  	s25 =	simm.s32 $0x1B8E;
	s24 =	sld [smem:$0x3FFE];
	[sflag:s23] =	ssyncadd.s32 $0xFFFFFFFF  }
0xa5: {  	s26 =	simm.s32 $execute0_lowered;
	[smem:$0x3FD2] =	sst s25  }
0xa6: {  	s5 =	sshll.u32 s26, $0x1;
	_ =	strace $0x80000046;
	[dreg:$0x1] =	wrdreg $0xFFFFFFFF  }
0xa7: {  	s28 =	simm.s32 $_size_execute0_lowered;
	s3 =	sadd.s32 s3, s5;
	[dreg:$0x0] =	wrdreg $0x0  }
0xa8: {  	s5 =	sshll.u32 s28, $0x1;
	[dreg:$0x2] =	wrdreg s3  }
0xa9: {  	[dreg:$0x3] =	wrdreg s5  }
0xaa: {  	[dreg:$0x4] =	wrdreg $0xC0  }
0xab: {  	_ =	task [dreg:s7], $0x5FFFF  }
0xac: {  	[dreg:$0x1] =	wrdreg $0xFFFFFFFF  }
0xad: {  	[dreg:$0x0] =	wrdreg $0x60  }
0xae: {  	[dreg:$0x2] =	wrdreg s24  }
0xaf: {  	[dreg:$0x3] =	wrdreg s2  }
0xb0: {  	[dreg:$0x4] =	wrdreg $0xA8000  }
0xb1: {  	[dreg:$0x5] =	wrdreg $0xA  }
0xb2: {  	_ =	task.clear_ibuf [dreg:s7], $0x6FFFF;
	_ =	strace $0x90000046  }
0xb3: {  	s29 =	simm.s32 $0xA;
	_ =	strace $0x80000048  }
0xb4: {  	_ =	swait.ge [sflag:s29], $0x1  }
0xb5: {  	[sflag:s29] =	ssyncadd.s32 $0xFFFFFFFF  }
0xb6: {  	_ =	strace $0x90000048  }
0xb7: {  	_ =	sfence  }
0xb8: {  	s30 =	sld [smem:$0x0];
	_ =	sdelay $0x2  }
0xb9: {  	s31 =	sshll.u32 s1, $0xD;
	s1 =	sshrl.u32 s1, $0x2  }
0xba: {  	s3 =	sand.u32 $0x4000, s31;
	s1 =	sadd.s32 s1, s30  }
0xbb: {  	s0 =	sor.u32 s3, s0;
	s1 =	sshll.u32 s1, $0x11  }
0xbc: {  	s0 =	sor.u32 s1, s0  }
0xbd: {  	s0 =	sadd.s32 $0x8F2B, s0  }
0xbe: {  	[sflag:s0] =	ssyncadd.remote.s32 $0x1  }
0xbf: {  	_ =	sfence.sel $0xFFFF  }
0xc0: {  	[dreg:$0x0] =	wrdreg $0xFFFFFFFF;
	(pc) =	sbr.abs _section_cstart, $3  }
0xc1: {  	[dreg:$0x1] =	wrdreg $0xFFFFFFFF  }
0xc2: {  	_ =	task.clear_ibuf [dreg:s7], $0x2FFFF;
	_ =	strace $0x9FFFFFFF  }
0xc3: {  	(tm) =	ssettm $0x7FFFFFFF  }
tec
execute0_lowered:
.L_overlay_start_1:
0x0: {  	(tag) =	ssettag $0x1  }
0x1: {  	s15 =	rddreg [dreg:$0x0]  }
0x2: {  	s1 =	rddreg [dreg:$0x1]  }
0x3: {  	s2 =	rddreg [dreg:$0x2];
	s3 =	simm.s32 $0x0  }
0x4: {  	s4 =	srdreg.scid;
	s24 =	stileid.u32;
	s17 =	simm.s32 $0x11200  }
0x5: {  	s18 =	simm.s32 $0x1400;
	s19 =	simm.s32 $0x80;
	s20 =	simm.s32 $0x2800  }
0x6: {  	s21 =	simm.s32 $0x1;
	s28 =	simm.s32 $0x2780;
	s8 =	smul.u32 $0x4F000, s24  }
0x7: {  	s29 =	simm.s32 $0x0;
	[smem:$0x7FF] =	sst s3;
	s11 =	smul.u32 $0x500, s24  }
0x8: {  	s9 =	sadd.s32 $0xC200, s15;
	s23 =	sand.u32 $0x1, s4;
	s12 =	smul.u32 $0x2800, s24  }
0x9: {  	s10 =	sadd.s32 $0x7200, s15;
	s4 =	sadd.s32 $0x5F600, s15;
	s30 =	smul.u32 $0x4E000, s24  }
0xa: {  	s5 =	sadd.s32 $0x86800, s15;
	s25 =	sshll.u32 s24, $0x6;
	s13 =	smul.u32 $0x2700, s24  }
0xb: {  	p2 =	seq.s32 s24, $0x0;
	_ =	strace $0x80000047;
	s6 =	ssub.s32 $0x2, s23  }
0xc: {  	p0 =	seq.s32 s23, $0x0;
	p1 =	sne.s32 s23, $0x0;
	s23 =	simm.s32 $0x2  }
0xd: {  	s7 =	sshrl.u32 s6, $0x1;
	s22 =	sshrl.u32 s8, $0x2;
	s8 =	sadd.s32 s10, s11  }
0xe: {  	s26 =	sshrl.u32 s12, $0x3;
	s31 =	sshrl.u32 s30, $0x2;
	s12 =	sadd.s32 s5, s13  }
0xf: {  	s13 =	sadd.s32 s4, s13;
	s17 =	simm.s32 @!p0 $0x38400;
	p0 =	sne.s32 s24, $0x0  }
0x10: {  	s24 =	simm.s32 $0x1380;
	s14 =	ssub.s32 s6, s7;
	s16 =	sadd.s32 s22, s2  }
.Ltmp0:
0x11: {  	s6 =	sor.u32 $0x1C03, s25;
	s7 =	sadd.s32 s9, s11;
	(pc) =	sbr.rel .LBB2_1-.Ltmp0, $4  }
0x12: {  	s11 =	sadd.s32 $0x280, s26;
	s25 =	sadd.s32 $0x138000, s2;
	s15 =	sadd.s32 s17, s15  }
0x13: {  	s17 =	simm.s32 $0x3;
	s22 =	simm.s32 $0x6800;
	s26 =	simm.s32 $0x2700  }
0x14: {  	s9 =	sadd.s32 s9, s11;
	s10 =	sadd.s32 s10, s11;
	s11 =	sadd.s32 s31, s2  }
0x15: {  	s14 =	smax.u32 s14, $0x1;
	s16 =	sshrl.u32 s16, $0x3;
	s25 =	sshrl.u32 s25, $0x3  }
.LBB2_8:
0x16: {  	s0 =	sadd.s32 $0x27000, s30  }
0x17: {  	[hbm:s0], [sflag:s6] =	dma.local [spmem:s25], $0x100  }
0x18: {  	_ =	swait.ge [sflag:s17], $0x100  }
0x19: {  	[sflag:s17] =	ssyncset.done $0x0  }
0x1a: {  	[sflag:s17] =	ssyncadd.s32 $0xFFFFFF00  }
.LBB2_9:
0x1b: {  	s29 =	sadd.s32 $0x1, s29  }
0x1c: {  	p3 =	sne.s32 s29, s14  }
.Ltmp1:
0x1d: {  	_ = 	snop;
	(pc) =	sbr.rel @!p3 .LBB2_10-.Ltmp1, $1  }
0x1e: {  	_ =	sdelay $0x3  }
.LBB2_1:
0x1f: {  	[spmem:s16], [sflag:s6] =	dma.local [hbm:s1], $0x2780  }
0x20: {  	_ =	swait.ge [sflag:s17], $0x2780  }
0x21: {  	[sflag:s17] =	ssyncset.done $0x0  }
0x22: {  	[sflag:s17] =	ssyncadd.s32 $0xFFFFD880  }
0x23: {  	[bflag:$0x0] =	sbarrier.arrive $0xFFFF  }
0x24: {  	[tilespmem:s3], [sflag:$0x3] =	stream.linear.gather [hbm4b:s7+s3], $0x1400, $0x38;
	[tilespmem:$0x1E400] =	vst v63  }
0x25: {  	_ =	swait.ge [sflag:s17], $0x1400  }
0x26: {  	[sflag:s17] =	ssyncset.done $0x0  }
0x27: {  	[sflag:s17] =	ssyncadd.s32 $0xFFFFEC00  }
0x28: {  	[tilespmem:s18], [sflag:$0x3] =	stream.linear.gather [hbm4b:s8+s3], $0x1400, $0x38;
	[tilespmem:$0x1E400] =	vst v63  }
0x29: {  	_ =	swait.ge [sflag:s17], $0x1400  }
0x2a: {  	[sflag:s17] =	ssyncset.done $0x0  }
0x2b: {  	[sflag:s17] =	ssyncadd.s32 $0xFFFFEC00  }
0x2c: {  	[tilespmem:s20], [sflag:$0x1] =	stream.indirect.gather [hbm4b:s15+s19], $0x80, s3, s19, $0xb8;
	[tilespmem:$0x1E400] =	vst v63  }
0x2d: {  	_ =	swait.ge [sflag:s21], $0x4000  }
0x2e: {  	[sflag:s21] =	ssyncset.done $0x0  }
0x2f: {  	s30 =	simm.s32 $0x80;
	[sflag:s21] =	ssyncadd.s32 $0xFFFFC000  }
0x30: {  	[tilespmem:s22], [sflag:$0x2] =	stream.indirect.gather [hbm4b:s15+s19], $0x80, s30, s19, $0xb8;
	[tilespmem:$0x1E400] =	vst v63  }
0x31: {  	s30 =	simm.s32 $0x1400  }
0x32: {  	[spmem:s2] =	stream.indirect.scatter.add.f32 [tilespmem:s20], [sflag:$0x3], $0x80, s30, s19, $0xb8;
	[tilespmem:$0x1E400] =	vst v63  }
0x33: {  	_ =	swait.ge [sflag:s17], $0x4000  }
0x34: {  	[sflag:s17] =	ssyncset.done $0x0  }
0x35: {  	[sflag:s17] =	ssyncadd.s32 $0xFFFFC000  }
0x36: {  	_ =	swait.ge [sflag:s23], $0x4000  }
0x37: {  	[sflag:s23] =	ssyncset.done $0x0  }
0x38: {  	s30 =	simm.s32 $0x100;
	[sflag:s23] =	ssyncadd.s32 $0xFFFFC000  }
0x39: {  	[tilespmem:s20], [sflag:$0x1] =	stream.indirect.gather [hbm4b:s15+s19], $0x80, s30, s19, $0xb8;
	[tilespmem:$0x1E400] =	vst v63  }
0x3a: {  	s30 =	simm.s32 $0x1480  }
0x3b: {  	[spmem:s2] =	stream.indirect.scatter.add.f32 [tilespmem:s22], [sflag:$0x3], $0x80, s30, s19, $0xb8;
	[tilespmem:$0x1E400] =	vst v63  }
0x3c: {  	_ =	swait.ge [sflag:s17], $0x4000  }
0x3d: {  	s30 =	simm.s32 $0x400;
	[sflag:s17] =	ssyncset.done $0x0  }
.LBB2_2:
0x3e: {  	p3 =	sne.s32 s30, $0x4800  }
0x3f: {  	[sflag:s17] =	ssyncadd.s32 $0xFFFFC000;
	s31 =	smov.u32 s30;
	s30 =	sadd.s32 $0x400, s30  }
0x40: {  	_ = 	snop  }
0x41: {  	_ =	swait.ge [sflag:s21], $0x4000  }
0x42: {  	s31 =	sshra.s32 s31, $0x2;
	[sflag:s21] =	ssyncset.done $0x0  }
0x43: {  	s0 =	sadd.s32 $0x80, s31;
	[sflag:s21] =	ssyncadd.s32 $0xFFFFC000  }
0x44: {  	[tilespmem:s22], [sflag:$0x2] =	stream.indirect.gather [hbm4b:s15+s19], $0x80, s0, s19, $0xb8;
	[tilespmem:$0x1E400] =	vst v63  }
0x45: {  	s0 =	sadd.s32 $0x1400, s31  }
0x46: {  	[spmem:s2] =	stream.indirect.scatter.add.f32 [tilespmem:s20], [sflag:$0x3], $0x80, s0, s19, $0xb8;
	[tilespmem:$0x1E400] =	vst v63  }
0x47: {  	_ =	swait.ge [sflag:s17], $0x4000  }
0x48: {  	[sflag:s17] =	ssyncset.done $0x0  }
0x49: {  	[sflag:s17] =	ssyncadd.s32 $0xFFFFC000  }
0x4a: {  	_ =	swait.ge [sflag:s23], $0x4000  }
0x4b: {  	[sflag:s23] =	ssyncset.done $0x0  }
0x4c: {  	s0 =	sadd.s32 $0x100, s31;
	[sflag:s23] =	ssyncadd.s32 $0xFFFFC000  }
0x4d: {  	[tilespmem:s20], [sflag:$0x1] =	stream.indirect.gather [hbm4b:s15+s19], $0x80, s0, s19, $0xb8;
	[tilespmem:$0x1E400] =	vst v63  }
.Ltmp2:
0x4e: {  	_ = 	snop;
	(pc) =	sbr.rel @p3 .LBB2_2-.Ltmp2, $4  }
0x4f: {  	s0 =	sadd.s32 $0x1480, s31  }
0x50: {  	[spmem:s2] =	stream.indirect.scatter.add.f32 [tilespmem:s22], [sflag:$0x3], $0x80, s0, s19, $0xb8;
	[tilespmem:$0x1E400] =	vst v63  }
0x51: {  	_ =	swait.ge [sflag:s17], $0x4000  }
0x52: {  	[sflag:s17] =	ssyncset.done $0x0  }
0x53: {  	[sflag:s17] =	ssyncadd.s32 $0xFFFFC000  }
0x54: {  	_ =	swait.ge [sflag:s21], $0x4000  }
0x55: {  	[sflag:s21] =	ssyncset.done $0x0  }
0x56: {  	[sflag:s21] =	ssyncadd.s32 $0xFFFFC000  }
0x57: {  	[tilespmem:s22], [sflag:$0x2] =	stream.indirect.gather [hbm4b:s15+s19], $0x80, s24, s19, $0xb8;
	[tilespmem:$0x1E400] =	vst v63  }
0x58: {  	_ = 	snop  }
0x59: {  	[spmem:s2] =	stream.indirect.scatter.add.f32 [tilespmem:s20], [sflag:$0x3], $0x80, s26, s19, $0xb8;
	[tilespmem:$0x1E400] =	vst v63  }
0x5a: {  	_ =	swait.ge [sflag:s17], $0x4000  }
0x5b: {  	[sflag:s17] =	ssyncset.done $0x0  }
0x5c: {  	[sflag:s17] =	ssyncadd.s32 $0xFFFFC000  }
0x5d: {  	_ =	swait.ge [sflag:s23], $0x4000  }
0x5e: {  	[sflag:s23] =	ssyncset.done $0x0  }
0x5f: {  	[sflag:s23] =	ssyncadd.s32 $0xFFFFC000  }
0x60: {  	[spmem:s2] =	stream.indirect.scatter.add.f32 [tilespmem:s22], [sflag:$0x3], $0x80, s28, s19, $0xb8;
	[tilespmem:$0x1E400] =	vst v63  }
0x61: {  	_ =	swait.ge [sflag:s17], $0x4000  }
0x62: {  	[sflag:s17] =	ssyncset.done $0x0  }
0x63: {  	s0 =	simm.s32 $0x0;
	[sflag:s17] =	ssyncadd.s32 $0xFFFFC000  }
0x64: {  	[tilespmem:s0], [sflag:$0x3] =	stream.linear.gather [hbm4b:s9+s0], $0x1400, $0x38;
	[tilespmem:$0x1E400] =	vst v63  }
0x65: {  	_ =	swait.ge [sflag:s17], $0x1400  }
0x66: {  	[sflag:s17] =	ssyncset.done $0x0  }
0x67: {  	[sflag:s17] =	ssyncadd.s32 $0xFFFFEC00  }
0x68: {  	[tilespmem:s18], [sflag:$0x3] =	stream.linear.gather [hbm4b:s10+s0], $0x1400, $0x38;
	[tilespmem:$0x1E400] =	vst v63  }
0x69: {  	_ =	swait.ge [sflag:s17], $0x1400  }
0x6a: {  	[sflag:s17] =	ssyncset.done $0x0  }
0x6b: {  	[sflag:s17] =	ssyncadd.s32 $0xFFFFEC00  }
0x6c: {  	[tilespmem:s20], [sflag:$0x1] =	stream.indirect.gather [hbm4b:s15+s19], $0x80, s0, s19, $0xb8;
	[tilespmem:$0x1E400] =	vst v63  }
0x6d: {  	_ =	swait.ge [sflag:s21], $0x4000  }
0x6e: {  	[sflag:s21] =	ssyncset.done $0x0  }
0x6f: {  	s31 =	simm.s32 $0x80;
	[sflag:s21] =	ssyncadd.s32 $0xFFFFC000  }
0x70: {  	[tilespmem:s22], [sflag:$0x2] =	stream.indirect.gather [hbm4b:s15+s19], $0x80, s31, s19, $0xb8;
	[tilespmem:$0x1E400] =	vst v63  }
0x71: {  	s31 =	simm.s32 $0x1400  }
0x72: {  	[spmem:s2] =	stream.indirect.scatter.add.f32 [tilespmem:s20], [sflag:$0x3], $0x80, s31, s19, $0xb8;
	[tilespmem:$0x1E400] =	vst v63  }
0x73: {  	_ =	swait.ge [sflag:s17], $0x4000  }
0x74: {  	[sflag:s17] =	ssyncset.done $0x0  }
0x75: {  	[sflag:s17] =	ssyncadd.s32 $0xFFFFC000  }
0x76: {  	_ =	swait.ge [sflag:s23], $0x4000  }
0x77: {  	[sflag:s23] =	ssyncset.done $0x0  }
0x78: {  	s31 =	simm.s32 $0x100;
	[sflag:s23] =	ssyncadd.s32 $0xFFFFC000  }
0x79: {  	[tilespmem:s20], [sflag:$0x1] =	stream.indirect.gather [hbm4b:s15+s19], $0x80, s31, s19, $0xb8;
	[tilespmem:$0x1E400] =	vst v63  }
0x7a: {  	s31 =	simm.s32 $0x1480  }
0x7b: {  	[spmem:s2] =	stream.indirect.scatter.add.f32 [tilespmem:s22], [sflag:$0x3], $0x80, s31, s19, $0xb8;
	[tilespmem:$0x1E400] =	vst v63  }
0x7c: {  	_ =	swait.ge [sflag:s17], $0x4000  }
0x7d: {  	s30 =	simm.s32 $0x400;
	[sflag:s17] =	ssyncset.done $0x0  }
.LBB2_4:
0x7e: {  	p3 =	sne.s32 s30, $0x4800  }
0x7f: {  	[sflag:s17] =	ssyncadd.s32 $0xFFFFC000;
	s0 =	smov.u32 s30;
	s30 =	sadd.s32 $0x400, s30  }
0x80: {  	_ = 	snop  }
0x81: {  	_ =	swait.ge [sflag:s21], $0x4000  }
0x82: {  	s0 =	sshra.s32 s0, $0x2;
	[sflag:s21] =	ssyncset.done $0x0  }
0x83: {  	s31 =	sadd.s32 $0x80, s0;
	[sflag:s21] =	ssyncadd.s32 $0xFFFFC000  }
0x84: {  	[tilespmem:s22], [sflag:$0x2] =	stream.indirect.gather [hbm4b:s15+s19], $0x80, s31, s19, $0xb8;
	[tilespmem:$0x1E400] =	vst v63  }
0x85: {  	s31 =	sadd.s32 $0x1400, s0  }
0x86: {  	[spmem:s2] =	stream.indirect.scatter.add.f32 [tilespmem:s20], [sflag:$0x3], $0x80, s31, s19, $0xb8;
	[tilespmem:$0x1E400] =	vst v63  }
0x87: {  	_ =	swait.ge [sflag:s17], $0x4000  }
0x88: {  	[sflag:s17] =	ssyncset.done $0x0  }
0x89: {  	[sflag:s17] =	ssyncadd.s32 $0xFFFFC000  }
0x8a: {  	_ =	swait.ge [sflag:s23], $0x4000  }
0x8b: {  	[sflag:s23] =	ssyncset.done $0x0  }
0x8c: {  	s31 =	sadd.s32 $0x100, s0;
	[sflag:s23] =	ssyncadd.s32 $0xFFFFC000  }
0x8d: {  	[tilespmem:s20], [sflag:$0x1] =	stream.indirect.gather [hbm4b:s15+s19], $0x80, s31, s19, $0xb8;
	[tilespmem:$0x1E400] =	vst v63  }
.Ltmp3:
0x8e: {  	_ = 	snop;
	(pc) =	sbr.rel @p3 .LBB2_4-.Ltmp3, $4  }
0x8f: {  	s0 =	sadd.s32 $0x1480, s0  }
0x90: {  	[spmem:s2] =	stream.indirect.scatter.add.f32 [tilespmem:s22], [sflag:$0x3], $0x80, s0, s19, $0xb8;
	[tilespmem:$0x1E400] =	vst v63  }
0x91: {  	_ =	swait.ge [sflag:s17], $0x4000  }
0x92: {  	[sflag:s17] =	ssyncset.done $0x0  }
0x93: {  	[sflag:s17] =	ssyncadd.s32 $0xFFFFC000  }
0x94: {  	_ =	swait.ge [sflag:s21], $0x4000  }
0x95: {  	[sflag:s21] =	ssyncset.done $0x0  }
0x96: {  	[sflag:s21] =	ssyncadd.s32 $0xFFFFC000  }
0x97: {  	[tilespmem:s22], [sflag:$0x2] =	stream.indirect.gather [hbm4b:s15+s19], $0x80, s24, s19, $0xb8;
	[tilespmem:$0x1E400] =	vst v63  }
0x98: {  	_ = 	snop  }
0x99: {  	[spmem:s2] =	stream.indirect.scatter.add.f32 [tilespmem:s20], [sflag:$0x3], $0x80, s26, s19, $0xb8;
	[tilespmem:$0x1E400] =	vst v63  }
0x9a: {  	_ =	swait.ge [sflag:s17], $0x4000  }
0x9b: {  	[sflag:s17] =	ssyncset.done $0x0  }
0x9c: {  	[sflag:s17] =	ssyncadd.s32 $0xFFFFC000  }
0x9d: {  	_ =	swait.ge [sflag:s23], $0x4000  }
0x9e: {  	[sflag:s23] =	ssyncset.done $0x0  }
0x9f: {  	[sflag:s23] =	ssyncadd.s32 $0xFFFFC000  }
0xa0: {  	[spmem:s2] =	stream.indirect.scatter.add.f32 [tilespmem:s22], [sflag:$0x3], $0x80, s28, s19, $0xb8;
	[tilespmem:$0x1E400] =	vst v63  }
.Ltmp4:
0xa1: {  	_ =	swait.ge [sflag:s17], $0x4000;
	(pc) =	sbr.rel @p1 .LBB2_7-.Ltmp4, $4  }
0xa2: {  	[sflag:s17] =	ssyncset.done $0x0  }
0xa3: {  	[sflag:s17] =	ssyncadd.s32 $0xFFFFC000  }
0xa4: {  	[bflag:$0x0] =	sbarrier.arrive $0xFFFF  }
0xa5: {  	s30 =	sshrl.u32 s11, $0x3  }
0xa6: {  	[hbm:s13], [sflag:s6] =	dma.local [spmem:s30], $0x2700  }
.Ltmp5:
0xa7: {  	_ = 	snop;
	(pc) =	sbr.rel @!p2 .LBB2_9-.Ltmp5, $4  }
.Ltmp6:
0xa8: {  	_ = 	snop;
	(pc) =	sbr.rel @p2 .LBB2_8-.Ltmp6, $4  }
0xa9: {  	_ =	swait.ge [sflag:s17], $0x2700  }
0xaa: {  	[sflag:s17] =	ssyncset.done $0x0  }
0xab: {  	s30 =	smov.u32 s4;
	[sflag:s17] =	ssyncadd.s32 $0xFFFFD900  }
0xac: {  	_ = 	snop  }
.LBB2_7:
0xad: {  	[hbm:s12], [sflag:s6] =	dma.local [spmem:s30], $0x2700  }
.Ltmp7:
0xae: {  	_ = 	snop;
	(pc) =	sbr.rel @p0 .LBB2_9-.Ltmp7, $4  }
.Ltmp8:
0xaf: {  	_ = 	snop;
	(pc) =	sbr.rel @!p0 .LBB2_8-.Ltmp8, $4  }
0xb0: {  	_ =	swait.ge [sflag:s17], $0x2700  }
0xb1: {  	[sflag:s17] =	ssyncset.done $0x0  }
0xb2: {  	s30 =	smov.u32 s5;
	[sflag:s17] =	ssyncadd.s32 $0xFFFFD900  }
0xb3: {  	_ = 	snop  }
.LBB2_10:
0xb4: {  	_ =	sfence.sel $0x180000  }
0xb5: {  	[bflag:$0x0] =	sbarrier.arrive $0xFFFF  }
0xb6: {  	_ =	strace $0x90000047  }
0xb7: {  	[bflag:$0x2] =	sbarrier.arrive $0xFFFF  }
0xb8: {  	s0 =	rddreg [dreg:$0x3]  }
0xb9: {  	s0 =	sadd.s32 @!p0 $0x100000, s0  }
0xba: {  	[sflag:s0] =	ssyncadd.tile.s32 @!p0 $0x1;
	_ =	shalt  }
.Lfunc_end2:
_tile_overlayer_lowered:
.L_overlay_start_2:
0xbb: {  	(tag) =	ssettag $0x2  }
0xbc: {  	s0 =	rddreg [dreg:$0x0];
	s2 =	stileid.u32  }
0xbd: {  	s1 =	rddreg [dreg:$0x1];
	p0 =	sne.s32 s2, $0x0  }
0xbe: {  	s3 =	rddreg [dreg:$0x2];
	[bflag:$0x3] =	sbarrier.arrive $0xFFFF;
	s2 =	simm.s32 @!p0 $0x1C03  }
0xbf: {  	[timem:s3], [sflag:s2] =	dma.local @!p0 [hbm:s0], s1  }
0xc0: {  	s0 =	simm.s32 @!p0 $0x3  }
0xc1: {  	_ =	swait.ge @!p0 [sflag:s0], s1  }
0xc2: {  	s1 =	ssub.s32 @!p0 $0x0, s1;
	[sflag:s0] =	ssyncset.done @!p0 $0x0  }
0xc3: {  	[sflag:s0] =	ssyncadd.s32 @!p0 s1  }
0xc4: {  	[bflag:$0x3] =	sbarrier.arrive $0xFFFF  }
0xc5: {  	_ =	shalt  }

// kernel: kernel.18.cloned.1.call-start
scs
__scs_entry_jumppad:
0x0: {  	(pc) =	sbr.rel $0x88, $3  }
0x1: {  	(tag) =	ssettag $0x0;
	lr =	simm.s32 $0x1  }
0x2: {  	[smem:$0x3F91] =	sst lr;
	_ =	strace $0xD0000000  }
0x3: {  	_ = 	snop  }
0x4: {  	_ = 	snop  }
0x5: {  	_ = 	snop  }
0x6: {  	_ = 	snop  }
0x7: {  	_ = 	snop  }
__scs_overlays_trampoline_lowered:
0x8: {  	[smem:$0x3FA0] =	sst s0  }
0x9: {  	[smem:$0x3FA1] =	sst s1  }
0xa: {  	[smem:$0x3FA2] =	sst s2  }
0xb: {  	[smem:$0x3FA3] =	sst s3  }
0xc: {  	[smem:$0x3FA4] =	sst s4  }
0xd: {  	[smem:$0x3FA5] =	sst s5  }
0xe: {  	[smem:$0x3FA6] =	sst s6  }
0xf: {  	[smem:$0x3FA7] =	sst s7  }
0x10: {  	[smem:$0x3FA8] =	sst s8  }
0x11: {  	[smem:$0x3FA9] =	sst s9;
	s0 =	simm.s32 @!p0 $0x0  }
0x12: {  	s1 =	sld [smem:$0x3F8F];
	s0 =	simm.s32 @p0 $0x1  }
0x13: {  	[smem:$0x3FAA] =	sst s0;
	s0 =	simm.s32 @!p1 $0x0  }
0x14: {  	s2 =	sld [smem:$0x3F8E];
	s0 =	simm.s32 @p1 $0x1  }
0x15: {  	[smem:$0x3FAB] =	sst s0;
	s0 =	simm.s32 @!p2 $0x0  }
0x16: {  	s3 =	sld [smem:$0x3FDB];
	s0 =	simm.s32 @p2 $0x1  }
0x17: {  	s4 =	simm.s32 $0x1BF5;
	[smem:$0x3FAD] =	sst s0  }
0x18: {  	s0 =	sld [smem:$0x3F90];
	_ =	swait.ge [sflag:s4], $0x0  }
0x19: {  	s7 =	sld [smem:$0x3F91]  }
0x1a: {  	s8 =	sadd.s32 $0xFFFFE003, lr  }
0x1b: {  	s9 =	sadd.s32 $0xFFFFFEF7, lr;
	s5 =	simm.s32 $0xFFFFFFFF;
	p2 =	slt.u32 s8, $0xFFFFF086  }
0x1c: {  	p1 =	slt.u32 s9, $0xF7A;
	s5 =	simm.s32 @!p2 $0x0  }
0x1d: {  	s5 =	simm.s32 @p1 $0x1;
	p0 =	seq.s32 s7, s2  }
0x1e: {  	s7 =	smul.u32 @!p0 $0xF7A, s2;
	p2 =	seq.s32 @!p0 s5, $0x0  }
0x1f: {  	s9 =	smul.u32 $0xF7A, s1;
	s8 =	simm.s32 @!p0 $0x1BF5;
	p2 =	por !p2, p0  }
0x20: {  	[sflag:s8] =	ssyncset.s32 @!p0 $0xFFFFF086;
	s6 =	sadd.s32 @!p0 s3, s7;
	s7 =	simm.s32 @!p0 $0x108  }
0x21: {  	s3 =	sadd.s32 s3, s9;
	s6 =	sadd.s32 @!p0 $0x88, s6;
	s7 =	simm.s32 @p2 $0x1082  }
0x22: {  	[simem:s7], [sflag:s8] =	dma.local @!p0 [hbm:s6], $0xF7A  }
0x23: {  	s9 =	sor.u32 $0xD0000000, s2;
	s6 =	simm.s32 $0x108;
	_ =	swait.ge @!p0 [sflag:s8], $0x0  }
0x24: {  	s3 =	sadd.s32 $0x88, s3;
	s6 =	simm.s32 @!p1 $0x1082;
	[sflag:s4] =	ssyncset.s32 $0xFFFFF086  }
0x25: {  	[simem:s6], [sflag:s4] =	dma.local [hbm:s3], $0xF7A  }
0x26: {  	[smem:$0x3F91] =	sst s1;
	(tag) =	ssettag s2;
	_ =	strace s9  }
0x27: {  	s1 =	sld [smem:$0x3FA1]  }
0x28: {  	s2 =	sld [smem:$0x3FA2]  }
0x29: {  	s4 =	sld [smem:$0x3FA4]  }
0x2a: {  	p0 =	seq.s32 s5, $0x0;
	s5 =	sld [smem:$0x3FA5]  }
0x2b: {  	s6 =	sld [smem:$0x3FA6]  }
0x2c: {  	s7 =	sld [smem:$0x3FA7]  }
0x2d: {  	s3 =	simm.s32 $0x108;
	s8 =	sld [smem:$0x3FA8]  }
0x2e: {  	s3 =	simm.s32 @!p0 $0x1082;
	s9 =	sld [smem:$0x3FA9]  }
0x2f: {  	lr =	sadd.s32 s0, s3;
	s0 =	sld [smem:$0x3FA0]  }
0x30: {  	s3 =	sld [smem:$0x3FA3]  }
0x31: {  	[smem:$0x3FAC] =	sst s10  }
0x32: {  	s10 =	sld [smem:$0x3FAA];
	_ =	sdelay $0x3  }
0x33: {  	p0 =	seq.s32 s10, $0x1;
	s10 =	sld [smem:$0x3FAC];
	_ =	sdelay $0x3  }
0x34: {  	[smem:$0x3FAC] =	sst s10  }
0x35: {  	s10 =	sld [smem:$0x3FAB];
	_ =	sdelay $0x3  }
0x36: {  	p1 =	seq.s32 s10, $0x1;
	s10 =	sld [smem:$0x3FAC];
	_ =	sdelay $0x3  }
0x37: {  	[smem:$0x3FAC] =	sst s10  }
0x38: {  	s10 =	sld [smem:$0x3FAD]  }
0x39: {  	_ = 	snop;
	(pc) =	sbr.ind lr, $3  }
0x3a: {  	_ = 	snop  }
0x3b: {  	_ = 	snop  }
0x3c: {  	p2 =	seq.s32 s10, $0x1;
	s10 =	sld [smem:$0x3FAC]  }
0x3d: {  	_ =	shalt  }
0x3e: {  	_ =	shalt  }
0x3f: {  	_ =	shalt  }
0x40: {  	_ =	shalt  }
0x41: {  	_ =	shalt  }
0x42: {  	_ =	shalt  }
0x43: {  	_ =	shalt  }
0x44: {  	_ =	shalt  }
0x45: {  	_ =	shalt  }
0x46: {  	_ =	shalt  }
0x47: {  	_ =	shalt  }
0x48: {  	_ =	shalt  }
0x49: {  	_ =	shalt  }
0x4a: {  	_ =	shalt  }
0x4b: {  	_ =	shalt  }
0x4c: {  	_ =	shalt  }
0x4d: {  	_ =	shalt  }
0x4e: {  	_ =	shalt  }
0x4f: {  	_ =	shalt  }
0x50: {  	_ =	shalt  }
0x51: {  	_ =	shalt  }
0x52: {  	_ =	shalt  }
0x53: {  	_ =	shalt  }
0x54: {  	_ =	shalt  }
0x55: {  	_ =	shalt  }
0x56: {  	_ =	shalt  }
0x57: {  	_ =	shalt  }
0x58: {  	_ =	shalt  }
0x59: {  	_ =	shalt  }
0x5a: {  	_ =	shalt  }
0x5b: {  	_ =	shalt  }
0x5c: {  	_ =	shalt  }
0x5d: {  	_ =	shalt  }
0x5e: {  	_ =	shalt  }
0x5f: {  	_ =	shalt  }
0x60: {  	_ =	shalt  }
0x61: {  	_ =	shalt  }
0x62: {  	_ =	shalt  }
0x63: {  	_ =	shalt  }
0x64: {  	_ =	shalt  }
0x65: {  	_ =	shalt  }
0x66: {  	_ =	shalt  }
0x67: {  	_ =	shalt  }
0x68: {  	_ =	shalt  }
0x69: {  	_ =	shalt  }
0x6a: {  	_ =	shalt  }
0x6b: {  	_ =	shalt  }
0x6c: {  	_ =	shalt  }
0x6d: {  	_ =	shalt  }
0x6e: {  	_ =	shalt  }
0x6f: {  	_ =	shalt  }
0x70: {  	_ =	shalt  }
0x71: {  	_ =	shalt  }
0x72: {  	_ =	shalt  }
0x73: {  	_ =	shalt  }
0x74: {  	_ =	shalt  }
0x75: {  	_ =	shalt  }
0x76: {  	_ =	shalt  }
0x77: {  	_ =	shalt  }
0x78: {  	_ =	shalt  }
0x79: {  	_ =	shalt  }
0x7a: {  	_ =	shalt  }
0x7b: {  	_ =	shalt  }
0x7c: {  	_ =	shalt  }
0x7d: {  	_ =	shalt  }
0x7e: {  	_ =	shalt  }
0x7f: {  	_ =	shalt  }
0x80: {  	_ =	shalt  }
0x81: {  	_ =	shalt  }
0x82: {  	_ =	shalt  }
0x83: {  	_ =	shalt  }
0x84: {  	_ =	shalt  }
0x85: {  	_ =	shalt  }
0x86: {  	_ =	shalt  }
0x87: {  	_ =	shalt  }
.Lfunc_end0:
.L_simem_size_0:
called_computation.2_lowered:
.L_overlay_start_0:
0x88: {  	s2 =	sld [smem:$0x3FD9]  }
0x89: {  	s3 =	sld [smem:$0x3FFE];
	_ =	sdelay $0x1  }
0x8a: {  	s1 =	srdreg.scid  }
0x8b: {  	s0 =	sand.u32 $0x1, s1  }
0x8c: {  	s17 =	sshll.u32 s0, $0xA;
	s2 =	sadd.s32 s3, s2  }
0x8d: {  	s2 =	sadd.s32 s2, s17  }
0x8e: {  	[smem:$0x3FB8] =	sst s2  }
0x8f: {  	_ = 	snop  }
0x90: {  	s2 =	sld [smem:$0x3FD0];
	(tm) =	ssettm $0x1  }
0x91: {  	s18 =	sld [smem:$0x3FFB];
	_ =	sdelay $0x3  }
0x92: {  	_ =	strace s18  }
0x93: {  	s3 =	sld [smem:$0x3FFC];
	_ =	sdelay $0x3  }
0x94: {  	_ =	strace s3  }
0x95: {  	s3 =	sld [smem:$0x3FFD];
	_ =	sdelay $0x3  }
0x96: {  	_ =	strace s3  }
0x97: {  	_ =	strace $0x8FFFFFFF  }
0x98: {  	s19 =	sld [smem:$0x3FDB];
	_ =	sdelay $0x1  }
0x99: {  	s4 =	simm.s32 $_scs_section_size  }
0x9a: {  	s5 =	simm.s32 $_size__tile_overlayer_lowered;
	s6 =	simm.s32 $_tile_overlayer_lowered  }
0x9b: {  	s22 =	simm.s32 $0x1BFF;
	s21 =	sshll.u32 s6, $0x1;
	s3 =	sadd.s32 s4, s19  }
0x9c: {  	s7 =	simm.s32 $0x0;
	s20 =	sshll.u32 s5, $0x1;
	s5 =	sadd.s32 s21, s3  }
0x9d: {  	[timem:s7], [sflag:s22] =	dma.local [hbm:s5], s20  }
0x9e: {  	_ =	swait.ge [sflag:s22], s20  }
0x9f: {  	s4 =	ssub.s32 $0x0, s20;
	[sflag:s22] =	ssyncset.done $0x0  }
0xa0: {  	[sflag:s22] =	ssyncadd.s32 s4;
	_ =	sdelay $0x1  }
0xa1: {  	s23 =	simm.s32 $0x1B8B  }
0xa2: {  	_ =	swait.ge [sflag:s23], $0x1  }
0xa3: {  	[sflag:s23] =	ssyncset.done $0x0  }
0xa4: {  	s25 =	simm.s32 $0x1B8E;
	s24 =	sld [smem:$0x3FFE];
	[sflag:s23] =	ssyncadd.s32 $0xFFFFFFFF  }
0xa5: {  	s26 =	simm.s32 $execute0_lowered;
	[smem:$0x3FD2] =	sst s25  }
0xa6: {  	s5 =	sshll.u32 s26, $0x1;
	_ =	strace $0x8000004C;
	[dreg:$0x1] =	wrdreg $0xFFFFFFFF  }
0xa7: {  	s28 =	simm.s32 $_size_execute0_lowered;
	s3 =	sadd.s32 s3, s5;
	[dreg:$0x0] =	wrdreg $0x0  }
0xa8: {  	s5 =	sshll.u32 s28, $0x1;
	[dreg:$0x2] =	wrdreg s3  }
0xa9: {  	[dreg:$0x3] =	wrdreg s5  }
0xaa: {  	[dreg:$0x4] =	wrdreg $0xC0  }
0xab: {  	_ =	task [dreg:s7], $0x5FFFF  }
0xac: {  	[dreg:$0x1] =	wrdreg $0xFFFFFFFF  }
0xad: {  	[dreg:$0x0] =	wrdreg $0x60  }
0xae: {  	[dreg:$0x2] =	wrdreg s24  }
0xaf: {  	[dreg:$0x3] =	wrdreg s2  }
0xb0: {  	[dreg:$0x4] =	wrdreg $0xA8000  }
0xb1: {  	[dreg:$0x5] =	wrdreg $0x9  }
0xb2: {  	_ =	task.clear_ibuf [dreg:s7], $0x6FFFF;
	_ =	strace $0x9000004C  }
0xb3: {  	s29 =	simm.s32 $0x9;
	_ =	strace $0x8000004E  }
0xb4: {  	_ =	swait.ge [sflag:s29], $0x1  }
0xb5: {  	[sflag:s29] =	ssyncadd.s32 $0xFFFFFFFF  }
0xb6: {  	_ =	strace $0x9000004E  }
0xb7: {  	_ =	sfence  }
0xb8: {  	s30 =	sld [smem:$0x0];
	_ =	sdelay $0x2  }
0xb9: {  	s31 =	sshll.u32 s1, $0xD;
	s1 =	sshrl.u32 s1, $0x2  }
0xba: {  	s3 =	sand.u32 $0x4000, s31;
	s1 =	sadd.s32 s1, s30  }
0xbb: {  	s0 =	sor.u32 s3, s0;
	s1 =	sshll.u32 s1, $0x11  }
0xbc: {  	s0 =	sor.u32 s1, s0  }
0xbd: {  	s0 =	sadd.s32 $0x8F2B, s0  }
0xbe: {  	[sflag:s0] =	ssyncadd.remote.s32 $0x1  }
0xbf: {  	_ =	sfence.sel $0xFFFF  }
0xc0: {  	[dreg:$0x0] =	wrdreg $0xFFFFFFFF;
	(pc) =	sbr.abs _section_cstart, $3  }
0xc1: {  	[dreg:$0x1] =	wrdreg $0xFFFFFFFF  }
0xc2: {  	_ =	task.clear_ibuf [dreg:s7], $0x2FFFF;
	_ =	strace $0x9FFFFFFF  }
0xc3: {  	(tm) =	ssettm $0x7FFFFFFF  }
tec
execute0_lowered:
.L_overlay_start_1:
0x0: {  	(tag) =	ssettag $0x1  }
0x1: {  	s15 =	rddreg [dreg:$0x0]  }
0x2: {  	s1 =	rddreg [dreg:$0x1]  }
0x3: {  	s2 =	rddreg [dreg:$0x2];
	s3 =	simm.s32 $0x0  }
0x4: {  	s4 =	srdreg.scid;
	s24 =	stileid.u32;
	s17 =	simm.s32 $0x11200  }
0x5: {  	s18 =	simm.s32 $0x1400;
	s19 =	simm.s32 $0x80;
	s20 =	simm.s32 $0x2800  }
0x6: {  	s21 =	simm.s32 $0x1;
	s28 =	simm.s32 $0x2780;
	s8 =	smul.u32 $0x4F000, s24  }
0x7: {  	s29 =	simm.s32 $0x0;
	[smem:$0x7FF] =	sst s3;
	s11 =	smul.u32 $0x500, s24  }
0x8: {  	s9 =	sadd.s32 $0xC200, s15;
	s23 =	sand.u32 $0x1, s4;
	s12 =	smul.u32 $0x2800, s24  }
0x9: {  	s10 =	sadd.s32 $0x7200, s15;
	s4 =	sadd.s32 $0x5F600, s15;
	s30 =	smul.u32 $0x4E000, s24  }
0xa: {  	s5 =	sadd.s32 $0x86800, s15;
	s25 =	sshll.u32 s24, $0x6;
	s13 =	smul.u32 $0x2700, s24  }
0xb: {  	p2 =	seq.s32 s24, $0x0;
	_ =	strace $0x8000004D;
	s6 =	ssub.s32 $0x2, s23  }
0xc: {  	p0 =	seq.s32 s23, $0x0;
	p1 =	sne.s32 s23, $0x0;
	s23 =	simm.s32 $0x2  }
0xd: {  	s7 =	sshrl.u32 s6, $0x1;
	s22 =	sshrl.u32 s8, $0x2;
	s8 =	sadd.s32 s10, s11  }
0xe: {  	s26 =	sshrl.u32 s12, $0x3;
	s31 =	sshrl.u32 s30, $0x2;
	s12 =	sadd.s32 s5, s13  }
0xf: {  	s13 =	sadd.s32 s4, s13;
	s17 =	simm.s32 @!p0 $0x38400;
	p0 =	sne.s32 s24, $0x0  }
0x10: {  	s24 =	simm.s32 $0x1380;
	s14 =	ssub.s32 s6, s7;
	s16 =	sadd.s32 s22, s2  }
.Ltmp0:
0x11: {  	s6 =	sor.u32 $0x1C03, s25;
	s7 =	sadd.s32 s9, s11;
	(pc) =	sbr.rel .LBB2_1-.Ltmp0, $4  }
0x12: {  	s11 =	sadd.s32 $0x280, s26;
	s25 =	sadd.s32 $0x138000, s2;
	s15 =	sadd.s32 s17, s15  }
0x13: {  	s17 =	simm.s32 $0x3;
	s22 =	simm.s32 $0x6800;
	s26 =	simm.s32 $0x2700  }
0x14: {  	s9 =	sadd.s32 s9, s11;
	s10 =	sadd.s32 s10, s11;
	s11 =	sadd.s32 s31, s2  }
0x15: {  	s14 =	smax.u32 s14, $0x1;
	s16 =	sshrl.u32 s16, $0x3;
	s25 =	sshrl.u32 s25, $0x3  }
.LBB2_8:
0x16: {  	s0 =	sadd.s32 $0x27000, s30  }
0x17: {  	[hbm:s0], [sflag:s6] =	dma.local [spmem:s25], $0x100  }
0x18: {  	_ =	swait.ge [sflag:s17], $0x100  }
0x19: {  	[sflag:s17] =	ssyncset.done $0x0  }
0x1a: {  	[sflag:s17] =	ssyncadd.s32 $0xFFFFFF00  }
.LBB2_9:
0x1b: {  	s29 =	sadd.s32 $0x1, s29  }
0x1c: {  	p3 =	sne.s32 s29, s14  }
.Ltmp1:
0x1d: {  	_ = 	snop;
	(pc) =	sbr.rel @!p3 .LBB2_10-.Ltmp1, $1  }
0x1e: {  	_ =	sdelay $0x3  }
.LBB2_1:
0x1f: {  	[spmem:s16], [sflag:s6] =	dma.local [hbm:s1], $0x2780  }
0x20: {  	_ =	swait.ge [sflag:s17], $0x2780  }
0x21: {  	[sflag:s17] =	ssyncset.done $0x0  }
0x22: {  	[sflag:s17] =	ssyncadd.s32 $0xFFFFD880  }
0x23: {  	[bflag:$0x0] =	sbarrier.arrive $0xFFFF  }
0x24: {  	[tilespmem:s3], [sflag:$0x3] =	stream.linear.gather [hbm4b:s7+s3], $0x1400, $0x38;
	[tilespmem:$0x1E400] =	vst v63  }
0x25: {  	_ =	swait.ge [sflag:s17], $0x1400  }
0x26: {  	[sflag:s17] =	ssyncset.done $0x0  }
0x27: {  	[sflag:s17] =	ssyncadd.s32 $0xFFFFEC00  }
0x28: {  	[tilespmem:s18], [sflag:$0x3] =	stream.linear.gather [hbm4b:s8+s3], $0x1400, $0x38;
	[tilespmem:$0x1E400] =	vst v63  }
0x29: {  	_ =	swait.ge [sflag:s17], $0x1400  }
0x2a: {  	[sflag:s17] =	ssyncset.done $0x0  }
0x2b: {  	[sflag:s17] =	ssyncadd.s32 $0xFFFFEC00  }
0x2c: {  	[tilespmem:s20], [sflag:$0x1] =	stream.indirect.gather [hbm4b:s15+s19], $0x80, s3, s19, $0xb8;
	[tilespmem:$0x1E400] =	vst v63  }
0x2d: {  	_ =	swait.ge [sflag:s21], $0x4000  }
0x2e: {  	[sflag:s21] =	ssyncset.done $0x0  }
0x2f: {  	s30 =	simm.s32 $0x80;
	[sflag:s21] =	ssyncadd.s32 $0xFFFFC000  }
0x30: {  	[tilespmem:s22], [sflag:$0x2] =	stream.indirect.gather [hbm4b:s15+s19], $0x80, s30, s19, $0xb8;
	[tilespmem:$0x1E400] =	vst v63  }
0x31: {  	s30 =	simm.s32 $0x1400  }
0x32: {  	[spmem:s2] =	stream.indirect.scatter.add.f32 [tilespmem:s20], [sflag:$0x3], $0x80, s30, s19, $0xb8;
	[tilespmem:$0x1E400] =	vst v63  }
0x33: {  	_ =	swait.ge [sflag:s17], $0x4000  }
0x34: {  	[sflag:s17] =	ssyncset.done $0x0  }
0x35: {  	[sflag:s17] =	ssyncadd.s32 $0xFFFFC000  }
0x36: {  	_ =	swait.ge [sflag:s23], $0x4000  }
0x37: {  	[sflag:s23] =	ssyncset.done $0x0  }
0x38: {  	s30 =	simm.s32 $0x100;
	[sflag:s23] =	ssyncadd.s32 $0xFFFFC000  }
0x39: {  	[tilespmem:s20], [sflag:$0x1] =	stream.indirect.gather [hbm4b:s15+s19], $0x80, s30, s19, $0xb8;
	[tilespmem:$0x1E400] =	vst v63  }
0x3a: {  	s30 =	simm.s32 $0x1480  }
0x3b: {  	[spmem:s2] =	stream.indirect.scatter.add.f32 [tilespmem:s22], [sflag:$0x3], $0x80, s30, s19, $0xb8;
	[tilespmem:$0x1E400] =	vst v63  }
0x3c: {  	_ =	swait.ge [sflag:s17], $0x4000  }
0x3d: {  	s30 =	simm.s32 $0x400;
	[sflag:s17] =	ssyncset.done $0x0  }
.LBB2_2:
0x3e: {  	p3 =	sne.s32 s30, $0x4800  }
0x3f: {  	[sflag:s17] =	ssyncadd.s32 $0xFFFFC000;
	s31 =	smov.u32 s30;
	s30 =	sadd.s32 $0x400, s30  }
0x40: {  	_ = 	snop  }
0x41: {  	_ =	swait.ge [sflag:s21], $0x4000  }
0x42: {  	s31 =	sshra.s32 s31, $0x2;
	[sflag:s21] =	ssyncset.done $0x0  }
0x43: {  	s0 =	sadd.s32 $0x80, s31;
	[sflag:s21] =	ssyncadd.s32 $0xFFFFC000  }
0x44: {  	[tilespmem:s22], [sflag:$0x2] =	stream.indirect.gather [hbm4b:s15+s19], $0x80, s0, s19, $0xb8;
	[tilespmem:$0x1E400] =	vst v63  }
0x45: {  	s0 =	sadd.s32 $0x1400, s31  }
0x46: {  	[spmem:s2] =	stream.indirect.scatter.add.f32 [tilespmem:s20], [sflag:$0x3], $0x80, s0, s19, $0xb8;
	[tilespmem:$0x1E400] =	vst v63  }
0x47: {  	_ =	swait.ge [sflag:s17], $0x4000  }
0x48: {  	[sflag:s17] =	ssyncset.done $0x0  }
0x49: {  	[sflag:s17] =	ssyncadd.s32 $0xFFFFC000  }
0x4a: {  	_ =	swait.ge [sflag:s23], $0x4000  }
0x4b: {  	[sflag:s23] =	ssyncset.done $0x0  }
0x4c: {  	s0 =	sadd.s32 $0x100, s31;
	[sflag:s23] =	ssyncadd.s32 $0xFFFFC000  }
0x4d: {  	[tilespmem:s20], [sflag:$0x1] =	stream.indirect.gather [hbm4b:s15+s19], $0x80, s0, s19, $0xb8;
	[tilespmem:$0x1E400] =	vst v63  }
.Ltmp2:
0x4e: {  	_ = 	snop;
	(pc) =	sbr.rel @p3 .LBB2_2-.Ltmp2, $4  }
0x4f: {  	s0 =	sadd.s32 $0x1480, s31  }
0x50: {  	[spmem:s2] =	stream.indirect.scatter.add.f32 [tilespmem:s22], [sflag:$0x3], $0x80, s0, s19, $0xb8;
	[tilespmem:$0x1E400] =	vst v63  }
0x51: {  	_ =	swait.ge [sflag:s17], $0x4000  }
0x52: {  	[sflag:s17] =	ssyncset.done $0x0  }
0x53: {  	[sflag:s17] =	ssyncadd.s32 $0xFFFFC000  }
0x54: {  	_ =	swait.ge [sflag:s21], $0x4000  }
0x55: {  	[sflag:s21] =	ssyncset.done $0x0  }
0x56: {  	[sflag:s21] =	ssyncadd.s32 $0xFFFFC000  }
0x57: {  	[tilespmem:s22], [sflag:$0x2] =	stream.indirect.gather [hbm4b:s15+s19], $0x80, s24, s19, $0xb8;
	[tilespmem:$0x1E400] =	vst v63  }
0x58: {  	_ = 	snop  }
0x59: {  	[spmem:s2] =	stream.indirect.scatter.add.f32 [tilespmem:s20], [sflag:$0x3], $0x80, s26, s19, $0xb8;
	[tilespmem:$0x1E400] =	vst v63  }
0x5a: {  	_ =	swait.ge [sflag:s17], $0x4000  }
0x5b: {  	[sflag:s17] =	ssyncset.done $0x0  }
0x5c: {  	[sflag:s17] =	ssyncadd.s32 $0xFFFFC000  }
0x5d: {  	_ =	swait.ge [sflag:s23], $0x4000  }
0x5e: {  	[sflag:s23] =	ssyncset.done $0x0  }
0x5f: {  	[sflag:s23] =	ssyncadd.s32 $0xFFFFC000  }
0x60: {  	[spmem:s2] =	stream.indirect.scatter.add.f32 [tilespmem:s22], [sflag:$0x3], $0x80, s28, s19, $0xb8;
	[tilespmem:$0x1E400] =	vst v63  }
0x61: {  	_ =	swait.ge [sflag:s17], $0x4000  }
0x62: {  	[sflag:s17] =	ssyncset.done $0x0  }
0x63: {  	s0 =	simm.s32 $0x0;
	[sflag:s17] =	ssyncadd.s32 $0xFFFFC000  }
0x64: {  	[tilespmem:s0], [sflag:$0x3] =	stream.linear.gather [hbm4b:s9+s0], $0x1400, $0x38;
	[tilespmem:$0x1E400] =	vst v63  }
0x65: {  	_ =	swait.ge [sflag:s17], $0x1400  }
0x66: {  	[sflag:s17] =	ssyncset.done $0x0  }
0x67: {  	[sflag:s17] =	ssyncadd.s32 $0xFFFFEC00  }
0x68: {  	[tilespmem:s18], [sflag:$0x3] =	stream.linear.gather [hbm4b:s10+s0], $0x1400, $0x38;
	[tilespmem:$0x1E400] =	vst v63  }
0x69: {  	_ =	swait.ge [sflag:s17], $0x1400  }
0x6a: {  	[sflag:s17] =	ssyncset.done $0x0  }
0x6b: {  	[sflag:s17] =	ssyncadd.s32 $0xFFFFEC00  }
0x6c: {  	[tilespmem:s20], [sflag:$0x1] =	stream.indirect.gather [hbm4b:s15+s19], $0x80, s0, s19, $0xb8;
	[tilespmem:$0x1E400] =	vst v63  }
0x6d: {  	_ =	swait.ge [sflag:s21], $0x4000  }
0x6e: {  	[sflag:s21] =	ssyncset.done $0x0  }
0x6f: {  	s31 =	simm.s32 $0x80;
	[sflag:s21] =	ssyncadd.s32 $0xFFFFC000  }
0x70: {  	[tilespmem:s22], [sflag:$0x2] =	stream.indirect.gather [hbm4b:s15+s19], $0x80, s31, s19, $0xb8;
	[tilespmem:$0x1E400] =	vst v63  }
0x71: {  	s31 =	simm.s32 $0x1400  }
0x72: {  	[spmem:s2] =	stream.indirect.scatter.add.f32 [tilespmem:s20], [sflag:$0x3], $0x80, s31, s19, $0xb8;
	[tilespmem:$0x1E400] =	vst v63  }
0x73: {  	_ =	swait.ge [sflag:s17], $0x4000  }
0x74: {  	[sflag:s17] =	ssyncset.done $0x0  }
0x75: {  	[sflag:s17] =	ssyncadd.s32 $0xFFFFC000  }
0x76: {  	_ =	swait.ge [sflag:s23], $0x4000  }
0x77: {  	[sflag:s23] =	ssyncset.done $0x0  }
0x78: {  	s31 =	simm.s32 $0x100;
	[sflag:s23] =	ssyncadd.s32 $0xFFFFC000  }
0x79: {  	[tilespmem:s20], [sflag:$0x1] =	stream.indirect.gather [hbm4b:s15+s19], $0x80, s31, s19, $0xb8;
	[tilespmem:$0x1E400] =	vst v63  }
0x7a: {  	s31 =	simm.s32 $0x1480  }
0x7b: {  	[spmem:s2] =	stream.indirect.scatter.add.f32 [tilespmem:s22], [sflag:$0x3], $0x80, s31, s19, $0xb8;
	[tilespmem:$0x1E400] =	vst v63  }
0x7c: {  	_ =	swait.ge [sflag:s17], $0x4000  }
0x7d: {  	s30 =	simm.s32 $0x400;
	[sflag:s17] =	ssyncset.done $0x0  }
.LBB2_4:
0x7e: {  	p3 =	sne.s32 s30, $0x4800  }
0x7f: {  	[sflag:s17] =	ssyncadd.s32 $0xFFFFC000;
	s0 =	smov.u32 s30;
	s30 =	sadd.s32 $0x400, s30  }
0x80: {  	_ = 	snop  }
0x81: {  	_ =	swait.ge [sflag:s21], $0x4000  }
0x82: {  	s0 =	sshra.s32 s0, $0x2;
	[sflag:s21] =	ssyncset.done $0x0  }
0x83: {  	s31 =	sadd.s32 $0x80, s0;
	[sflag:s21] =	ssyncadd.s32 $0xFFFFC000  }
0x84: {  	[tilespmem:s22], [sflag:$0x2] =	stream.indirect.gather [hbm4b:s15+s19], $0x80, s31, s19, $0xb8;
	[tilespmem:$0x1E400] =	vst v63  }
0x85: {  	s31 =	sadd.s32 $0x1400, s0  }
0x86: {  	[spmem:s2] =	stream.indirect.scatter.add.f32 [tilespmem:s20], [sflag:$0x3], $0x80, s31, s19, $0xb8;
	[tilespmem:$0x1E400] =	vst v63  }
0x87: {  	_ =	swait.ge [sflag:s17], $0x4000  }
0x88: {  	[sflag:s17] =	ssyncset.done $0x0  }
0x89: {  	[sflag:s17] =	ssyncadd.s32 $0xFFFFC000  }
0x8a: {  	_ =	swait.ge [sflag:s23], $0x4000  }
0x8b: {  	[sflag:s23] =	ssyncset.done $0x0  }
0x8c: {  	s31 =	sadd.s32 $0x100, s0;
	[sflag:s23] =	ssyncadd.s32 $0xFFFFC000  }
0x8d: {  	[tilespmem:s20], [sflag:$0x1] =	stream.indirect.gather [hbm4b:s15+s19], $0x80, s31, s19, $0xb8;
	[tilespmem:$0x1E400] =	vst v63  }
.Ltmp3:
0x8e: {  	_ = 	snop;
	(pc) =	sbr.rel @p3 .LBB2_4-.Ltmp3, $4  }
0x8f: {  	s0 =	sadd.s32 $0x1480, s0  }
0x90: {  	[spmem:s2] =	stream.indirect.scatter.add.f32 [tilespmem:s22], [sflag:$0x3], $0x80, s0, s19, $0xb8;
	[tilespmem:$0x1E400] =	vst v63  }
0x91: {  	_ =	swait.ge [sflag:s17], $0x4000  }
0x92: {  	[sflag:s17] =	ssyncset.done $0x0  }
0x93: {  	[sflag:s17] =	ssyncadd.s32 $0xFFFFC000  }
0x94: {  	_ =	swait.ge [sflag:s21], $0x4000  }
0x95: {  	[sflag:s21] =	ssyncset.done $0x0  }
0x96: {  	[sflag:s21] =	ssyncadd.s32 $0xFFFFC000  }
0x97: {  	[tilespmem:s22], [sflag:$0x2] =	stream.indirect.gather [hbm4b:s15+s19], $0x80, s24, s19, $0xb8;
	[tilespmem:$0x1E400] =	vst v63  }
0x98: {  	_ = 	snop  }
0x99: {  	[spmem:s2] =	stream.indirect.scatter.add.f32 [tilespmem:s20], [sflag:$0x3], $0x80, s26, s19, $0xb8;
	[tilespmem:$0x1E400] =	vst v63  }
0x9a: {  	_ =	swait.ge [sflag:s17], $0x4000  }
0x9b: {  	[sflag:s17] =	ssyncset.done $0x0  }
0x9c: {  	[sflag:s17] =	ssyncadd.s32 $0xFFFFC000  }
0x9d: {  	_ =	swait.ge [sflag:s23], $0x4000  }
0x9e: {  	[sflag:s23] =	ssyncset.done $0x0  }
0x9f: {  	[sflag:s23] =	ssyncadd.s32 $0xFFFFC000  }
0xa0: {  	[spmem:s2] =	stream.indirect.scatter.add.f32 [tilespmem:s22], [sflag:$0x3], $0x80, s28, s19, $0xb8;
	[tilespmem:$0x1E400] =	vst v63  }
.Ltmp4:
0xa1: {  	_ =	swait.ge [sflag:s17], $0x4000;
	(pc) =	sbr.rel @p1 .LBB2_7-.Ltmp4, $4  }
0xa2: {  	[sflag:s17] =	ssyncset.done $0x0  }
0xa3: {  	[sflag:s17] =	ssyncadd.s32 $0xFFFFC000  }
0xa4: {  	[bflag:$0x0] =	sbarrier.arrive $0xFFFF  }
0xa5: {  	s30 =	sshrl.u32 s11, $0x3  }
0xa6: {  	[hbm:s13], [sflag:s6] =	dma.local [spmem:s30], $0x2700  }
.Ltmp5:
0xa7: {  	_ = 	snop;
	(pc) =	sbr.rel @!p2 .LBB2_9-.Ltmp5, $4  }
.Ltmp6:
0xa8: {  	_ = 	snop;
	(pc) =	sbr.rel @p2 .LBB2_8-.Ltmp6, $4  }
0xa9: {  	_ =	swait.ge [sflag:s17], $0x2700  }
0xaa: {  	[sflag:s17] =	ssyncset.done $0x0  }
0xab: {  	s30 =	smov.u32 s4;
	[sflag:s17] =	ssyncadd.s32 $0xFFFFD900  }
0xac: {  	_ = 	snop  }
.LBB2_7:
0xad: {  	[hbm:s12], [sflag:s6] =	dma.local [spmem:s30], $0x2700  }
.Ltmp7:
0xae: {  	_ = 	snop;
	(pc) =	sbr.rel @p0 .LBB2_9-.Ltmp7, $4  }
.Ltmp8:
0xaf: {  	_ = 	snop;
	(pc) =	sbr.rel @!p0 .LBB2_8-.Ltmp8, $4  }
0xb0: {  	_ =	swait.ge [sflag:s17], $0x2700  }
0xb1: {  	[sflag:s17] =	ssyncset.done $0x0  }
0xb2: {  	s30 =	smov.u32 s5;
	[sflag:s17] =	ssyncadd.s32 $0xFFFFD900  }
0xb3: {  	_ = 	snop  }
.LBB2_10:
0xb4: {  	_ =	sfence.sel $0x180000  }
0xb5: {  	[bflag:$0x0] =	sbarrier.arrive $0xFFFF  }
0xb6: {  	_ =	strace $0x9000004D  }
0xb7: {  	[bflag:$0x2] =	sbarrier.arrive $0xFFFF  }
0xb8: {  	s0 =	rddreg [dreg:$0x3]  }
0xb9: {  	s0 =	sadd.s32 @!p0 $0x100000, s0  }
0xba: {  	[sflag:s0] =	ssyncadd.tile.s32 @!p0 $0x1;
	_ =	shalt  }
.Lfunc_end2:
_tile_overlayer_lowered:
.L_overlay_start_2:
0xbb: {  	(tag) =	ssettag $0x2  }
0xbc: {  	s0 =	rddreg [dreg:$0x0];
	s2 =	stileid.u32  }
0xbd: {  	s1 =	rddreg [dreg:$0x1];
	p0 =	sne.s32 s2, $0x0  }
0xbe: {  	s3 =	rddreg [dreg:$0x2];
	[bflag:$0x3] =	sbarrier.arrive $0xFFFF;
	s2 =	simm.s32 @!p0 $0x1C03  }
0xbf: {  	[timem:s3], [sflag:s2] =	dma.local @!p0 [hbm:s0], s1  }
0xc0: {  	s0 =	simm.s32 @!p0 $0x3  }
0xc1: {  	_ =	swait.ge @!p0 [sflag:s0], s1  }
0xc2: {  	s1 =	ssub.s32 @!p0 $0x0, s1;
	[sflag:s0] =	ssyncset.done @!p0 $0x0  }
0xc3: {  	[sflag:s0] =	ssyncadd.s32 @!p0 s1  }
0xc4: {  	[bflag:$0x3] =	sbarrier.arrive $0xFFFF  }
0xc5: {  	_ =	shalt  }

// kernel: kernel.21.cloned.1.call-start
scs
__scs_entry_jumppad:
0x0: {  	(pc) =	sbr.rel $0x88, $3  }
0x1: {  	(tag) =	ssettag $0x0;
	lr =	simm.s32 $0x1  }
0x2: {  	[smem:$0x3F91] =	sst lr;
	_ =	strace $0xD0000000  }
0x3: {  	_ = 	snop  }
0x4: {  	_ = 	snop  }
0x5: {  	_ = 	snop  }
0x6: {  	_ = 	snop  }
0x7: {  	_ = 	snop  }
__scs_overlays_trampoline_lowered:
0x8: {  	[smem:$0x3FA0] =	sst s0  }
0x9: {  	[smem:$0x3FA1] =	sst s1  }
0xa: {  	[smem:$0x3FA2] =	sst s2  }
0xb: {  	[smem:$0x3FA3] =	sst s3  }
0xc: {  	[smem:$0x3FA4] =	sst s4  }
0xd: {  	[smem:$0x3FA5] =	sst s5  }
0xe: {  	[smem:$0x3FA6] =	sst s6  }
0xf: {  	[smem:$0x3FA7] =	sst s7  }
0x10: {  	[smem:$0x3FA8] =	sst s8  }
0x11: {  	[smem:$0x3FA9] =	sst s9;
	s0 =	simm.s32 @!p0 $0x0  }
0x12: {  	s1 =	sld [smem:$0x3F8F];
	s0 =	simm.s32 @p0 $0x1  }
0x13: {  	[smem:$0x3FAA] =	sst s0;
	s0 =	simm.s32 @!p1 $0x0  }
0x14: {  	s2 =	sld [smem:$0x3F8E];
	s0 =	simm.s32 @p1 $0x1  }
0x15: {  	[smem:$0x3FAB] =	sst s0;
	s0 =	simm.s32 @!p2 $0x0  }
0x16: {  	s3 =	sld [smem:$0x3FDB];
	s0 =	simm.s32 @p2 $0x1  }
0x17: {  	s4 =	simm.s32 $0x1BF5;
	[smem:$0x3FAD] =	sst s0  }
0x18: {  	s0 =	sld [smem:$0x3F90];
	_ =	swait.ge [sflag:s4], $0x0  }
0x19: {  	s7 =	sld [smem:$0x3F91]  }
0x1a: {  	s8 =	sadd.s32 $0xFFFFE003, lr  }
0x1b: {  	s9 =	sadd.s32 $0xFFFFFEF7, lr;
	s5 =	simm.s32 $0xFFFFFFFF;
	p2 =	slt.u32 s8, $0xFFFFF086  }
0x1c: {  	p1 =	slt.u32 s9, $0xF7A;
	s5 =	simm.s32 @!p2 $0x0  }
0x1d: {  	s5 =	simm.s32 @p1 $0x1;
	p0 =	seq.s32 s7, s2  }
0x1e: {  	s7 =	smul.u32 @!p0 $0xF7A, s2;
	p2 =	seq.s32 @!p0 s5, $0x0  }
0x1f: {  	s9 =	smul.u32 $0xF7A, s1;
	s8 =	simm.s32 @!p0 $0x1BF5;
	p2 =	por !p2, p0  }
0x20: {  	[sflag:s8] =	ssyncset.s32 @!p0 $0xFFFFF086;
	s6 =	sadd.s32 @!p0 s3, s7;
	s7 =	simm.s32 @!p0 $0x108  }
0x21: {  	s3 =	sadd.s32 s3, s9;
	s6 =	sadd.s32 @!p0 $0x88, s6;
	s7 =	simm.s32 @p2 $0x1082  }
0x22: {  	[simem:s7], [sflag:s8] =	dma.local @!p0 [hbm:s6], $0xF7A  }
0x23: {  	s9 =	sor.u32 $0xD0000000, s2;
	s6 =	simm.s32 $0x108;
	_ =	swait.ge @!p0 [sflag:s8], $0x0  }
0x24: {  	s3 =	sadd.s32 $0x88, s3;
	s6 =	simm.s32 @!p1 $0x1082;
	[sflag:s4] =	ssyncset.s32 $0xFFFFF086  }
0x25: {  	[simem:s6], [sflag:s4] =	dma.local [hbm:s3], $0xF7A  }
0x26: {  	[smem:$0x3F91] =	sst s1;
	(tag) =	ssettag s2;
	_ =	strace s9  }
0x27: {  	s1 =	sld [smem:$0x3FA1]  }
0x28: {  	s2 =	sld [smem:$0x3FA2]  }
0x29: {  	s4 =	sld [smem:$0x3FA4]  }
0x2a: {  	p0 =	seq.s32 s5, $0x0;
	s5 =	sld [smem:$0x3FA5]  }
0x2b: {  	s6 =	sld [smem:$0x3FA6]  }
0x2c: {  	s7 =	sld [smem:$0x3FA7]  }
0x2d: {  	s3 =	simm.s32 $0x108;
	s8 =	sld [smem:$0x3FA8]  }
0x2e: {  	s3 =	simm.s32 @!p0 $0x1082;
	s9 =	sld [smem:$0x3FA9]  }
0x2f: {  	lr =	sadd.s32 s0, s3;
	s0 =	sld [smem:$0x3FA0]  }
0x30: {  	s3 =	sld [smem:$0x3FA3]  }
0x31: {  	[smem:$0x3FAC] =	sst s10  }
0x32: {  	s10 =	sld [smem:$0x3FAA];
	_ =	sdelay $0x3  }
0x33: {  	p0 =	seq.s32 s10, $0x1;
	s10 =	sld [smem:$0x3FAC];
	_ =	sdelay $0x3  }
0x34: {  	[smem:$0x3FAC] =	sst s10  }
0x35: {  	s10 =	sld [smem:$0x3FAB];
	_ =	sdelay $0x3  }
0x36: {  	p1 =	seq.s32 s10, $0x1;
	s10 =	sld [smem:$0x3FAC];
	_ =	sdelay $0x3  }
0x37: {  	[smem:$0x3FAC] =	sst s10  }
0x38: {  	s10 =	sld [smem:$0x3FAD]  }
0x39: {  	_ = 	snop;
	(pc) =	sbr.ind lr, $3  }
0x3a: {  	_ = 	snop  }
0x3b: {  	_ = 	snop  }
0x3c: {  	p2 =	seq.s32 s10, $0x1;
	s10 =	sld [smem:$0x3FAC]  }
0x3d: {  	_ =	shalt  }
0x3e: {  	_ =	shalt  }
0x3f: {  	_ =	shalt  }
0x40: {  	_ =	shalt  }
0x41: {  	_ =	shalt  }
0x42: {  	_ =	shalt  }
0x43: {  	_ =	shalt  }
0x44: {  	_ =	shalt  }
0x45: {  	_ =	shalt  }
0x46: {  	_ =	shalt  }
0x47: {  	_ =	shalt  }
0x48: {  	_ =	shalt  }
0x49: {  	_ =	shalt  }
0x4a: {  	_ =	shalt  }
0x4b: {  	_ =	shalt  }
0x4c: {  	_ =	shalt  }
0x4d: {  	_ =	shalt  }
0x4e: {  	_ =	shalt  }
0x4f: {  	_ =	shalt  }
0x50: {  	_ =	shalt  }
0x51: {  	_ =	shalt  }
0x52: {  	_ =	shalt  }
0x53: {  	_ =	shalt  }
0x54: {  	_ =	shalt  }
0x55: {  	_ =	shalt  }
0x56: {  	_ =	shalt  }
0x57: {  	_ =	shalt  }
0x58: {  	_ =	shalt  }
0x59: {  	_ =	shalt  }
0x5a: {  	_ =	shalt  }
0x5b: {  	_ =	shalt  }
0x5c: {  	_ =	shalt  }
0x5d: {  	_ =	shalt  }
0x5e: {  	_ =	shalt  }
0x5f: {  	_ =	shalt  }
0x60: {  	_ =	shalt  }
0x61: {  	_ =	shalt  }
0x62: {  	_ =	shalt  }
0x63: {  	_ =	shalt  }
0x64: {  	_ =	shalt  }
0x65: {  	_ =	shalt  }
0x66: {  	_ =	shalt  }
0x67: {  	_ =	shalt  }
0x68: {  	_ =	shalt  }
0x69: {  	_ =	shalt  }
0x6a: {  	_ =	shalt  }
0x6b: {  	_ =	shalt  }
0x6c: {  	_ =	shalt  }
0x6d: {  	_ =	shalt  }
0x6e: {  	_ =	shalt  }
0x6f: {  	_ =	shalt  }
0x70: {  	_ =	shalt  }
0x71: {  	_ =	shalt  }
0x72: {  	_ =	shalt  }
0x73: {  	_ =	shalt  }
0x74: {  	_ =	shalt  }
0x75: {  	_ =	shalt  }
0x76: {  	_ =	shalt  }
0x77: {  	_ =	shalt  }
0x78: {  	_ =	shalt  }
0x79: {  	_ =	shalt  }
0x7a: {  	_ =	shalt  }
0x7b: {  	_ =	shalt  }
0x7c: {  	_ =	shalt  }
0x7d: {  	_ =	shalt  }
0x7e: {  	_ =	shalt  }
0x7f: {  	_ =	shalt  }
0x80: {  	_ =	shalt  }
0x81: {  	_ =	shalt  }
0x82: {  	_ =	shalt  }
0x83: {  	_ =	shalt  }
0x84: {  	_ =	shalt  }
0x85: {  	_ =	shalt  }
0x86: {  	_ =	shalt  }
0x87: {  	_ =	shalt  }
.Lfunc_end0:
.L_simem_size_0:
called_computation.3_lowered:
.L_overlay_start_0:
0x88: {  	s2 =	sld [smem:$0x3FD9]  }
0x89: {  	s3 =	sld [smem:$0x3FFE];
	_ =	sdelay $0x1  }
0x8a: {  	s1 =	srdreg.scid  }
0x8b: {  	s0 =	sand.u32 $0x1, s1  }
0x8c: {  	s17 =	sshll.u32 s0, $0xA;
	s2 =	sadd.s32 s3, s2  }
0x8d: {  	s2 =	sadd.s32 s2, s17  }
0x8e: {  	[smem:$0x3FB8] =	sst s2  }
0x8f: {  	_ = 	snop  }
0x90: {  	s2 =	sld [smem:$0x3FD0];
	(tm) =	ssettm $0x1  }
0x91: {  	s18 =	sld [smem:$0x3FFB];
	_ =	sdelay $0x3  }
0x92: {  	_ =	strace s18  }
0x93: {  	s3 =	sld [smem:$0x3FFC];
	_ =	sdelay $0x3  }
0x94: {  	_ =	strace s3  }
0x95: {  	s3 =	sld [smem:$0x3FFD];
	_ =	sdelay $0x3  }
0x96: {  	_ =	strace s3  }
0x97: {  	_ =	strace $0x8FFFFFFF  }
0x98: {  	s19 =	sld [smem:$0x3FDB];
	_ =	sdelay $0x1  }
0x99: {  	s4 =	simm.s32 $_scs_section_size  }
0x9a: {  	s5 =	simm.s32 $_size__tile_overlayer_lowered;
	s6 =	simm.s32 $_tile_overlayer_lowered  }
0x9b: {  	s22 =	simm.s32 $0x1BFF;
	s21 =	sshll.u32 s6, $0x1;
	s3 =	sadd.s32 s4, s19  }
0x9c: {  	s7 =	simm.s32 $0x0;
	s20 =	sshll.u32 s5, $0x1;
	s5 =	sadd.s32 s21, s3  }
0x9d: {  	[timem:s7], [sflag:s22] =	dma.local [hbm:s5], s20  }
0x9e: {  	_ =	swait.ge [sflag:s22], s20  }
0x9f: {  	s4 =	ssub.s32 $0x0, s20;
	[sflag:s22] =	ssyncset.done $0x0  }
0xa0: {  	[sflag:s22] =	ssyncadd.s32 s4;
	_ =	sdelay $0x1  }
0xa1: {  	s23 =	simm.s32 $0x1B8B  }
0xa2: {  	_ =	swait.ge [sflag:s23], $0x1  }
0xa3: {  	[sflag:s23] =	ssyncset.done $0x0  }
0xa4: {  	s25 =	simm.s32 $0x1B8E;
	s24 =	sld [smem:$0x3FFE];
	[sflag:s23] =	ssyncadd.s32 $0xFFFFFFFF  }
0xa5: {  	s26 =	simm.s32 $execute0_lowered;
	[smem:$0x3FD2] =	sst s25  }
0xa6: {  	s5 =	sshll.u32 s26, $0x1;
	_ =	strace $0x8000004F;
	[dreg:$0x1] =	wrdreg $0xFFFFFFFF  }
0xa7: {  	s28 =	simm.s32 $_size_execute0_lowered;
	s3 =	sadd.s32 s3, s5;
	[dreg:$0x0] =	wrdreg $0x0  }
0xa8: {  	s5 =	sshll.u32 s28, $0x1;
	[dreg:$0x2] =	wrdreg s3  }
0xa9: {  	[dreg:$0x3] =	wrdreg s5  }
0xaa: {  	[dreg:$0x4] =	wrdreg $0xC0  }
0xab: {  	_ =	task [dreg:s7], $0x5FFFF  }
0xac: {  	[dreg:$0x1] =	wrdreg $0xFFFFFFFF  }
0xad: {  	[dreg:$0x0] =	wrdreg $0x60  }
0xae: {  	[dreg:$0x2] =	wrdreg s24  }
0xaf: {  	[dreg:$0x3] =	wrdreg s2  }
0xb0: {  	[dreg:$0x4] =	wrdreg $0xA8000  }
0xb1: {  	[dreg:$0x5] =	wrdreg $0x9  }
0xb2: {  	_ =	task.clear_ibuf [dreg:s7], $0x6FFFF;
	_ =	strace $0x9000004F  }
0xb3: {  	s29 =	simm.s32 $0x9;
	_ =	strace $0x80000051  }
0xb4: {  	_ =	swait.ge [sflag:s29], $0x1  }
0xb5: {  	[sflag:s29] =	ssyncadd.s32 $0xFFFFFFFF  }
0xb6: {  	_ =	strace $0x90000051  }
0xb7: {  	_ =	sfence  }
0xb8: {  	s30 =	sld [smem:$0x0];
	_ =	sdelay $0x2  }
0xb9: {  	s31 =	sshll.u32 s1, $0xD;
	s1 =	sshrl.u32 s1, $0x2  }
0xba: {  	s3 =	sand.u32 $0x4000, s31;
	s1 =	sadd.s32 s1, s30  }
0xbb: {  	s0 =	sor.u32 s3, s0;
	s1 =	sshll.u32 s1, $0x11  }
0xbc: {  	s0 =	sor.u32 s1, s0  }
0xbd: {  	s0 =	sadd.s32 $0x8F2B, s0  }
0xbe: {  	[sflag:s0] =	ssyncadd.remote.s32 $0x1  }
0xbf: {  	_ =	sfence.sel $0xFFFF  }
0xc0: {  	[dreg:$0x0] =	wrdreg $0xFFFFFFFF;
	(pc) =	sbr.abs _section_cstart, $3  }
0xc1: {  	[dreg:$0x1] =	wrdreg $0xFFFFFFFF  }
0xc2: {  	_ =	task.clear_ibuf [dreg:s7], $0x2FFFF;
	_ =	strace $0x9FFFFFFF  }
0xc3: {  	(tm) =	ssettm $0x7FFFFFFF  }
tec
execute0_lowered:
.L_overlay_start_1:
0x0: {  	(tag) =	ssettag $0x1  }
0x1: {  	s15 =	rddreg [dreg:$0x0]  }
0x2: {  	s1 =	rddreg [dreg:$0x1]  }
0x3: {  	s2 =	rddreg [dreg:$0x2];
	s3 =	simm.s32 $0x0  }
0x4: {  	s4 =	srdreg.scid;
	s24 =	stileid.u32;
	s17 =	simm.s32 $0x11200  }
0x5: {  	s18 =	simm.s32 $0x1400;
	s19 =	simm.s32 $0x80;
	s20 =	simm.s32 $0x2800  }
0x6: {  	s21 =	simm.s32 $0x1;
	s28 =	simm.s32 $0x2780;
	s8 =	smul.u32 $0x4F000, s24  }
0x7: {  	s29 =	simm.s32 $0x0;
	[smem:$0x7FF] =	sst s3;
	s11 =	smul.u32 $0x500, s24  }
0x8: {  	s9 =	sadd.s32 $0xC200, s15;
	s23 =	sand.u32 $0x1, s4;
	s12 =	smul.u32 $0x2800, s24  }
0x9: {  	s10 =	sadd.s32 $0x7200, s15;
	s4 =	sadd.s32 $0x5F600, s15;
	s30 =	smul.u32 $0x4E000, s24  }
0xa: {  	s5 =	sadd.s32 $0x86800, s15;
	s25 =	sshll.u32 s24, $0x6;
	s13 =	smul.u32 $0x2700, s24  }
0xb: {  	p2 =	seq.s32 s24, $0x0;
	_ =	strace $0x80000050;
	s6 =	ssub.s32 $0x2, s23  }
0xc: {  	p0 =	seq.s32 s23, $0x0;
	p1 =	sne.s32 s23, $0x0;
	s23 =	simm.s32 $0x2  }
0xd: {  	s7 =	sshrl.u32 s6, $0x1;
	s22 =	sshrl.u32 s8, $0x2;
	s8 =	sadd.s32 s10, s11  }
0xe: {  	s26 =	sshrl.u32 s12, $0x3;
	s31 =	sshrl.u32 s30, $0x2;
	s12 =	sadd.s32 s5, s13  }
0xf: {  	s13 =	sadd.s32 s4, s13;
	s17 =	simm.s32 @!p0 $0x38400;
	p0 =	sne.s32 s24, $0x0  }
0x10: {  	s24 =	simm.s32 $0x1380;
	s14 =	ssub.s32 s6, s7;
	s16 =	sadd.s32 s22, s2  }
.Ltmp0:
0x11: {  	s6 =	sor.u32 $0x1C03, s25;
	s7 =	sadd.s32 s9, s11;
	(pc) =	sbr.rel .LBB2_1-.Ltmp0, $4  }
0x12: {  	s11 =	sadd.s32 $0x280, s26;
	s25 =	sadd.s32 $0x138000, s2;
	s15 =	sadd.s32 s17, s15  }
0x13: {  	s17 =	simm.s32 $0x3;
	s22 =	simm.s32 $0x6800;
	s26 =	simm.s32 $0x2700  }
0x14: {  	s9 =	sadd.s32 s9, s11;
	s10 =	sadd.s32 s10, s11;
	s11 =	sadd.s32 s31, s2  }
0x15: {  	s14 =	smax.u32 s14, $0x1;
	s16 =	sshrl.u32 s16, $0x3;
	s25 =	sshrl.u32 s25, $0x3  }
.LBB2_8:
0x16: {  	s0 =	sadd.s32 $0x27000, s30  }
0x17: {  	[hbm:s0], [sflag:s6] =	dma.local [spmem:s25], $0x100  }
0x18: {  	_ =	swait.ge [sflag:s17], $0x100  }
0x19: {  	[sflag:s17] =	ssyncset.done $0x0  }
0x1a: {  	[sflag:s17] =	ssyncadd.s32 $0xFFFFFF00  }
.LBB2_9:
0x1b: {  	s29 =	sadd.s32 $0x1, s29  }
0x1c: {  	p3 =	sne.s32 s29, s14  }
.Ltmp1:
0x1d: {  	_ = 	snop;
	(pc) =	sbr.rel @!p3 .LBB2_10-.Ltmp1, $1  }
0x1e: {  	_ =	sdelay $0x3  }
.LBB2_1:
0x1f: {  	[spmem:s16], [sflag:s6] =	dma.local [hbm:s1], $0x2780  }
0x20: {  	_ =	swait.ge [sflag:s17], $0x2780  }
0x21: {  	[sflag:s17] =	ssyncset.done $0x0  }
0x22: {  	[sflag:s17] =	ssyncadd.s32 $0xFFFFD880  }
0x23: {  	[bflag:$0x0] =	sbarrier.arrive $0xFFFF  }
0x24: {  	[tilespmem:s3], [sflag:$0x3] =	stream.linear.gather [hbm4b:s7+s3], $0x1400, $0x38;
	[tilespmem:$0x1E400] =	vst v63  }
0x25: {  	_ =	swait.ge [sflag:s17], $0x1400  }
0x26: {  	[sflag:s17] =	ssyncset.done $0x0  }
0x27: {  	[sflag:s17] =	ssyncadd.s32 $0xFFFFEC00  }
0x28: {  	[tilespmem:s18], [sflag:$0x3] =	stream.linear.gather [hbm4b:s8+s3], $0x1400, $0x38;
	[tilespmem:$0x1E400] =	vst v63  }
0x29: {  	_ =	swait.ge [sflag:s17], $0x1400  }
0x2a: {  	[sflag:s17] =	ssyncset.done $0x0  }
0x2b: {  	[sflag:s17] =	ssyncadd.s32 $0xFFFFEC00  }
0x2c: {  	[tilespmem:s20], [sflag:$0x1] =	stream.indirect.gather [hbm4b:s15+s19], $0x80, s3, s19, $0xb8;
	[tilespmem:$0x1E400] =	vst v63  }
0x2d: {  	_ =	swait.ge [sflag:s21], $0x4000  }
0x2e: {  	[sflag:s21] =	ssyncset.done $0x0  }
0x2f: {  	s30 =	simm.s32 $0x80;
	[sflag:s21] =	ssyncadd.s32 $0xFFFFC000  }
0x30: {  	[tilespmem:s22], [sflag:$0x2] =	stream.indirect.gather [hbm4b:s15+s19], $0x80, s30, s19, $0xb8;
	[tilespmem:$0x1E400] =	vst v63  }
0x31: {  	s30 =	simm.s32 $0x1400  }
0x32: {  	[spmem:s2] =	stream.indirect.scatter.add.f32 [tilespmem:s20], [sflag:$0x3], $0x80, s30, s19, $0xb8;
	[tilespmem:$0x1E400] =	vst v63  }
0x33: {  	_ =	swait.ge [sflag:s17], $0x4000  }
0x34: {  	[sflag:s17] =	ssyncset.done $0x0  }
0x35: {  	[sflag:s17] =	ssyncadd.s32 $0xFFFFC000  }
0x36: {  	_ =	swait.ge [sflag:s23], $0x4000  }
0x37: {  	[sflag:s23] =	ssyncset.done $0x0  }
0x38: {  	s30 =	simm.s32 $0x100;
	[sflag:s23] =	ssyncadd.s32 $0xFFFFC000  }
0x39: {  	[tilespmem:s20], [sflag:$0x1] =	stream.indirect.gather [hbm4b:s15+s19], $0x80, s30, s19, $0xb8;
	[tilespmem:$0x1E400] =	vst v63  }
0x3a: {  	s30 =	simm.s32 $0x1480  }
0x3b: {  	[spmem:s2] =	stream.indirect.scatter.add.f32 [tilespmem:s22], [sflag:$0x3], $0x80, s30, s19, $0xb8;
	[tilespmem:$0x1E400] =	vst v63  }
0x3c: {  	_ =	swait.ge [sflag:s17], $0x4000  }
0x3d: {  	s30 =	simm.s32 $0x400;
	[sflag:s17] =	ssyncset.done $0x0  }
.LBB2_2:
0x3e: {  	p3 =	sne.s32 s30, $0x4800  }
0x3f: {  	[sflag:s17] =	ssyncadd.s32 $0xFFFFC000;
	s31 =	smov.u32 s30;
	s30 =	sadd.s32 $0x400, s30  }
0x40: {  	_ = 	snop  }
0x41: {  	_ =	swait.ge [sflag:s21], $0x4000  }
0x42: {  	s31 =	sshra.s32 s31, $0x2;
	[sflag:s21] =	ssyncset.done $0x0  }
0x43: {  	s0 =	sadd.s32 $0x80, s31;
	[sflag:s21] =	ssyncadd.s32 $0xFFFFC000  }
0x44: {  	[tilespmem:s22], [sflag:$0x2] =	stream.indirect.gather [hbm4b:s15+s19], $0x80, s0, s19, $0xb8;
	[tilespmem:$0x1E400] =	vst v63  }
0x45: {  	s0 =	sadd.s32 $0x1400, s31  }
0x46: {  	[spmem:s2] =	stream.indirect.scatter.add.f32 [tilespmem:s20], [sflag:$0x3], $0x80, s0, s19, $0xb8;
	[tilespmem:$0x1E400] =	vst v63  }
0x47: {  	_ =	swait.ge [sflag:s17], $0x4000  }
0x48: {  	[sflag:s17] =	ssyncset.done $0x0  }
0x49: {  	[sflag:s17] =	ssyncadd.s32 $0xFFFFC000  }
0x4a: {  	_ =	swait.ge [sflag:s23], $0x4000  }
0x4b: {  	[sflag:s23] =	ssyncset.done $0x0  }
0x4c: {  	s0 =	sadd.s32 $0x100, s31;
	[sflag:s23] =	ssyncadd.s32 $0xFFFFC000  }
0x4d: {  	[tilespmem:s20], [sflag:$0x1] =	stream.indirect.gather [hbm4b:s15+s19], $0x80, s0, s19, $0xb8;
	[tilespmem:$0x1E400] =	vst v63  }
.Ltmp2:
0x4e: {  	_ = 	snop;
	(pc) =	sbr.rel @p3 .LBB2_2-.Ltmp2, $4  }
0x4f: {  	s0 =	sadd.s32 $0x1480, s31  }
0x50: {  	[spmem:s2] =	stream.indirect.scatter.add.f32 [tilespmem:s22], [sflag:$0x3], $0x80, s0, s19, $0xb8;
	[tilespmem:$0x1E400] =	vst v63  }
0x51: {  	_ =	swait.ge [sflag:s17], $0x4000  }
0x52: {  	[sflag:s17] =	ssyncset.done $0x0  }
0x53: {  	[sflag:s17] =	ssyncadd.s32 $0xFFFFC000  }
0x54: {  	_ =	swait.ge [sflag:s21], $0x4000  }
0x55: {  	[sflag:s21] =	ssyncset.done $0x0  }
0x56: {  	[sflag:s21] =	ssyncadd.s32 $0xFFFFC000  }
0x57: {  	[tilespmem:s22], [sflag:$0x2] =	stream.indirect.gather [hbm4b:s15+s19], $0x80, s24, s19, $0xb8;
	[tilespmem:$0x1E400] =	vst v63  }
0x58: {  	_ = 	snop  }
0x59: {  	[spmem:s2] =	stream.indirect.scatter.add.f32 [tilespmem:s20], [sflag:$0x3], $0x80, s26, s19, $0xb8;
	[tilespmem:$0x1E400] =	vst v63  }
0x5a: {  	_ =	swait.ge [sflag:s17], $0x4000  }
0x5b: {  	[sflag:s17] =	ssyncset.done $0x0  }
0x5c: {  	[sflag:s17] =	ssyncadd.s32 $0xFFFFC000  }
0x5d: {  	_ =	swait.ge [sflag:s23], $0x4000  }
0x5e: {  	[sflag:s23] =	ssyncset.done $0x0  }
0x5f: {  	[sflag:s23] =	ssyncadd.s32 $0xFFFFC000  }
0x60: {  	[spmem:s2] =	stream.indirect.scatter.add.f32 [tilespmem:s22], [sflag:$0x3], $0x80, s28, s19, $0xb8;
	[tilespmem:$0x1E400] =	vst v63  }
0x61: {  	_ =	swait.ge [sflag:s17], $0x4000  }
0x62: {  	[sflag:s17] =	ssyncset.done $0x0  }
0x63: {  	s0 =	simm.s32 $0x0;
	[sflag:s17] =	ssyncadd.s32 $0xFFFFC000  }
0x64: {  	[tilespmem:s0], [sflag:$0x3] =	stream.linear.gather [hbm4b:s9+s0], $0x1400, $0x38;
	[tilespmem:$0x1E400] =	vst v63  }
0x65: {  	_ =	swait.ge [sflag:s17], $0x1400  }
0x66: {  	[sflag:s17] =	ssyncset.done $0x0  }
0x67: {  	[sflag:s17] =	ssyncadd.s32 $0xFFFFEC00  }
0x68: {  	[tilespmem:s18], [sflag:$0x3] =	stream.linear.gather [hbm4b:s10+s0], $0x1400, $0x38;
	[tilespmem:$0x1E400] =	vst v63  }
0x69: {  	_ =	swait.ge [sflag:s17], $0x1400  }
0x6a: {  	[sflag:s17] =	ssyncset.done $0x0  }
0x6b: {  	[sflag:s17] =	ssyncadd.s32 $0xFFFFEC00  }
0x6c: {  	[tilespmem:s20], [sflag:$0x1] =	stream.indirect.gather [hbm4b:s15+s19], $0x80, s0, s19, $0xb8;
	[tilespmem:$0x1E400] =	vst v63  }
0x6d: {  	_ =	swait.ge [sflag:s21], $0x4000  }
0x6e: {  	[sflag:s21] =	ssyncset.done $0x0  }
0x6f: {  	s31 =	simm.s32 $0x80;
	[sflag:s21] =	ssyncadd.s32 $0xFFFFC000  }
0x70: {  	[tilespmem:s22], [sflag:$0x2] =	stream.indirect.gather [hbm4b:s15+s19], $0x80, s31, s19, $0xb8;
	[tilespmem:$0x1E400] =	vst v63  }
0x71: {  	s31 =	simm.s32 $0x1400  }
0x72: {  	[spmem:s2] =	stream.indirect.scatter.add.f32 [tilespmem:s20], [sflag:$0x3], $0x80, s31, s19, $0xb8;
	[tilespmem:$0x1E400] =	vst v63  }
0x73: {  	_ =	swait.ge [sflag:s17], $0x4000  }
0x74: {  	[sflag:s17] =	ssyncset.done $0x0  }
0x75: {  	[sflag:s17] =	ssyncadd.s32 $0xFFFFC000  }
0x76: {  	_ =	swait.ge [sflag:s23], $0x4000  }
0x77: {  	[sflag:s23] =	ssyncset.done $0x0  }
0x78: {  	s31 =	simm.s32 $0x100;
	[sflag:s23] =	ssyncadd.s32 $0xFFFFC000  }
0x79: {  	[tilespmem:s20], [sflag:$0x1] =	stream.indirect.gather [hbm4b:s15+s19], $0x80, s31, s19, $0xb8;
	[tilespmem:$0x1E400] =	vst v63  }
0x7a: {  	s31 =	simm.s32 $0x1480  }
0x7b: {  	[spmem:s2] =	stream.indirect.scatter.add.f32 [tilespmem:s22], [sflag:$0x3], $0x80, s31, s19, $0xb8;
	[tilespmem:$0x1E400] =	vst v63  }
0x7c: {  	_ =	swait.ge [sflag:s17], $0x4000  }
0x7d: {  	s30 =	simm.s32 $0x400;
	[sflag:s17] =	ssyncset.done $0x0  }
.LBB2_4:
0x7e: {  	p3 =	sne.s32 s30, $0x4800  }
0x7f: {  	[sflag:s17] =	ssyncadd.s32 $0xFFFFC000;
	s0 =	smov.u32 s30;
	s30 =	sadd.s32 $0x400, s30  }
0x80: {  	_ = 	snop  }
0x81: {  	_ =	swait.ge [sflag:s21], $0x4000  }
0x82: {  	s0 =	sshra.s32 s0, $0x2;
	[sflag:s21] =	ssyncset.done $0x0  }
0x83: {  	s31 =	sadd.s32 $0x80, s0;
	[sflag:s21] =	ssyncadd.s32 $0xFFFFC000  }
0x84: {  	[tilespmem:s22], [sflag:$0x2] =	stream.indirect.gather [hbm4b:s15+s19], $0x80, s31, s19, $0xb8;
	[tilespmem:$0x1E400] =	vst v63  }
0x85: {  	s31 =	sadd.s32 $0x1400, s0  }
0x86: {  	[spmem:s2] =	stream.indirect.scatter.add.f32 [tilespmem:s20], [sflag:$0x3], $0x80, s31, s19, $0xb8;
	[tilespmem:$0x1E400] =	vst v63  }
0x87: {  	_ =	swait.ge [sflag:s17], $0x4000  }
0x88: {  	[sflag:s17] =	ssyncset.done $0x0  }
0x89: {  	[sflag:s17] =	ssyncadd.s32 $0xFFFFC000  }
0x8a: {  	_ =	swait.ge [sflag:s23], $0x4000  }
0x8b: {  	[sflag:s23] =	ssyncset.done $0x0  }
0x8c: {  	s31 =	sadd.s32 $0x100, s0;
	[sflag:s23] =	ssyncadd.s32 $0xFFFFC000  }
0x8d: {  	[tilespmem:s20], [sflag:$0x1] =	stream.indirect.gather [hbm4b:s15+s19], $0x80, s31, s19, $0xb8;
	[tilespmem:$0x1E400] =	vst v63  }
.Ltmp3:
0x8e: {  	_ = 	snop;
	(pc) =	sbr.rel @p3 .LBB2_4-.Ltmp3, $4  }
0x8f: {  	s0 =	sadd.s32 $0x1480, s0  }
0x90: {  	[spmem:s2] =	stream.indirect.scatter.add.f32 [tilespmem:s22], [sflag:$0x3], $0x80, s0, s19, $0xb8;
	[tilespmem:$0x1E400] =	vst v63  }
0x91: {  	_ =	swait.ge [sflag:s17], $0x4000  }
0x92: {  	[sflag:s17] =	ssyncset.done $0x0  }
0x93: {  	[sflag:s17] =	ssyncadd.s32 $0xFFFFC000  }
0x94: {  	_ =	swait.ge [sflag:s21], $0x4000  }
0x95: {  	[sflag:s21] =	ssyncset.done $0x0  }
0x96: {  	[sflag:s21] =	ssyncadd.s32 $0xFFFFC000  }
0x97: {  	[tilespmem:s22], [sflag:$0x2] =	stream.indirect.gather [hbm4b:s15+s19], $0x80, s24, s19, $0xb8;
	[tilespmem:$0x1E400] =	vst v63  }
0x98: {  	_ = 	snop  }
0x99: {  	[spmem:s2] =	stream.indirect.scatter.add.f32 [tilespmem:s20], [sflag:$0x3], $0x80, s26, s19, $0xb8;
	[tilespmem:$0x1E400] =	vst v63  }
0x9a: {  	_ =	swait.ge [sflag:s17], $0x4000  }
0x9b: {  	[sflag:s17] =	ssyncset.done $0x0  }
0x9c: {  	[sflag:s17] =	ssyncadd.s32 $0xFFFFC000  }
0x9d: {  	_ =	swait.ge [sflag:s23], $0x4000  }
0x9e: {  	[sflag:s23] =	ssyncset.done $0x0  }
0x9f: {  	[sflag:s23] =	ssyncadd.s32 $0xFFFFC000  }
0xa0: {  	[spmem:s2] =	stream.indirect.scatter.add.f32 [tilespmem:s22], [sflag:$0x3], $0x80, s28, s19, $0xb8;
	[tilespmem:$0x1E400] =	vst v63  }
.Ltmp4:
0xa1: {  	_ =	swait.ge [sflag:s17], $0x4000;
	(pc) =	sbr.rel @p1 .LBB2_7-.Ltmp4, $4  }
0xa2: {  	[sflag:s17] =	ssyncset.done $0x0  }
0xa3: {  	[sflag:s17] =	ssyncadd.s32 $0xFFFFC000  }
0xa4: {  	[bflag:$0x0] =	sbarrier.arrive $0xFFFF  }
0xa5: {  	s30 =	sshrl.u32 s11, $0x3  }
0xa6: {  	[hbm:s13], [sflag:s6] =	dma.local [spmem:s30], $0x2700  }
.Ltmp5:
0xa7: {  	_ = 	snop;
	(pc) =	sbr.rel @!p2 .LBB2_9-.Ltmp5, $4  }
.Ltmp6:
0xa8: {  	_ = 	snop;
	(pc) =	sbr.rel @p2 .LBB2_8-.Ltmp6, $4  }
0xa9: {  	_ =	swait.ge [sflag:s17], $0x2700  }
0xaa: {  	[sflag:s17] =	ssyncset.done $0x0  }
0xab: {  	s30 =	smov.u32 s4;
	[sflag:s17] =	ssyncadd.s32 $0xFFFFD900  }
0xac: {  	_ = 	snop  }
.LBB2_7:
0xad: {  	[hbm:s12], [sflag:s6] =	dma.local [spmem:s30], $0x2700  }
.Ltmp7:
0xae: {  	_ = 	snop;
	(pc) =	sbr.rel @p0 .LBB2_9-.Ltmp7, $4  }
.Ltmp8:
0xaf: {  	_ = 	snop;
	(pc) =	sbr.rel @!p0 .LBB2_8-.Ltmp8, $4  }
0xb0: {  	_ =	swait.ge [sflag:s17], $0x2700  }
0xb1: {  	[sflag:s17] =	ssyncset.done $0x0  }
0xb2: {  	s30 =	smov.u32 s5;
	[sflag:s17] =	ssyncadd.s32 $0xFFFFD900  }
0xb3: {  	_ = 	snop  }
.LBB2_10:
0xb4: {  	_ =	sfence.sel $0x180000  }
0xb5: {  	[bflag:$0x0] =	sbarrier.arrive $0xFFFF  }
0xb6: {  	_ =	strace $0x90000050  }
0xb7: {  	[bflag:$0x2] =	sbarrier.arrive $0xFFFF  }
0xb8: {  	s0 =	rddreg [dreg:$0x3]  }
0xb9: {  	s0 =	sadd.s32 @!p0 $0x100000, s0  }
0xba: {  	[sflag:s0] =	ssyncadd.tile.s32 @!p0 $0x1;
	_ =	shalt  }
.Lfunc_end2:
_tile_overlayer_lowered:
.L_overlay_start_2:
0xbb: {  	(tag) =	ssettag $0x2  }
0xbc: {  	s0 =	rddreg [dreg:$0x0];
	s2 =	stileid.u32  }
0xbd: {  	s1 =	rddreg [dreg:$0x1];
	p0 =	sne.s32 s2, $0x0  }
0xbe: {  	s3 =	rddreg [dreg:$0x2];
	[bflag:$0x3] =	sbarrier.arrive $0xFFFF;
	s2 =	simm.s32 @!p0 $0x1C03  }
0xbf: {  	[timem:s3], [sflag:s2] =	dma.local @!p0 [hbm:s0], s1  }
0xc0: {  	s0 =	simm.s32 @!p0 $0x3  }
0xc1: {  	_ =	swait.ge @!p0 [sflag:s0], s1  }
0xc2: {  	s1 =	ssub.s32 @!p0 $0x0, s1;
	[sflag:s0] =	ssyncset.done @!p0 $0x0  }
0xc3: {  	[sflag:s0] =	ssyncadd.s32 @!p0 s1  }
0xc4: {  	[bflag:$0x3] =	sbarrier.arrive $0xFFFF  }
0xc5: {  	_ =	shalt  }

// kernel: kernel.24.cloned.1.call-start
scs
__scs_entry_jumppad:
0x0: {  	(pc) =	sbr.rel $0x88, $3  }
0x1: {  	(tag) =	ssettag $0x0;
	lr =	simm.s32 $0x1  }
0x2: {  	[smem:$0x3F91] =	sst lr;
	_ =	strace $0xD0000000  }
0x3: {  	_ = 	snop  }
0x4: {  	_ = 	snop  }
0x5: {  	_ = 	snop  }
0x6: {  	_ = 	snop  }
0x7: {  	_ = 	snop  }
__scs_overlays_trampoline_lowered:
0x8: {  	[smem:$0x3FA0] =	sst s0  }
0x9: {  	[smem:$0x3FA1] =	sst s1  }
0xa: {  	[smem:$0x3FA2] =	sst s2  }
0xb: {  	[smem:$0x3FA3] =	sst s3  }
0xc: {  	[smem:$0x3FA4] =	sst s4  }
0xd: {  	[smem:$0x3FA5] =	sst s5  }
0xe: {  	[smem:$0x3FA6] =	sst s6  }
0xf: {  	[smem:$0x3FA7] =	sst s7  }
0x10: {  	[smem:$0x3FA8] =	sst s8  }
0x11: {  	[smem:$0x3FA9] =	sst s9;
	s0 =	simm.s32 @!p0 $0x0  }
0x12: {  	s1 =	sld [smem:$0x3F8F];
	s0 =	simm.s32 @p0 $0x1  }
0x13: {  	[smem:$0x3FAA] =	sst s0;
	s0 =	simm.s32 @!p1 $0x0  }
0x14: {  	s2 =	sld [smem:$0x3F8E];
	s0 =	simm.s32 @p1 $0x1  }
0x15: {  	[smem:$0x3FAB] =	sst s0;
	s0 =	simm.s32 @!p2 $0x0  }
0x16: {  	s3 =	sld [smem:$0x3FDB];
	s0 =	simm.s32 @p2 $0x1  }
0x17: {  	s4 =	simm.s32 $0x1BF5;
	[smem:$0x3FAD] =	sst s0  }
0x18: {  	s0 =	sld [smem:$0x3F90];
	_ =	swait.ge [sflag:s4], $0x0  }
0x19: {  	s7 =	sld [smem:$0x3F91]  }
0x1a: {  	s8 =	sadd.s32 $0xFFFFE003, lr  }
0x1b: {  	s9 =	sadd.s32 $0xFFFFFEF7, lr;
	s5 =	simm.s32 $0xFFFFFFFF;
	p2 =	slt.u32 s8, $0xFFFFF086  }
0x1c: {  	p1 =	slt.u32 s9, $0xF7A;
	s5 =	simm.s32 @!p2 $0x0  }
0x1d: {  	s5 =	simm.s32 @p1 $0x1;
	p0 =	seq.s32 s7, s2  }
0x1e: {  	s7 =	smul.u32 @!p0 $0xF7A, s2;
	p2 =	seq.s32 @!p0 s5, $0x0  }
0x1f: {  	s9 =	smul.u32 $0xF7A, s1;
	s8 =	simm.s32 @!p0 $0x1BF5;
	p2 =	por !p2, p0  }
0x20: {  	[sflag:s8] =	ssyncset.s32 @!p0 $0xFFFFF086;
	s6 =	sadd.s32 @!p0 s3, s7;
	s7 =	simm.s32 @!p0 $0x108  }
0x21: {  	s3 =	sadd.s32 s3, s9;
	s6 =	sadd.s32 @!p0 $0x88, s6;
	s7 =	simm.s32 @p2 $0x1082  }
0x22: {  	[simem:s7], [sflag:s8] =	dma.local @!p0 [hbm:s6], $0xF7A  }
0x23: {  	s9 =	sor.u32 $0xD0000000, s2;
	s6 =	simm.s32 $0x108;
	_ =	swait.ge @!p0 [sflag:s8], $0x0  }
0x24: {  	s3 =	sadd.s32 $0x88, s3;
	s6 =	simm.s32 @!p1 $0x1082;
	[sflag:s4] =	ssyncset.s32 $0xFFFFF086  }
0x25: {  	[simem:s6], [sflag:s4] =	dma.local [hbm:s3], $0xF7A  }
0x26: {  	[smem:$0x3F91] =	sst s1;
	(tag) =	ssettag s2;
	_ =	strace s9  }
0x27: {  	s1 =	sld [smem:$0x3FA1]  }
0x28: {  	s2 =	sld [smem:$0x3FA2]  }
0x29: {  	s4 =	sld [smem:$0x3FA4]  }
0x2a: {  	p0 =	seq.s32 s5, $0x0;
	s5 =	sld [smem:$0x3FA5]  }
0x2b: {  	s6 =	sld [smem:$0x3FA6]  }
0x2c: {  	s7 =	sld [smem:$0x3FA7]  }
0x2d: {  	s3 =	simm.s32 $0x108;
	s8 =	sld [smem:$0x3FA8]  }
0x2e: {  	s3 =	simm.s32 @!p0 $0x1082;
	s9 =	sld [smem:$0x3FA9]  }
0x2f: {  	lr =	sadd.s32 s0, s3;
	s0 =	sld [smem:$0x3FA0]  }
0x30: {  	s3 =	sld [smem:$0x3FA3]  }
0x31: {  	[smem:$0x3FAC] =	sst s10  }
0x32: {  	s10 =	sld [smem:$0x3FAA];
	_ =	sdelay $0x3  }
0x33: {  	p0 =	seq.s32 s10, $0x1;
	s10 =	sld [smem:$0x3FAC];
	_ =	sdelay $0x3  }
0x34: {  	[smem:$0x3FAC] =	sst s10  }
0x35: {  	s10 =	sld [smem:$0x3FAB];
	_ =	sdelay $0x3  }
0x36: {  	p1 =	seq.s32 s10, $0x1;
	s10 =	sld [smem:$0x3FAC];
	_ =	sdelay $0x3  }
0x37: {  	[smem:$0x3FAC] =	sst s10  }
0x38: {  	s10 =	sld [smem:$0x3FAD]  }
0x39: {  	_ = 	snop;
	(pc) =	sbr.ind lr, $3  }
0x3a: {  	_ = 	snop  }
0x3b: {  	_ = 	snop  }
0x3c: {  	p2 =	seq.s32 s10, $0x1;
	s10 =	sld [smem:$0x3FAC]  }
0x3d: {  	_ =	shalt  }
0x3e: {  	_ =	shalt  }
0x3f: {  	_ =	shalt  }
0x40: {  	_ =	shalt  }
0x41: {  	_ =	shalt  }
0x42: {  	_ =	shalt  }
0x43: {  	_ =	shalt  }
0x44: {  	_ =	shalt  }
0x45: {  	_ =	shalt  }
0x46: {  	_ =	shalt  }
0x47: {  	_ =	shalt  }
0x48: {  	_ =	shalt  }
0x49: {  	_ =	shalt  }
0x4a: {  	_ =	shalt  }
0x4b: {  	_ =	shalt  }
0x4c: {  	_ =	shalt  }
0x4d: {  	_ =	shalt  }
0x4e: {  	_ =	shalt  }
0x4f: {  	_ =	shalt  }
0x50: {  	_ =	shalt  }
0x51: {  	_ =	shalt  }
0x52: {  	_ =	shalt  }
0x53: {  	_ =	shalt  }
0x54: {  	_ =	shalt  }
0x55: {  	_ =	shalt  }
0x56: {  	_ =	shalt  }
0x57: {  	_ =	shalt  }
0x58: {  	_ =	shalt  }
0x59: {  	_ =	shalt  }
0x5a: {  	_ =	shalt  }
0x5b: {  	_ =	shalt  }
0x5c: {  	_ =	shalt  }
0x5d: {  	_ =	shalt  }
0x5e: {  	_ =	shalt  }
0x5f: {  	_ =	shalt  }
0x60: {  	_ =	shalt  }
0x61: {  	_ =	shalt  }
0x62: {  	_ =	shalt  }
0x63: {  	_ =	shalt  }
0x64: {  	_ =	shalt  }
0x65: {  	_ =	shalt  }
0x66: {  	_ =	shalt  }
0x67: {  	_ =	shalt  }
0x68: {  	_ =	shalt  }
0x69: {  	_ =	shalt  }
0x6a: {  	_ =	shalt  }
0x6b: {  	_ =	shalt  }
0x6c: {  	_ =	shalt  }
0x6d: {  	_ =	shalt  }
0x6e: {  	_ =	shalt  }
0x6f: {  	_ =	shalt  }
0x70: {  	_ =	shalt  }
0x71: {  	_ =	shalt  }
0x72: {  	_ =	shalt  }
0x73: {  	_ =	shalt  }
0x74: {  	_ =	shalt  }
0x75: {  	_ =	shalt  }
0x76: {  	_ =	shalt  }
0x77: {  	_ =	shalt  }
0x78: {  	_ =	shalt  }
0x79: {  	_ =	shalt  }
0x7a: {  	_ =	shalt  }
0x7b: {  	_ =	shalt  }
0x7c: {  	_ =	shalt  }
0x7d: {  	_ =	shalt  }
0x7e: {  	_ =	shalt  }
0x7f: {  	_ =	shalt  }
0x80: {  	_ =	shalt  }
0x81: {  	_ =	shalt  }
0x82: {  	_ =	shalt  }
0x83: {  	_ =	shalt  }
0x84: {  	_ =	shalt  }
0x85: {  	_ =	shalt  }
0x86: {  	_ =	shalt  }
0x87: {  	_ =	shalt  }
.Lfunc_end0:
.L_simem_size_0:
called_computation.4_lowered:
.L_overlay_start_0:
0x88: {  	s2 =	sld [smem:$0x3FD9]  }
0x89: {  	s3 =	sld [smem:$0x3FFE];
	_ =	sdelay $0x1  }
0x8a: {  	s1 =	srdreg.scid  }
0x8b: {  	s0 =	sand.u32 $0x1, s1  }
0x8c: {  	s17 =	sshll.u32 s0, $0xA;
	s2 =	sadd.s32 s3, s2  }
0x8d: {  	s2 =	sadd.s32 s2, s17  }
0x8e: {  	[smem:$0x3FB8] =	sst s2  }
0x8f: {  	_ = 	snop  }
0x90: {  	s2 =	sld [smem:$0x3FD0];
	(tm) =	ssettm $0x1  }
0x91: {  	s18 =	sld [smem:$0x3FFB];
	_ =	sdelay $0x3  }
0x92: {  	_ =	strace s18  }
0x93: {  	s3 =	sld [smem:$0x3FFC];
	_ =	sdelay $0x3  }
0x94: {  	_ =	strace s3  }
0x95: {  	s3 =	sld [smem:$0x3FFD];
	_ =	sdelay $0x3  }
0x96: {  	_ =	strace s3  }
0x97: {  	_ =	strace $0x8FFFFFFF  }
0x98: {  	s19 =	sld [smem:$0x3FDB];
	_ =	sdelay $0x1  }
0x99: {  	s4 =	simm.s32 $_scs_section_size  }
0x9a: {  	s5 =	simm.s32 $_size__tile_overlayer_lowered;
	s6 =	simm.s32 $_tile_overlayer_lowered  }
0x9b: {  	s22 =	simm.s32 $0x1BFF;
	s21 =	sshll.u32 s6, $0x1;
	s3 =	sadd.s32 s4, s19  }
0x9c: {  	s7 =	simm.s32 $0x0;
	s20 =	sshll.u32 s5, $0x1;
	s5 =	sadd.s32 s21, s3  }
0x9d: {  	[timem:s7], [sflag:s22] =	dma.local [hbm:s5], s20  }
0x9e: {  	_ =	swait.ge [sflag:s22], s20  }
0x9f: {  	s4 =	ssub.s32 $0x0, s20;
	[sflag:s22] =	ssyncset.done $0x0  }
0xa0: {  	[sflag:s22] =	ssyncadd.s32 s4;
	_ =	sdelay $0x1  }
0xa1: {  	s23 =	simm.s32 $0x1B8B  }
0xa2: {  	_ =	swait.ge [sflag:s23], $0x1  }
0xa3: {  	[sflag:s23] =	ssyncset.done $0x0  }
0xa4: {  	s25 =	simm.s32 $0x1B8E;
	s24 =	sld [smem:$0x3FFE];
	[sflag:s23] =	ssyncadd.s32 $0xFFFFFFFF  }
0xa5: {  	s26 =	simm.s32 $execute0_lowered;
	[smem:$0x3FD2] =	sst s25  }
0xa6: {  	s5 =	sshll.u32 s26, $0x1;
	_ =	strace $0x80000052;
	[dreg:$0x1] =	wrdreg $0xFFFFFFFF  }
0xa7: {  	s28 =	simm.s32 $_size_execute0_lowered;
	s3 =	sadd.s32 s3, s5;
	[dreg:$0x0] =	wrdreg $0x0  }
0xa8: {  	s5 =	sshll.u32 s28, $0x1;
	[dreg:$0x2] =	wrdreg s3  }
0xa9: {  	[dreg:$0x3] =	wrdreg s5  }
0xaa: {  	[dreg:$0x4] =	wrdreg $0xC0  }
0xab: {  	_ =	task [dreg:s7], $0x5FFFF  }
0xac: {  	[dreg:$0x1] =	wrdreg $0xFFFFFFFF  }
0xad: {  	[dreg:$0x0] =	wrdreg $0x60  }
0xae: {  	[dreg:$0x2] =	wrdreg s24  }
0xaf: {  	[dreg:$0x3] =	wrdreg s2  }
0xb0: {  	[dreg:$0x4] =	wrdreg $0xA8000  }
0xb1: {  	[dreg:$0x5] =	wrdreg $0x9  }
0xb2: {  	_ =	task.clear_ibuf [dreg:s7], $0x6FFFF;
	_ =	strace $0x90000052  }
0xb3: {  	s29 =	simm.s32 $0x9;
	_ =	strace $0x80000054  }
0xb4: {  	_ =	swait.ge [sflag:s29], $0x1  }
0xb5: {  	[sflag:s29] =	ssyncadd.s32 $0xFFFFFFFF  }
0xb6: {  	_ =	strace $0x90000054  }
0xb7: {  	_ =	sfence  }
0xb8: {  	s30 =	sld [smem:$0x0];
	_ =	sdelay $0x2  }
0xb9: {  	s31 =	sshll.u32 s1, $0xD;
	s1 =	sshrl.u32 s1, $0x2  }
0xba: {  	s3 =	sand.u32 $0x4000, s31;
	s1 =	sadd.s32 s1, s30  }
0xbb: {  	s0 =	sor.u32 s3, s0;
	s1 =	sshll.u32 s1, $0x11  }
0xbc: {  	s0 =	sor.u32 s1, s0  }
0xbd: {  	s0 =	sadd.s32 $0x8F2B, s0  }
0xbe: {  	[sflag:s0] =	ssyncadd.remote.s32 $0x1  }
0xbf: {  	_ =	sfence.sel $0xFFFF  }
0xc0: {  	[dreg:$0x0] =	wrdreg $0xFFFFFFFF;
	(pc) =	sbr.abs _section_cstart, $3  }
0xc1: {  	[dreg:$0x1] =	wrdreg $0xFFFFFFFF  }
0xc2: {  	_ =	task.clear_ibuf [dreg:s7], $0x2FFFF;
	_ =	strace $0x9FFFFFFF  }
0xc3: {  	(tm) =	ssettm $0x7FFFFFFF  }
tec
execute0_lowered:
.L_overlay_start_1:
0x0: {  	(tag) =	ssettag $0x1  }
0x1: {  	s15 =	rddreg [dreg:$0x0]  }
0x2: {  	s1 =	rddreg [dreg:$0x1]  }
0x3: {  	s2 =	rddreg [dreg:$0x2];
	s3 =	simm.s32 $0x0  }
0x4: {  	s4 =	srdreg.scid;
	s24 =	stileid.u32;
	s17 =	simm.s32 $0x11200  }
0x5: {  	s18 =	simm.s32 $0x1400;
	s19 =	simm.s32 $0x80;
	s20 =	simm.s32 $0x2800  }
0x6: {  	s21 =	simm.s32 $0x1;
	s28 =	simm.s32 $0x2780;
	s8 =	smul.u32 $0x4F000, s24  }
0x7: {  	s29 =	simm.s32 $0x0;
	[smem:$0x7FF] =	sst s3;
	s11 =	smul.u32 $0x500, s24  }
0x8: {  	s9 =	sadd.s32 $0xC200, s15;
	s23 =	sand.u32 $0x1, s4;
	s12 =	smul.u32 $0x2800, s24  }
0x9: {  	s10 =	sadd.s32 $0x7200, s15;
	s4 =	sadd.s32 $0x5F600, s15;
	s30 =	smul.u32 $0x4E000, s24  }
0xa: {  	s5 =	sadd.s32 $0x86800, s15;
	s25 =	sshll.u32 s24, $0x6;
	s13 =	smul.u32 $0x2700, s24  }
0xb: {  	p2 =	seq.s32 s24, $0x0;
	_ =	strace $0x80000053;
	s6 =	ssub.s32 $0x2, s23  }
0xc: {  	p0 =	seq.s32 s23, $0x0;
	p1 =	sne.s32 s23, $0x0;
	s23 =	simm.s32 $0x2  }
0xd: {  	s7 =	sshrl.u32 s6, $0x1;
	s22 =	sshrl.u32 s8, $0x2;
	s8 =	sadd.s32 s10, s11  }
0xe: {  	s26 =	sshrl.u32 s12, $0x3;
	s31 =	sshrl.u32 s30, $0x2;
	s12 =	sadd.s32 s5, s13  }
0xf: {  	s13 =	sadd.s32 s4, s13;
	s17 =	simm.s32 @!p0 $0x38400;
	p0 =	sne.s32 s24, $0x0  }
0x10: {  	s24 =	simm.s32 $0x1380;
	s14 =	ssub.s32 s6, s7;
	s16 =	sadd.s32 s22, s2  }
.Ltmp0:
0x11: {  	s6 =	sor.u32 $0x1C03, s25;
	s7 =	sadd.s32 s9, s11;
	(pc) =	sbr.rel .LBB2_1-.Ltmp0, $4  }
0x12: {  	s11 =	sadd.s32 $0x280, s26;
	s25 =	sadd.s32 $0x138000, s2;
	s15 =	sadd.s32 s17, s15  }
0x13: {  	s17 =	simm.s32 $0x3;
	s22 =	simm.s32 $0x6800;
	s26 =	simm.s32 $0x2700  }
0x14: {  	s9 =	sadd.s32 s9, s11;
	s10 =	sadd.s32 s10, s11;
	s11 =	sadd.s32 s31, s2  }
0x15: {  	s14 =	smax.u32 s14, $0x1;
	s16 =	sshrl.u32 s16, $0x3;
	s25 =	sshrl.u32 s25, $0x3  }
.LBB2_8:
0x16: {  	s0 =	sadd.s32 $0x27000, s30  }
0x17: {  	[hbm:s0], [sflag:s6] =	dma.local [spmem:s25], $0x100  }
0x18: {  	_ =	swait.ge [sflag:s17], $0x100  }
0x19: {  	[sflag:s17] =	ssyncset.done $0x0  }
0x1a: {  	[sflag:s17] =	ssyncadd.s32 $0xFFFFFF00  }
.LBB2_9:
0x1b: {  	s29 =	sadd.s32 $0x1, s29  }
0x1c: {  	p3 =	sne.s32 s29, s14  }
.Ltmp1:
0x1d: {  	_ = 	snop;
	(pc) =	sbr.rel @!p3 .LBB2_10-.Ltmp1, $1  }
0x1e: {  	_ =	sdelay $0x3  }
.LBB2_1:
0x1f: {  	[spmem:s16], [sflag:s6] =	dma.local [hbm:s1], $0x2780  }
0x20: {  	_ =	swait.ge [sflag:s17], $0x2780  }
0x21: {  	[sflag:s17] =	ssyncset.done $0x0  }
0x22: {  	[sflag:s17] =	ssyncadd.s32 $0xFFFFD880  }
0x23: {  	[bflag:$0x0] =	sbarrier.arrive $0xFFFF  }
0x24: {  	[tilespmem:s3], [sflag:$0x3] =	stream.linear.gather [hbm4b:s7+s3], $0x1400, $0x38;
	[tilespmem:$0x1E400] =	vst v63  }
0x25: {  	_ =	swait.ge [sflag:s17], $0x1400  }
0x26: {  	[sflag:s17] =	ssyncset.done $0x0  }
0x27: {  	[sflag:s17] =	ssyncadd.s32 $0xFFFFEC00  }
0x28: {  	[tilespmem:s18], [sflag:$0x3] =	stream.linear.gather [hbm4b:s8+s3], $0x1400, $0x38;
	[tilespmem:$0x1E400] =	vst v63  }
0x29: {  	_ =	swait.ge [sflag:s17], $0x1400  }
0x2a: {  	[sflag:s17] =	ssyncset.done $0x0  }
0x2b: {  	[sflag:s17] =	ssyncadd.s32 $0xFFFFEC00  }
0x2c: {  	[tilespmem:s20], [sflag:$0x1] =	stream.indirect.gather [hbm4b:s15+s19], $0x80, s3, s19, $0xb8;
	[tilespmem:$0x1E400] =	vst v63  }
0x2d: {  	_ =	swait.ge [sflag:s21], $0x4000  }
0x2e: {  	[sflag:s21] =	ssyncset.done $0x0  }
0x2f: {  	s30 =	simm.s32 $0x80;
	[sflag:s21] =	ssyncadd.s32 $0xFFFFC000  }
0x30: {  	[tilespmem:s22], [sflag:$0x2] =	stream.indirect.gather [hbm4b:s15+s19], $0x80, s30, s19, $0xb8;
	[tilespmem:$0x1E400] =	vst v63  }
0x31: {  	s30 =	simm.s32 $0x1400  }
0x32: {  	[spmem:s2] =	stream.indirect.scatter.add.f32 [tilespmem:s20], [sflag:$0x3], $0x80, s30, s19, $0xb8;
	[tilespmem:$0x1E400] =	vst v63  }
0x33: {  	_ =	swait.ge [sflag:s17], $0x4000  }
0x34: {  	[sflag:s17] =	ssyncset.done $0x0  }
0x35: {  	[sflag:s17] =	ssyncadd.s32 $0xFFFFC000  }
0x36: {  	_ =	swait.ge [sflag:s23], $0x4000  }
0x37: {  	[sflag:s23] =	ssyncset.done $0x0  }
0x38: {  	s30 =	simm.s32 $0x100;
	[sflag:s23] =	ssyncadd.s32 $0xFFFFC000  }
0x39: {  	[tilespmem:s20], [sflag:$0x1] =	stream.indirect.gather [hbm4b:s15+s19], $0x80, s30, s19, $0xb8;
	[tilespmem:$0x1E400] =	vst v63  }
0x3a: {  	s30 =	simm.s32 $0x1480  }
0x3b: {  	[spmem:s2] =	stream.indirect.scatter.add.f32 [tilespmem:s22], [sflag:$0x3], $0x80, s30, s19, $0xb8;
	[tilespmem:$0x1E400] =	vst v63  }
0x3c: {  	_ =	swait.ge [sflag:s17], $0x4000  }
0x3d: {  	s30 =	simm.s32 $0x400;
	[sflag:s17] =	ssyncset.done $0x0  }
.LBB2_2:
0x3e: {  	p3 =	sne.s32 s30, $0x4800  }
0x3f: {  	[sflag:s17] =	ssyncadd.s32 $0xFFFFC000;
	s31 =	smov.u32 s30;
	s30 =	sadd.s32 $0x400, s30  }
0x40: {  	_ = 	snop  }
0x41: {  	_ =	swait.ge [sflag:s21], $0x4000  }
0x42: {  	s31 =	sshra.s32 s31, $0x2;
	[sflag:s21] =	ssyncset.done $0x0  }
0x43: {  	s0 =	sadd.s32 $0x80, s31;
	[sflag:s21] =	ssyncadd.s32 $0xFFFFC000  }
0x44: {  	[tilespmem:s22], [sflag:$0x2] =	stream.indirect.gather [hbm4b:s15+s19], $0x80, s0, s19, $0xb8;
	[tilespmem:$0x1E400] =	vst v63  }
0x45: {  	s0 =	sadd.s32 $0x1400, s31  }
0x46: {  	[spmem:s2] =	stream.indirect.scatter.add.f32 [tilespmem:s20], [sflag:$0x3], $0x80, s0, s19, $0xb8;
	[tilespmem:$0x1E400] =	vst v63  }
0x47: {  	_ =	swait.ge [sflag:s17], $0x4000  }
0x48: {  	[sflag:s17] =	ssyncset.done $0x0  }
0x49: {  	[sflag:s17] =	ssyncadd.s32 $0xFFFFC000  }
0x4a: {  	_ =	swait.ge [sflag:s23], $0x4000  }
0x4b: {  	[sflag:s23] =	ssyncset.done $0x0  }
0x4c: {  	s0 =	sadd.s32 $0x100, s31;
	[sflag:s23] =	ssyncadd.s32 $0xFFFFC000  }
0x4d: {  	[tilespmem:s20], [sflag:$0x1] =	stream.indirect.gather [hbm4b:s15+s19], $0x80, s0, s19, $0xb8;
	[tilespmem:$0x1E400] =	vst v63  }
.Ltmp2:
0x4e: {  	_ = 	snop;
	(pc) =	sbr.rel @p3 .LBB2_2-.Ltmp2, $4  }
0x4f: {  	s0 =	sadd.s32 $0x1480, s31  }
0x50: {  	[spmem:s2] =	stream.indirect.scatter.add.f32 [tilespmem:s22], [sflag:$0x3], $0x80, s0, s19, $0xb8;
	[tilespmem:$0x1E400] =	vst v63  }
0x51: {  	_ =	swait.ge [sflag:s17], $0x4000  }
0x52: {  	[sflag:s17] =	ssyncset.done $0x0  }
0x53: {  	[sflag:s17] =	ssyncadd.s32 $0xFFFFC000  }
0x54: {  	_ =	swait.ge [sflag:s21], $0x4000  }
0x55: {  	[sflag:s21] =	ssyncset.done $0x0  }
0x56: {  	[sflag:s21] =	ssyncadd.s32 $0xFFFFC000  }
0x57: {  	[tilespmem:s22], [sflag:$0x2] =	stream.indirect.gather [hbm4b:s15+s19], $0x80, s24, s19, $0xb8;
	[tilespmem:$0x1E400] =	vst v63  }
0x58: {  	_ = 	snop  }
0x59: {  	[spmem:s2] =	stream.indirect.scatter.add.f32 [tilespmem:s20], [sflag:$0x3], $0x80, s26, s19, $0xb8;
	[tilespmem:$0x1E400] =	vst v63  }
0x5a: {  	_ =	swait.ge [sflag:s17], $0x4000  }
0x5b: {  	[sflag:s17] =	ssyncset.done $0x0  }
0x5c: {  	[sflag:s17] =	ssyncadd.s32 $0xFFFFC000  }
0x5d: {  	_ =	swait.ge [sflag:s23], $0x4000  }
0x5e: {  	[sflag:s23] =	ssyncset.done $0x0  }
0x5f: {  	[sflag:s23] =	ssyncadd.s32 $0xFFFFC000  }
0x60: {  	[spmem:s2] =	stream.indirect.scatter.add.f32 [tilespmem:s22], [sflag:$0x3], $0x80, s28, s19, $0xb8;
	[tilespmem:$0x1E400] =	vst v63  }
0x61: {  	_ =	swait.ge [sflag:s17], $0x4000  }
0x62: {  	[sflag:s17] =	ssyncset.done $0x0  }
0x63: {  	s0 =	simm.s32 $0x0;
	[sflag:s17] =	ssyncadd.s32 $0xFFFFC000  }
0x64: {  	[tilespmem:s0], [sflag:$0x3] =	stream.linear.gather [hbm4b:s9+s0], $0x1400, $0x38;
	[tilespmem:$0x1E400] =	vst v63  }
0x65: {  	_ =	swait.ge [sflag:s17], $0x1400  }
0x66: {  	[sflag:s17] =	ssyncset.done $0x0  }
0x67: {  	[sflag:s17] =	ssyncadd.s32 $0xFFFFEC00  }
0x68: {  	[tilespmem:s18], [sflag:$0x3] =	stream.linear.gather [hbm4b:s10+s0], $0x1400, $0x38;
	[tilespmem:$0x1E400] =	vst v63  }
0x69: {  	_ =	swait.ge [sflag:s17], $0x1400  }
0x6a: {  	[sflag:s17] =	ssyncset.done $0x0  }
0x6b: {  	[sflag:s17] =	ssyncadd.s32 $0xFFFFEC00  }
0x6c: {  	[tilespmem:s20], [sflag:$0x1] =	stream.indirect.gather [hbm4b:s15+s19], $0x80, s0, s19, $0xb8;
	[tilespmem:$0x1E400] =	vst v63  }
0x6d: {  	_ =	swait.ge [sflag:s21], $0x4000  }
0x6e: {  	[sflag:s21] =	ssyncset.done $0x0  }
0x6f: {  	s31 =	simm.s32 $0x80;
	[sflag:s21] =	ssyncadd.s32 $0xFFFFC000  }
0x70: {  	[tilespmem:s22], [sflag:$0x2] =	stream.indirect.gather [hbm4b:s15+s19], $0x80, s31, s19, $0xb8;
	[tilespmem:$0x1E400] =	vst v63  }
0x71: {  	s31 =	simm.s32 $0x1400  }
0x72: {  	[spmem:s2] =	stream.indirect.scatter.add.f32 [tilespmem:s20], [sflag:$0x3], $0x80, s31, s19, $0xb8;
	[tilespmem:$0x1E400] =	vst v63  }
0x73: {  	_ =	swait.ge [sflag:s17], $0x4000  }
0x74: {  	[sflag:s17] =	ssyncset.done $0x0  }
0x75: {  	[sflag:s17] =	ssyncadd.s32 $0xFFFFC000  }
0x76: {  	_ =	swait.ge [sflag:s23], $0x4000  }
0x77: {  	[sflag:s23] =	ssyncset.done $0x0  }
0x78: {  	s31 =	simm.s32 $0x100;
	[sflag:s23] =	ssyncadd.s32 $0xFFFFC000  }
0x79: {  	[tilespmem:s20], [sflag:$0x1] =	stream.indirect.gather [hbm4b:s15+s19], $0x80, s31, s19, $0xb8;
	[tilespmem:$0x1E400] =	vst v63  }
0x7a: {  	s31 =	simm.s32 $0x1480  }
0x7b: {  	[spmem:s2] =	stream.indirect.scatter.add.f32 [tilespmem:s22], [sflag:$0x3], $0x80, s31, s19, $0xb8;
	[tilespmem:$0x1E400] =	vst v63  }
0x7c: {  	_ =	swait.ge [sflag:s17], $0x4000  }
0x7d: {  	s30 =	simm.s32 $0x400;
	[sflag:s17] =	ssyncset.done $0x0  }
.LBB2_4:
0x7e: {  	p3 =	sne.s32 s30, $0x4800  }
0x7f: {  	[sflag:s17] =	ssyncadd.s32 $0xFFFFC000;
	s0 =	smov.u32 s30;
	s30 =	sadd.s32 $0x400, s30  }
0x80: {  	_ = 	snop  }
0x81: {  	_ =	swait.ge [sflag:s21], $0x4000  }
0x82: {  	s0 =	sshra.s32 s0, $0x2;
	[sflag:s21] =	ssyncset.done $0x0  }
0x83: {  	s31 =	sadd.s32 $0x80, s0;
	[sflag:s21] =	ssyncadd.s32 $0xFFFFC000  }
0x84: {  	[tilespmem:s22], [sflag:$0x2] =	stream.indirect.gather [hbm4b:s15+s19], $0x80, s31, s19, $0xb8;
	[tilespmem:$0x1E400] =	vst v63  }
0x85: {  	s31 =	sadd.s32 $0x1400, s0  }
0x86: {  	[spmem:s2] =	stream.indirect.scatter.add.f32 [tilespmem:s20], [sflag:$0x3], $0x80, s31, s19, $0xb8;
	[tilespmem:$0x1E400] =	vst v63  }
0x87: {  	_ =	swait.ge [sflag:s17], $0x4000  }
0x88: {  	[sflag:s17] =	ssyncset.done $0x0  }
0x89: {  	[sflag:s17] =	ssyncadd.s32 $0xFFFFC000  }
0x8a: {  	_ =	swait.ge [sflag:s23], $0x4000  }
0x8b: {  	[sflag:s23] =	ssyncset.done $0x0  }
0x8c: {  	s31 =	sadd.s32 $0x100, s0;
	[sflag:s23] =	ssyncadd.s32 $0xFFFFC000  }
0x8d: {  	[tilespmem:s20], [sflag:$0x1] =	stream.indirect.gather [hbm4b:s15+s19], $0x80, s31, s19, $0xb8;
	[tilespmem:$0x1E400] =	vst v63  }
.Ltmp3:
0x8e: {  	_ = 	snop;
	(pc) =	sbr.rel @p3 .LBB2_4-.Ltmp3, $4  }
0x8f: {  	s0 =	sadd.s32 $0x1480, s0  }
0x90: {  	[spmem:s2] =	stream.indirect.scatter.add.f32 [tilespmem:s22], [sflag:$0x3], $0x80, s0, s19, $0xb8;
	[tilespmem:$0x1E400] =	vst v63  }
0x91: {  	_ =	swait.ge [sflag:s17], $0x4000  }
0x92: {  	[sflag:s17] =	ssyncset.done $0x0  }
0x93: {  	[sflag:s17] =	ssyncadd.s32 $0xFFFFC000  }
0x94: {  	_ =	swait.ge [sflag:s21], $0x4000  }
0x95: {  	[sflag:s21] =	ssyncset.done $0x0  }
0x96: {  	[sflag:s21] =	ssyncadd.s32 $0xFFFFC000  }
0x97: {  	[tilespmem:s22], [sflag:$0x2] =	stream.indirect.gather [hbm4b:s15+s19], $0x80, s24, s19, $0xb8;
	[tilespmem:$0x1E400] =	vst v63  }
0x98: {  	_ = 	snop  }
0x99: {  	[spmem:s2] =	stream.indirect.scatter.add.f32 [tilespmem:s20], [sflag:$0x3], $0x80, s26, s19, $0xb8;
	[tilespmem:$0x1E400] =	vst v63  }
0x9a: {  	_ =	swait.ge [sflag:s17], $0x4000  }
0x9b: {  	[sflag:s17] =	ssyncset.done $0x0  }
0x9c: {  	[sflag:s17] =	ssyncadd.s32 $0xFFFFC000  }
0x9d: {  	_ =	swait.ge [sflag:s23], $0x4000  }
0x9e: {  	[sflag:s23] =	ssyncset.done $0x0  }
0x9f: {  	[sflag:s23] =	ssyncadd.s32 $0xFFFFC000  }
0xa0: {  	[spmem:s2] =	stream.indirect.scatter.add.f32 [tilespmem:s22], [sflag:$0x3], $0x80, s28, s19, $0xb8;
	[tilespmem:$0x1E400] =	vst v63  }
.Ltmp4:
0xa1: {  	_ =	swait.ge [sflag:s17], $0x4000;
	(pc) =	sbr.rel @p1 .LBB2_7-.Ltmp4, $4  }
0xa2: {  	[sflag:s17] =	ssyncset.done $0x0  }
0xa3: {  	[sflag:s17] =	ssyncadd.s32 $0xFFFFC000  }
0xa4: {  	[bflag:$0x0] =	sbarrier.arrive $0xFFFF  }
0xa5: {  	s30 =	sshrl.u32 s11, $0x3  }
0xa6: {  	[hbm:s13], [sflag:s6] =	dma.local [spmem:s30], $0x2700  }
.Ltmp5:
0xa7: {  	_ = 	snop;
	(pc) =	sbr.rel @!p2 .LBB2_9-.Ltmp5, $4  }
.Ltmp6:
0xa8: {  	_ = 	snop;
	(pc) =	sbr.rel @p2 .LBB2_8-.Ltmp6, $4  }
0xa9: {  	_ =	swait.ge [sflag:s17], $0x2700  }
0xaa: {  	[sflag:s17] =	ssyncset.done $0x0  }
0xab: {  	s30 =	smov.u32 s4;
	[sflag:s17] =	ssyncadd.s32 $0xFFFFD900  }
0xac: {  	_ = 	snop  }
.LBB2_7:
0xad: {  	[hbm:s12], [sflag:s6] =	dma.local [spmem:s30], $0x2700  }
.Ltmp7:
0xae: {  	_ = 	snop;
	(pc) =	sbr.rel @p0 .LBB2_9-.Ltmp7, $4  }
.Ltmp8:
0xaf: {  	_ = 	snop;
	(pc) =	sbr.rel @!p0 .LBB2_8-.Ltmp8, $4  }
0xb0: {  	_ =	swait.ge [sflag:s17], $0x2700  }
0xb1: {  	[sflag:s17] =	ssyncset.done $0x0  }
0xb2: {  	s30 =	smov.u32 s5;
	[sflag:s17] =	ssyncadd.s32 $0xFFFFD900  }
0xb3: {  	_ = 	snop  }
.LBB2_10:
0xb4: {  	_ =	sfence.sel $0x180000  }
0xb5: {  	[bflag:$0x0] =	sbarrier.arrive $0xFFFF  }
0xb6: {  	_ =	strace $0x90000053  }
0xb7: {  	[bflag:$0x2] =	sbarrier.arrive $0xFFFF  }
0xb8: {  	s0 =	rddreg [dreg:$0x3]  }
0xb9: {  	s0 =	sadd.s32 @!p0 $0x100000, s0  }
0xba: {  	[sflag:s0] =	ssyncadd.tile.s32 @!p0 $0x1;
	_ =	shalt  }
.Lfunc_end2:
_tile_overlayer_lowered:
.L_overlay_start_2:
0xbb: {  	(tag) =	ssettag $0x2  }
0xbc: {  	s0 =	rddreg [dreg:$0x0];
	s2 =	stileid.u32  }
0xbd: {  	s1 =	rddreg [dreg:$0x1];
	p0 =	sne.s32 s2, $0x0  }
0xbe: {  	s3 =	rddreg [dreg:$0x2];
	[bflag:$0x3] =	sbarrier.arrive $0xFFFF;
	s2 =	simm.s32 @!p0 $0x1C03  }
0xbf: {  	[timem:s3], [sflag:s2] =	dma.local @!p0 [hbm:s0], s1  }
0xc0: {  	s0 =	simm.s32 @!p0 $0x3  }
0xc1: {  	_ =	swait.ge @!p0 [sflag:s0], s1  }
0xc2: {  	s1 =	ssub.s32 @!p0 $0x0, s1;
	[sflag:s0] =	ssyncset.done @!p0 $0x0  }
0xc3: {  	[sflag:s0] =	ssyncadd.s32 @!p0 s1  }
0xc4: {  	[bflag:$0x3] =	sbarrier.arrive $0xFFFF  }
0xc5: {  	_ =	shalt  }

</sc_bundles>
